<compile_context>
chip_gen: v7x
topology: tpu7x:2x2x1
jax: 0.10.2.dev20260603
libtpu: 0.0.44.dev20260713+nightly
codegen_flags: <defaults>
</compile_context>

<pallas_src>
import functools

import jax
import jax.numpy as jnp
from jax import lax
from jax.experimental import pallas as pl
from jax.experimental.pallas import tpu as pltpu
from jax.experimental.pallas import tpu_sc as plsc

N_ATOMS = 2_000_000
NUM_TYPES = 118
NC = 3
NK = 16
NP = NC * NK
CHUNK = 1024
NW = 32
FULL_CHUNKS = N_ATOMS // (CHUNK * NW)
TAIL_START = FULL_CHUNKS * CHUNK * NW
TAIL = N_ATOMS - TAIL_START


def _sc_gather(ids, table_flat):
  mesh = plsc.VectorSubcoreMesh(core_axis_name="c", subcore_axis_name="s")

  @functools.partial(
      pl.kernel,
      out_type=jax.ShapeDtypeStruct((NC, NK, N_ATOMS), jnp.float32),
      mesh=mesh,
      scratch_types=[
          pltpu.VMEM((NP * NUM_TYPES,), jnp.float32),
          pltpu.VMEM((CHUNK,), jnp.int32),
          pltpu.VMEM((NC, NK, CHUNK), jnp.float32),
      ],
      compiler_params=pltpu.CompilerParams(
          use_tc_tiling_on_sc=True, needs_layout_passes=False),
  )
  def k(ids_hbm, table_hbm, out_hbm, table_v, idx_v, tchunk, sem=None):
    wid = lax.axis_index("s") * 2 + lax.axis_index("c")
    base = wid * FULL_CHUNKS * CHUNK
    pltpu.sync_copy(table_hbm, table_v)

    def do_chunk(off, n_atoms):
      pltpu.sync_copy(ids_hbm.at[pl.ds(off, n_atoms)],
                      idx_v.at[pl.ds(0, n_atoms)])

      @plsc.parallel_loop(0, n_atoms // 16, unroll=2)
      def compute_group(g):
        ids16 = idx_v[pl.ds(g * 16, 16)]
        for p in range(NP):
          vals = plsc.load_gather(table_v, [ids16 + p * NUM_TYPES])
          tchunk[p // NK, p % NK, pl.ds(g * 16, 16)] = vals
      pltpu.sync_copy(tchunk.at[:, :, pl.ds(0, n_atoms)],
                      out_hbm.at[:, :, pl.ds(off, n_atoms)])

    def chunk_body(t, carry):
      do_chunk(base + t * CHUNK, CHUNK)
      return carry

    lax.fori_loop(0, FULL_CHUNKS, chunk_body, 0)

    @pl.when(wid == NW - 1)
    def _tail():
      do_chunk(TAIL_START, CHUNK)
      do_chunk(TAIL_START + CHUNK, TAIL - CHUNK)

  return k(ids, table_flat)


def kernel(atom_type_ids, sh_coeffs):
  ids = atom_type_ids.astype(jnp.int32)
  table_flat = jnp.transpose(sh_coeffs, (2, 1, 0)).reshape(NP * NUM_TYPES)
  out = _sc_gather(ids, table_flat)
  return jnp.transpose(out, (2, 1, 0))

# --- scband reference (transcript-rebuilt; emitter-appended) ---
"""Pipeline reference for scband-atom-shbank-28226525070131 (READ-ONLY COPY).

The authoritative reference and input builder live on the scoring server;
editing this copy changes nothing except your own understanding.
"""

import jax, jax.numpy as jnp
import numpy as np

NUM_ATOM_TYPES = 118
SH_DEGREE = 3
NUM_SH_COEFFS = (SH_DEGREE + 1) ** 2
INIT_SCALE = 0.1
N_ATOMS = 2000000


def setup_inputs(seed: int = 0) -> dict:
    key = jax.random.key(seed)
    k_idx, k_dc, k_hi = jax.random.split(key, 3)
    atom_type_ids = jax.random.randint(k_idx, (N_ATOMS,), 0, NUM_ATOM_TYPES, dtype=jnp.int64 if jax.config.jax_enable_x64 else jnp.int32)
    # Build sh_coeffs parameter exactly as in the torch __init__
    sh_coeffs = jnp.zeros((NUM_ATOM_TYPES, NUM_SH_COEFFS, 3), dtype=jnp.float32)
    dc = jax.random.normal(k_dc, (NUM_ATOM_TYPES, 3), dtype=jnp.float32) * INIT_SCALE + 0.5
    sh_coeffs = sh_coeffs.at[:, 0, :].set(dc)
    if NUM_SH_COEFFS > 1:
        hi = jax.random.normal(k_hi, (NUM_ATOM_TYPES, NUM_SH_COEFFS - 1, 3), dtype=jnp.float32) * (INIT_SCALE * 0.1)
        sh_coeffs = sh_coeffs.at[:, 1:, :].set(hi)
    return {"atom_type_ids": atom_type_ids, "sh_coeffs": sh_coeffs}


def reference(atom_type_ids, sh_coeffs):
    # AtomSHBank.get_sh_coeffs: per-atom gather of shared SH coefficients
    # [N] -> [N, num_sh_coeffs, 3]
    return jnp.take(sh_coeffs, atom_type_ids, axis=0)

if __name__ == "__main__":
    import jax
    _d = setup_inputs()
    print(jax.jit(kernel)(*tuple(_d.values())))

</pallas_src>

<mosaic_0001>
#map = affine_map<(d0, d1) -> (0)>
#map1 = affine_map<(d0, d1) -> (0, 0, 0)>
module attributes {stable_mosaic.version = 14 : i64} {
  func.func @k(%arg0: i32, %arg1: i32, %arg2: memref<2000000xi32, #tpu.memory_space<hbm>>, %arg3: memref<5664xf32, #tpu.memory_space<hbm>>, %arg4: memref<3x16x2000000xf32, #tpu.memory_space<hbm>>, %arg5: memref<5664xf32, #tpu.memory_space<vmem>>, %arg6: memref<1024xi32, #tpu.memory_space<vmem>>, %arg7: memref<3x16x1024xf32, #tpu.memory_space<vmem>>) attributes {dimension_semantics = [#tpu.dimension_semantics<core_parallel>, #tpu.dimension_semantics<subcore_parallel>], iteration_bounds = array<i64: 2, 16>, scalar_prefetch = 0 : i64, scratch_operands = 3 : i64, tpu.core_type = #tpu.core_type<sc_vector_subcore>, window_params = [{transform_indices = #map}, {transform_indices = #map}, {transform_indices = #map1}]} {
    %mul3A = arith.constant 2 : i32
    %mul3A_0 = arith.muli %arg1, %mul3A : i32
    %add3A = arith.addi %mul3A_0, %arg0 : i32
    %mul3A_1 = arith.constant 61 : i32
    %mul3A_2 = arith.muli %add3A, %mul3A_1 : i32
    %mul3A_3 = arith.constant 1024 : i32
    %mul3A_4 = arith.muli %mul3A_2, %mul3A_3 : i32
    "tpu.region"() ({
      %run_scoped3A = tpu.sem_alloc : memref<!tpu.dma_semaphore, #tpu.memory_space<semaphore_mem>>
      tpu.enqueue_dma source(%arg3 : memref<5664xf32, #tpu.memory_space<hbm>>) target(%arg5 : memref<5664xf32, #tpu.memory_space<vmem>>) target_semaphore(%run_scoped3A : memref<!tpu.dma_semaphore, #tpu.memory_space<semaphore_mem>>)
      tpu.wait_dma2 semaphore(%run_scoped3A : memref<!tpu.dma_semaphore, #tpu.memory_space<semaphore_mem>>) src(%arg3 : memref<5664xf32, #tpu.memory_space<hbm>>) dst(%arg5 : memref<5664xf32, #tpu.memory_space<vmem>>)
      tpu.yield
    }) : () -> ()
    %scan3A = arith.constant 0 : i32
    %scan3A_5 = arith.constant 0 : i32
    %scan3A_6 = arith.constant 61 : i32
    %scan3A_7 = arith.addi %scan3A_5, %scan3A_6 : i32
    %scan3A_8 = arith.constant 1 : i32
    scf.for %scan3A_12 = %scan3A_5 to %scan3A_7 step %scan3A_8  : i32 {
      %mul3A_13 = arith.constant 1024 : i32
      %mul3A_14 = arith.muli %scan3A_12, %mul3A_13 : i32
      %add3A_15 = arith.addi %mul3A_4, %mul3A_14 : i32
      "tpu.region"() ({
        %run_scoped3A = tpu.sem_alloc : memref<!tpu.dma_semaphore, #tpu.memory_space<semaphore_mem>>
        %dma_start3A = arith.constant 0 : i32
        %dma_start3A_18 = tpu.memref_slice %arg6[%dma_start3A] : memref<1024xi32, #tpu.memory_space<vmem>> -> memref<1024xi32, #tpu.memory_space<vmem>>
        %dma_start3A_19 = tpu.memref_slice %arg2[%add3A_15] : memref<2000000xi32, #tpu.memory_space<hbm>> -> memref<1024xi32, #tpu.memory_space<hbm>>
        %dma_start3A_20 = arith.constant 0 : i32
        %dma_start3A_21 = tpu.memref_slice %arg6[%dma_start3A_20] : memref<1024xi32, #tpu.memory_space<vmem>> -> memref<1024xi32, #tpu.memory_space<vmem>>
        %dma_start3A_22 = tpu.memref_slice %arg2[%add3A_15] : memref<2000000xi32, #tpu.memory_space<hbm>> -> memref<1024xi32, #tpu.memory_space<hbm>>
        tpu.enqueue_dma source(%dma_start3A_22 : memref<1024xi32, #tpu.memory_space<hbm>>) target(%dma_start3A_21 : memref<1024xi32, #tpu.memory_space<vmem>>) target_semaphore(%run_scoped3A : memref<!tpu.dma_semaphore, #tpu.memory_space<semaphore_mem>>)
        %dma_wait3A = arith.constant 0 : i32
        %dma_wait3A_23 = tpu.memref_slice %arg6[%dma_wait3A] : memref<1024xi32, #tpu.memory_space<vmem>> -> memref<1024xi32, #tpu.memory_space<vmem>>
        %dma_wait3A_24 = tpu.memref_slice %arg2[%add3A_15] : memref<2000000xi32, #tpu.memory_space<hbm>> -> memref<1024xi32, #tpu.memory_space<hbm>>
        %dma_wait3A_25 = arith.constant 0 : i32
        %dma_wait3A_26 = tpu.memref_slice %arg6[%dma_wait3A_25] : memref<1024xi32, #tpu.memory_space<vmem>> -> memref<1024xi32, #tpu.memory_space<vmem>>
        %dma_wait3A_27 = tpu.memref_slice %arg2[%add3A_15] : memref<2000000xi32, #tpu.memory_space<hbm>> -> memref<1024xi32, #tpu.memory_space<hbm>>
        tpu.wait_dma2 semaphore(%run_scoped3A : memref<!tpu.dma_semaphore, #tpu.memory_space<semaphore_mem>>) src(%dma_wait3A_27 : memref<1024xi32, #tpu.memory_space<hbm>>) dst(%dma_wait3A_26 : memref<1024xi32, #tpu.memory_space<vmem>>)
        tpu.yield
      }) : () -> ()
      %parallel_loop3A = arith.constant 0 : i32
      %parallel_loop3A_16 = arith.constant 64 : i32
      %parallel_loop3A_17 = arith.constant 1 : i32
      scf.for %parallel_loop3A_18 = %parallel_loop3A to %parallel_loop3A_16 step %parallel_loop3A_17  : i32 {
        %parallel_loop3A_19 = arith.constant 16 : i32
        %parallel_loop3A_20 = arith.muli %parallel_loop3A_18, %parallel_loop3A_19 : i32
        %parallel_loop3A_21 = arith.index_cast %parallel_loop3A_20 : i32 to index
        %parallel_loop3A_22 = tpu.vector_load %arg6[%parallel_loop3A_21] {strides = array<i32>} : memref<1024xi32, #tpu.memory_space<vmem>>, vector<16xi32>,
        %parallel_loop3A_23 = arith.constant 0 : i32
        %parallel_loop3A_24 = vector.broadcast %parallel_loop3A_23 : i32 to vector<16xi32>
        %parallel_loop3A_25 = arith.addi %parallel_loop3A_22, %parallel_loop3A_24 : vector<16xi32>
        %parallel_loop3A_26 = tpu.vector_load_idx %arg5[%parallel_loop3A_25] : memref<5664xf32, #tpu.memory_space<vmem>>[vector<16xi32>], vector<16xf32>,
        %parallel_loop3A_27 = arith.constant 16 : i32
        %parallel_loop3A_28 = arith.muli %parallel_loop3A_18, %parallel_loop3A_27 : i32
        %parallel_loop3A_29 = arith.constant 0 : i32
        %parallel_loop3A_30 = arith.constant 0 : i32
        %parallel_loop3A_31 = arith.index_cast %parallel_loop3A_29 : i32 to index
        %parallel_loop3A_32 = arith.index_cast %parallel_loop3A_30 : i32 to index
        %parallel_loop3A_33 = arith.index_cast %parallel_loop3A_28 : i32 to index
        %parallel_loop3A_34 = tpu.vector_load %arg7[%parallel_loop3A_31, %parallel_loop3A_32, %parallel_loop3A_33] {strides = array<i32>} : memref<3x16x1024xf32, #tpu.memory_space<vmem>>, vector<16xf32>,
        tpu.vector_store %arg7[%parallel_loop3A_31, %parallel_loop3A_32, %parallel_loop3A_33], %parallel_loop3A_26 {strides = array<i32>} : memref<3x16x1024xf32, #tpu.memory_space<vmem>>, vector<16xf32>,
        %parallel_loop3A_35 = arith.constant 118 : i32
        %parallel_loop3A_36 = vector.broadcast %parallel_loop3A_35 : i32 to vector<16xi32>
        %parallel_loop3A_37 = arith.addi %parallel_loop3A_22, %parallel_loop3A_36 : vector<16xi32>
        %parallel_loop3A_38 = tpu.vector_load_idx %arg5[%parallel_loop3A_37] : memref<5664xf32, #tpu.memory_space<vmem>>[vector<16xi32>], vector<16xf32>,
        %parallel_loop3A_39 = arith.constant 16 : i32
        %parallel_loop3A_40 = arith.muli %parallel_loop3A_18, %parallel_loop3A_39 : i32
        %parallel_loop3A_41 = arith.constant 0 : i32
        %parallel_loop3A_42 = arith.constant 1 : i32
        %parallel_loop3A_43 = arith.index_cast %parallel_loop3A_41 : i32 to index
        %parallel_loop3A_44 = arith.index_cast %parallel_loop3A_42 : i32 to index
        %parallel_loop3A_45 = arith.index_cast %parallel_loop3A_40 : i32 to index
        %parallel_loop3A_46 = tpu.vector_load %arg7[%parallel_loop3A_43, %parallel_loop3A_44, %parallel_loop3A_45] {strides = array<i32>} : memref<3x16x1024xf32, #tpu.memory_space<vmem>>, vector<16xf32>,
        tpu.vector_store %arg7[%parallel_loop3A_43, %parallel_loop3A_44, %parallel_loop3A_45], %parallel_loop3A_38 {strides = array<i32>} : memref<3x16x1024xf32, #tpu.memory_space<vmem>>, vector<16xf32>,
        %parallel_loop3A_47 = arith.constant 236 : i32
        %parallel_loop3A_48 = vector.broadcast %parallel_loop3A_47 : i32 to vector<16xi32>
        %parallel_loop3A_49 = arith.addi %parallel_loop3A_22, %parallel_loop3A_48 : vector<16xi32>
        %parallel_loop3A_50 = tpu.vector_load_idx %arg5[%parallel_loop3A_49] : memref<5664xf32, #tpu.memory_space<vmem>>[vector<16xi32>], vector<16xf32>,
        %parallel_loop3A_51 = arith.constant 16 : i32
        %parallel_loop3A_52 = arith.muli %parallel_loop3A_18, %parallel_loop3A_51 : i32
        %parallel_loop3A_53 = arith.constant 0 : i32
        %parallel_loop3A_54 = arith.constant 2 : i32
        %parallel_loop3A_55 = arith.index_cast %parallel_loop3A_53 : i32 to index
        %parallel_loop3A_56 = arith.index_cast %parallel_loop3A_54 : i32 to index
        %parallel_loop3A_57 = arith.index_cast %parallel_loop3A_52 : i32 to index
        %parallel_loop3A_58 = tpu.vector_load %arg7[%parallel_loop3A_55, %parallel_loop3A_56, %parallel_loop3A_57] {strides = array<i32>} : memref<3x16x1024xf32, #tpu.memory_space<vmem>>, vector<16xf32>,
        tpu.vector_store %arg7[%parallel_loop3A_55, %parallel_loop3A_56, %parallel_loop3A_57], %parallel_loop3A_50 {strides = array<i32>} : memref<3x16x1024xf32, #tpu.memory_space<vmem>>, vector<16xf32>,
        %parallel_loop3A_59 = arith.constant 354 : i32
        %parallel_loop3A_60 = vector.broadcast %parallel_loop3A_59 : i32 to vector<16xi32>
        %parallel_loop3A_61 = arith.addi %parallel_loop3A_22, %parallel_loop3A_60 : vector<16xi32>
        %parallel_loop3A_62 = tpu.vector_load_idx %arg5[%parallel_loop3A_61] : memref<5664xf32, #tpu.memory_space<vmem>>[vector<16xi32>], vector<16xf32>,
        %parallel_loop3A_63 = arith.constant 16 : i32
        %parallel_loop3A_64 = arith.muli %parallel_loop3A_18, %parallel_loop3A_63 : i32
        %parallel_loop3A_65 = arith.constant 0 : i32
        %parallel_loop3A_66 = arith.constant 3 : i32
        %parallel_loop3A_67 = arith.index_cast %parallel_loop3A_65 : i32 to index
        %parallel_loop3A_68 = arith.index_cast %parallel_loop3A_66 : i32 to index
        %parallel_loop3A_69 = arith.index_cast %parallel_loop3A_64 : i32 to index
        %parallel_loop3A_70 = tpu.vector_load %arg7[%parallel_loop3A_67, %parallel_loop3A_68, %parallel_loop3A_69] {strides = array<i32>} : memref<3x16x1024xf32, #tpu.memory_space<vmem>>, vector<16xf32>,
        tpu.vector_store %arg7[%parallel_loop3A_67, %parallel_loop3A_68, %parallel_loop3A_69], %parallel_loop3A_62 {strides = array<i32>} : memref<3x16x1024xf32, #tpu.memory_space<vmem>>, vector<16xf32>,
        %parallel_loop3A_71 = arith.constant 472 : i32
        %parallel_loop3A_72 = vector.broadcast %parallel_loop3A_71 : i32 to vector<16xi32>
        %parallel_loop3A_73 = arith.addi %parallel_loop3A_22, %parallel_loop3A_72 : vector<16xi32>
        %parallel_loop3A_74 = tpu.vector_load_idx %arg5[%parallel_loop3A_73] : memref<5664xf32, #tpu.memory_space<vmem>>[vector<16xi32>], vector<16xf32>,
        %parallel_loop3A_75 = arith.constant 16 : i32
        %parallel_loop3A_76 = arith.muli %parallel_loop3A_18, %parallel_loop3A_75 : i32
        %parallel_loop3A_77 = arith.constant 0 : i32
        %parallel_loop3A_78 = arith.constant 4 : i32
        %parallel_loop3A_79 = arith.index_cast %parallel_loop3A_77 : i32 to index
        %parallel_loop3A_80 = arith.index_cast %parallel_loop3A_78 : i32 to index
        %parallel_loop3A_81 = arith.index_cast %parallel_loop3A_76 : i32 to index
        %parallel_loop3A_82 = tpu.vector_load %arg7[%parallel_loop3A_79, %parallel_loop3A_80, %parallel_loop3A_81] {strides = array<i32>} : memref<3x16x1024xf32, #tpu.memory_space<vmem>>, vector<16xf32>,
        tpu.vector_store %arg7[%parallel_loop3A_79, %parallel_loop3A_80, %parallel_loop3A_81], %parallel_loop3A_74 {strides = array<i32>} : memref<3x16x1024xf32, #tpu.memory_space<vmem>>, vector<16xf32>,
        %parallel_loop3A_83 = arith.constant 590 : i32
        %parallel_loop3A_84 = vector.broadcast %parallel_loop3A_83 : i32 to vector<16xi32>
        %parallel_loop3A_85 = arith.addi %parallel_loop3A_22, %parallel_loop3A_84 : vector<16xi32>
        %parallel_loop3A_86 = tpu.vector_load_idx %arg5[%parallel_loop3A_85] : memref<5664xf32, #tpu.memory_space<vmem>>[vector<16xi32>], vector<16xf32>,
        %parallel_loop3A_87 = arith.constant 16 : i32
        %parallel_loop3A_88 = arith.muli %parallel_loop3A_18, %parallel_loop3A_87 : i32
        %parallel_loop3A_89 = arith.constant 0 : i32
        %parallel_loop3A_90 = arith.constant 5 : i32
        %parallel_loop3A_91 = arith.index_cast %parallel_loop3A_89 : i32 to index
        %parallel_loop3A_92 = arith.index_cast %parallel_loop3A_90 : i32 to index
        %parallel_loop3A_93 = arith.index_cast %parallel_loop3A_88 : i32 to index
        %parallel_loop3A_94 = tpu.vector_load %arg7[%parallel_loop3A_91, %parallel_loop3A_92, %parallel_loop3A_93] {strides = array<i32>} : memref<3x16x1024xf32, #tpu.memory_space<vmem>>, vector<16xf32>,
        tpu.vector_store %arg7[%parallel_loop3A_91, %parallel_loop3A_92, %parallel_loop3A_93], %parallel_loop3A_86 {strides = array<i32>} : memref<3x16x1024xf32, #tpu.memory_space<vmem>>, vector<16xf32>,
        %parallel_loop3A_95 = arith.constant 708 : i32
        %parallel_loop3A_96 = vector.broadcast %parallel_loop3A_95 : i32 to vector<16xi32>
        %parallel_loop3A_97 = arith.addi %parallel_loop3A_22, %parallel_loop3A_96 : vector<16xi32>
        %parallel_loop3A_98 = tpu.vector_load_idx %arg5[%parallel_loop3A_97] : memref<5664xf32, #tpu.memory_space<vmem>>[vector<16xi32>], vector<16xf32>,
        %parallel_loop3A_99 = arith.constant 16 : i32
        %parallel_loop3A_100 = arith.muli %parallel_loop3A_18, %parallel_loop3A_99 : i32
        %parallel_loop3A_101 = arith.constant 0 : i32
        %parallel_loop3A_102 = arith.constant 6 : i32
        %parallel_loop3A_103 = arith.index_cast %parallel_loop3A_101 : i32 to index
        %parallel_loop3A_104 = arith.index_cast %parallel_loop3A_102 : i32 to index
        %parallel_loop3A_105 = arith.index_cast %parallel_loop3A_100 : i32 to index
        %parallel_loop3A_106 = tpu.vector_load %arg7[%parallel_loop3A_103, %parallel_loop3A_104, %parallel_loop3A_105] {strides = array<i32>} : memref<3x16x1024xf32, #tpu.memory_space<vmem>>, vector<16xf32>,
        tpu.vector_store %arg7[%parallel_loop3A_103, %parallel_loop3A_104, %parallel_loop3A_105], %parallel_loop3A_98 {strides = array<i32>} : memref<3x16x1024xf32, #tpu.memory_space<vmem>>, vector<16xf32>,
        %parallel_loop3A_107 = arith.constant 826 : i32
        %parallel_loop3A_108 = vector.broadcast %parallel_loop3A_107 : i32 to vector<16xi32>
        %parallel_loop3A_109 = arith.addi %parallel_loop3A_22, %parallel_loop3A_108 : vector<16xi32>
        %parallel_loop3A_110 = tpu.vector_load_idx %arg5[%parallel_loop3A_109] : memref<5664xf32, #tpu.memory_space<vmem>>[vector<16xi32>], vector<16xf32>,
        %parallel_loop3A_111 = arith.constant 16 : i32
        %parallel_loop3A_112 = arith.muli %parallel_loop3A_18, %parallel_loop3A_111 : i32
        %parallel_loop3A_113 = arith.constant 0 : i32
        %parallel_loop3A_114 = arith.constant 7 : i32
        %parallel_loop3A_115 = arith.index_cast %parallel_loop3A_113 : i32 to index
        %parallel_loop3A_116 = arith.index_cast %parallel_loop3A_114 : i32 to index
        %parallel_loop3A_117 = arith.index_cast %parallel_loop3A_112 : i32 to index
        %parallel_loop3A_118 = tpu.vector_load %arg7[%parallel_loop3A_115, %parallel_loop3A_116, %parallel_loop3A_117] {strides = array<i32>} : memref<3x16x1024xf32, #tpu.memory_space<vmem>>, vector<16xf32>,
        tpu.vector_store %arg7[%parallel_loop3A_115, %parallel_loop3A_116, %parallel_loop3A_117], %parallel_loop3A_110 {strides = array<i32>} : memref<3x16x1024xf32, #tpu.memory_space<vmem>>, vector<16xf32>,
        %parallel_loop3A_119 = arith.constant 944 : i32
        %parallel_loop3A_120 = vector.broadcast %parallel_loop3A_119 : i32 to vector<16xi32>
        %parallel_loop3A_121 = arith.addi %parallel_loop3A_22, %parallel_loop3A_120 : vector<16xi32>
        %parallel_loop3A_122 = tpu.vector_load_idx %arg5[%parallel_loop3A_121] : memref<5664xf32, #tpu.memory_space<vmem>>[vector<16xi32>], vector<16xf32>,
        %parallel_loop3A_123 = arith.constant 16 : i32
        %parallel_loop3A_124 = arith.muli %parallel_loop3A_18, %parallel_loop3A_123 : i32
        %parallel_loop3A_125 = arith.constant 0 : i32
        %parallel_loop3A_126 = arith.constant 8 : i32
        %parallel_loop3A_127 = arith.index_cast %parallel_loop3A_125 : i32 to index
        %parallel_loop3A_128 = arith.index_cast %parallel_loop3A_126 : i32 to index
        %parallel_loop3A_129 = arith.index_cast %parallel_loop3A_124 : i32 to index
        %parallel_loop3A_130 = tpu.vector_load %arg7[%parallel_loop3A_127, %parallel_loop3A_128, %parallel_loop3A_129] {strides = array<i32>} : memref<3x16x1024xf32, #tpu.memory_space<vmem>>, vector<16xf32>,
        tpu.vector_store %arg7[%parallel_loop3A_127, %parallel_loop3A_128, %parallel_loop3A_129], %parallel_loop3A_122 {strides = array<i32>} : memref<3x16x1024xf32, #tpu.memory_space<vmem>>, vector<16xf32>,
        %parallel_loop3A_131 = arith.constant 1062 : i32
        %parallel_loop3A_132 = vector.broadcast %parallel_loop3A_131 : i32 to vector<16xi32>
        %parallel_loop3A_133 = arith.addi %parallel_loop3A_22, %parallel_loop3A_132 : vector<16xi32>
        %parallel_loop3A_134 = tpu.vector_load_idx %arg5[%parallel_loop3A_133] : memref<5664xf32, #tpu.memory_space<vmem>>[vector<16xi32>], vector<16xf32>,
        %parallel_loop3A_135 = arith.constant 16 : i32
        %parallel_loop3A_136 = arith.muli %parallel_loop3A_18, %parallel_loop3A_135 : i32
        %parallel_loop3A_137 = arith.constant 0 : i32
        %parallel_loop3A_138 = arith.constant 9 : i32
        %parallel_loop3A_139 = arith.index_cast %parallel_loop3A_137 : i32 to index
        %parallel_loop3A_140 = arith.index_cast %parallel_loop3A_138 : i32 to index
        %parallel_loop3A_141 = arith.index_cast %parallel_loop3A_136 : i32 to index
        %parallel_loop3A_142 = tpu.vector_load %arg7[%parallel_loop3A_139, %parallel_loop3A_140, %parallel_loop3A_141] {strides = array<i32>} : memref<3x16x1024xf32, #tpu.memory_space<vmem>>, vector<16xf32>,
        tpu.vector_store %arg7[%parallel_loop3A_139, %parallel_loop3A_140, %parallel_loop3A_141], %parallel_loop3A_134 {strides = array<i32>} : memref<3x16x1024xf32, #tpu.memory_space<vmem>>, vector<16xf32>,
        %parallel_loop3A_143 = arith.constant 1180 : i32
        %parallel_loop3A_144 = vector.broadcast %parallel_loop3A_143 : i32 to vector<16xi32>
        %parallel_loop3A_145 = arith.addi %parallel_loop3A_22, %parallel_loop3A_144 : vector<16xi32>
        %parallel_loop3A_146 = tpu.vector_load_idx %arg5[%parallel_loop3A_145] : memref<5664xf32, #tpu.memory_space<vmem>>[vector<16xi32>], vector<16xf32>,
        %parallel_loop3A_147 = arith.constant 16 : i32
        %parallel_loop3A_148 = arith.muli %parallel_loop3A_18, %parallel_loop3A_147 : i32
        %parallel_loop3A_149 = arith.constant 0 : i32
        %parallel_loop3A_150 = arith.constant 10 : i32
        %parallel_loop3A_151 = arith.index_cast %parallel_loop3A_149 : i32 to index
        %parallel_loop3A_152 = arith.index_cast %parallel_loop3A_150 : i32 to index
        %parallel_loop3A_153 = arith.index_cast %parallel_loop3A_148 : i32 to index
        %parallel_loop3A_154 = tpu.vector_load %arg7[%parallel_loop3A_151, %parallel_loop3A_152, %parallel_loop3A_153] {strides = array<i32>} : memref<3x16x1024xf32, #tpu.memory_space<vmem>>, vector<16xf32>,
        tpu.vector_store %arg7[%parallel_loop3A_151, %parallel_loop3A_152, %parallel_loop3A_153], %parallel_loop3A_146 {strides = array<i32>} : memref<3x16x1024xf32, #tpu.memory_space<vmem>>, vector<16xf32>,
        %parallel_loop3A_155 = arith.constant 1298 : i32
        %parallel_loop3A_156 = vector.broadcast %parallel_loop3A_155 : i32 to vector<16xi32>
        %parallel_loop3A_157 = arith.addi %parallel_loop3A_22, %parallel_loop3A_156 : vector<16xi32>
        %parallel_loop3A_158 = tpu.vector_load_idx %arg5[%parallel_loop3A_157] : memref<5664xf32, #tpu.memory_space<vmem>>[vector<16xi32>], vector<16xf32>,
        %parallel_loop3A_159 = arith.constant 16 : i32
        %parallel_loop3A_160 = arith.muli %parallel_loop3A_18, %parallel_loop3A_159 : i32
        %parallel_loop3A_161 = arith.constant 0 : i32
        %parallel_loop3A_162 = arith.constant 11 : i32
        %parallel_loop3A_163 = arith.index_cast %parallel_loop3A_161 : i32 to index
        %parallel_loop3A_164 = arith.index_cast %parallel_loop3A_162 : i32 to index
        %parallel_loop3A_165 = arith.index_cast %parallel_loop3A_160 : i32 to index
        %parallel_loop3A_166 = tpu.vector_load %arg7[%parallel_loop3A_163, %parallel_loop3A_164, %parallel_loop3A_165] {strides = array<i32>} : memref<3x16x1024xf32, #tpu.memory_space<vmem>>, vector<16xf32>,
        tpu.vector_store %arg7[%parallel_loop3A_163, %parallel_loop3A_164, %parallel_loop3A_165], %parallel_loop3A_158 {strides = array<i32>} : memref<3x16x1024xf32, #tpu.memory_space<vmem>>, vector<16xf32>,
        %parallel_loop3A_167 = arith.constant 1416 : i32
        %parallel_loop3A_168 = vector.broadcast %parallel_loop3A_167 : i32 to vector<16xi32>
        %parallel_loop3A_169 = arith.addi %parallel_loop3A_22, %parallel_loop3A_168 : vector<16xi32>
        %parallel_loop3A_170 = tpu.vector_load_idx %arg5[%parallel_loop3A_169] : memref<5664xf32, #tpu.memory_space<vmem>>[vector<16xi32>], vector<16xf32>,
        %parallel_loop3A_171 = arith.constant 16 : i32
        %parallel_loop3A_172 = arith.muli %parallel_loop3A_18, %parallel_loop3A_171 : i32
        %parallel_loop3A_173 = arith.constant 0 : i32
        %parallel_loop3A_174 = arith.constant 12 : i32
        %parallel_loop3A_175 = arith.index_cast %parallel_loop3A_173 : i32 to index
        %parallel_loop3A_176 = arith.index_cast %parallel_loop3A_174 : i32 to index
        %parallel_loop3A_177 = arith.index_cast %parallel_loop3A_172 : i32 to index
        %parallel_loop3A_178 = tpu.vector_load %arg7[%parallel_loop3A_175, %parallel_loop3A_176, %parallel_loop3A_177] {strides = array<i32>} : memref<3x16x1024xf32, #tpu.memory_space<vmem>>, vector<16xf32>,
        tpu.vector_store %arg7[%parallel_loop3A_175, %parallel_loop3A_176, %parallel_loop3A_177], %parallel_loop3A_170 {strides = array<i32>} : memref<3x16x1024xf32, #tpu.memory_space<vmem>>, vector<16xf32>,
        %parallel_loop3A_179 = arith.constant 1534 : i32
        %parallel_loop3A_180 = vector.broadcast %parallel_loop3A_179 : i32 to vector<16xi32>
        %parallel_loop3A_181 = arith.addi %parallel_loop3A_22, %parallel_loop3A_180 : vector<16xi32>
        %parallel_loop3A_182 = tpu.vector_load_idx %arg5[%parallel_loop3A_181] : memref<5664xf32, #tpu.memory_space<vmem>>[vector<16xi32>], vector<16xf32>,
        %parallel_loop3A_183 = arith.constant 16 : i32
        %parallel_loop3A_184 = arith.muli %parallel_loop3A_18, %parallel_loop3A_183 : i32
        %parallel_loop3A_185 = arith.constant 0 : i32
        %parallel_loop3A_186 = arith.constant 13 : i32
        %parallel_loop3A_187 = arith.index_cast %parallel_loop3A_185 : i32 to index
        %parallel_loop3A_188 = arith.index_cast %parallel_loop3A_186 : i32 to index
        %parallel_loop3A_189 = arith.index_cast %parallel_loop3A_184 : i32 to index
        %parallel_loop3A_190 = tpu.vector_load %arg7[%parallel_loop3A_187, %parallel_loop3A_188, %parallel_loop3A_189] {strides = array<i32>} : memref<3x16x1024xf32, #tpu.memory_space<vmem>>, vector<16xf32>,
        tpu.vector_store %arg7[%parallel_loop3A_187, %parallel_loop3A_188, %parallel_loop3A_189], %parallel_loop3A_182 {strides = array<i32>} : memref<3x16x1024xf32, #tpu.memory_space<vmem>>, vector<16xf32>,
        %parallel_loop3A_191 = arith.constant 1652 : i32
        %parallel_loop3A_192 = vector.broadcast %parallel_loop3A_191 : i32 to vector<16xi32>
        %parallel_loop3A_193 = arith.addi %parallel_loop3A_22, %parallel_loop3A_192 : vector<16xi32>
        %parallel_loop3A_194 = tpu.vector_load_idx %arg5[%parallel_loop3A_193] : memref<5664xf32, #tpu.memory_space<vmem>>[vector<16xi32>], vector<16xf32>,
        %parallel_loop3A_195 = arith.constant 16 : i32
        %parallel_loop3A_196 = arith.muli %parallel_loop3A_18, %parallel_loop3A_195 : i32
        %parallel_loop3A_197 = arith.constant 0 : i32
        %parallel_loop3A_198 = arith.constant 14 : i32
        %parallel_loop3A_199 = arith.index_cast %parallel_loop3A_197 : i32 to index
        %parallel_loop3A_200 = arith.index_cast %parallel_loop3A_198 : i32 to index
        %parallel_loop3A_201 = arith.index_cast %parallel_loop3A_196 : i32 to index
        %parallel_loop3A_202 = tpu.vector_load %arg7[%parallel_loop3A_199, %parallel_loop3A_200, %parallel_loop3A_201] {strides = array<i32>} : memref<3x16x1024xf32, #tpu.memory_space<vmem>>, vector<16xf32>,
        tpu.vector_store %arg7[%parallel_loop3A_199, %parallel_loop3A_200, %parallel_loop3A_201], %parallel_loop3A_194 {strides = array<i32>} : memref<3x16x1024xf32, #tpu.memory_space<vmem>>, vector<16xf32>,
        %parallel_loop3A_203 = arith.constant 1770 : i32
        %parallel_loop3A_204 = vector.broadcast %parallel_loop3A_203 : i32 to vector<16xi32>
        %parallel_loop3A_205 = arith.addi %parallel_loop3A_22, %parallel_loop3A_204 : vector<16xi32>
        %parallel_loop3A_206 = tpu.vector_load_idx %arg5[%parallel_loop3A_205] : memref<5664xf32, #tpu.memory_space<vmem>>[vector<16xi32>], vector<16xf32>,
        %parallel_loop3A_207 = arith.constant 16 : i32
        %parallel_loop3A_208 = arith.muli %parallel_loop3A_18, %parallel_loop3A_207 : i32
        %parallel_loop3A_209 = arith.constant 0 : i32
        %parallel_loop3A_210 = arith.constant 15 : i32
        %parallel_loop3A_211 = arith.index_cast %parallel_loop3A_209 : i32 to index
        %parallel_loop3A_212 = arith.index_cast %parallel_loop3A_210 : i32 to index
        %parallel_loop3A_213 = arith.index_cast %parallel_loop3A_208 : i32 to index
        %parallel_loop3A_214 = tpu.vector_load %arg7[%parallel_loop3A_211, %parallel_loop3A_212, %parallel_loop3A_213] {strides = array<i32>} : memref<3x16x1024xf32, #tpu.memory_space<vmem>>, vector<16xf32>,
        tpu.vector_store %arg7[%parallel_loop3A_211, %parallel_loop3A_212, %parallel_loop3A_213], %parallel_loop3A_206 {strides = array<i32>} : memref<3x16x1024xf32, #tpu.memory_space<vmem>>, vector<16xf32>,
        %parallel_loop3A_215 = arith.constant 1888 : i32
        %parallel_loop3A_216 = vector.broadcast %parallel_loop3A_215 : i32 to vector<16xi32>
        %parallel_loop3A_217 = arith.addi %parallel_loop3A_22, %parallel_loop3A_216 : vector<16xi32>
        %parallel_loop3A_218 = tpu.vector_load_idx %arg5[%parallel_loop3A_217] : memref<5664xf32, #tpu.memory_space<vmem>>[vector<16xi32>], vector<16xf32>,
        %parallel_loop3A_219 = arith.constant 16 : i32
        %parallel_loop3A_220 = arith.muli %parallel_loop3A_18, %parallel_loop3A_219 : i32
        %parallel_loop3A_221 = arith.constant 1 : i32
        %parallel_loop3A_222 = arith.constant 0 : i32
        %parallel_loop3A_223 = arith.index_cast %parallel_loop3A_221 : i32 to index
        %parallel_loop3A_224 = arith.index_cast %parallel_loop3A_222 : i32 to index
        %parallel_loop3A_225 = arith.index_cast %parallel_loop3A_220 : i32 to index
        %parallel_loop3A_226 = tpu.vector_load %arg7[%parallel_loop3A_223, %parallel_loop3A_224, %parallel_loop3A_225] {strides = array<i32>} : memref<3x16x1024xf32, #tpu.memory_space<vmem>>, vector<16xf32>,
        tpu.vector_store %arg7[%parallel_loop3A_223, %parallel_loop3A_224, %parallel_loop3A_225], %parallel_loop3A_218 {strides = array<i32>} : memref<3x16x1024xf32, #tpu.memory_space<vmem>>, vector<16xf32>,
        %parallel_loop3A_227 = arith.constant 2006 : i32
        %parallel_loop3A_228 = vector.broadcast %parallel_loop3A_227 : i32 to vector<16xi32>
        %parallel_loop3A_229 = arith.addi %parallel_loop3A_22, %parallel_loop3A_228 : vector<16xi32>
        %parallel_loop3A_230 = tpu.vector_load_idx %arg5[%parallel_loop3A_229] : memref<5664xf32, #tpu.memory_space<vmem>>[vector<16xi32>], vector<16xf32>,
        %parallel_loop3A_231 = arith.constant 16 : i32
        %parallel_loop3A_232 = arith.muli %parallel_loop3A_18, %parallel_loop3A_231 : i32
        %parallel_loop3A_233 = arith.constant 1 : i32
        %parallel_loop3A_234 = arith.constant 1 : i32
        %parallel_loop3A_235 = arith.index_cast %parallel_loop3A_233 : i32 to index
        %parallel_loop3A_236 = arith.index_cast %parallel_loop3A_234 : i32 to index
        %parallel_loop3A_237 = arith.index_cast %parallel_loop3A_232 : i32 to index
        %parallel_loop3A_238 = tpu.vector_load %arg7[%parallel_loop3A_235, %parallel_loop3A_236, %parallel_loop3A_237] {strides = array<i32>} : memref<3x16x1024xf32, #tpu.memory_space<vmem>>, vector<16xf32>,
        tpu.vector_store %arg7[%parallel_loop3A_235, %parallel_loop3A_236, %parallel_loop3A_237], %parallel_loop3A_230 {strides = array<i32>} : memref<3x16x1024xf32, #tpu.memory_space<vmem>>, vector<16xf32>,
        %parallel_loop3A_239 = arith.constant 2124 : i32
        %parallel_loop3A_240 = vector.broadcast %parallel_loop3A_239 : i32 to vector<16xi32>
        %parallel_loop3A_241 = arith.addi %parallel_loop3A_22, %parallel_loop3A_240 : vector<16xi32>
        %parallel_loop3A_242 = tpu.vector_load_idx %arg5[%parallel_loop3A_241] : memref<5664xf32, #tpu.memory_space<vmem>>[vector<16xi32>], vector<16xf32>,
        %parallel_loop3A_243 = arith.constant 16 : i32
        %parallel_loop3A_244 = arith.muli %parallel_loop3A_18, %parallel_loop3A_243 : i32
        %parallel_loop3A_245 = arith.constant 1 : i32
        %parallel_loop3A_246 = arith.constant 2 : i32
        %parallel_loop3A_247 = arith.index_cast %parallel_loop3A_245 : i32 to index
        %parallel_loop3A_248 = arith.index_cast %parallel_loop3A_246 : i32 to index
        %parallel_loop3A_249 = arith.index_cast %parallel_loop3A_244 : i32 to index
        %parallel_loop3A_250 = tpu.vector_load %arg7[%parallel_loop3A_247, %parallel_loop3A_248, %parallel_loop3A_249] {strides = array<i32>} : memref<3x16x1024xf32, #tpu.memory_space<vmem>>, vector<16xf32>,
        tpu.vector_store %arg7[%parallel_loop3A_247, %parallel_loop3A_248, %parallel_loop3A_249], %parallel_loop3A_242 {strides = array<i32>} : memref<3x16x1024xf32, #tpu.memory_space<vmem>>, vector<16xf32>,
        %parallel_loop3A_251 = arith.constant 2242 : i32
        %parallel_loop3A_252 = vector.broadcast %parallel_loop3A_251 : i32 to vector<16xi32>
        %parallel_loop3A_253 = arith.addi %parallel_loop3A_22, %parallel_loop3A_252 : vector<16xi32>
        %parallel_loop3A_254 = tpu.vector_load_idx %arg5[%parallel_loop3A_253] : memref<5664xf32, #tpu.memory_space<vmem>>[vector<16xi32>], vector<16xf32>,
        %parallel_loop3A_255 = arith.constant 16 : i32
        %parallel_loop3A_256 = arith.muli %parallel_loop3A_18, %parallel_loop3A_255 : i32
        %parallel_loop3A_257 = arith.constant 1 : i32
        %parallel_loop3A_258 = arith.constant 3 : i32
        %parallel_loop3A_259 = arith.index_cast %parallel_loop3A_257 : i32 to index
        %parallel_loop3A_260 = arith.index_cast %parallel_loop3A_258 : i32 to index
        %parallel_loop3A_261 = arith.index_cast %parallel_loop3A_256 : i32 to index
        %parallel_loop3A_262 = tpu.vector_load %arg7[%parallel_loop3A_259, %parallel_loop3A_260, %parallel_loop3A_261] {strides = array<i32>} : memref<3x16x1024xf32, #tpu.memory_space<vmem>>, vector<16xf32>,
        tpu.vector_store %arg7[%parallel_loop3A_259, %parallel_loop3A_260, %parallel_loop3A_261], %parallel_loop3A_254 {strides = array<i32>} : memref<3x16x1024xf32, #tpu.memory_space<vmem>>, vector<16xf32>,
        %parallel_loop3A_263 = arith.constant 2360 : i32
        %parallel_loop3A_264 = vector.broadcast %parallel_loop3A_263 : i32 to vector<16xi32>
        %parallel_loop3A_265 = arith.addi %parallel_loop3A_22, %parallel_loop3A_264 : vector<16xi32>
        %parallel_loop3A_266 = tpu.vector_load_idx %arg5[%parallel_loop3A_265] : memref<5664xf32, #tpu.memory_space<vmem>>[vector<16xi32>], vector<16xf32>,
        %parallel_loop3A_267 = arith.constant 16 : i32
        %parallel_loop3A_268 = arith.muli %parallel_loop3A_18, %parallel_loop3A_267 : i32
        %parallel_loop3A_269 = arith.constant 1 : i32
        %parallel_loop3A_270 = arith.constant 4 : i32
        %parallel_loop3A_271 = arith.index_cast %parallel_loop3A_269 : i32 to index
        %parallel_loop3A_272 = arith.index_cast %parallel_loop3A_270 : i32 to index
        %parallel_loop3A_273 = arith.index_cast %parallel_loop3A_268 : i32 to index
        %parallel_loop3A_274 = tpu.vector_load %arg7[%parallel_loop3A_271, %parallel_loop3A_272, %parallel_loop3A_273] {strides = array<i32>} : memref<3x16x1024xf32, #tpu.memory_space<vmem>>, vector<16xf32>,
        tpu.vector_store %arg7[%parallel_loop3A_271, %parallel_loop3A_272, %parallel_loop3A_273], %parallel_loop3A_266 {strides = array<i32>} : memref<3x16x1024xf32, #tpu.memory_space<vmem>>, vector<16xf32>,
        %parallel_loop3A_275 = arith.constant 2478 : i32
        %parallel_loop3A_276 = vector.broadcast %parallel_loop3A_275 : i32 to vector<16xi32>
        %parallel_loop3A_277 = arith.addi %parallel_loop3A_22, %parallel_loop3A_276 : vector<16xi32>
        %parallel_loop3A_278 = tpu.vector_load_idx %arg5[%parallel_loop3A_277] : memref<5664xf32, #tpu.memory_space<vmem>>[vector<16xi32>], vector<16xf32>,
        %parallel_loop3A_279 = arith.constant 16 : i32
        %parallel_loop3A_280 = arith.muli %parallel_loop3A_18, %parallel_loop3A_279 : i32
        %parallel_loop3A_281 = arith.constant 1 : i32
        %parallel_loop3A_282 = arith.constant 5 : i32
        %parallel_loop3A_283 = arith.index_cast %parallel_loop3A_281 : i32 to index
        %parallel_loop3A_284 = arith.index_cast %parallel_loop3A_282 : i32 to index
        %parallel_loop3A_285 = arith.index_cast %parallel_loop3A_280 : i32 to index
        %parallel_loop3A_286 = tpu.vector_load %arg7[%parallel_loop3A_283, %parallel_loop3A_284, %parallel_loop3A_285] {strides = array<i32>} : memref<3x16x1024xf32, #tpu.memory_space<vmem>>, vector<16xf32>,
        tpu.vector_store %arg7[%parallel_loop3A_283, %parallel_loop3A_284, %parallel_loop3A_285], %parallel_loop3A_278 {strides = array<i32>} : memref<3x16x1024xf32, #tpu.memory_space<vmem>>, vector<16xf32>,
        %parallel_loop3A_287 = arith.constant 2596 : i32
        %parallel_loop3A_288 = vector.broadcast %parallel_loop3A_287 : i32 to vector<16xi32>
        %parallel_loop3A_289 = arith.addi %parallel_loop3A_22, %parallel_loop3A_288 : vector<16xi32>
        %parallel_loop3A_290 = tpu.vector_load_idx %arg5[%parallel_loop3A_289] : memref<5664xf32, #tpu.memory_space<vmem>>[vector<16xi32>], vector<16xf32>,
        %parallel_loop3A_291 = arith.constant 16 : i32
        %parallel_loop3A_292 = arith.muli %parallel_loop3A_18, %parallel_loop3A_291 : i32
        %parallel_loop3A_293 = arith.constant 1 : i32
        %parallel_loop3A_294 = arith.constant 6 : i32
        %parallel_loop3A_295 = arith.index_cast %parallel_loop3A_293 : i32 to index
        %parallel_loop3A_296 = arith.index_cast %parallel_loop3A_294 : i32 to index
        %parallel_loop3A_297 = arith.index_cast %parallel_loop3A_292 : i32 to index
        %parallel_loop3A_298 = tpu.vector_load %arg7[%parallel_loop3A_295, %parallel_loop3A_296, %parallel_loop3A_297] {strides = array<i32>} : memref<3x16x1024xf32, #tpu.memory_space<vmem>>, vector<16xf32>,
        tpu.vector_store %arg7[%parallel_loop3A_295, %parallel_loop3A_296, %parallel_loop3A_297], %parallel_loop3A_290 {strides = array<i32>} : memref<3x16x1024xf32, #tpu.memory_space<vmem>>, vector<16xf32>,
        %parallel_loop3A_299 = arith.constant 2714 : i32
        %parallel_loop3A_300 = vector.broadcast %parallel_loop3A_299 : i32 to vector<16xi32>
        %parallel_loop3A_301 = arith.addi %parallel_loop3A_22, %parallel_loop3A_300 : vector<16xi32>
        %parallel_loop3A_302 = tpu.vector_load_idx %arg5[%parallel_loop3A_301] : memref<5664xf32, #tpu.memory_space<vmem>>[vector<16xi32>], vector<16xf32>,
        %parallel_loop3A_303 = arith.constant 16 : i32
        %parallel_loop3A_304 = arith.muli %parallel_loop3A_18, %parallel_loop3A_303 : i32
        %parallel_loop3A_305 = arith.constant 1 : i32
        %parallel_loop3A_306 = arith.constant 7 : i32
        %parallel_loop3A_307 = arith.index_cast %parallel_loop3A_305 : i32 to index
        %parallel_loop3A_308 = arith.index_cast %parallel_loop3A_306 : i32 to index
        %parallel_loop3A_309 = arith.index_cast %parallel_loop3A_304 : i32 to index
        %parallel_loop3A_310 = tpu.vector_load %arg7[%parallel_loop3A_307, %parallel_loop3A_308, %parallel_loop3A_309] {strides = array<i32>} : memref<3x16x1024xf32, #tpu.memory_space<vmem>>, vector<16xf32>,
        tpu.vector_store %arg7[%parallel_loop3A_307, %parallel_loop3A_308, %parallel_loop3A_309], %parallel_loop3A_302 {strides = array<i32>} : memref<3x16x1024xf32, #tpu.memory_space<vmem>>, vector<16xf32>,
        %parallel_loop3A_311 = arith.constant 2832 : i32
        %parallel_loop3A_312 = vector.broadcast %parallel_loop3A_311 : i32 to vector<16xi32>
        %parallel_loop3A_313 = arith.addi %parallel_loop3A_22, %parallel_loop3A_312 : vector<16xi32>
        %parallel_loop3A_314 = tpu.vector_load_idx %arg5[%parallel_loop3A_313] : memref<5664xf32, #tpu.memory_space<vmem>>[vector<16xi32>], vector<16xf32>,
        %parallel_loop3A_315 = arith.constant 16 : i32
        %parallel_loop3A_316 = arith.muli %parallel_loop3A_18, %parallel_loop3A_315 : i32
        %parallel_loop3A_317 = arith.constant 1 : i32
        %parallel_loop3A_318 = arith.constant 8 : i32
        %parallel_loop3A_319 = arith.index_cast %parallel_loop3A_317 : i32 to index
        %parallel_loop3A_320 = arith.index_cast %parallel_loop3A_318 : i32 to index
        %parallel_loop3A_321 = arith.index_cast %parallel_loop3A_316 : i32 to index
        %parallel_loop3A_322 = tpu.vector_load %arg7[%parallel_loop3A_319, %parallel_loop3A_320, %parallel_loop3A_321] {strides = array<i32>} : memref<3x16x1024xf32, #tpu.memory_space<vmem>>, vector<16xf32>,
        tpu.vector_store %arg7[%parallel_loop3A_319, %parallel_loop3A_320, %parallel_loop3A_321], %parallel_loop3A_314 {strides = array<i32>} : memref<3x16x1024xf32, #tpu.memory_space<vmem>>, vector<16xf32>,
        %parallel_loop3A_323 = arith.constant 2950 : i32
        %parallel_loop3A_324 = vector.broadcast %parallel_loop3A_323 : i32 to vector<16xi32>
        %parallel_loop3A_325 = arith.addi %parallel_loop3A_22, %parallel_loop3A_324 : vector<16xi32>
        %parallel_loop3A_326 = tpu.vector_load_idx %arg5[%parallel_loop3A_325] : memref<5664xf32, #tpu.memory_space<vmem>>[vector<16xi32>], vector<16xf32>,
        %parallel_loop3A_327 = arith.constant 16 : i32
        %parallel_loop3A_328 = arith.muli %parallel_loop3A_18, %parallel_loop3A_327 : i32
        %parallel_loop3A_329 = arith.constant 1 : i32
        %parallel_loop3A_330 = arith.constant 9 : i32
        %parallel_loop3A_331 = arith.index_cast %parallel_loop3A_329 : i32 to index
        %parallel_loop3A_332 = arith.index_cast %parallel_loop3A_330 : i32 to index
        %parallel_loop3A_333 = arith.index_cast %parallel_loop3A_328 : i32 to index
        %parallel_loop3A_334 = tpu.vector_load %arg7[%parallel_loop3A_331, %parallel_loop3A_332, %parallel_loop3A_333] {strides = array<i32>} : memref<3x16x1024xf32, #tpu.memory_space<vmem>>, vector<16xf32>,
        tpu.vector_store %arg7[%parallel_loop3A_331, %parallel_loop3A_332, %parallel_loop3A_333], %parallel_loop3A_326 {strides = array<i32>} : memref<3x16x1024xf32, #tpu.memory_space<vmem>>, vector<16xf32>,
        %parallel_loop3A_335 = arith.constant 3068 : i32
        %parallel_loop3A_336 = vector.broadcast %parallel_loop3A_335 : i32 to vector<16xi32>
        %parallel_loop3A_337 = arith.addi %parallel_loop3A_22, %parallel_loop3A_336 : vector<16xi32>
        %parallel_loop3A_338 = tpu.vector_load_idx %arg5[%parallel_loop3A_337] : memref<5664xf32, #tpu.memory_space<vmem>>[vector<16xi32>], vector<16xf32>,
        %parallel_loop3A_339 = arith.constant 16 : i32
        %parallel_loop3A_340 = arith.muli %parallel_loop3A_18, %parallel_loop3A_339 : i32
        %parallel_loop3A_341 = arith.constant 1 : i32
        %parallel_loop3A_342 = arith.constant 10 : i32
        %parallel_loop3A_343 = arith.index_cast %parallel_loop3A_341 : i32 to index
        %parallel_loop3A_344 = arith.index_cast %parallel_loop3A_342 : i32 to index
        %parallel_loop3A_345 = arith.index_cast %parallel_loop3A_340 : i32 to index
        %parallel_loop3A_346 = tpu.vector_load %arg7[%parallel_loop3A_343, %parallel_loop3A_344, %parallel_loop3A_345] {strides = array<i32>} : memref<3x16x1024xf32, #tpu.memory_space<vmem>>, vector<16xf32>,
        tpu.vector_store %arg7[%parallel_loop3A_343, %parallel_loop3A_344, %parallel_loop3A_345], %parallel_loop3A_338 {strides = array<i32>} : memref<3x16x1024xf32, #tpu.memory_space<vmem>>, vector<16xf32>,
        %parallel_loop3A_347 = arith.constant 3186 : i32
        %parallel_loop3A_348 = vector.broadcast %parallel_loop3A_347 : i32 to vector<16xi32>
        %parallel_loop3A_349 = arith.addi %parallel_loop3A_22, %parallel_loop3A_348 : vector<16xi32>
        %parallel_loop3A_350 = tpu.vector_load_idx %arg5[%parallel_loop3A_349] : memref<5664xf32, #tpu.memory_space<vmem>>[vector<16xi32>], vector<16xf32>,
        %parallel_loop3A_351 = arith.constant 16 : i32
        %parallel_loop3A_352 = arith.muli %parallel_loop3A_18, %parallel_loop3A_351 : i32
        %parallel_loop3A_353 = arith.constant 1 : i32
        %parallel_loop3A_354 = arith.constant 11 : i32
        %parallel_loop3A_355 = arith.index_cast %parallel_loop3A_353 : i32 to index
        %parallel_loop3A_356 = arith.index_cast %parallel_loop3A_354 : i32 to index
        %parallel_loop3A_357 = arith.index_cast %parallel_loop3A_352 : i32 to index
        %parallel_loop3A_358 = tpu.vector_load %arg7[%parallel_loop3A_355, %parallel_loop3A_356, %parallel_loop3A_357] {strides = array<i32>} : memref<3x16x1024xf32, #tpu.memory_space<vmem>>, vector<16xf32>,
        tpu.vector_store %arg7[%parallel_loop3A_355, %parallel_loop3A_356, %parallel_loop3A_357], %parallel_loop3A_350 {strides = array<i32>} : memref<3x16x1024xf32, #tpu.memory_space<vmem>>, vector<16xf32>,
        %parallel_loop3A_359 = arith.constant 3304 : i32
        %parallel_loop3A_360 = vector.broadcast %parallel_loop3A_359 : i32 to vector<16xi32>
        %parallel_loop3A_361 = arith.addi %parallel_loop3A_22, %parallel_loop3A_360 : vector<16xi32>
        %parallel_loop3A_362 = tpu.vector_load_idx %arg5[%parallel_loop3A_361] : memref<5664xf32, #tpu.memory_space<vmem>>[vector<16xi32>], vector<16xf32>,
        %parallel_loop3A_363 = arith.constant 16 : i32
        %parallel_loop3A_364 = arith.muli %parallel_loop3A_18, %parallel_loop3A_363 : i32
        %parallel_loop3A_365 = arith.constant 1 : i32
        %parallel_loop3A_366 = arith.constant 12 : i32
        %parallel_loop3A_367 = arith.index_cast %parallel_loop3A_365 : i32 to index
        %parallel_loop3A_368 = arith.index_cast %parallel_loop3A_366 : i32 to index
        %parallel_loop3A_369 = arith.index_cast %parallel_loop3A_364 : i32 to index
        %parallel_loop3A_370 = tpu.vector_load %arg7[%parallel_loop3A_367, %parallel_loop3A_368, %parallel_loop3A_369] {strides = array<i32>} : memref<3x16x1024xf32, #tpu.memory_space<vmem>>, vector<16xf32>,
        tpu.vector_store %arg7[%parallel_loop3A_367, %parallel_loop3A_368, %parallel_loop3A_369], %parallel_loop3A_362 {strides = array<i32>} : memref<3x16x1024xf32, #tpu.memory_space<vmem>>, vector<16xf32>,
        %parallel_loop3A_371 = arith.constant 3422 : i32
        %parallel_loop3A_372 = vector.broadcast %parallel_loop3A_371 : i32 to vector<16xi32>
        %parallel_loop3A_373 = arith.addi %parallel_loop3A_22, %parallel_loop3A_372 : vector<16xi32>
        %parallel_loop3A_374 = tpu.vector_load_idx %arg5[%parallel_loop3A_373] : memref<5664xf32, #tpu.memory_space<vmem>>[vector<16xi32>], vector<16xf32>,
        %parallel_loop3A_375 = arith.constant 16 : i32
        %parallel_loop3A_376 = arith.muli %parallel_loop3A_18, %parallel_loop3A_375 : i32
        %parallel_loop3A_377 = arith.constant 1 : i32
        %parallel_loop3A_378 = arith.constant 13 : i32
        %parallel_loop3A_379 = arith.index_cast %parallel_loop3A_377 : i32 to index
        %parallel_loop3A_380 = arith.index_cast %parallel_loop3A_378 : i32 to index
        %parallel_loop3A_381 = arith.index_cast %parallel_loop3A_376 : i32 to index
        %parallel_loop3A_382 = tpu.vector_load %arg7[%parallel_loop3A_379, %parallel_loop3A_380, %parallel_loop3A_381] {strides = array<i32>} : memref<3x16x1024xf32, #tpu.memory_space<vmem>>, vector<16xf32>,
        tpu.vector_store %arg7[%parallel_loop3A_379, %parallel_loop3A_380, %parallel_loop3A_381], %parallel_loop3A_374 {strides = array<i32>} : memref<3x16x1024xf32, #tpu.memory_space<vmem>>, vector<16xf32>,
        %parallel_loop3A_383 = arith.constant 3540 : i32
        %parallel_loop3A_384 = vector.broadcast %parallel_loop3A_383 : i32 to vector<16xi32>
        %parallel_loop3A_385 = arith.addi %parallel_loop3A_22, %parallel_loop3A_384 : vector<16xi32>
        %parallel_loop3A_386 = tpu.vector_load_idx %arg5[%parallel_loop3A_385] : memref<5664xf32, #tpu.memory_space<vmem>>[vector<16xi32>], vector<16xf32>,
        %parallel_loop3A_387 = arith.constant 16 : i32
        %parallel_loop3A_388 = arith.muli %parallel_loop3A_18, %parallel_loop3A_387 : i32
        %parallel_loop3A_389 = arith.constant 1 : i32
        %parallel_loop3A_390 = arith.constant 14 : i32
        %parallel_loop3A_391 = arith.index_cast %parallel_loop3A_389 : i32 to index
        %parallel_loop3A_392 = arith.index_cast %parallel_loop3A_390 : i32 to index
        %parallel_loop3A_393 = arith.index_cast %parallel_loop3A_388 : i32 to index
        %parallel_loop3A_394 = tpu.vector_load %arg7[%parallel_loop3A_391, %parallel_loop3A_392, %parallel_loop3A_393] {strides = array<i32>} : memref<3x16x1024xf32, #tpu.memory_space<vmem>>, vector<16xf32>,
        tpu.vector_store %arg7[%parallel_loop3A_391, %parallel_loop3A_392, %parallel_loop3A_393], %parallel_loop3A_386 {strides = array<i32>} : memref<3x16x1024xf32, #tpu.memory_space<vmem>>, vector<16xf32>,
        %parallel_loop3A_395 = arith.constant 3658 : i32
        %parallel_loop3A_396 = vector.broadcast %parallel_loop3A_395 : i32 to vector<16xi32>
        %parallel_loop3A_397 = arith.addi %parallel_loop3A_22, %parallel_loop3A_396 : vector<16xi32>
        %parallel_loop3A_398 = tpu.vector_load_idx %arg5[%parallel_loop3A_397] : memref<5664xf32, #tpu.memory_space<vmem>>[vector<16xi32>], vector<16xf32>,
        %parallel_loop3A_399 = arith.constant 16 : i32
        %parallel_loop3A_400 = arith.muli %parallel_loop3A_18, %parallel_loop3A_399 : i32
        %parallel_loop3A_401 = arith.constant 1 : i32
        %parallel_loop3A_402 = arith.constant 15 : i32
        %parallel_loop3A_403 = arith.index_cast %parallel_loop3A_401 : i32 to index
        %parallel_loop3A_404 = arith.index_cast %parallel_loop3A_402 : i32 to index
        %parallel_loop3A_405 = arith.index_cast %parallel_loop3A_400 : i32 to index
        %parallel_loop3A_406 = tpu.vector_load %arg7[%parallel_loop3A_403, %parallel_loop3A_404, %parallel_loop3A_405] {strides = array<i32>} : memref<3x16x1024xf32, #tpu.memory_space<vmem>>, vector<16xf32>,
        tpu.vector_store %arg7[%parallel_loop3A_403, %parallel_loop3A_404, %parallel_loop3A_405], %parallel_loop3A_398 {strides = array<i32>} : memref<3x16x1024xf32, #tpu.memory_space<vmem>>, vector<16xf32>,
        %parallel_loop3A_407 = arith.constant 3776 : i32
        %parallel_loop3A_408 = vector.broadcast %parallel_loop3A_407 : i32 to vector<16xi32>
        %parallel_loop3A_409 = arith.addi %parallel_loop3A_22, %parallel_loop3A_408 : vector<16xi32>
        %parallel_loop3A_410 = tpu.vector_load_idx %arg5[%parallel_loop3A_409] : memref<5664xf32, #tpu.memory_space<vmem>>[vector<16xi32>], vector<16xf32>,
        %parallel_loop3A_411 = arith.constant 16 : i32
        %parallel_loop3A_412 = arith.muli %parallel_loop3A_18, %parallel_loop3A_411 : i32
        %parallel_loop3A_413 = arith.constant 2 : i32
        %parallel_loop3A_414 = arith.constant 0 : i32
        %parallel_loop3A_415 = arith.index_cast %parallel_loop3A_413 : i32 to index
        %parallel_loop3A_416 = arith.index_cast %parallel_loop3A_414 : i32 to index
        %parallel_loop3A_417 = arith.index_cast %parallel_loop3A_412 : i32 to index
        %parallel_loop3A_418 = tpu.vector_load %arg7[%parallel_loop3A_415, %parallel_loop3A_416, %parallel_loop3A_417] {strides = array<i32>} : memref<3x16x1024xf32, #tpu.memory_space<vmem>>, vector<16xf32>,
        tpu.vector_store %arg7[%parallel_loop3A_415, %parallel_loop3A_416, %parallel_loop3A_417], %parallel_loop3A_410 {strides = array<i32>} : memref<3x16x1024xf32, #tpu.memory_space<vmem>>, vector<16xf32>,
        %parallel_loop3A_419 = arith.constant 3894 : i32
        %parallel_loop3A_420 = vector.broadcast %parallel_loop3A_419 : i32 to vector<16xi32>
        %parallel_loop3A_421 = arith.addi %parallel_loop3A_22, %parallel_loop3A_420 : vector<16xi32>
        %parallel_loop3A_422 = tpu.vector_load_idx %arg5[%parallel_loop3A_421] : memref<5664xf32, #tpu.memory_space<vmem>>[vector<16xi32>], vector<16xf32>,
        %parallel_loop3A_423 = arith.constant 16 : i32
        %parallel_loop3A_424 = arith.muli %parallel_loop3A_18, %parallel_loop3A_423 : i32
        %parallel_loop3A_425 = arith.constant 2 : i32
        %parallel_loop3A_426 = arith.constant 1 : i32
        %parallel_loop3A_427 = arith.index_cast %parallel_loop3A_425 : i32 to index
        %parallel_loop3A_428 = arith.index_cast %parallel_loop3A_426 : i32 to index
        %parallel_loop3A_429 = arith.index_cast %parallel_loop3A_424 : i32 to index
        %parallel_loop3A_430 = tpu.vector_load %arg7[%parallel_loop3A_427, %parallel_loop3A_428, %parallel_loop3A_429] {strides = array<i32>} : memref<3x16x1024xf32, #tpu.memory_space<vmem>>, vector<16xf32>,
        tpu.vector_store %arg7[%parallel_loop3A_427, %parallel_loop3A_428, %parallel_loop3A_429], %parallel_loop3A_422 {strides = array<i32>} : memref<3x16x1024xf32, #tpu.memory_space<vmem>>, vector<16xf32>,
        %parallel_loop3A_431 = arith.constant 4012 : i32
        %parallel_loop3A_432 = vector.broadcast %parallel_loop3A_431 : i32 to vector<16xi32>
        %parallel_loop3A_433 = arith.addi %parallel_loop3A_22, %parallel_loop3A_432 : vector<16xi32>
        %parallel_loop3A_434 = tpu.vector_load_idx %arg5[%parallel_loop3A_433] : memref<5664xf32, #tpu.memory_space<vmem>>[vector<16xi32>], vector<16xf32>,
        %parallel_loop3A_435 = arith.constant 16 : i32
        %parallel_loop3A_436 = arith.muli %parallel_loop3A_18, %parallel_loop3A_435 : i32
        %parallel_loop3A_437 = arith.constant 2 : i32
        %parallel_loop3A_438 = arith.constant 2 : i32
        %parallel_loop3A_439 = arith.index_cast %parallel_loop3A_437 : i32 to index
        %parallel_loop3A_440 = arith.index_cast %parallel_loop3A_438 : i32 to index
        %parallel_loop3A_441 = arith.index_cast %parallel_loop3A_436 : i32 to index
        %parallel_loop3A_442 = tpu.vector_load %arg7[%parallel_loop3A_439, %parallel_loop3A_440, %parallel_loop3A_441] {strides = array<i32>} : memref<3x16x1024xf32, #tpu.memory_space<vmem>>, vector<16xf32>,
        tpu.vector_store %arg7[%parallel_loop3A_439, %parallel_loop3A_440, %parallel_loop3A_441], %parallel_loop3A_434 {strides = array<i32>} : memref<3x16x1024xf32, #tpu.memory_space<vmem>>, vector<16xf32>,
        %parallel_loop3A_443 = arith.constant 4130 : i32
        %parallel_loop3A_444 = vector.broadcast %parallel_loop3A_443 : i32 to vector<16xi32>
        %parallel_loop3A_445 = arith.addi %parallel_loop3A_22, %parallel_loop3A_444 : vector<16xi32>
        %parallel_loop3A_446 = tpu.vector_load_idx %arg5[%parallel_loop3A_445] : memref<5664xf32, #tpu.memory_space<vmem>>[vector<16xi32>], vector<16xf32>,
        %parallel_loop3A_447 = arith.constant 16 : i32
        %parallel_loop3A_448 = arith.muli %parallel_loop3A_18, %parallel_loop3A_447 : i32
        %parallel_loop3A_449 = arith.constant 2 : i32
        %parallel_loop3A_450 = arith.constant 3 : i32
        %parallel_loop3A_451 = arith.index_cast %parallel_loop3A_449 : i32 to index
        %parallel_loop3A_452 = arith.index_cast %parallel_loop3A_450 : i32 to index
        %parallel_loop3A_453 = arith.index_cast %parallel_loop3A_448 : i32 to index
        %parallel_loop3A_454 = tpu.vector_load %arg7[%parallel_loop3A_451, %parallel_loop3A_452, %parallel_loop3A_453] {strides = array<i32>} : memref<3x16x1024xf32, #tpu.memory_space<vmem>>, vector<16xf32>,
        tpu.vector_store %arg7[%parallel_loop3A_451, %parallel_loop3A_452, %parallel_loop3A_453], %parallel_loop3A_446 {strides = array<i32>} : memref<3x16x1024xf32, #tpu.memory_space<vmem>>, vector<16xf32>,
        %parallel_loop3A_455 = arith.constant 4248 : i32
        %parallel_loop3A_456 = vector.broadcast %parallel_loop3A_455 : i32 to vector<16xi32>
        %parallel_loop3A_457 = arith.addi %parallel_loop3A_22, %parallel_loop3A_456 : vector<16xi32>
        %parallel_loop3A_458 = tpu.vector_load_idx %arg5[%parallel_loop3A_457] : memref<5664xf32, #tpu.memory_space<vmem>>[vector<16xi32>], vector<16xf32>,
        %parallel_loop3A_459 = arith.constant 16 : i32
        %parallel_loop3A_460 = arith.muli %parallel_loop3A_18, %parallel_loop3A_459 : i32
        %parallel_loop3A_461 = arith.constant 2 : i32
        %parallel_loop3A_462 = arith.constant 4 : i32
        %parallel_loop3A_463 = arith.index_cast %parallel_loop3A_461 : i32 to index
        %parallel_loop3A_464 = arith.index_cast %parallel_loop3A_462 : i32 to index
        %parallel_loop3A_465 = arith.index_cast %parallel_loop3A_460 : i32 to index
        %parallel_loop3A_466 = tpu.vector_load %arg7[%parallel_loop3A_463, %parallel_loop3A_464, %parallel_loop3A_465] {strides = array<i32>} : memref<3x16x1024xf32, #tpu.memory_space<vmem>>, vector<16xf32>,
        tpu.vector_store %arg7[%parallel_loop3A_463, %parallel_loop3A_464, %parallel_loop3A_465], %parallel_loop3A_458 {strides = array<i32>} : memref<3x16x1024xf32, #tpu.memory_space<vmem>>, vector<16xf32>,
        %parallel_loop3A_467 = arith.constant 4366 : i32
        %parallel_loop3A_468 = vector.broadcast %parallel_loop3A_467 : i32 to vector<16xi32>
        %parallel_loop3A_469 = arith.addi %parallel_loop3A_22, %parallel_loop3A_468 : vector<16xi32>
        %parallel_loop3A_470 = tpu.vector_load_idx %arg5[%parallel_loop3A_469] : memref<5664xf32, #tpu.memory_space<vmem>>[vector<16xi32>], vector<16xf32>,
        %parallel_loop3A_471 = arith.constant 16 : i32
        %parallel_loop3A_472 = arith.muli %parallel_loop3A_18, %parallel_loop3A_471 : i32
        %parallel_loop3A_473 = arith.constant 2 : i32
        %parallel_loop3A_474 = arith.constant 5 : i32
        %parallel_loop3A_475 = arith.index_cast %parallel_loop3A_473 : i32 to index
        %parallel_loop3A_476 = arith.index_cast %parallel_loop3A_474 : i32 to index
        %parallel_loop3A_477 = arith.index_cast %parallel_loop3A_472 : i32 to index
        %parallel_loop3A_478 = tpu.vector_load %arg7[%parallel_loop3A_475, %parallel_loop3A_476, %parallel_loop3A_477] {strides = array<i32>} : memref<3x16x1024xf32, #tpu.memory_space<vmem>>, vector<16xf32>,
        tpu.vector_store %arg7[%parallel_loop3A_475, %parallel_loop3A_476, %parallel_loop3A_477], %parallel_loop3A_470 {strides = array<i32>} : memref<3x16x1024xf32, #tpu.memory_space<vmem>>, vector<16xf32>,
        %parallel_loop3A_479 = arith.constant 4484 : i32
        %parallel_loop3A_480 = vector.broadcast %parallel_loop3A_479 : i32 to vector<16xi32>
        %parallel_loop3A_481 = arith.addi %parallel_loop3A_22, %parallel_loop3A_480 : vector<16xi32>
        %parallel_loop3A_482 = tpu.vector_load_idx %arg5[%parallel_loop3A_481] : memref<5664xf32, #tpu.memory_space<vmem>>[vector<16xi32>], vector<16xf32>,
        %parallel_loop3A_483 = arith.constant 16 : i32
        %parallel_loop3A_484 = arith.muli %parallel_loop3A_18, %parallel_loop3A_483 : i32
        %parallel_loop3A_485 = arith.constant 2 : i32
        %parallel_loop3A_486 = arith.constant 6 : i32
        %parallel_loop3A_487 = arith.index_cast %parallel_loop3A_485 : i32 to index
        %parallel_loop3A_488 = arith.index_cast %parallel_loop3A_486 : i32 to index
        %parallel_loop3A_489 = arith.index_cast %parallel_loop3A_484 : i32 to index
        %parallel_loop3A_490 = tpu.vector_load %arg7[%parallel_loop3A_487, %parallel_loop3A_488, %parallel_loop3A_489] {strides = array<i32>} : memref<3x16x1024xf32, #tpu.memory_space<vmem>>, vector<16xf32>,
        tpu.vector_store %arg7[%parallel_loop3A_487, %parallel_loop3A_488, %parallel_loop3A_489], %parallel_loop3A_482 {strides = array<i32>} : memref<3x16x1024xf32, #tpu.memory_space<vmem>>, vector<16xf32>,
        %parallel_loop3A_491 = arith.constant 4602 : i32
        %parallel_loop3A_492 = vector.broadcast %parallel_loop3A_491 : i32 to vector<16xi32>
        %parallel_loop3A_493 = arith.addi %parallel_loop3A_22, %parallel_loop3A_492 : vector<16xi32>
        %parallel_loop3A_494 = tpu.vector_load_idx %arg5[%parallel_loop3A_493] : memref<5664xf32, #tpu.memory_space<vmem>>[vector<16xi32>], vector<16xf32>,
        %parallel_loop3A_495 = arith.constant 16 : i32
        %parallel_loop3A_496 = arith.muli %parallel_loop3A_18, %parallel_loop3A_495 : i32
        %parallel_loop3A_497 = arith.constant 2 : i32
        %parallel_loop3A_498 = arith.constant 7 : i32
        %parallel_loop3A_499 = arith.index_cast %parallel_loop3A_497 : i32 to index
        %parallel_loop3A_500 = arith.index_cast %parallel_loop3A_498 : i32 to index
        %parallel_loop3A_501 = arith.index_cast %parallel_loop3A_496 : i32 to index
        %parallel_loop3A_502 = tpu.vector_load %arg7[%parallel_loop3A_499, %parallel_loop3A_500, %parallel_loop3A_501] {strides = array<i32>} : memref<3x16x1024xf32, #tpu.memory_space<vmem>>, vector<16xf32>,
        tpu.vector_store %arg7[%parallel_loop3A_499, %parallel_loop3A_500, %parallel_loop3A_501], %parallel_loop3A_494 {strides = array<i32>} : memref<3x16x1024xf32, #tpu.memory_space<vmem>>, vector<16xf32>,
        %parallel_loop3A_503 = arith.constant 4720 : i32
        %parallel_loop3A_504 = vector.broadcast %parallel_loop3A_503 : i32 to vector<16xi32>
        %parallel_loop3A_505 = arith.addi %parallel_loop3A_22, %parallel_loop3A_504 : vector<16xi32>
        %parallel_loop3A_506 = tpu.vector_load_idx %arg5[%parallel_loop3A_505] : memref<5664xf32, #tpu.memory_space<vmem>>[vector<16xi32>], vector<16xf32>,
        %parallel_loop3A_507 = arith.constant 16 : i32
        %parallel_loop3A_508 = arith.muli %parallel_loop3A_18, %parallel_loop3A_507 : i32
        %parallel_loop3A_509 = arith.constant 2 : i32
        %parallel_loop3A_510 = arith.constant 8 : i32
        %parallel_loop3A_511 = arith.index_cast %parallel_loop3A_509 : i32 to index
        %parallel_loop3A_512 = arith.index_cast %parallel_loop3A_510 : i32 to index
        %parallel_loop3A_513 = arith.index_cast %parallel_loop3A_508 : i32 to index
        %parallel_loop3A_514 = tpu.vector_load %arg7[%parallel_loop3A_511, %parallel_loop3A_512, %parallel_loop3A_513] {strides = array<i32>} : memref<3x16x1024xf32, #tpu.memory_space<vmem>>, vector<16xf32>,
        tpu.vector_store %arg7[%parallel_loop3A_511, %parallel_loop3A_512, %parallel_loop3A_513], %parallel_loop3A_506 {strides = array<i32>} : memref<3x16x1024xf32, #tpu.memory_space<vmem>>, vector<16xf32>,
        %parallel_loop3A_515 = arith.constant 4838 : i32
        %parallel_loop3A_516 = vector.broadcast %parallel_loop3A_515 : i32 to vector<16xi32>
        %parallel_loop3A_517 = arith.addi %parallel_loop3A_22, %parallel_loop3A_516 : vector<16xi32>
        %parallel_loop3A_518 = tpu.vector_load_idx %arg5[%parallel_loop3A_517] : memref<5664xf32, #tpu.memory_space<vmem>>[vector<16xi32>], vector<16xf32>,
        %parallel_loop3A_519 = arith.constant 16 : i32
        %parallel_loop3A_520 = arith.muli %parallel_loop3A_18, %parallel_loop3A_519 : i32
        %parallel_loop3A_521 = arith.constant 2 : i32
        %parallel_loop3A_522 = arith.constant 9 : i32
        %parallel_loop3A_523 = arith.index_cast %parallel_loop3A_521 : i32 to index
        %parallel_loop3A_524 = arith.index_cast %parallel_loop3A_522 : i32 to index
        %parallel_loop3A_525 = arith.index_cast %parallel_loop3A_520 : i32 to index
        %parallel_loop3A_526 = tpu.vector_load %arg7[%parallel_loop3A_523, %parallel_loop3A_524, %parallel_loop3A_525] {strides = array<i32>} : memref<3x16x1024xf32, #tpu.memory_space<vmem>>, vector<16xf32>,
        tpu.vector_store %arg7[%parallel_loop3A_523, %parallel_loop3A_524, %parallel_loop3A_525], %parallel_loop3A_518 {strides = array<i32>} : memref<3x16x1024xf32, #tpu.memory_space<vmem>>, vector<16xf32>,
        %parallel_loop3A_527 = arith.constant 4956 : i32
        %parallel_loop3A_528 = vector.broadcast %parallel_loop3A_527 : i32 to vector<16xi32>
        %parallel_loop3A_529 = arith.addi %parallel_loop3A_22, %parallel_loop3A_528 : vector<16xi32>
        %parallel_loop3A_530 = tpu.vector_load_idx %arg5[%parallel_loop3A_529] : memref<5664xf32, #tpu.memory_space<vmem>>[vector<16xi32>], vector<16xf32>,
        %parallel_loop3A_531 = arith.constant 16 : i32
        %parallel_loop3A_532 = arith.muli %parallel_loop3A_18, %parallel_loop3A_531 : i32
        %parallel_loop3A_533 = arith.constant 2 : i32
        %parallel_loop3A_534 = arith.constant 10 : i32
        %parallel_loop3A_535 = arith.index_cast %parallel_loop3A_533 : i32 to index
        %parallel_loop3A_536 = arith.index_cast %parallel_loop3A_534 : i32 to index
        %parallel_loop3A_537 = arith.index_cast %parallel_loop3A_532 : i32 to index
        %parallel_loop3A_538 = tpu.vector_load %arg7[%parallel_loop3A_535, %parallel_loop3A_536, %parallel_loop3A_537] {strides = array<i32>} : memref<3x16x1024xf32, #tpu.memory_space<vmem>>, vector<16xf32>,
        tpu.vector_store %arg7[%parallel_loop3A_535, %parallel_loop3A_536, %parallel_loop3A_537], %parallel_loop3A_530 {strides = array<i32>} : memref<3x16x1024xf32, #tpu.memory_space<vmem>>, vector<16xf32>,
        %parallel_loop3A_539 = arith.constant 5074 : i32
        %parallel_loop3A_540 = vector.broadcast %parallel_loop3A_539 : i32 to vector<16xi32>
        %parallel_loop3A_541 = arith.addi %parallel_loop3A_22, %parallel_loop3A_540 : vector<16xi32>
        %parallel_loop3A_542 = tpu.vector_load_idx %arg5[%parallel_loop3A_541] : memref<5664xf32, #tpu.memory_space<vmem>>[vector<16xi32>], vector<16xf32>,
        %parallel_loop3A_543 = arith.constant 16 : i32
        %parallel_loop3A_544 = arith.muli %parallel_loop3A_18, %parallel_loop3A_543 : i32
        %parallel_loop3A_545 = arith.constant 2 : i32
        %parallel_loop3A_546 = arith.constant 11 : i32
        %parallel_loop3A_547 = arith.index_cast %parallel_loop3A_545 : i32 to index
        %parallel_loop3A_548 = arith.index_cast %parallel_loop3A_546 : i32 to index
        %parallel_loop3A_549 = arith.index_cast %parallel_loop3A_544 : i32 to index
        %parallel_loop3A_550 = tpu.vector_load %arg7[%parallel_loop3A_547, %parallel_loop3A_548, %parallel_loop3A_549] {strides = array<i32>} : memref<3x16x1024xf32, #tpu.memory_space<vmem>>, vector<16xf32>,
        tpu.vector_store %arg7[%parallel_loop3A_547, %parallel_loop3A_548, %parallel_loop3A_549], %parallel_loop3A_542 {strides = array<i32>} : memref<3x16x1024xf32, #tpu.memory_space<vmem>>, vector<16xf32>,
        %parallel_loop3A_551 = arith.constant 5192 : i32
        %parallel_loop3A_552 = vector.broadcast %parallel_loop3A_551 : i32 to vector<16xi32>
        %parallel_loop3A_553 = arith.addi %parallel_loop3A_22, %parallel_loop3A_552 : vector<16xi32>
        %parallel_loop3A_554 = tpu.vector_load_idx %arg5[%parallel_loop3A_553] : memref<5664xf32, #tpu.memory_space<vmem>>[vector<16xi32>], vector<16xf32>,
        %parallel_loop3A_555 = arith.constant 16 : i32
        %parallel_loop3A_556 = arith.muli %parallel_loop3A_18, %parallel_loop3A_555 : i32
        %parallel_loop3A_557 = arith.constant 2 : i32
        %parallel_loop3A_558 = arith.constant 12 : i32
        %parallel_loop3A_559 = arith.index_cast %parallel_loop3A_557 : i32 to index
        %parallel_loop3A_560 = arith.index_cast %parallel_loop3A_558 : i32 to index
        %parallel_loop3A_561 = arith.index_cast %parallel_loop3A_556 : i32 to index
        %parallel_loop3A_562 = tpu.vector_load %arg7[%parallel_loop3A_559, %parallel_loop3A_560, %parallel_loop3A_561] {strides = array<i32>} : memref<3x16x1024xf32, #tpu.memory_space<vmem>>, vector<16xf32>,
        tpu.vector_store %arg7[%parallel_loop3A_559, %parallel_loop3A_560, %parallel_loop3A_561], %parallel_loop3A_554 {strides = array<i32>} : memref<3x16x1024xf32, #tpu.memory_space<vmem>>, vector<16xf32>,
        %parallel_loop3A_563 = arith.constant 5310 : i32
        %parallel_loop3A_564 = vector.broadcast %parallel_loop3A_563 : i32 to vector<16xi32>
        %parallel_loop3A_565 = arith.addi %parallel_loop3A_22, %parallel_loop3A_564 : vector<16xi32>
        %parallel_loop3A_566 = tpu.vector_load_idx %arg5[%parallel_loop3A_565] : memref<5664xf32, #tpu.memory_space<vmem>>[vector<16xi32>], vector<16xf32>,
        %parallel_loop3A_567 = arith.constant 16 : i32
        %parallel_loop3A_568 = arith.muli %parallel_loop3A_18, %parallel_loop3A_567 : i32
        %parallel_loop3A_569 = arith.constant 2 : i32
        %parallel_loop3A_570 = arith.constant 13 : i32
        %parallel_loop3A_571 = arith.index_cast %parallel_loop3A_569 : i32 to index
        %parallel_loop3A_572 = arith.index_cast %parallel_loop3A_570 : i32 to index
        %parallel_loop3A_573 = arith.index_cast %parallel_loop3A_568 : i32 to index
        %parallel_loop3A_574 = tpu.vector_load %arg7[%parallel_loop3A_571, %parallel_loop3A_572, %parallel_loop3A_573] {strides = array<i32>} : memref<3x16x1024xf32, #tpu.memory_space<vmem>>, vector<16xf32>,
        tpu.vector_store %arg7[%parallel_loop3A_571, %parallel_loop3A_572, %parallel_loop3A_573], %parallel_loop3A_566 {strides = array<i32>} : memref<3x16x1024xf32, #tpu.memory_space<vmem>>, vector<16xf32>,
        %parallel_loop3A_575 = arith.constant 5428 : i32
        %parallel_loop3A_576 = vector.broadcast %parallel_loop3A_575 : i32 to vector<16xi32>
        %parallel_loop3A_577 = arith.addi %parallel_loop3A_22, %parallel_loop3A_576 : vector<16xi32>
        %parallel_loop3A_578 = tpu.vector_load_idx %arg5[%parallel_loop3A_577] : memref<5664xf32, #tpu.memory_space<vmem>>[vector<16xi32>], vector<16xf32>,
        %parallel_loop3A_579 = arith.constant 16 : i32
        %parallel_loop3A_580 = arith.muli %parallel_loop3A_18, %parallel_loop3A_579 : i32
        %parallel_loop3A_581 = arith.constant 2 : i32
        %parallel_loop3A_582 = arith.constant 14 : i32
        %parallel_loop3A_583 = arith.index_cast %parallel_loop3A_581 : i32 to index
        %parallel_loop3A_584 = arith.index_cast %parallel_loop3A_582 : i32 to index
        %parallel_loop3A_585 = arith.index_cast %parallel_loop3A_580 : i32 to index
        %parallel_loop3A_586 = tpu.vector_load %arg7[%parallel_loop3A_583, %parallel_loop3A_584, %parallel_loop3A_585] {strides = array<i32>} : memref<3x16x1024xf32, #tpu.memory_space<vmem>>, vector<16xf32>,
        tpu.vector_store %arg7[%parallel_loop3A_583, %parallel_loop3A_584, %parallel_loop3A_585], %parallel_loop3A_578 {strides = array<i32>} : memref<3x16x1024xf32, #tpu.memory_space<vmem>>, vector<16xf32>,
        %parallel_loop3A_587 = arith.constant 5546 : i32
        %parallel_loop3A_588 = vector.broadcast %parallel_loop3A_587 : i32 to vector<16xi32>
        %parallel_loop3A_589 = arith.addi %parallel_loop3A_22, %parallel_loop3A_588 : vector<16xi32>
        %parallel_loop3A_590 = tpu.vector_load_idx %arg5[%parallel_loop3A_589] : memref<5664xf32, #tpu.memory_space<vmem>>[vector<16xi32>], vector<16xf32>,
        %parallel_loop3A_591 = arith.constant 16 : i32
        %parallel_loop3A_592 = arith.muli %parallel_loop3A_18, %parallel_loop3A_591 : i32
        %parallel_loop3A_593 = arith.constant 2 : i32
        %parallel_loop3A_594 = arith.constant 15 : i32
        %parallel_loop3A_595 = arith.index_cast %parallel_loop3A_593 : i32 to index
        %parallel_loop3A_596 = arith.index_cast %parallel_loop3A_594 : i32 to index
        %parallel_loop3A_597 = arith.index_cast %parallel_loop3A_592 : i32 to index
        %parallel_loop3A_598 = tpu.vector_load %arg7[%parallel_loop3A_595, %parallel_loop3A_596, %parallel_loop3A_597] {strides = array<i32>} : memref<3x16x1024xf32, #tpu.memory_space<vmem>>, vector<16xf32>,
        tpu.vector_store %arg7[%parallel_loop3A_595, %parallel_loop3A_596, %parallel_loop3A_597], %parallel_loop3A_590 {strides = array<i32>} : memref<3x16x1024xf32, #tpu.memory_space<vmem>>, vector<16xf32>,
      } {sc.loop_unroll_factor = 2 : i64, sc.parallel_access}
      "tpu.region"() ({
        %run_scoped3A = tpu.sem_alloc : memref<!tpu.dma_semaphore, #tpu.memory_space<semaphore_mem>>
        %dma_start3A = arith.constant 0 : i32
        %dma_start3A_18 = arith.constant 0 : i32
        %dma_start3A_19 = arith.constant 0 : i32
        %dma_start3A_20 = tpu.memref_slice %arg7[%dma_start3A, %dma_start3A_18, %dma_start3A_19] : memref<3x16x1024xf32, #tpu.memory_space<vmem>> -> memref<3x16x1024xf32, #tpu.memory_space<vmem>>
        %dma_start3A_21 = arith.constant 0 : i32
        %dma_start3A_22 = arith.constant 0 : i32
        %dma_start3A_23 = tpu.memref_slice %arg4[%dma_start3A_21, %dma_start3A_22, %add3A_15] : memref<3x16x2000000xf32, #tpu.memory_space<hbm>> -> memref<3x16x1024xf32, #tpu.memory_space<hbm>>
        %dma_start3A_24 = arith.constant 0 : i32
        %dma_start3A_25 = arith.constant 0 : i32
        %dma_start3A_26 = tpu.memref_slice %arg4[%dma_start3A_24, %dma_start3A_25, %add3A_15] : memref<3x16x2000000xf32, #tpu.memory_space<hbm>> -> memref<3x16x1024xf32, #tpu.memory_space<hbm>>
        %dma_start3A_27 = arith.constant 0 : i32
        %dma_start3A_28 = arith.constant 0 : i32
        %dma_start3A_29 = arith.constant 0 : i32
        %dma_start3A_30 = tpu.memref_slice %arg7[%dma_start3A_27, %dma_start3A_28, %dma_start3A_29] : memref<3x16x1024xf32, #tpu.memory_space<vmem>> -> memref<3x16x1024xf32, #tpu.memory_space<vmem>>
        tpu.enqueue_dma source(%dma_start3A_30 : memref<3x16x1024xf32, #tpu.memory_space<vmem>>) target(%dma_start3A_26 : memref<3x16x1024xf32, #tpu.memory_space<hbm>>) target_semaphore(%run_scoped3A : memref<!tpu.dma_semaphore, #tpu.memory_space<semaphore_mem>>)
        %dma_wait3A = arith.constant 0 : i32
        %dma_wait3A_31 = arith.constant 0 : i32
        %dma_wait3A_32 = arith.constant 0 : i32
        %dma_wait3A_33 = tpu.memref_slice %arg7[%dma_wait3A, %dma_wait3A_31, %dma_wait3A_32] : memref<3x16x1024xf32, #tpu.memory_space<vmem>> -> memref<3x16x1024xf32, #tpu.memory_space<vmem>>
        %dma_wait3A_34 = arith.constant 0 : i32
        %dma_wait3A_35 = arith.constant 0 : i32
        %dma_wait3A_36 = tpu.memref_slice %arg4[%dma_wait3A_34, %dma_wait3A_35, %add3A_15] : memref<3x16x2000000xf32, #tpu.memory_space<hbm>> -> memref<3x16x1024xf32, #tpu.memory_space<hbm>>
        %dma_wait3A_37 = arith.constant 0 : i32
        %dma_wait3A_38 = arith.constant 0 : i32
        %dma_wait3A_39 = tpu.memref_slice %arg4[%dma_wait3A_37, %dma_wait3A_38, %add3A_15] : memref<3x16x2000000xf32, #tpu.memory_space<hbm>> -> memref<3x16x1024xf32, #tpu.memory_space<hbm>>
        %dma_wait3A_40 = arith.constant 0 : i32
        %dma_wait3A_41 = arith.constant 0 : i32
        %dma_wait3A_42 = arith.constant 0 : i32
        %dma_wait3A_43 = tpu.memref_slice %arg7[%dma_wait3A_40, %dma_wait3A_41, %dma_wait3A_42] : memref<3x16x1024xf32, #tpu.memory_space<vmem>> -> memref<3x16x1024xf32, #tpu.memory_space<vmem>>
        tpu.wait_dma2 semaphore(%run_scoped3A : memref<!tpu.dma_semaphore, #tpu.memory_space<semaphore_mem>>) src(%dma_wait3A_43 : memref<3x16x1024xf32, #tpu.memory_space<vmem>>) dst(%dma_wait3A_39 : memref<3x16x1024xf32, #tpu.memory_space<hbm>>)
        tpu.yield
      }) : () -> ()
    }
    %scan3A_9 = arith.constant 61 : i32
    %eq3A = arith.constant 31 : i32
    %eq3A_10 = arith.cmpi eq, %add3A, %eq3A : i32
    %convert_element_type3A = arith.extui %eq3A_10 : i1 to i32
    %cond3A = arith.constant 0 : i32
    %cond3A_11 = arith.cmpi ne, %convert_element_type3A, %cond3A : i32
    scf.if %cond3A_11 {
      "tpu.region"() ({
        %run_scoped3A = tpu.sem_alloc : memref<!tpu.dma_semaphore, #tpu.memory_space<semaphore_mem>>
        %dma_start3A = arith.constant 0 : i32
        %dma_start3A_17 = tpu.memref_slice %arg6[%dma_start3A] : memref<1024xi32, #tpu.memory_space<vmem>> -> memref<1024xi32, #tpu.memory_space<vmem>>
        %dma_start3A_18 = arith.constant 1998848 : i32
        %dma_start3A_19 = tpu.memref_slice %arg2[%dma_start3A_18] : memref<2000000xi32, #tpu.memory_space<hbm>> -> memref<1024xi32, #tpu.memory_space<hbm>>
        %dma_start3A_20 = arith.constant 0 : i32
        %dma_start3A_21 = tpu.memref_slice %arg6[%dma_start3A_20] : memref<1024xi32, #tpu.memory_space<vmem>> -> memref<1024xi32, #tpu.memory_space<vmem>>
        %dma_start3A_22 = arith.constant 1998848 : i32
        %dma_start3A_23 = tpu.memref_slice %arg2[%dma_start3A_22] : memref<2000000xi32, #tpu.memory_space<hbm>> -> memref<1024xi32, #tpu.memory_space<hbm>>
        tpu.enqueue_dma source(%dma_start3A_23 : memref<1024xi32, #tpu.memory_space<hbm>>) target(%dma_start3A_21 : memref<1024xi32, #tpu.memory_space<vmem>>) target_semaphore(%run_scoped3A : memref<!tpu.dma_semaphore, #tpu.memory_space<semaphore_mem>>)
        %dma_wait3A = arith.constant 0 : i32
        %dma_wait3A_24 = tpu.memref_slice %arg6[%dma_wait3A] : memref<1024xi32, #tpu.memory_space<vmem>> -> memref<1024xi32, #tpu.memory_space<vmem>>
        %dma_wait3A_25 = arith.constant 1998848 : i32
        %dma_wait3A_26 = tpu.memref_slice %arg2[%dma_wait3A_25] : memref<2000000xi32, #tpu.memory_space<hbm>> -> memref<1024xi32, #tpu.memory_space<hbm>>
        %dma_wait3A_27 = arith.constant 0 : i32
        %dma_wait3A_28 = tpu.memref_slice %arg6[%dma_wait3A_27] : memref<1024xi32, #tpu.memory_space<vmem>> -> memref<1024xi32, #tpu.memory_space<vmem>>
        %dma_wait3A_29 = arith.constant 1998848 : i32
        %dma_wait3A_30 = tpu.memref_slice %arg2[%dma_wait3A_29] : memref<2000000xi32, #tpu.memory_space<hbm>> -> memref<1024xi32, #tpu.memory_space<hbm>>
        tpu.wait_dma2 semaphore(%run_scoped3A : memref<!tpu.dma_semaphore, #tpu.memory_space<semaphore_mem>>) src(%dma_wait3A_30 : memref<1024xi32, #tpu.memory_space<hbm>>) dst(%dma_wait3A_28 : memref<1024xi32, #tpu.memory_space<vmem>>)
        tpu.yield
      }) : () -> ()
      %parallel_loop3A = arith.constant 0 : i32
      %parallel_loop3A_12 = arith.constant 64 : i32
      %parallel_loop3A_13 = arith.constant 1 : i32
      scf.for %parallel_loop3A_17 = %parallel_loop3A to %parallel_loop3A_12 step %parallel_loop3A_13  : i32 {
        %parallel_loop3A_18 = arith.constant 16 : i32
        %parallel_loop3A_19 = arith.muli %parallel_loop3A_17, %parallel_loop3A_18 : i32
        %parallel_loop3A_20 = arith.index_cast %parallel_loop3A_19 : i32 to index
        %parallel_loop3A_21 = tpu.vector_load %arg6[%parallel_loop3A_20] {strides = array<i32>} : memref<1024xi32, #tpu.memory_space<vmem>>, vector<16xi32>,
        %parallel_loop3A_22 = arith.constant 0 : i32
        %parallel_loop3A_23 = vector.broadcast %parallel_loop3A_22 : i32 to vector<16xi32>
        %parallel_loop3A_24 = arith.addi %parallel_loop3A_21, %parallel_loop3A_23 : vector<16xi32>
        %parallel_loop3A_25 = tpu.vector_load_idx %arg5[%parallel_loop3A_24] : memref<5664xf32, #tpu.memory_space<vmem>>[vector<16xi32>], vector<16xf32>,
        %parallel_loop3A_26 = arith.constant 16 : i32
        %parallel_loop3A_27 = arith.muli %parallel_loop3A_17, %parallel_loop3A_26 : i32
        %parallel_loop3A_28 = arith.constant 0 : i32
        %parallel_loop3A_29 = arith.constant 0 : i32
        %parallel_loop3A_30 = arith.index_cast %parallel_loop3A_28 : i32 to index
        %parallel_loop3A_31 = arith.index_cast %parallel_loop3A_29 : i32 to index
        %parallel_loop3A_32 = arith.index_cast %parallel_loop3A_27 : i32 to index
        %parallel_loop3A_33 = tpu.vector_load %arg7[%parallel_loop3A_30, %parallel_loop3A_31, %parallel_loop3A_32] {strides = array<i32>} : memref<3x16x1024xf32, #tpu.memory_space<vmem>>, vector<16xf32>,
        tpu.vector_store %arg7[%parallel_loop3A_30, %parallel_loop3A_31, %parallel_loop3A_32], %parallel_loop3A_25 {strides = array<i32>} : memref<3x16x1024xf32, #tpu.memory_space<vmem>>, vector<16xf32>,
        %parallel_loop3A_34 = arith.constant 118 : i32
        %parallel_loop3A_35 = vector.broadcast %parallel_loop3A_34 : i32 to vector<16xi32>
        %parallel_loop3A_36 = arith.addi %parallel_loop3A_21, %parallel_loop3A_35 : vector<16xi32>
        %parallel_loop3A_37 = tpu.vector_load_idx %arg5[%parallel_loop3A_36] : memref<5664xf32, #tpu.memory_space<vmem>>[vector<16xi32>], vector<16xf32>,
        %parallel_loop3A_38 = arith.constant 16 : i32
        %parallel_loop3A_39 = arith.muli %parallel_loop3A_17, %parallel_loop3A_38 : i32
        %parallel_loop3A_40 = arith.constant 0 : i32
        %parallel_loop3A_41 = arith.constant 1 : i32
        %parallel_loop3A_42 = arith.index_cast %parallel_loop3A_40 : i32 to index
        %parallel_loop3A_43 = arith.index_cast %parallel_loop3A_41 : i32 to index
        %parallel_loop3A_44 = arith.index_cast %parallel_loop3A_39 : i32 to index
        %parallel_loop3A_45 = tpu.vector_load %arg7[%parallel_loop3A_42, %parallel_loop3A_43, %parallel_loop3A_44] {strides = array<i32>} : memref<3x16x1024xf32, #tpu.memory_space<vmem>>, vector<16xf32>,
        tpu.vector_store %arg7[%parallel_loop3A_42, %parallel_loop3A_43, %parallel_loop3A_44], %parallel_loop3A_37 {strides = array<i32>} : memref<3x16x1024xf32, #tpu.memory_space<vmem>>, vector<16xf32>,
        %parallel_loop3A_46 = arith.constant 236 : i32
        %parallel_loop3A_47 = vector.broadcast %parallel_loop3A_46 : i32 to vector<16xi32>
        %parallel_loop3A_48 = arith.addi %parallel_loop3A_21, %parallel_loop3A_47 : vector<16xi32>
        %parallel_loop3A_49 = tpu.vector_load_idx %arg5[%parallel_loop3A_48] : memref<5664xf32, #tpu.memory_space<vmem>>[vector<16xi32>], vector<16xf32>,
        %parallel_loop3A_50 = arith.constant 16 : i32
        %parallel_loop3A_51 = arith.muli %parallel_loop3A_17, %parallel_loop3A_50 : i32
        %parallel_loop3A_52 = arith.constant 0 : i32
        %parallel_loop3A_53 = arith.constant 2 : i32
        %parallel_loop3A_54 = arith.index_cast %parallel_loop3A_52 : i32 to index
        %parallel_loop3A_55 = arith.index_cast %parallel_loop3A_53 : i32 to index
        %parallel_loop3A_56 = arith.index_cast %parallel_loop3A_51 : i32 to index
        %parallel_loop3A_57 = tpu.vector_load %arg7[%parallel_loop3A_54, %parallel_loop3A_55, %parallel_loop3A_56] {strides = array<i32>} : memref<3x16x1024xf32, #tpu.memory_space<vmem>>, vector<16xf32>,
        tpu.vector_store %arg7[%parallel_loop3A_54, %parallel_loop3A_55, %parallel_loop3A_56], %parallel_loop3A_49 {strides = array<i32>} : memref<3x16x1024xf32, #tpu.memory_space<vmem>>, vector<16xf32>,
        %parallel_loop3A_58 = arith.constant 354 : i32
        %parallel_loop3A_59 = vector.broadcast %parallel_loop3A_58 : i32 to vector<16xi32>
        %parallel_loop3A_60 = arith.addi %parallel_loop3A_21, %parallel_loop3A_59 : vector<16xi32>
        %parallel_loop3A_61 = tpu.vector_load_idx %arg5[%parallel_loop3A_60] : memref<5664xf32, #tpu.memory_space<vmem>>[vector<16xi32>], vector<16xf32>,
        %parallel_loop3A_62 = arith.constant 16 : i32
        %parallel_loop3A_63 = arith.muli %parallel_loop3A_17, %parallel_loop3A_62 : i32
        %parallel_loop3A_64 = arith.constant 0 : i32
        %parallel_loop3A_65 = arith.constant 3 : i32
        %parallel_loop3A_66 = arith.index_cast %parallel_loop3A_64 : i32 to index
        %parallel_loop3A_67 = arith.index_cast %parallel_loop3A_65 : i32 to index
        %parallel_loop3A_68 = arith.index_cast %parallel_loop3A_63 : i32 to index
        %parallel_loop3A_69 = tpu.vector_load %arg7[%parallel_loop3A_66, %parallel_loop3A_67, %parallel_loop3A_68] {strides = array<i32>} : memref<3x16x1024xf32, #tpu.memory_space<vmem>>, vector<16xf32>,
        tpu.vector_store %arg7[%parallel_loop3A_66, %parallel_loop3A_67, %parallel_loop3A_68], %parallel_loop3A_61 {strides = array<i32>} : memref<3x16x1024xf32, #tpu.memory_space<vmem>>, vector<16xf32>,
        %parallel_loop3A_70 = arith.constant 472 : i32
        %parallel_loop3A_71 = vector.broadcast %parallel_loop3A_70 : i32 to vector<16xi32>
        %parallel_loop3A_72 = arith.addi %parallel_loop3A_21, %parallel_loop3A_71 : vector<16xi32>
        %parallel_loop3A_73 = tpu.vector_load_idx %arg5[%parallel_loop3A_72] : memref<5664xf32, #tpu.memory_space<vmem>>[vector<16xi32>], vector<16xf32>,
        %parallel_loop3A_74 = arith.constant 16 : i32
        %parallel_loop3A_75 = arith.muli %parallel_loop3A_17, %parallel_loop3A_74 : i32
        %parallel_loop3A_76 = arith.constant 0 : i32
        %parallel_loop3A_77 = arith.constant 4 : i32
        %parallel_loop3A_78 = arith.index_cast %parallel_loop3A_76 : i32 to index
        %parallel_loop3A_79 = arith.index_cast %parallel_loop3A_77 : i32 to index
        %parallel_loop3A_80 = arith.index_cast %parallel_loop3A_75 : i32 to index
        %parallel_loop3A_81 = tpu.vector_load %arg7[%parallel_loop3A_78, %parallel_loop3A_79, %parallel_loop3A_80] {strides = array<i32>} : memref<3x16x1024xf32, #tpu.memory_space<vmem>>, vector<16xf32>,
        tpu.vector_store %arg7[%parallel_loop3A_78, %parallel_loop3A_79, %parallel_loop3A_80], %parallel_loop3A_73 {strides = array<i32>} : memref<3x16x1024xf32, #tpu.memory_space<vmem>>, vector<16xf32>,
        %parallel_loop3A_82 = arith.constant 590 : i32
        %parallel_loop3A_83 = vector.broadcast %parallel_loop3A_82 : i32 to vector<16xi32>
        %parallel_loop3A_84 = arith.addi %parallel_loop3A_21, %parallel_loop3A_83 : vector<16xi32>
        %parallel_loop3A_85 = tpu.vector_load_idx %arg5[%parallel_loop3A_84] : memref<5664xf32, #tpu.memory_space<vmem>>[vector<16xi32>], vector<16xf32>,
        %parallel_loop3A_86 = arith.constant 16 : i32
        %parallel_loop3A_87 = arith.muli %parallel_loop3A_17, %parallel_loop3A_86 : i32
        %parallel_loop3A_88 = arith.constant 0 : i32
        %parallel_loop3A_89 = arith.constant 5 : i32
        %parallel_loop3A_90 = arith.index_cast %parallel_loop3A_88 : i32 to index
        %parallel_loop3A_91 = arith.index_cast %parallel_loop3A_89 : i32 to index
        %parallel_loop3A_92 = arith.index_cast %parallel_loop3A_87 : i32 to index
        %parallel_loop3A_93 = tpu.vector_load %arg7[%parallel_loop3A_90, %parallel_loop3A_91, %parallel_loop3A_92] {strides = array<i32>} : memref<3x16x1024xf32, #tpu.memory_space<vmem>>, vector<16xf32>,
        tpu.vector_store %arg7[%parallel_loop3A_90, %parallel_loop3A_91, %parallel_loop3A_92], %parallel_loop3A_85 {strides = array<i32>} : memref<3x16x1024xf32, #tpu.memory_space<vmem>>, vector<16xf32>,
        %parallel_loop3A_94 = arith.constant 708 : i32
        %parallel_loop3A_95 = vector.broadcast %parallel_loop3A_94 : i32 to vector<16xi32>
        %parallel_loop3A_96 = arith.addi %parallel_loop3A_21, %parallel_loop3A_95 : vector<16xi32>
        %parallel_loop3A_97 = tpu.vector_load_idx %arg5[%parallel_loop3A_96] : memref<5664xf32, #tpu.memory_space<vmem>>[vector<16xi32>], vector<16xf32>,
        %parallel_loop3A_98 = arith.constant 16 : i32
        %parallel_loop3A_99 = arith.muli %parallel_loop3A_17, %parallel_loop3A_98 : i32
        %parallel_loop3A_100 = arith.constant 0 : i32
        %parallel_loop3A_101 = arith.constant 6 : i32
        %parallel_loop3A_102 = arith.index_cast %parallel_loop3A_100 : i32 to index
        %parallel_loop3A_103 = arith.index_cast %parallel_loop3A_101 : i32 to index
        %parallel_loop3A_104 = arith.index_cast %parallel_loop3A_99 : i32 to index
        %parallel_loop3A_105 = tpu.vector_load %arg7[%parallel_loop3A_102, %parallel_loop3A_103, %parallel_loop3A_104] {strides = array<i32>} : memref<3x16x1024xf32, #tpu.memory_space<vmem>>, vector<16xf32>,
        tpu.vector_store %arg7[%parallel_loop3A_102, %parallel_loop3A_103, %parallel_loop3A_104], %parallel_loop3A_97 {strides = array<i32>} : memref<3x16x1024xf32, #tpu.memory_space<vmem>>, vector<16xf32>,
        %parallel_loop3A_106 = arith.constant 826 : i32
        %parallel_loop3A_107 = vector.broadcast %parallel_loop3A_106 : i32 to vector<16xi32>
        %parallel_loop3A_108 = arith.addi %parallel_loop3A_21, %parallel_loop3A_107 : vector<16xi32>
        %parallel_loop3A_109 = tpu.vector_load_idx %arg5[%parallel_loop3A_108] : memref<5664xf32, #tpu.memory_space<vmem>>[vector<16xi32>], vector<16xf32>,
        %parallel_loop3A_110 = arith.constant 16 : i32
        %parallel_loop3A_111 = arith.muli %parallel_loop3A_17, %parallel_loop3A_110 : i32
        %parallel_loop3A_112 = arith.constant 0 : i32
        %parallel_loop3A_113 = arith.constant 7 : i32
        %parallel_loop3A_114 = arith.index_cast %parallel_loop3A_112 : i32 to index
        %parallel_loop3A_115 = arith.index_cast %parallel_loop3A_113 : i32 to index
        %parallel_loop3A_116 = arith.index_cast %parallel_loop3A_111 : i32 to index
        %parallel_loop3A_117 = tpu.vector_load %arg7[%parallel_loop3A_114, %parallel_loop3A_115, %parallel_loop3A_116] {strides = array<i32>} : memref<3x16x1024xf32, #tpu.memory_space<vmem>>, vector<16xf32>,
        tpu.vector_store %arg7[%parallel_loop3A_114, %parallel_loop3A_115, %parallel_loop3A_116], %parallel_loop3A_109 {strides = array<i32>} : memref<3x16x1024xf32, #tpu.memory_space<vmem>>, vector<16xf32>,
        %parallel_loop3A_118 = arith.constant 944 : i32
        %parallel_loop3A_119 = vector.broadcast %parallel_loop3A_118 : i32 to vector<16xi32>
        %parallel_loop3A_120 = arith.addi %parallel_loop3A_21, %parallel_loop3A_119 : vector<16xi32>
        %parallel_loop3A_121 = tpu.vector_load_idx %arg5[%parallel_loop3A_120] : memref<5664xf32, #tpu.memory_space<vmem>>[vector<16xi32>], vector<16xf32>,
        %parallel_loop3A_122 = arith.constant 16 : i32
        %parallel_loop3A_123 = arith.muli %parallel_loop3A_17, %parallel_loop3A_122 : i32
        %parallel_loop3A_124 = arith.constant 0 : i32
        %parallel_loop3A_125 = arith.constant 8 : i32
        %parallel_loop3A_126 = arith.index_cast %parallel_loop3A_124 : i32 to index
        %parallel_loop3A_127 = arith.index_cast %parallel_loop3A_125 : i32 to index
        %parallel_loop3A_128 = arith.index_cast %parallel_loop3A_123 : i32 to index
        %parallel_loop3A_129 = tpu.vector_load %arg7[%parallel_loop3A_126, %parallel_loop3A_127, %parallel_loop3A_128] {strides = array<i32>} : memref<3x16x1024xf32, #tpu.memory_space<vmem>>, vector<16xf32>,
        tpu.vector_store %arg7[%parallel_loop3A_126, %parallel_loop3A_127, %parallel_loop3A_128], %parallel_loop3A_121 {strides = array<i32>} : memref<3x16x1024xf32, #tpu.memory_space<vmem>>, vector<16xf32>,
        %parallel_loop3A_130 = arith.constant 1062 : i32
        %parallel_loop3A_131 = vector.broadcast %parallel_loop3A_130 : i32 to vector<16xi32>
        %parallel_loop3A_132 = arith.addi %parallel_loop3A_21, %parallel_loop3A_131 : vector<16xi32>
        %parallel_loop3A_133 = tpu.vector_load_idx %arg5[%parallel_loop3A_132] : memref<5664xf32, #tpu.memory_space<vmem>>[vector<16xi32>], vector<16xf32>,
        %parallel_loop3A_134 = arith.constant 16 : i32
        %parallel_loop3A_135 = arith.muli %parallel_loop3A_17, %parallel_loop3A_134 : i32
        %parallel_loop3A_136 = arith.constant 0 : i32
        %parallel_loop3A_137 = arith.constant 9 : i32
        %parallel_loop3A_138 = arith.index_cast %parallel_loop3A_136 : i32 to index
        %parallel_loop3A_139 = arith.index_cast %parallel_loop3A_137 : i32 to index
        %parallel_loop3A_140 = arith.index_cast %parallel_loop3A_135 : i32 to index
        %parallel_loop3A_141 = tpu.vector_load %arg7[%parallel_loop3A_138, %parallel_loop3A_139, %parallel_loop3A_140] {strides = array<i32>} : memref<3x16x1024xf32, #tpu.memory_space<vmem>>, vector<16xf32>,
        tpu.vector_store %arg7[%parallel_loop3A_138, %parallel_loop3A_139, %parallel_loop3A_140], %parallel_loop3A_133 {strides = array<i32>} : memref<3x16x1024xf32, #tpu.memory_space<vmem>>, vector<16xf32>,
        %parallel_loop3A_142 = arith.constant 1180 : i32
        %parallel_loop3A_143 = vector.broadcast %parallel_loop3A_142 : i32 to vector<16xi32>
        %parallel_loop3A_144 = arith.addi %parallel_loop3A_21, %parallel_loop3A_143 : vector<16xi32>
        %parallel_loop3A_145 = tpu.vector_load_idx %arg5[%parallel_loop3A_144] : memref<5664xf32, #tpu.memory_space<vmem>>[vector<16xi32>], vector<16xf32>,
        %parallel_loop3A_146 = arith.constant 16 : i32
        %parallel_loop3A_147 = arith.muli %parallel_loop3A_17, %parallel_loop3A_146 : i32
        %parallel_loop3A_148 = arith.constant 0 : i32
        %parallel_loop3A_149 = arith.constant 10 : i32
        %parallel_loop3A_150 = arith.index_cast %parallel_loop3A_148 : i32 to index
        %parallel_loop3A_151 = arith.index_cast %parallel_loop3A_149 : i32 to index
        %parallel_loop3A_152 = arith.index_cast %parallel_loop3A_147 : i32 to index
        %parallel_loop3A_153 = tpu.vector_load %arg7[%parallel_loop3A_150, %parallel_loop3A_151, %parallel_loop3A_152] {strides = array<i32>} : memref<3x16x1024xf32, #tpu.memory_space<vmem>>, vector<16xf32>,
        tpu.vector_store %arg7[%parallel_loop3A_150, %parallel_loop3A_151, %parallel_loop3A_152], %parallel_loop3A_145 {strides = array<i32>} : memref<3x16x1024xf32, #tpu.memory_space<vmem>>, vector<16xf32>,
        %parallel_loop3A_154 = arith.constant 1298 : i32
        %parallel_loop3A_155 = vector.broadcast %parallel_loop3A_154 : i32 to vector<16xi32>
        %parallel_loop3A_156 = arith.addi %parallel_loop3A_21, %parallel_loop3A_155 : vector<16xi32>
        %parallel_loop3A_157 = tpu.vector_load_idx %arg5[%parallel_loop3A_156] : memref<5664xf32, #tpu.memory_space<vmem>>[vector<16xi32>], vector<16xf32>,
        %parallel_loop3A_158 = arith.constant 16 : i32
        %parallel_loop3A_159 = arith.muli %parallel_loop3A_17, %parallel_loop3A_158 : i32
        %parallel_loop3A_160 = arith.constant 0 : i32
        %parallel_loop3A_161 = arith.constant 11 : i32
        %parallel_loop3A_162 = arith.index_cast %parallel_loop3A_160 : i32 to index
        %parallel_loop3A_163 = arith.index_cast %parallel_loop3A_161 : i32 to index
        %parallel_loop3A_164 = arith.index_cast %parallel_loop3A_159 : i32 to index
        %parallel_loop3A_165 = tpu.vector_load %arg7[%parallel_loop3A_162, %parallel_loop3A_163, %parallel_loop3A_164] {strides = array<i32>} : memref<3x16x1024xf32, #tpu.memory_space<vmem>>, vector<16xf32>,
        tpu.vector_store %arg7[%parallel_loop3A_162, %parallel_loop3A_163, %parallel_loop3A_164], %parallel_loop3A_157 {strides = array<i32>} : memref<3x16x1024xf32, #tpu.memory_space<vmem>>, vector<16xf32>,
        %parallel_loop3A_166 = arith.constant 1416 : i32
        %parallel_loop3A_167 = vector.broadcast %parallel_loop3A_166 : i32 to vector<16xi32>
        %parallel_loop3A_168 = arith.addi %parallel_loop3A_21, %parallel_loop3A_167 : vector<16xi32>
        %parallel_loop3A_169 = tpu.vector_load_idx %arg5[%parallel_loop3A_168] : memref<5664xf32, #tpu.memory_space<vmem>>[vector<16xi32>], vector<16xf32>,
        %parallel_loop3A_170 = arith.constant 16 : i32
        %parallel_loop3A_171 = arith.muli %parallel_loop3A_17, %parallel_loop3A_170 : i32
        %parallel_loop3A_172 = arith.constant 0 : i32
        %parallel_loop3A_173 = arith.constant 12 : i32
        %parallel_loop3A_174 = arith.index_cast %parallel_loop3A_172 : i32 to index
        %parallel_loop3A_175 = arith.index_cast %parallel_loop3A_173 : i32 to index
        %parallel_loop3A_176 = arith.index_cast %parallel_loop3A_171 : i32 to index
        %parallel_loop3A_177 = tpu.vector_load %arg7[%parallel_loop3A_174, %parallel_loop3A_175, %parallel_loop3A_176] {strides = array<i32>} : memref<3x16x1024xf32, #tpu.memory_space<vmem>>, vector<16xf32>,
        tpu.vector_store %arg7[%parallel_loop3A_174, %parallel_loop3A_175, %parallel_loop3A_176], %parallel_loop3A_169 {strides = array<i32>} : memref<3x16x1024xf32, #tpu.memory_space<vmem>>, vector<16xf32>,
        %parallel_loop3A_178 = arith.constant 1534 : i32
        %parallel_loop3A_179 = vector.broadcast %parallel_loop3A_178 : i32 to vector<16xi32>
        %parallel_loop3A_180 = arith.addi %parallel_loop3A_21, %parallel_loop3A_179 : vector<16xi32>
        %parallel_loop3A_181 = tpu.vector_load_idx %arg5[%parallel_loop3A_180] : memref<5664xf32, #tpu.memory_space<vmem>>[vector<16xi32>], vector<16xf32>,
        %parallel_loop3A_182 = arith.constant 16 : i32
        %parallel_loop3A_183 = arith.muli %parallel_loop3A_17, %parallel_loop3A_182 : i32
        %parallel_loop3A_184 = arith.constant 0 : i32
        %parallel_loop3A_185 = arith.constant 13 : i32
        %parallel_loop3A_186 = arith.index_cast %parallel_loop3A_184 : i32 to index
        %parallel_loop3A_187 = arith.index_cast %parallel_loop3A_185 : i32 to index
        %parallel_loop3A_188 = arith.index_cast %parallel_loop3A_183 : i32 to index
        %parallel_loop3A_189 = tpu.vector_load %arg7[%parallel_loop3A_186, %parallel_loop3A_187, %parallel_loop3A_188] {strides = array<i32>} : memref<3x16x1024xf32, #tpu.memory_space<vmem>>, vector<16xf32>,
        tpu.vector_store %arg7[%parallel_loop3A_186, %parallel_loop3A_187, %parallel_loop3A_188], %parallel_loop3A_181 {strides = array<i32>} : memref<3x16x1024xf32, #tpu.memory_space<vmem>>, vector<16xf32>,
        %parallel_loop3A_190 = arith.constant 1652 : i32
        %parallel_loop3A_191 = vector.broadcast %parallel_loop3A_190 : i32 to vector<16xi32>
        %parallel_loop3A_192 = arith.addi %parallel_loop3A_21, %parallel_loop3A_191 : vector<16xi32>
        %parallel_loop3A_193 = tpu.vector_load_idx %arg5[%parallel_loop3A_192] : memref<5664xf32, #tpu.memory_space<vmem>>[vector<16xi32>], vector<16xf32>,
        %parallel_loop3A_194 = arith.constant 16 : i32
        %parallel_loop3A_195 = arith.muli %parallel_loop3A_17, %parallel_loop3A_194 : i32
        %parallel_loop3A_196 = arith.constant 0 : i32
        %parallel_loop3A_197 = arith.constant 14 : i32
        %parallel_loop3A_198 = arith.index_cast %parallel_loop3A_196 : i32 to index
        %parallel_loop3A_199 = arith.index_cast %parallel_loop3A_197 : i32 to index
        %parallel_loop3A_200 = arith.index_cast %parallel_loop3A_195 : i32 to index
        %parallel_loop3A_201 = tpu.vector_load %arg7[%parallel_loop3A_198, %parallel_loop3A_199, %parallel_loop3A_200] {strides = array<i32>} : memref<3x16x1024xf32, #tpu.memory_space<vmem>>, vector<16xf32>,
        tpu.vector_store %arg7[%parallel_loop3A_198, %parallel_loop3A_199, %parallel_loop3A_200], %parallel_loop3A_193 {strides = array<i32>} : memref<3x16x1024xf32, #tpu.memory_space<vmem>>, vector<16xf32>,
        %parallel_loop3A_202 = arith.constant 1770 : i32
        %parallel_loop3A_203 = vector.broadcast %parallel_loop3A_202 : i32 to vector<16xi32>
        %parallel_loop3A_204 = arith.addi %parallel_loop3A_21, %parallel_loop3A_203 : vector<16xi32>
        %parallel_loop3A_205 = tpu.vector_load_idx %arg5[%parallel_loop3A_204] : memref<5664xf32, #tpu.memory_space<vmem>>[vector<16xi32>], vector<16xf32>,
        %parallel_loop3A_206 = arith.constant 16 : i32
        %parallel_loop3A_207 = arith.muli %parallel_loop3A_17, %parallel_loop3A_206 : i32
        %parallel_loop3A_208 = arith.constant 0 : i32
        %parallel_loop3A_209 = arith.constant 15 : i32
        %parallel_loop3A_210 = arith.index_cast %parallel_loop3A_208 : i32 to index
        %parallel_loop3A_211 = arith.index_cast %parallel_loop3A_209 : i32 to index
        %parallel_loop3A_212 = arith.index_cast %parallel_loop3A_207 : i32 to index
        %parallel_loop3A_213 = tpu.vector_load %arg7[%parallel_loop3A_210, %parallel_loop3A_211, %parallel_loop3A_212] {strides = array<i32>} : memref<3x16x1024xf32, #tpu.memory_space<vmem>>, vector<16xf32>,
        tpu.vector_store %arg7[%parallel_loop3A_210, %parallel_loop3A_211, %parallel_loop3A_212], %parallel_loop3A_205 {strides = array<i32>} : memref<3x16x1024xf32, #tpu.memory_space<vmem>>, vector<16xf32>,
        %parallel_loop3A_214 = arith.constant 1888 : i32
        %parallel_loop3A_215 = vector.broadcast %parallel_loop3A_214 : i32 to vector<16xi32>
        %parallel_loop3A_216 = arith.addi %parallel_loop3A_21, %parallel_loop3A_215 : vector<16xi32>
        %parallel_loop3A_217 = tpu.vector_load_idx %arg5[%parallel_loop3A_216] : memref<5664xf32, #tpu.memory_space<vmem>>[vector<16xi32>], vector<16xf32>,
        %parallel_loop3A_218 = arith.constant 16 : i32
        %parallel_loop3A_219 = arith.muli %parallel_loop3A_17, %parallel_loop3A_218 : i32
        %parallel_loop3A_220 = arith.constant 1 : i32
        %parallel_loop3A_221 = arith.constant 0 : i32
        %parallel_loop3A_222 = arith.index_cast %parallel_loop3A_220 : i32 to index
        %parallel_loop3A_223 = arith.index_cast %parallel_loop3A_221 : i32 to index
        %parallel_loop3A_224 = arith.index_cast %parallel_loop3A_219 : i32 to index
        %parallel_loop3A_225 = tpu.vector_load %arg7[%parallel_loop3A_222, %parallel_loop3A_223, %parallel_loop3A_224] {strides = array<i32>} : memref<3x16x1024xf32, #tpu.memory_space<vmem>>, vector<16xf32>,
        tpu.vector_store %arg7[%parallel_loop3A_222, %parallel_loop3A_223, %parallel_loop3A_224], %parallel_loop3A_217 {strides = array<i32>} : memref<3x16x1024xf32, #tpu.memory_space<vmem>>, vector<16xf32>,
        %parallel_loop3A_226 = arith.constant 2006 : i32
        %parallel_loop3A_227 = vector.broadcast %parallel_loop3A_226 : i32 to vector<16xi32>
        %parallel_loop3A_228 = arith.addi %parallel_loop3A_21, %parallel_loop3A_227 : vector<16xi32>
        %parallel_loop3A_229 = tpu.vector_load_idx %arg5[%parallel_loop3A_228] : memref<5664xf32, #tpu.memory_space<vmem>>[vector<16xi32>], vector<16xf32>,
        %parallel_loop3A_230 = arith.constant 16 : i32
        %parallel_loop3A_231 = arith.muli %parallel_loop3A_17, %parallel_loop3A_230 : i32
        %parallel_loop3A_232 = arith.constant 1 : i32
        %parallel_loop3A_233 = arith.constant 1 : i32
        %parallel_loop3A_234 = arith.index_cast %parallel_loop3A_232 : i32 to index
        %parallel_loop3A_235 = arith.index_cast %parallel_loop3A_233 : i32 to index
        %parallel_loop3A_236 = arith.index_cast %parallel_loop3A_231 : i32 to index
        %parallel_loop3A_237 = tpu.vector_load %arg7[%parallel_loop3A_234, %parallel_loop3A_235, %parallel_loop3A_236] {strides = array<i32>} : memref<3x16x1024xf32, #tpu.memory_space<vmem>>, vector<16xf32>,
        tpu.vector_store %arg7[%parallel_loop3A_234, %parallel_loop3A_235, %parallel_loop3A_236], %parallel_loop3A_229 {strides = array<i32>} : memref<3x16x1024xf32, #tpu.memory_space<vmem>>, vector<16xf32>,
        %parallel_loop3A_238 = arith.constant 2124 : i32
        %parallel_loop3A_239 = vector.broadcast %parallel_loop3A_238 : i32 to vector<16xi32>
        %parallel_loop3A_240 = arith.addi %parallel_loop3A_21, %parallel_loop3A_239 : vector<16xi32>
        %parallel_loop3A_241 = tpu.vector_load_idx %arg5[%parallel_loop3A_240] : memref<5664xf32, #tpu.memory_space<vmem>>[vector<16xi32>], vector<16xf32>,
        %parallel_loop3A_242 = arith.constant 16 : i32
        %parallel_loop3A_243 = arith.muli %parallel_loop3A_17, %parallel_loop3A_242 : i32
        %parallel_loop3A_244 = arith.constant 1 : i32
        %parallel_loop3A_245 = arith.constant 2 : i32
        %parallel_loop3A_246 = arith.index_cast %parallel_loop3A_244 : i32 to index
        %parallel_loop3A_247 = arith.index_cast %parallel_loop3A_245 : i32 to index
        %parallel_loop3A_248 = arith.index_cast %parallel_loop3A_243 : i32 to index
        %parallel_loop3A_249 = tpu.vector_load %arg7[%parallel_loop3A_246, %parallel_loop3A_247, %parallel_loop3A_248] {strides = array<i32>} : memref<3x16x1024xf32, #tpu.memory_space<vmem>>, vector<16xf32>,
        tpu.vector_store %arg7[%parallel_loop3A_246, %parallel_loop3A_247, %parallel_loop3A_248], %parallel_loop3A_241 {strides = array<i32>} : memref<3x16x1024xf32, #tpu.memory_space<vmem>>, vector<16xf32>,
        %parallel_loop3A_250 = arith.constant 2242 : i32
        %parallel_loop3A_251 = vector.broadcast %parallel_loop3A_250 : i32 to vector<16xi32>
        %parallel_loop3A_252 = arith.addi %parallel_loop3A_21, %parallel_loop3A_251 : vector<16xi32>
        %parallel_loop3A_253 = tpu.vector_load_idx %arg5[%parallel_loop3A_252] : memref<5664xf32, #tpu.memory_space<vmem>>[vector<16xi32>], vector<16xf32>,
        %parallel_loop3A_254 = arith.constant 16 : i32
        %parallel_loop3A_255 = arith.muli %parallel_loop3A_17, %parallel_loop3A_254 : i32
        %parallel_loop3A_256 = arith.constant 1 : i32
        %parallel_loop3A_257 = arith.constant 3 : i32
        %parallel_loop3A_258 = arith.index_cast %parallel_loop3A_256 : i32 to index
        %parallel_loop3A_259 = arith.index_cast %parallel_loop3A_257 : i32 to index
        %parallel_loop3A_260 = arith.index_cast %parallel_loop3A_255 : i32 to index
        %parallel_loop3A_261 = tpu.vector_load %arg7[%parallel_loop3A_258, %parallel_loop3A_259, %parallel_loop3A_260] {strides = array<i32>} : memref<3x16x1024xf32, #tpu.memory_space<vmem>>, vector<16xf32>,
        tpu.vector_store %arg7[%parallel_loop3A_258, %parallel_loop3A_259, %parallel_loop3A_260], %parallel_loop3A_253 {strides = array<i32>} : memref<3x16x1024xf32, #tpu.memory_space<vmem>>, vector<16xf32>,
        %parallel_loop3A_262 = arith.constant 2360 : i32
        %parallel_loop3A_263 = vector.broadcast %parallel_loop3A_262 : i32 to vector<16xi32>
        %parallel_loop3A_264 = arith.addi %parallel_loop3A_21, %parallel_loop3A_263 : vector<16xi32>
        %parallel_loop3A_265 = tpu.vector_load_idx %arg5[%parallel_loop3A_264] : memref<5664xf32, #tpu.memory_space<vmem>>[vector<16xi32>], vector<16xf32>,
        %parallel_loop3A_266 = arith.constant 16 : i32
        %parallel_loop3A_267 = arith.muli %parallel_loop3A_17, %parallel_loop3A_266 : i32
        %parallel_loop3A_268 = arith.constant 1 : i32
        %parallel_loop3A_269 = arith.constant 4 : i32
        %parallel_loop3A_270 = arith.index_cast %parallel_loop3A_268 : i32 to index
        %parallel_loop3A_271 = arith.index_cast %parallel_loop3A_269 : i32 to index
        %parallel_loop3A_272 = arith.index_cast %parallel_loop3A_267 : i32 to index
        %parallel_loop3A_273 = tpu.vector_load %arg7[%parallel_loop3A_270, %parallel_loop3A_271, %parallel_loop3A_272] {strides = array<i32>} : memref<3x16x1024xf32, #tpu.memory_space<vmem>>, vector<16xf32>,
        tpu.vector_store %arg7[%parallel_loop3A_270, %parallel_loop3A_271, %parallel_loop3A_272], %parallel_loop3A_265 {strides = array<i32>} : memref<3x16x1024xf32, #tpu.memory_space<vmem>>, vector<16xf32>,
        %parallel_loop3A_274 = arith.constant 2478 : i32
        %parallel_loop3A_275 = vector.broadcast %parallel_loop3A_274 : i32 to vector<16xi32>
        %parallel_loop3A_276 = arith.addi %parallel_loop3A_21, %parallel_loop3A_275 : vector<16xi32>
        %parallel_loop3A_277 = tpu.vector_load_idx %arg5[%parallel_loop3A_276] : memref<5664xf32, #tpu.memory_space<vmem>>[vector<16xi32>], vector<16xf32>,
        %parallel_loop3A_278 = arith.constant 16 : i32
        %parallel_loop3A_279 = arith.muli %parallel_loop3A_17, %parallel_loop3A_278 : i32
        %parallel_loop3A_280 = arith.constant 1 : i32
        %parallel_loop3A_281 = arith.constant 5 : i32
        %parallel_loop3A_282 = arith.index_cast %parallel_loop3A_280 : i32 to index
        %parallel_loop3A_283 = arith.index_cast %parallel_loop3A_281 : i32 to index
        %parallel_loop3A_284 = arith.index_cast %parallel_loop3A_279 : i32 to index
        %parallel_loop3A_285 = tpu.vector_load %arg7[%parallel_loop3A_282, %parallel_loop3A_283, %parallel_loop3A_284] {strides = array<i32>} : memref<3x16x1024xf32, #tpu.memory_space<vmem>>, vector<16xf32>,
        tpu.vector_store %arg7[%parallel_loop3A_282, %parallel_loop3A_283, %parallel_loop3A_284], %parallel_loop3A_277 {strides = array<i32>} : memref<3x16x1024xf32, #tpu.memory_space<vmem>>, vector<16xf32>,
        %parallel_loop3A_286 = arith.constant 2596 : i32
        %parallel_loop3A_287 = vector.broadcast %parallel_loop3A_286 : i32 to vector<16xi32>
        %parallel_loop3A_288 = arith.addi %parallel_loop3A_21, %parallel_loop3A_287 : vector<16xi32>
        %parallel_loop3A_289 = tpu.vector_load_idx %arg5[%parallel_loop3A_288] : memref<5664xf32, #tpu.memory_space<vmem>>[vector<16xi32>], vector<16xf32>,
        %parallel_loop3A_290 = arith.constant 16 : i32
        %parallel_loop3A_291 = arith.muli %parallel_loop3A_17, %parallel_loop3A_290 : i32
        %parallel_loop3A_292 = arith.constant 1 : i32
        %parallel_loop3A_293 = arith.constant 6 : i32
        %parallel_loop3A_294 = arith.index_cast %parallel_loop3A_292 : i32 to index
        %parallel_loop3A_295 = arith.index_cast %parallel_loop3A_293 : i32 to index
        %parallel_loop3A_296 = arith.index_cast %parallel_loop3A_291 : i32 to index
        %parallel_loop3A_297 = tpu.vector_load %arg7[%parallel_loop3A_294, %parallel_loop3A_295, %parallel_loop3A_296] {strides = array<i32>} : memref<3x16x1024xf32, #tpu.memory_space<vmem>>, vector<16xf32>,
        tpu.vector_store %arg7[%parallel_loop3A_294, %parallel_loop3A_295, %parallel_loop3A_296], %parallel_loop3A_289 {strides = array<i32>} : memref<3x16x1024xf32, #tpu.memory_space<vmem>>, vector<16xf32>,
        %parallel_loop3A_298 = arith.constant 2714 : i32
        %parallel_loop3A_299 = vector.broadcast %parallel_loop3A_298 : i32 to vector<16xi32>
        %parallel_loop3A_300 = arith.addi %parallel_loop3A_21, %parallel_loop3A_299 : vector<16xi32>
        %parallel_loop3A_301 = tpu.vector_load_idx %arg5[%parallel_loop3A_300] : memref<5664xf32, #tpu.memory_space<vmem>>[vector<16xi32>], vector<16xf32>,
        %parallel_loop3A_302 = arith.constant 16 : i32
        %parallel_loop3A_303 = arith.muli %parallel_loop3A_17, %parallel_loop3A_302 : i32
        %parallel_loop3A_304 = arith.constant 1 : i32
        %parallel_loop3A_305 = arith.constant 7 : i32
        %parallel_loop3A_306 = arith.index_cast %parallel_loop3A_304 : i32 to index
        %parallel_loop3A_307 = arith.index_cast %parallel_loop3A_305 : i32 to index
        %parallel_loop3A_308 = arith.index_cast %parallel_loop3A_303 : i32 to index
        %parallel_loop3A_309 = tpu.vector_load %arg7[%parallel_loop3A_306, %parallel_loop3A_307, %parallel_loop3A_308] {strides = array<i32>} : memref<3x16x1024xf32, #tpu.memory_space<vmem>>, vector<16xf32>,
        tpu.vector_store %arg7[%parallel_loop3A_306, %parallel_loop3A_307, %parallel_loop3A_308], %parallel_loop3A_301 {strides = array<i32>} : memref<3x16x1024xf32, #tpu.memory_space<vmem>>, vector<16xf32>,
        %parallel_loop3A_310 = arith.constant 2832 : i32
        %parallel_loop3A_311 = vector.broadcast %parallel_loop3A_310 : i32 to vector<16xi32>
        %parallel_loop3A_312 = arith.addi %parallel_loop3A_21, %parallel_loop3A_311 : vector<16xi32>
        %parallel_loop3A_313 = tpu.vector_load_idx %arg5[%parallel_loop3A_312] : memref<5664xf32, #tpu.memory_space<vmem>>[vector<16xi32>], vector<16xf32>,
        %parallel_loop3A_314 = arith.constant 16 : i32
        %parallel_loop3A_315 = arith.muli %parallel_loop3A_17, %parallel_loop3A_314 : i32
        %parallel_loop3A_316 = arith.constant 1 : i32
        %parallel_loop3A_317 = arith.constant 8 : i32
        %parallel_loop3A_318 = arith.index_cast %parallel_loop3A_316 : i32 to index
        %parallel_loop3A_319 = arith.index_cast %parallel_loop3A_317 : i32 to index
        %parallel_loop3A_320 = arith.index_cast %parallel_loop3A_315 : i32 to index
        %parallel_loop3A_321 = tpu.vector_load %arg7[%parallel_loop3A_318, %parallel_loop3A_319, %parallel_loop3A_320] {strides = array<i32>} : memref<3x16x1024xf32, #tpu.memory_space<vmem>>, vector<16xf32>,
        tpu.vector_store %arg7[%parallel_loop3A_318, %parallel_loop3A_319, %parallel_loop3A_320], %parallel_loop3A_313 {strides = array<i32>} : memref<3x16x1024xf32, #tpu.memory_space<vmem>>, vector<16xf32>,
        %parallel_loop3A_322 = arith.constant 2950 : i32
        %parallel_loop3A_323 = vector.broadcast %parallel_loop3A_322 : i32 to vector<16xi32>
        %parallel_loop3A_324 = arith.addi %parallel_loop3A_21, %parallel_loop3A_323 : vector<16xi32>
        %parallel_loop3A_325 = tpu.vector_load_idx %arg5[%parallel_loop3A_324] : memref<5664xf32, #tpu.memory_space<vmem>>[vector<16xi32>], vector<16xf32>,
        %parallel_loop3A_326 = arith.constant 16 : i32
        %parallel_loop3A_327 = arith.muli %parallel_loop3A_17, %parallel_loop3A_326 : i32
        %parallel_loop3A_328 = arith.constant 1 : i32
        %parallel_loop3A_329 = arith.constant 9 : i32
        %parallel_loop3A_330 = arith.index_cast %parallel_loop3A_328 : i32 to index
        %parallel_loop3A_331 = arith.index_cast %parallel_loop3A_329 : i32 to index
        %parallel_loop3A_332 = arith.index_cast %parallel_loop3A_327 : i32 to index
        %parallel_loop3A_333 = tpu.vector_load %arg7[%parallel_loop3A_330, %parallel_loop3A_331, %parallel_loop3A_332] {strides = array<i32>} : memref<3x16x1024xf32, #tpu.memory_space<vmem>>, vector<16xf32>,
        tpu.vector_store %arg7[%parallel_loop3A_330, %parallel_loop3A_331, %parallel_loop3A_332], %parallel_loop3A_325 {strides = array<i32>} : memref<3x16x1024xf32, #tpu.memory_space<vmem>>, vector<16xf32>,
        %parallel_loop3A_334 = arith.constant 3068 : i32
        %parallel_loop3A_335 = vector.broadcast %parallel_loop3A_334 : i32 to vector<16xi32>
        %parallel_loop3A_336 = arith.addi %parallel_loop3A_21, %parallel_loop3A_335 : vector<16xi32>
        %parallel_loop3A_337 = tpu.vector_load_idx %arg5[%parallel_loop3A_336] : memref<5664xf32, #tpu.memory_space<vmem>>[vector<16xi32>], vector<16xf32>,
        %parallel_loop3A_338 = arith.constant 16 : i32
        %parallel_loop3A_339 = arith.muli %parallel_loop3A_17, %parallel_loop3A_338 : i32
        %parallel_loop3A_340 = arith.constant 1 : i32
        %parallel_loop3A_341 = arith.constant 10 : i32
        %parallel_loop3A_342 = arith.index_cast %parallel_loop3A_340 : i32 to index
        %parallel_loop3A_343 = arith.index_cast %parallel_loop3A_341 : i32 to index
        %parallel_loop3A_344 = arith.index_cast %parallel_loop3A_339 : i32 to index
        %parallel_loop3A_345 = tpu.vector_load %arg7[%parallel_loop3A_342, %parallel_loop3A_343, %parallel_loop3A_344] {strides = array<i32>} : memref<3x16x1024xf32, #tpu.memory_space<vmem>>, vector<16xf32>,
        tpu.vector_store %arg7[%parallel_loop3A_342, %parallel_loop3A_343, %parallel_loop3A_344], %parallel_loop3A_337 {strides = array<i32>} : memref<3x16x1024xf32, #tpu.memory_space<vmem>>, vector<16xf32>,
        %parallel_loop3A_346 = arith.constant 3186 : i32
        %parallel_loop3A_347 = vector.broadcast %parallel_loop3A_346 : i32 to vector<16xi32>
        %parallel_loop3A_348 = arith.addi %parallel_loop3A_21, %parallel_loop3A_347 : vector<16xi32>
        %parallel_loop3A_349 = tpu.vector_load_idx %arg5[%parallel_loop3A_348] : memref<5664xf32, #tpu.memory_space<vmem>>[vector<16xi32>], vector<16xf32>,
        %parallel_loop3A_350 = arith.constant 16 : i32
        %parallel_loop3A_351 = arith.muli %parallel_loop3A_17, %parallel_loop3A_350 : i32
        %parallel_loop3A_352 = arith.constant 1 : i32
        %parallel_loop3A_353 = arith.constant 11 : i32
        %parallel_loop3A_354 = arith.index_cast %parallel_loop3A_352 : i32 to index
        %parallel_loop3A_355 = arith.index_cast %parallel_loop3A_353 : i32 to index
        %parallel_loop3A_356 = arith.index_cast %parallel_loop3A_351 : i32 to index
        %parallel_loop3A_357 = tpu.vector_load %arg7[%parallel_loop3A_354, %parallel_loop3A_355, %parallel_loop3A_356] {strides = array<i32>} : memref<3x16x1024xf32, #tpu.memory_space<vmem>>, vector<16xf32>,
        tpu.vector_store %arg7[%parallel_loop3A_354, %parallel_loop3A_355, %parallel_loop3A_356], %parallel_loop3A_349 {strides = array<i32>} : memref<3x16x1024xf32, #tpu.memory_space<vmem>>, vector<16xf32>,
        %parallel_loop3A_358 = arith.constant 3304 : i32
        %parallel_loop3A_359 = vector.broadcast %parallel_loop3A_358 : i32 to vector<16xi32>
        %parallel_loop3A_360 = arith.addi %parallel_loop3A_21, %parallel_loop3A_359 : vector<16xi32>
        %parallel_loop3A_361 = tpu.vector_load_idx %arg5[%parallel_loop3A_360] : memref<5664xf32, #tpu.memory_space<vmem>>[vector<16xi32>], vector<16xf32>,
        %parallel_loop3A_362 = arith.constant 16 : i32
        %parallel_loop3A_363 = arith.muli %parallel_loop3A_17, %parallel_loop3A_362 : i32
        %parallel_loop3A_364 = arith.constant 1 : i32
        %parallel_loop3A_365 = arith.constant 12 : i32
        %parallel_loop3A_366 = arith.index_cast %parallel_loop3A_364 : i32 to index
        %parallel_loop3A_367 = arith.index_cast %parallel_loop3A_365 : i32 to index
        %parallel_loop3A_368 = arith.index_cast %parallel_loop3A_363 : i32 to index
        %parallel_loop3A_369 = tpu.vector_load %arg7[%parallel_loop3A_366, %parallel_loop3A_367, %parallel_loop3A_368] {strides = array<i32>} : memref<3x16x1024xf32, #tpu.memory_space<vmem>>, vector<16xf32>,
        tpu.vector_store %arg7[%parallel_loop3A_366, %parallel_loop3A_367, %parallel_loop3A_368], %parallel_loop3A_361 {strides = array<i32>} : memref<3x16x1024xf32, #tpu.memory_space<vmem>>, vector<16xf32>,
        %parallel_loop3A_370 = arith.constant 3422 : i32
        %parallel_loop3A_371 = vector.broadcast %parallel_loop3A_370 : i32 to vector<16xi32>
        %parallel_loop3A_372 = arith.addi %parallel_loop3A_21, %parallel_loop3A_371 : vector<16xi32>
        %parallel_loop3A_373 = tpu.vector_load_idx %arg5[%parallel_loop3A_372] : memref<5664xf32, #tpu.memory_space<vmem>>[vector<16xi32>], vector<16xf32>,
        %parallel_loop3A_374 = arith.constant 16 : i32
        %parallel_loop3A_375 = arith.muli %parallel_loop3A_17, %parallel_loop3A_374 : i32
        %parallel_loop3A_376 = arith.constant 1 : i32
        %parallel_loop3A_377 = arith.constant 13 : i32
        %parallel_loop3A_378 = arith.index_cast %parallel_loop3A_376 : i32 to index
        %parallel_loop3A_379 = arith.index_cast %parallel_loop3A_377 : i32 to index
        %parallel_loop3A_380 = arith.index_cast %parallel_loop3A_375 : i32 to index
        %parallel_loop3A_381 = tpu.vector_load %arg7[%parallel_loop3A_378, %parallel_loop3A_379, %parallel_loop3A_380] {strides = array<i32>} : memref<3x16x1024xf32, #tpu.memory_space<vmem>>, vector<16xf32>,
        tpu.vector_store %arg7[%parallel_loop3A_378, %parallel_loop3A_379, %parallel_loop3A_380], %parallel_loop3A_373 {strides = array<i32>} : memref<3x16x1024xf32, #tpu.memory_space<vmem>>, vector<16xf32>,
        %parallel_loop3A_382 = arith.constant 3540 : i32
        %parallel_loop3A_383 = vector.broadcast %parallel_loop3A_382 : i32 to vector<16xi32>
        %parallel_loop3A_384 = arith.addi %parallel_loop3A_21, %parallel_loop3A_383 : vector<16xi32>
        %parallel_loop3A_385 = tpu.vector_load_idx %arg5[%parallel_loop3A_384] : memref<5664xf32, #tpu.memory_space<vmem>>[vector<16xi32>], vector<16xf32>,
        %parallel_loop3A_386 = arith.constant 16 : i32
        %parallel_loop3A_387 = arith.muli %parallel_loop3A_17, %parallel_loop3A_386 : i32
        %parallel_loop3A_388 = arith.constant 1 : i32
        %parallel_loop3A_389 = arith.constant 14 : i32
        %parallel_loop3A_390 = arith.index_cast %parallel_loop3A_388 : i32 to index
        %parallel_loop3A_391 = arith.index_cast %parallel_loop3A_389 : i32 to index
        %parallel_loop3A_392 = arith.index_cast %parallel_loop3A_387 : i32 to index
        %parallel_loop3A_393 = tpu.vector_load %arg7[%parallel_loop3A_390, %parallel_loop3A_391, %parallel_loop3A_392] {strides = array<i32>} : memref<3x16x1024xf32, #tpu.memory_space<vmem>>, vector<16xf32>,
        tpu.vector_store %arg7[%parallel_loop3A_390, %parallel_loop3A_391, %parallel_loop3A_392], %parallel_loop3A_385 {strides = array<i32>} : memref<3x16x1024xf32, #tpu.memory_space<vmem>>, vector<16xf32>,
        %parallel_loop3A_394 = arith.constant 3658 : i32
        %parallel_loop3A_395 = vector.broadcast %parallel_loop3A_394 : i32 to vector<16xi32>
        %parallel_loop3A_396 = arith.addi %parallel_loop3A_21, %parallel_loop3A_395 : vector<16xi32>
        %parallel_loop3A_397 = tpu.vector_load_idx %arg5[%parallel_loop3A_396] : memref<5664xf32, #tpu.memory_space<vmem>>[vector<16xi32>], vector<16xf32>,
        %parallel_loop3A_398 = arith.constant 16 : i32
        %parallel_loop3A_399 = arith.muli %parallel_loop3A_17, %parallel_loop3A_398 : i32
        %parallel_loop3A_400 = arith.constant 1 : i32
        %parallel_loop3A_401 = arith.constant 15 : i32
        %parallel_loop3A_402 = arith.index_cast %parallel_loop3A_400 : i32 to index
        %parallel_loop3A_403 = arith.index_cast %parallel_loop3A_401 : i32 to index
        %parallel_loop3A_404 = arith.index_cast %parallel_loop3A_399 : i32 to index
        %parallel_loop3A_405 = tpu.vector_load %arg7[%parallel_loop3A_402, %parallel_loop3A_403, %parallel_loop3A_404] {strides = array<i32>} : memref<3x16x1024xf32, #tpu.memory_space<vmem>>, vector<16xf32>,
        tpu.vector_store %arg7[%parallel_loop3A_402, %parallel_loop3A_403, %parallel_loop3A_404], %parallel_loop3A_397 {strides = array<i32>} : memref<3x16x1024xf32, #tpu.memory_space<vmem>>, vector<16xf32>,
        %parallel_loop3A_406 = arith.constant 3776 : i32
        %parallel_loop3A_407 = vector.broadcast %parallel_loop3A_406 : i32 to vector<16xi32>
        %parallel_loop3A_408 = arith.addi %parallel_loop3A_21, %parallel_loop3A_407 : vector<16xi32>
        %parallel_loop3A_409 = tpu.vector_load_idx %arg5[%parallel_loop3A_408] : memref<5664xf32, #tpu.memory_space<vmem>>[vector<16xi32>], vector<16xf32>,
        %parallel_loop3A_410 = arith.constant 16 : i32
        %parallel_loop3A_411 = arith.muli %parallel_loop3A_17, %parallel_loop3A_410 : i32
        %parallel_loop3A_412 = arith.constant 2 : i32
        %parallel_loop3A_413 = arith.constant 0 : i32
        %parallel_loop3A_414 = arith.index_cast %parallel_loop3A_412 : i32 to index
        %parallel_loop3A_415 = arith.index_cast %parallel_loop3A_413 : i32 to index
        %parallel_loop3A_416 = arith.index_cast %parallel_loop3A_411 : i32 to index
        %parallel_loop3A_417 = tpu.vector_load %arg7[%parallel_loop3A_414, %parallel_loop3A_415, %parallel_loop3A_416] {strides = array<i32>} : memref<3x16x1024xf32, #tpu.memory_space<vmem>>, vector<16xf32>,
        tpu.vector_store %arg7[%parallel_loop3A_414, %parallel_loop3A_415, %parallel_loop3A_416], %parallel_loop3A_409 {strides = array<i32>} : memref<3x16x1024xf32, #tpu.memory_space<vmem>>, vector<16xf32>,
        %parallel_loop3A_418 = arith.constant 3894 : i32
        %parallel_loop3A_419 = vector.broadcast %parallel_loop3A_418 : i32 to vector<16xi32>
        %parallel_loop3A_420 = arith.addi %parallel_loop3A_21, %parallel_loop3A_419 : vector<16xi32>
        %parallel_loop3A_421 = tpu.vector_load_idx %arg5[%parallel_loop3A_420] : memref<5664xf32, #tpu.memory_space<vmem>>[vector<16xi32>], vector<16xf32>,
        %parallel_loop3A_422 = arith.constant 16 : i32
        %parallel_loop3A_423 = arith.muli %parallel_loop3A_17, %parallel_loop3A_422 : i32
        %parallel_loop3A_424 = arith.constant 2 : i32
        %parallel_loop3A_425 = arith.constant 1 : i32
        %parallel_loop3A_426 = arith.index_cast %parallel_loop3A_424 : i32 to index
        %parallel_loop3A_427 = arith.index_cast %parallel_loop3A_425 : i32 to index
        %parallel_loop3A_428 = arith.index_cast %parallel_loop3A_423 : i32 to index
        %parallel_loop3A_429 = tpu.vector_load %arg7[%parallel_loop3A_426, %parallel_loop3A_427, %parallel_loop3A_428] {strides = array<i32>} : memref<3x16x1024xf32, #tpu.memory_space<vmem>>, vector<16xf32>,
        tpu.vector_store %arg7[%parallel_loop3A_426, %parallel_loop3A_427, %parallel_loop3A_428], %parallel_loop3A_421 {strides = array<i32>} : memref<3x16x1024xf32, #tpu.memory_space<vmem>>, vector<16xf32>,
        %parallel_loop3A_430 = arith.constant 4012 : i32
        %parallel_loop3A_431 = vector.broadcast %parallel_loop3A_430 : i32 to vector<16xi32>
        %parallel_loop3A_432 = arith.addi %parallel_loop3A_21, %parallel_loop3A_431 : vector<16xi32>
        %parallel_loop3A_433 = tpu.vector_load_idx %arg5[%parallel_loop3A_432] : memref<5664xf32, #tpu.memory_space<vmem>>[vector<16xi32>], vector<16xf32>,
        %parallel_loop3A_434 = arith.constant 16 : i32
        %parallel_loop3A_435 = arith.muli %parallel_loop3A_17, %parallel_loop3A_434 : i32
        %parallel_loop3A_436 = arith.constant 2 : i32
        %parallel_loop3A_437 = arith.constant 2 : i32
        %parallel_loop3A_438 = arith.index_cast %parallel_loop3A_436 : i32 to index
        %parallel_loop3A_439 = arith.index_cast %parallel_loop3A_437 : i32 to index
        %parallel_loop3A_440 = arith.index_cast %parallel_loop3A_435 : i32 to index
        %parallel_loop3A_441 = tpu.vector_load %arg7[%parallel_loop3A_438, %parallel_loop3A_439, %parallel_loop3A_440] {strides = array<i32>} : memref<3x16x1024xf32, #tpu.memory_space<vmem>>, vector<16xf32>,
        tpu.vector_store %arg7[%parallel_loop3A_438, %parallel_loop3A_439, %parallel_loop3A_440], %parallel_loop3A_433 {strides = array<i32>} : memref<3x16x1024xf32, #tpu.memory_space<vmem>>, vector<16xf32>,
        %parallel_loop3A_442 = arith.constant 4130 : i32
        %parallel_loop3A_443 = vector.broadcast %parallel_loop3A_442 : i32 to vector<16xi32>
        %parallel_loop3A_444 = arith.addi %parallel_loop3A_21, %parallel_loop3A_443 : vector<16xi32>
        %parallel_loop3A_445 = tpu.vector_load_idx %arg5[%parallel_loop3A_444] : memref<5664xf32, #tpu.memory_space<vmem>>[vector<16xi32>], vector<16xf32>,
        %parallel_loop3A_446 = arith.constant 16 : i32
        %parallel_loop3A_447 = arith.muli %parallel_loop3A_17, %parallel_loop3A_446 : i32
        %parallel_loop3A_448 = arith.constant 2 : i32
        %parallel_loop3A_449 = arith.constant 3 : i32
        %parallel_loop3A_450 = arith.index_cast %parallel_loop3A_448 : i32 to index
        %parallel_loop3A_451 = arith.index_cast %parallel_loop3A_449 : i32 to index
        %parallel_loop3A_452 = arith.index_cast %parallel_loop3A_447 : i32 to index
        %parallel_loop3A_453 = tpu.vector_load %arg7[%parallel_loop3A_450, %parallel_loop3A_451, %parallel_loop3A_452] {strides = array<i32>} : memref<3x16x1024xf32, #tpu.memory_space<vmem>>, vector<16xf32>,
        tpu.vector_store %arg7[%parallel_loop3A_450, %parallel_loop3A_451, %parallel_loop3A_452], %parallel_loop3A_445 {strides = array<i32>} : memref<3x16x1024xf32, #tpu.memory_space<vmem>>, vector<16xf32>,
        %parallel_loop3A_454 = arith.constant 4248 : i32
        %parallel_loop3A_455 = vector.broadcast %parallel_loop3A_454 : i32 to vector<16xi32>
        %parallel_loop3A_456 = arith.addi %parallel_loop3A_21, %parallel_loop3A_455 : vector<16xi32>
        %parallel_loop3A_457 = tpu.vector_load_idx %arg5[%parallel_loop3A_456] : memref<5664xf32, #tpu.memory_space<vmem>>[vector<16xi32>], vector<16xf32>,
        %parallel_loop3A_458 = arith.constant 16 : i32
        %parallel_loop3A_459 = arith.muli %parallel_loop3A_17, %parallel_loop3A_458 : i32
        %parallel_loop3A_460 = arith.constant 2 : i32
        %parallel_loop3A_461 = arith.constant 4 : i32
        %parallel_loop3A_462 = arith.index_cast %parallel_loop3A_460 : i32 to index
        %parallel_loop3A_463 = arith.index_cast %parallel_loop3A_461 : i32 to index
        %parallel_loop3A_464 = arith.index_cast %parallel_loop3A_459 : i32 to index
        %parallel_loop3A_465 = tpu.vector_load %arg7[%parallel_loop3A_462, %parallel_loop3A_463, %parallel_loop3A_464] {strides = array<i32>} : memref<3x16x1024xf32, #tpu.memory_space<vmem>>, vector<16xf32>,
        tpu.vector_store %arg7[%parallel_loop3A_462, %parallel_loop3A_463, %parallel_loop3A_464], %parallel_loop3A_457 {strides = array<i32>} : memref<3x16x1024xf32, #tpu.memory_space<vmem>>, vector<16xf32>,
        %parallel_loop3A_466 = arith.constant 4366 : i32
        %parallel_loop3A_467 = vector.broadcast %parallel_loop3A_466 : i32 to vector<16xi32>
        %parallel_loop3A_468 = arith.addi %parallel_loop3A_21, %parallel_loop3A_467 : vector<16xi32>
        %parallel_loop3A_469 = tpu.vector_load_idx %arg5[%parallel_loop3A_468] : memref<5664xf32, #tpu.memory_space<vmem>>[vector<16xi32>], vector<16xf32>,
        %parallel_loop3A_470 = arith.constant 16 : i32
        %parallel_loop3A_471 = arith.muli %parallel_loop3A_17, %parallel_loop3A_470 : i32
        %parallel_loop3A_472 = arith.constant 2 : i32
        %parallel_loop3A_473 = arith.constant 5 : i32
        %parallel_loop3A_474 = arith.index_cast %parallel_loop3A_472 : i32 to index
        %parallel_loop3A_475 = arith.index_cast %parallel_loop3A_473 : i32 to index
        %parallel_loop3A_476 = arith.index_cast %parallel_loop3A_471 : i32 to index
        %parallel_loop3A_477 = tpu.vector_load %arg7[%parallel_loop3A_474, %parallel_loop3A_475, %parallel_loop3A_476] {strides = array<i32>} : memref<3x16x1024xf32, #tpu.memory_space<vmem>>, vector<16xf32>,
        tpu.vector_store %arg7[%parallel_loop3A_474, %parallel_loop3A_475, %parallel_loop3A_476], %parallel_loop3A_469 {strides = array<i32>} : memref<3x16x1024xf32, #tpu.memory_space<vmem>>, vector<16xf32>,
        %parallel_loop3A_478 = arith.constant 4484 : i32
        %parallel_loop3A_479 = vector.broadcast %parallel_loop3A_478 : i32 to vector<16xi32>
        %parallel_loop3A_480 = arith.addi %parallel_loop3A_21, %parallel_loop3A_479 : vector<16xi32>
        %parallel_loop3A_481 = tpu.vector_load_idx %arg5[%parallel_loop3A_480] : memref<5664xf32, #tpu.memory_space<vmem>>[vector<16xi32>], vector<16xf32>,
        %parallel_loop3A_482 = arith.constant 16 : i32
        %parallel_loop3A_483 = arith.muli %parallel_loop3A_17, %parallel_loop3A_482 : i32
        %parallel_loop3A_484 = arith.constant 2 : i32
        %parallel_loop3A_485 = arith.constant 6 : i32
        %parallel_loop3A_486 = arith.index_cast %parallel_loop3A_484 : i32 to index
        %parallel_loop3A_487 = arith.index_cast %parallel_loop3A_485 : i32 to index
        %parallel_loop3A_488 = arith.index_cast %parallel_loop3A_483 : i32 to index
        %parallel_loop3A_489 = tpu.vector_load %arg7[%parallel_loop3A_486, %parallel_loop3A_487, %parallel_loop3A_488] {strides = array<i32>} : memref<3x16x1024xf32, #tpu.memory_space<vmem>>, vector<16xf32>,
        tpu.vector_store %arg7[%parallel_loop3A_486, %parallel_loop3A_487, %parallel_loop3A_488], %parallel_loop3A_481 {strides = array<i32>} : memref<3x16x1024xf32, #tpu.memory_space<vmem>>, vector<16xf32>,
        %parallel_loop3A_490 = arith.constant 4602 : i32
        %parallel_loop3A_491 = vector.broadcast %parallel_loop3A_490 : i32 to vector<16xi32>
        %parallel_loop3A_492 = arith.addi %parallel_loop3A_21, %parallel_loop3A_491 : vector<16xi32>
        %parallel_loop3A_493 = tpu.vector_load_idx %arg5[%parallel_loop3A_492] : memref<5664xf32, #tpu.memory_space<vmem>>[vector<16xi32>], vector<16xf32>,
        %parallel_loop3A_494 = arith.constant 16 : i32
        %parallel_loop3A_495 = arith.muli %parallel_loop3A_17, %parallel_loop3A_494 : i32
        %parallel_loop3A_496 = arith.constant 2 : i32
        %parallel_loop3A_497 = arith.constant 7 : i32
        %parallel_loop3A_498 = arith.index_cast %parallel_loop3A_496 : i32 to index
        %parallel_loop3A_499 = arith.index_cast %parallel_loop3A_497 : i32 to index
        %parallel_loop3A_500 = arith.index_cast %parallel_loop3A_495 : i32 to index
        %parallel_loop3A_501 = tpu.vector_load %arg7[%parallel_loop3A_498, %parallel_loop3A_499, %parallel_loop3A_500] {strides = array<i32>} : memref<3x16x1024xf32, #tpu.memory_space<vmem>>, vector<16xf32>,
        tpu.vector_store %arg7[%parallel_loop3A_498, %parallel_loop3A_499, %parallel_loop3A_500], %parallel_loop3A_493 {strides = array<i32>} : memref<3x16x1024xf32, #tpu.memory_space<vmem>>, vector<16xf32>,
        %parallel_loop3A_502 = arith.constant 4720 : i32
        %parallel_loop3A_503 = vector.broadcast %parallel_loop3A_502 : i32 to vector<16xi32>
        %parallel_loop3A_504 = arith.addi %parallel_loop3A_21, %parallel_loop3A_503 : vector<16xi32>
        %parallel_loop3A_505 = tpu.vector_load_idx %arg5[%parallel_loop3A_504] : memref<5664xf32, #tpu.memory_space<vmem>>[vector<16xi32>], vector<16xf32>,
        %parallel_loop3A_506 = arith.constant 16 : i32
        %parallel_loop3A_507 = arith.muli %parallel_loop3A_17, %parallel_loop3A_506 : i32
        %parallel_loop3A_508 = arith.constant 2 : i32
        %parallel_loop3A_509 = arith.constant 8 : i32
        %parallel_loop3A_510 = arith.index_cast %parallel_loop3A_508 : i32 to index
        %parallel_loop3A_511 = arith.index_cast %parallel_loop3A_509 : i32 to index
        %parallel_loop3A_512 = arith.index_cast %parallel_loop3A_507 : i32 to index
        %parallel_loop3A_513 = tpu.vector_load %arg7[%parallel_loop3A_510, %parallel_loop3A_511, %parallel_loop3A_512] {strides = array<i32>} : memref<3x16x1024xf32, #tpu.memory_space<vmem>>, vector<16xf32>,
        tpu.vector_store %arg7[%parallel_loop3A_510, %parallel_loop3A_511, %parallel_loop3A_512], %parallel_loop3A_505 {strides = array<i32>} : memref<3x16x1024xf32, #tpu.memory_space<vmem>>, vector<16xf32>,
        %parallel_loop3A_514 = arith.constant 4838 : i32
        %parallel_loop3A_515 = vector.broadcast %parallel_loop3A_514 : i32 to vector<16xi32>
        %parallel_loop3A_516 = arith.addi %parallel_loop3A_21, %parallel_loop3A_515 : vector<16xi32>
        %parallel_loop3A_517 = tpu.vector_load_idx %arg5[%parallel_loop3A_516] : memref<5664xf32, #tpu.memory_space<vmem>>[vector<16xi32>], vector<16xf32>,
        %parallel_loop3A_518 = arith.constant 16 : i32
        %parallel_loop3A_519 = arith.muli %parallel_loop3A_17, %parallel_loop3A_518 : i32
        %parallel_loop3A_520 = arith.constant 2 : i32
        %parallel_loop3A_521 = arith.constant 9 : i32
        %parallel_loop3A_522 = arith.index_cast %parallel_loop3A_520 : i32 to index
        %parallel_loop3A_523 = arith.index_cast %parallel_loop3A_521 : i32 to index
        %parallel_loop3A_524 = arith.index_cast %parallel_loop3A_519 : i32 to index
        %parallel_loop3A_525 = tpu.vector_load %arg7[%parallel_loop3A_522, %parallel_loop3A_523, %parallel_loop3A_524] {strides = array<i32>} : memref<3x16x1024xf32, #tpu.memory_space<vmem>>, vector<16xf32>,
        tpu.vector_store %arg7[%parallel_loop3A_522, %parallel_loop3A_523, %parallel_loop3A_524], %parallel_loop3A_517 {strides = array<i32>} : memref<3x16x1024xf32, #tpu.memory_space<vmem>>, vector<16xf32>,
        %parallel_loop3A_526 = arith.constant 4956 : i32
        %parallel_loop3A_527 = vector.broadcast %parallel_loop3A_526 : i32 to vector<16xi32>
        %parallel_loop3A_528 = arith.addi %parallel_loop3A_21, %parallel_loop3A_527 : vector<16xi32>
        %parallel_loop3A_529 = tpu.vector_load_idx %arg5[%parallel_loop3A_528] : memref<5664xf32, #tpu.memory_space<vmem>>[vector<16xi32>], vector<16xf32>,
        %parallel_loop3A_530 = arith.constant 16 : i32
        %parallel_loop3A_531 = arith.muli %parallel_loop3A_17, %parallel_loop3A_530 : i32
        %parallel_loop3A_532 = arith.constant 2 : i32
        %parallel_loop3A_533 = arith.constant 10 : i32
        %parallel_loop3A_534 = arith.index_cast %parallel_loop3A_532 : i32 to index
        %parallel_loop3A_535 = arith.index_cast %parallel_loop3A_533 : i32 to index
        %parallel_loop3A_536 = arith.index_cast %parallel_loop3A_531 : i32 to index
        %parallel_loop3A_537 = tpu.vector_load %arg7[%parallel_loop3A_534, %parallel_loop3A_535, %parallel_loop3A_536] {strides = array<i32>} : memref<3x16x1024xf32, #tpu.memory_space<vmem>>, vector<16xf32>,
        tpu.vector_store %arg7[%parallel_loop3A_534, %parallel_loop3A_535, %parallel_loop3A_536], %parallel_loop3A_529 {strides = array<i32>} : memref<3x16x1024xf32, #tpu.memory_space<vmem>>, vector<16xf32>,
        %parallel_loop3A_538 = arith.constant 5074 : i32
        %parallel_loop3A_539 = vector.broadcast %parallel_loop3A_538 : i32 to vector<16xi32>
        %parallel_loop3A_540 = arith.addi %parallel_loop3A_21, %parallel_loop3A_539 : vector<16xi32>
        %parallel_loop3A_541 = tpu.vector_load_idx %arg5[%parallel_loop3A_540] : memref<5664xf32, #tpu.memory_space<vmem>>[vector<16xi32>], vector<16xf32>,
        %parallel_loop3A_542 = arith.constant 16 : i32
        %parallel_loop3A_543 = arith.muli %parallel_loop3A_17, %parallel_loop3A_542 : i32
        %parallel_loop3A_544 = arith.constant 2 : i32
        %parallel_loop3A_545 = arith.constant 11 : i32
        %parallel_loop3A_546 = arith.index_cast %parallel_loop3A_544 : i32 to index
        %parallel_loop3A_547 = arith.index_cast %parallel_loop3A_545 : i32 to index
        %parallel_loop3A_548 = arith.index_cast %parallel_loop3A_543 : i32 to index
        %parallel_loop3A_549 = tpu.vector_load %arg7[%parallel_loop3A_546, %parallel_loop3A_547, %parallel_loop3A_548] {strides = array<i32>} : memref<3x16x1024xf32, #tpu.memory_space<vmem>>, vector<16xf32>,
        tpu.vector_store %arg7[%parallel_loop3A_546, %parallel_loop3A_547, %parallel_loop3A_548], %parallel_loop3A_541 {strides = array<i32>} : memref<3x16x1024xf32, #tpu.memory_space<vmem>>, vector<16xf32>,
        %parallel_loop3A_550 = arith.constant 5192 : i32
        %parallel_loop3A_551 = vector.broadcast %parallel_loop3A_550 : i32 to vector<16xi32>
        %parallel_loop3A_552 = arith.addi %parallel_loop3A_21, %parallel_loop3A_551 : vector<16xi32>
        %parallel_loop3A_553 = tpu.vector_load_idx %arg5[%parallel_loop3A_552] : memref<5664xf32, #tpu.memory_space<vmem>>[vector<16xi32>], vector<16xf32>,
        %parallel_loop3A_554 = arith.constant 16 : i32
        %parallel_loop3A_555 = arith.muli %parallel_loop3A_17, %parallel_loop3A_554 : i32
        %parallel_loop3A_556 = arith.constant 2 : i32
        %parallel_loop3A_557 = arith.constant 12 : i32
        %parallel_loop3A_558 = arith.index_cast %parallel_loop3A_556 : i32 to index
        %parallel_loop3A_559 = arith.index_cast %parallel_loop3A_557 : i32 to index
        %parallel_loop3A_560 = arith.index_cast %parallel_loop3A_555 : i32 to index
        %parallel_loop3A_561 = tpu.vector_load %arg7[%parallel_loop3A_558, %parallel_loop3A_559, %parallel_loop3A_560] {strides = array<i32>} : memref<3x16x1024xf32, #tpu.memory_space<vmem>>, vector<16xf32>,
        tpu.vector_store %arg7[%parallel_loop3A_558, %parallel_loop3A_559, %parallel_loop3A_560], %parallel_loop3A_553 {strides = array<i32>} : memref<3x16x1024xf32, #tpu.memory_space<vmem>>, vector<16xf32>,
        %parallel_loop3A_562 = arith.constant 5310 : i32
        %parallel_loop3A_563 = vector.broadcast %parallel_loop3A_562 : i32 to vector<16xi32>
        %parallel_loop3A_564 = arith.addi %parallel_loop3A_21, %parallel_loop3A_563 : vector<16xi32>
        %parallel_loop3A_565 = tpu.vector_load_idx %arg5[%parallel_loop3A_564] : memref<5664xf32, #tpu.memory_space<vmem>>[vector<16xi32>], vector<16xf32>,
        %parallel_loop3A_566 = arith.constant 16 : i32
        %parallel_loop3A_567 = arith.muli %parallel_loop3A_17, %parallel_loop3A_566 : i32
        %parallel_loop3A_568 = arith.constant 2 : i32
        %parallel_loop3A_569 = arith.constant 13 : i32
        %parallel_loop3A_570 = arith.index_cast %parallel_loop3A_568 : i32 to index
        %parallel_loop3A_571 = arith.index_cast %parallel_loop3A_569 : i32 to index
        %parallel_loop3A_572 = arith.index_cast %parallel_loop3A_567 : i32 to index
        %parallel_loop3A_573 = tpu.vector_load %arg7[%parallel_loop3A_570, %parallel_loop3A_571, %parallel_loop3A_572] {strides = array<i32>} : memref<3x16x1024xf32, #tpu.memory_space<vmem>>, vector<16xf32>,
        tpu.vector_store %arg7[%parallel_loop3A_570, %parallel_loop3A_571, %parallel_loop3A_572], %parallel_loop3A_565 {strides = array<i32>} : memref<3x16x1024xf32, #tpu.memory_space<vmem>>, vector<16xf32>,
        %parallel_loop3A_574 = arith.constant 5428 : i32
        %parallel_loop3A_575 = vector.broadcast %parallel_loop3A_574 : i32 to vector<16xi32>
        %parallel_loop3A_576 = arith.addi %parallel_loop3A_21, %parallel_loop3A_575 : vector<16xi32>
        %parallel_loop3A_577 = tpu.vector_load_idx %arg5[%parallel_loop3A_576] : memref<5664xf32, #tpu.memory_space<vmem>>[vector<16xi32>], vector<16xf32>,
        %parallel_loop3A_578 = arith.constant 16 : i32
        %parallel_loop3A_579 = arith.muli %parallel_loop3A_17, %parallel_loop3A_578 : i32
        %parallel_loop3A_580 = arith.constant 2 : i32
        %parallel_loop3A_581 = arith.constant 14 : i32
        %parallel_loop3A_582 = arith.index_cast %parallel_loop3A_580 : i32 to index
        %parallel_loop3A_583 = arith.index_cast %parallel_loop3A_581 : i32 to index
        %parallel_loop3A_584 = arith.index_cast %parallel_loop3A_579 : i32 to index
        %parallel_loop3A_585 = tpu.vector_load %arg7[%parallel_loop3A_582, %parallel_loop3A_583, %parallel_loop3A_584] {strides = array<i32>} : memref<3x16x1024xf32, #tpu.memory_space<vmem>>, vector<16xf32>,
        tpu.vector_store %arg7[%parallel_loop3A_582, %parallel_loop3A_583, %parallel_loop3A_584], %parallel_loop3A_577 {strides = array<i32>} : memref<3x16x1024xf32, #tpu.memory_space<vmem>>, vector<16xf32>,
        %parallel_loop3A_586 = arith.constant 5546 : i32
        %parallel_loop3A_587 = vector.broadcast %parallel_loop3A_586 : i32 to vector<16xi32>
        %parallel_loop3A_588 = arith.addi %parallel_loop3A_21, %parallel_loop3A_587 : vector<16xi32>
        %parallel_loop3A_589 = tpu.vector_load_idx %arg5[%parallel_loop3A_588] : memref<5664xf32, #tpu.memory_space<vmem>>[vector<16xi32>], vector<16xf32>,
        %parallel_loop3A_590 = arith.constant 16 : i32
        %parallel_loop3A_591 = arith.muli %parallel_loop3A_17, %parallel_loop3A_590 : i32
        %parallel_loop3A_592 = arith.constant 2 : i32
        %parallel_loop3A_593 = arith.constant 15 : i32
        %parallel_loop3A_594 = arith.index_cast %parallel_loop3A_592 : i32 to index
        %parallel_loop3A_595 = arith.index_cast %parallel_loop3A_593 : i32 to index
        %parallel_loop3A_596 = arith.index_cast %parallel_loop3A_591 : i32 to index
        %parallel_loop3A_597 = tpu.vector_load %arg7[%parallel_loop3A_594, %parallel_loop3A_595, %parallel_loop3A_596] {strides = array<i32>} : memref<3x16x1024xf32, #tpu.memory_space<vmem>>, vector<16xf32>,
        tpu.vector_store %arg7[%parallel_loop3A_594, %parallel_loop3A_595, %parallel_loop3A_596], %parallel_loop3A_589 {strides = array<i32>} : memref<3x16x1024xf32, #tpu.memory_space<vmem>>, vector<16xf32>,
      } {sc.loop_unroll_factor = 2 : i64, sc.parallel_access}
      "tpu.region"() ({
        %run_scoped3A = tpu.sem_alloc : memref<!tpu.dma_semaphore, #tpu.memory_space<semaphore_mem>>
        %dma_start3A = arith.constant 0 : i32
        %dma_start3A_17 = arith.constant 0 : i32
        %dma_start3A_18 = arith.constant 0 : i32
        %dma_start3A_19 = tpu.memref_slice %arg7[%dma_start3A, %dma_start3A_17, %dma_start3A_18] : memref<3x16x1024xf32, #tpu.memory_space<vmem>> -> memref<3x16x1024xf32, #tpu.memory_space<vmem>>
        %dma_start3A_20 = arith.constant 0 : i32
        %dma_start3A_21 = arith.constant 0 : i32
        %dma_start3A_22 = arith.constant 1998848 : i32
        %dma_start3A_23 = tpu.memref_slice %arg4[%dma_start3A_20, %dma_start3A_21, %dma_start3A_22] : memref<3x16x2000000xf32, #tpu.memory_space<hbm>> -> memref<3x16x1024xf32, #tpu.memory_space<hbm>>
        %dma_start3A_24 = arith.constant 0 : i32
        %dma_start3A_25 = arith.constant 0 : i32
        %dma_start3A_26 = arith.constant 1998848 : i32
        %dma_start3A_27 = tpu.memref_slice %arg4[%dma_start3A_24, %dma_start3A_25, %dma_start3A_26] : memref<3x16x2000000xf32, #tpu.memory_space<hbm>> -> memref<3x16x1024xf32, #tpu.memory_space<hbm>>
        %dma_start3A_28 = arith.constant 0 : i32
        %dma_start3A_29 = arith.constant 0 : i32
        %dma_start3A_30 = arith.constant 0 : i32
        %dma_start3A_31 = tpu.memref_slice %arg7[%dma_start3A_28, %dma_start3A_29, %dma_start3A_30] : memref<3x16x1024xf32, #tpu.memory_space<vmem>> -> memref<3x16x1024xf32, #tpu.memory_space<vmem>>
        tpu.enqueue_dma source(%dma_start3A_31 : memref<3x16x1024xf32, #tpu.memory_space<vmem>>) target(%dma_start3A_27 : memref<3x16x1024xf32, #tpu.memory_space<hbm>>) target_semaphore(%run_scoped3A : memref<!tpu.dma_semaphore, #tpu.memory_space<semaphore_mem>>)
        %dma_wait3A = arith.constant 0 : i32
        %dma_wait3A_32 = arith.constant 0 : i32
        %dma_wait3A_33 = arith.constant 0 : i32
        %dma_wait3A_34 = tpu.memref_slice %arg7[%dma_wait3A, %dma_wait3A_32, %dma_wait3A_33] : memref<3x16x1024xf32, #tpu.memory_space<vmem>> -> memref<3x16x1024xf32, #tpu.memory_space<vmem>>
        %dma_wait3A_35 = arith.constant 0 : i32
        %dma_wait3A_36 = arith.constant 0 : i32
        %dma_wait3A_37 = arith.constant 1998848 : i32
        %dma_wait3A_38 = tpu.memref_slice %arg4[%dma_wait3A_35, %dma_wait3A_36, %dma_wait3A_37] : memref<3x16x2000000xf32, #tpu.memory_space<hbm>> -> memref<3x16x1024xf32, #tpu.memory_space<hbm>>
        %dma_wait3A_39 = arith.constant 0 : i32
        %dma_wait3A_40 = arith.constant 0 : i32
        %dma_wait3A_41 = arith.constant 1998848 : i32
        %dma_wait3A_42 = tpu.memref_slice %arg4[%dma_wait3A_39, %dma_wait3A_40, %dma_wait3A_41] : memref<3x16x2000000xf32, #tpu.memory_space<hbm>> -> memref<3x16x1024xf32, #tpu.memory_space<hbm>>
        %dma_wait3A_43 = arith.constant 0 : i32
        %dma_wait3A_44 = arith.constant 0 : i32
        %dma_wait3A_45 = arith.constant 0 : i32
        %dma_wait3A_46 = tpu.memref_slice %arg7[%dma_wait3A_43, %dma_wait3A_44, %dma_wait3A_45] : memref<3x16x1024xf32, #tpu.memory_space<vmem>> -> memref<3x16x1024xf32, #tpu.memory_space<vmem>>
        tpu.wait_dma2 semaphore(%run_scoped3A : memref<!tpu.dma_semaphore, #tpu.memory_space<semaphore_mem>>) src(%dma_wait3A_46 : memref<3x16x1024xf32, #tpu.memory_space<vmem>>) dst(%dma_wait3A_42 : memref<3x16x1024xf32, #tpu.memory_space<hbm>>)
        tpu.yield
      }) : () -> ()
      "tpu.region"() ({
        %run_scoped3A = tpu.sem_alloc : memref<!tpu.dma_semaphore, #tpu.memory_space<semaphore_mem>>
        %dma_start3A = arith.constant 0 : i32
        %dma_start3A_17 = tpu.memref_slice %arg6[%dma_start3A] : memref<1024xi32, #tpu.memory_space<vmem>> -> memref<128xi32, #tpu.memory_space<vmem>>
        %dma_start3A_18 = arith.constant 1999872 : i32
        %dma_start3A_19 = tpu.memref_slice %arg2[%dma_start3A_18] : memref<2000000xi32, #tpu.memory_space<hbm>> -> memref<128xi32, #tpu.memory_space<hbm>>
        %dma_start3A_20 = arith.constant 0 : i32
        %dma_start3A_21 = tpu.memref_slice %arg6[%dma_start3A_20] : memref<1024xi32, #tpu.memory_space<vmem>> -> memref<128xi32, #tpu.memory_space<vmem>>
        %dma_start3A_22 = arith.constant 1999872 : i32
        %dma_start3A_23 = tpu.memref_slice %arg2[%dma_start3A_22] : memref<2000000xi32, #tpu.memory_space<hbm>> -> memref<128xi32, #tpu.memory_space<hbm>>
        tpu.enqueue_dma source(%dma_start3A_23 : memref<128xi32, #tpu.memory_space<hbm>>) target(%dma_start3A_21 : memref<128xi32, #tpu.memory_space<vmem>>) target_semaphore(%run_scoped3A : memref<!tpu.dma_semaphore, #tpu.memory_space<semaphore_mem>>)
        %dma_wait3A = arith.constant 0 : i32
        %dma_wait3A_24 = tpu.memref_slice %arg6[%dma_wait3A] : memref<1024xi32, #tpu.memory_space<vmem>> -> memref<128xi32, #tpu.memory_space<vmem>>
        %dma_wait3A_25 = arith.constant 1999872 : i32
        %dma_wait3A_26 = tpu.memref_slice %arg2[%dma_wait3A_25] : memref<2000000xi32, #tpu.memory_space<hbm>> -> memref<128xi32, #tpu.memory_space<hbm>>
        %dma_wait3A_27 = arith.constant 0 : i32
        %dma_wait3A_28 = tpu.memref_slice %arg6[%dma_wait3A_27] : memref<1024xi32, #tpu.memory_space<vmem>> -> memref<128xi32, #tpu.memory_space<vmem>>
        %dma_wait3A_29 = arith.constant 1999872 : i32
        %dma_wait3A_30 = tpu.memref_slice %arg2[%dma_wait3A_29] : memref<2000000xi32, #tpu.memory_space<hbm>> -> memref<128xi32, #tpu.memory_space<hbm>>
        tpu.wait_dma2 semaphore(%run_scoped3A : memref<!tpu.dma_semaphore, #tpu.memory_space<semaphore_mem>>) src(%dma_wait3A_30 : memref<128xi32, #tpu.memory_space<hbm>>) dst(%dma_wait3A_28 : memref<128xi32, #tpu.memory_space<vmem>>)
        tpu.yield
      }) : () -> ()
      %parallel_loop3A_14 = arith.constant 0 : i32
      %parallel_loop3A_15 = arith.constant 8 : i32
      %parallel_loop3A_16 = arith.constant 1 : i32
      scf.for %parallel_loop3A_17 = %parallel_loop3A_14 to %parallel_loop3A_15 step %parallel_loop3A_16  : i32 {
        %parallel_loop3A_18 = arith.constant 16 : i32
        %parallel_loop3A_19 = arith.muli %parallel_loop3A_17, %parallel_loop3A_18 : i32
        %parallel_loop3A_20 = arith.index_cast %parallel_loop3A_19 : i32 to index
        %parallel_loop3A_21 = tpu.vector_load %arg6[%parallel_loop3A_20] {strides = array<i32>} : memref<1024xi32, #tpu.memory_space<vmem>>, vector<16xi32>,
        %parallel_loop3A_22 = arith.constant 0 : i32
        %parallel_loop3A_23 = vector.broadcast %parallel_loop3A_22 : i32 to vector<16xi32>
        %parallel_loop3A_24 = arith.addi %parallel_loop3A_21, %parallel_loop3A_23 : vector<16xi32>
        %parallel_loop3A_25 = tpu.vector_load_idx %arg5[%parallel_loop3A_24] : memref<5664xf32, #tpu.memory_space<vmem>>[vector<16xi32>], vector<16xf32>,
        %parallel_loop3A_26 = arith.constant 16 : i32
        %parallel_loop3A_27 = arith.muli %parallel_loop3A_17, %parallel_loop3A_26 : i32
        %parallel_loop3A_28 = arith.constant 0 : i32
        %parallel_loop3A_29 = arith.constant 0 : i32
        %parallel_loop3A_30 = arith.index_cast %parallel_loop3A_28 : i32 to index
        %parallel_loop3A_31 = arith.index_cast %parallel_loop3A_29 : i32 to index
        %parallel_loop3A_32 = arith.index_cast %parallel_loop3A_27 : i32 to index
        %parallel_loop3A_33 = tpu.vector_load %arg7[%parallel_loop3A_30, %parallel_loop3A_31, %parallel_loop3A_32] {strides = array<i32>} : memref<3x16x1024xf32, #tpu.memory_space<vmem>>, vector<16xf32>,
        tpu.vector_store %arg7[%parallel_loop3A_30, %parallel_loop3A_31, %parallel_loop3A_32], %parallel_loop3A_25 {strides = array<i32>} : memref<3x16x1024xf32, #tpu.memory_space<vmem>>, vector<16xf32>,
        %parallel_loop3A_34 = arith.constant 118 : i32
        %parallel_loop3A_35 = vector.broadcast %parallel_loop3A_34 : i32 to vector<16xi32>
        %parallel_loop3A_36 = arith.addi %parallel_loop3A_21, %parallel_loop3A_35 : vector<16xi32>
        %parallel_loop3A_37 = tpu.vector_load_idx %arg5[%parallel_loop3A_36] : memref<5664xf32, #tpu.memory_space<vmem>>[vector<16xi32>], vector<16xf32>,
        %parallel_loop3A_38 = arith.constant 16 : i32
        %parallel_loop3A_39 = arith.muli %parallel_loop3A_17, %parallel_loop3A_38 : i32
        %parallel_loop3A_40 = arith.constant 0 : i32
        %parallel_loop3A_41 = arith.constant 1 : i32
        %parallel_loop3A_42 = arith.index_cast %parallel_loop3A_40 : i32 to index
        %parallel_loop3A_43 = arith.index_cast %parallel_loop3A_41 : i32 to index
        %parallel_loop3A_44 = arith.index_cast %parallel_loop3A_39 : i32 to index
        %parallel_loop3A_45 = tpu.vector_load %arg7[%parallel_loop3A_42, %parallel_loop3A_43, %parallel_loop3A_44] {strides = array<i32>} : memref<3x16x1024xf32, #tpu.memory_space<vmem>>, vector<16xf32>,
        tpu.vector_store %arg7[%parallel_loop3A_42, %parallel_loop3A_43, %parallel_loop3A_44], %parallel_loop3A_37 {strides = array<i32>} : memref<3x16x1024xf32, #tpu.memory_space<vmem>>, vector<16xf32>,
        %parallel_loop3A_46 = arith.constant 236 : i32
        %parallel_loop3A_47 = vector.broadcast %parallel_loop3A_46 : i32 to vector<16xi32>
        %parallel_loop3A_48 = arith.addi %parallel_loop3A_21, %parallel_loop3A_47 : vector<16xi32>
        %parallel_loop3A_49 = tpu.vector_load_idx %arg5[%parallel_loop3A_48] : memref<5664xf32, #tpu.memory_space<vmem>>[vector<16xi32>], vector<16xf32>,
        %parallel_loop3A_50 = arith.constant 16 : i32
        %parallel_loop3A_51 = arith.muli %parallel_loop3A_17, %parallel_loop3A_50 : i32
        %parallel_loop3A_52 = arith.constant 0 : i32
        %parallel_loop3A_53 = arith.constant 2 : i32
        %parallel_loop3A_54 = arith.index_cast %parallel_loop3A_52 : i32 to index
        %parallel_loop3A_55 = arith.index_cast %parallel_loop3A_53 : i32 to index
        %parallel_loop3A_56 = arith.index_cast %parallel_loop3A_51 : i32 to index
        %parallel_loop3A_57 = tpu.vector_load %arg7[%parallel_loop3A_54, %parallel_loop3A_55, %parallel_loop3A_56] {strides = array<i32>} : memref<3x16x1024xf32, #tpu.memory_space<vmem>>, vector<16xf32>,
        tpu.vector_store %arg7[%parallel_loop3A_54, %parallel_loop3A_55, %parallel_loop3A_56], %parallel_loop3A_49 {strides = array<i32>} : memref<3x16x1024xf32, #tpu.memory_space<vmem>>, vector<16xf32>,
        %parallel_loop3A_58 = arith.constant 354 : i32
        %parallel_loop3A_59 = vector.broadcast %parallel_loop3A_58 : i32 to vector<16xi32>
        %parallel_loop3A_60 = arith.addi %parallel_loop3A_21, %parallel_loop3A_59 : vector<16xi32>
        %parallel_loop3A_61 = tpu.vector_load_idx %arg5[%parallel_loop3A_60] : memref<5664xf32, #tpu.memory_space<vmem>>[vector<16xi32>], vector<16xf32>,
        %parallel_loop3A_62 = arith.constant 16 : i32
        %parallel_loop3A_63 = arith.muli %parallel_loop3A_17, %parallel_loop3A_62 : i32
        %parallel_loop3A_64 = arith.constant 0 : i32
        %parallel_loop3A_65 = arith.constant 3 : i32
        %parallel_loop3A_66 = arith.index_cast %parallel_loop3A_64 : i32 to index
        %parallel_loop3A_67 = arith.index_cast %parallel_loop3A_65 : i32 to index
        %parallel_loop3A_68 = arith.index_cast %parallel_loop3A_63 : i32 to index
        %parallel_loop3A_69 = tpu.vector_load %arg7[%parallel_loop3A_66, %parallel_loop3A_67, %parallel_loop3A_68] {strides = array<i32>} : memref<3x16x1024xf32, #tpu.memory_space<vmem>>, vector<16xf32>,
        tpu.vector_store %arg7[%parallel_loop3A_66, %parallel_loop3A_67, %parallel_loop3A_68], %parallel_loop3A_61 {strides = array<i32>} : memref<3x16x1024xf32, #tpu.memory_space<vmem>>, vector<16xf32>,
        %parallel_loop3A_70 = arith.constant 472 : i32
        %parallel_loop3A_71 = vector.broadcast %parallel_loop3A_70 : i32 to vector<16xi32>
        %parallel_loop3A_72 = arith.addi %parallel_loop3A_21, %parallel_loop3A_71 : vector<16xi32>
        %parallel_loop3A_73 = tpu.vector_load_idx %arg5[%parallel_loop3A_72] : memref<5664xf32, #tpu.memory_space<vmem>>[vector<16xi32>], vector<16xf32>,
        %parallel_loop3A_74 = arith.constant 16 : i32
        %parallel_loop3A_75 = arith.muli %parallel_loop3A_17, %parallel_loop3A_74 : i32
        %parallel_loop3A_76 = arith.constant 0 : i32
        %parallel_loop3A_77 = arith.constant 4 : i32
        %parallel_loop3A_78 = arith.index_cast %parallel_loop3A_76 : i32 to index
        %parallel_loop3A_79 = arith.index_cast %parallel_loop3A_77 : i32 to index
        %parallel_loop3A_80 = arith.index_cast %parallel_loop3A_75 : i32 to index
        %parallel_loop3A_81 = tpu.vector_load %arg7[%parallel_loop3A_78, %parallel_loop3A_79, %parallel_loop3A_80] {strides = array<i32>} : memref<3x16x1024xf32, #tpu.memory_space<vmem>>, vector<16xf32>,
        tpu.vector_store %arg7[%parallel_loop3A_78, %parallel_loop3A_79, %parallel_loop3A_80], %parallel_loop3A_73 {strides = array<i32>} : memref<3x16x1024xf32, #tpu.memory_space<vmem>>, vector<16xf32>,
        %parallel_loop3A_82 = arith.constant 590 : i32
        %parallel_loop3A_83 = vector.broadcast %parallel_loop3A_82 : i32 to vector<16xi32>
        %parallel_loop3A_84 = arith.addi %parallel_loop3A_21, %parallel_loop3A_83 : vector<16xi32>
        %parallel_loop3A_85 = tpu.vector_load_idx %arg5[%parallel_loop3A_84] : memref<5664xf32, #tpu.memory_space<vmem>>[vector<16xi32>], vector<16xf32>,
        %parallel_loop3A_86 = arith.constant 16 : i32
        %parallel_loop3A_87 = arith.muli %parallel_loop3A_17, %parallel_loop3A_86 : i32
        %parallel_loop3A_88 = arith.constant 0 : i32
        %parallel_loop3A_89 = arith.constant 5 : i32
        %parallel_loop3A_90 = arith.index_cast %parallel_loop3A_88 : i32 to index
        %parallel_loop3A_91 = arith.index_cast %parallel_loop3A_89 : i32 to index
        %parallel_loop3A_92 = arith.index_cast %parallel_loop3A_87 : i32 to index
        %parallel_loop3A_93 = tpu.vector_load %arg7[%parallel_loop3A_90, %parallel_loop3A_91, %parallel_loop3A_92] {strides = array<i32>} : memref<3x16x1024xf32, #tpu.memory_space<vmem>>, vector<16xf32>,
        tpu.vector_store %arg7[%parallel_loop3A_90, %parallel_loop3A_91, %parallel_loop3A_92], %parallel_loop3A_85 {strides = array<i32>} : memref<3x16x1024xf32, #tpu.memory_space<vmem>>, vector<16xf32>,
        %parallel_loop3A_94 = arith.constant 708 : i32
        %parallel_loop3A_95 = vector.broadcast %parallel_loop3A_94 : i32 to vector<16xi32>
        %parallel_loop3A_96 = arith.addi %parallel_loop3A_21, %parallel_loop3A_95 : vector<16xi32>
        %parallel_loop3A_97 = tpu.vector_load_idx %arg5[%parallel_loop3A_96] : memref<5664xf32, #tpu.memory_space<vmem>>[vector<16xi32>], vector<16xf32>,
        %parallel_loop3A_98 = arith.constant 16 : i32
        %parallel_loop3A_99 = arith.muli %parallel_loop3A_17, %parallel_loop3A_98 : i32
        %parallel_loop3A_100 = arith.constant 0 : i32
        %parallel_loop3A_101 = arith.constant 6 : i32
        %parallel_loop3A_102 = arith.index_cast %parallel_loop3A_100 : i32 to index
        %parallel_loop3A_103 = arith.index_cast %parallel_loop3A_101 : i32 to index
        %parallel_loop3A_104 = arith.index_cast %parallel_loop3A_99 : i32 to index
        %parallel_loop3A_105 = tpu.vector_load %arg7[%parallel_loop3A_102, %parallel_loop3A_103, %parallel_loop3A_104] {strides = array<i32>} : memref<3x16x1024xf32, #tpu.memory_space<vmem>>, vector<16xf32>,
        tpu.vector_store %arg7[%parallel_loop3A_102, %parallel_loop3A_103, %parallel_loop3A_104], %parallel_loop3A_97 {strides = array<i32>} : memref<3x16x1024xf32, #tpu.memory_space<vmem>>, vector<16xf32>,
        %parallel_loop3A_106 = arith.constant 826 : i32
        %parallel_loop3A_107 = vector.broadcast %parallel_loop3A_106 : i32 to vector<16xi32>
        %parallel_loop3A_108 = arith.addi %parallel_loop3A_21, %parallel_loop3A_107 : vector<16xi32>
        %parallel_loop3A_109 = tpu.vector_load_idx %arg5[%parallel_loop3A_108] : memref<5664xf32, #tpu.memory_space<vmem>>[vector<16xi32>], vector<16xf32>,
        %parallel_loop3A_110 = arith.constant 16 : i32
        %parallel_loop3A_111 = arith.muli %parallel_loop3A_17, %parallel_loop3A_110 : i32
        %parallel_loop3A_112 = arith.constant 0 : i32
        %parallel_loop3A_113 = arith.constant 7 : i32
        %parallel_loop3A_114 = arith.index_cast %parallel_loop3A_112 : i32 to index
        %parallel_loop3A_115 = arith.index_cast %parallel_loop3A_113 : i32 to index
        %parallel_loop3A_116 = arith.index_cast %parallel_loop3A_111 : i32 to index
        %parallel_loop3A_117 = tpu.vector_load %arg7[%parallel_loop3A_114, %parallel_loop3A_115, %parallel_loop3A_116] {strides = array<i32>} : memref<3x16x1024xf32, #tpu.memory_space<vmem>>, vector<16xf32>,
        tpu.vector_store %arg7[%parallel_loop3A_114, %parallel_loop3A_115, %parallel_loop3A_116], %parallel_loop3A_109 {strides = array<i32>} : memref<3x16x1024xf32, #tpu.memory_space<vmem>>, vector<16xf32>,
        %parallel_loop3A_118 = arith.constant 944 : i32
        %parallel_loop3A_119 = vector.broadcast %parallel_loop3A_118 : i32 to vector<16xi32>
        %parallel_loop3A_120 = arith.addi %parallel_loop3A_21, %parallel_loop3A_119 : vector<16xi32>
        %parallel_loop3A_121 = tpu.vector_load_idx %arg5[%parallel_loop3A_120] : memref<5664xf32, #tpu.memory_space<vmem>>[vector<16xi32>], vector<16xf32>,
        %parallel_loop3A_122 = arith.constant 16 : i32
        %parallel_loop3A_123 = arith.muli %parallel_loop3A_17, %parallel_loop3A_122 : i32
        %parallel_loop3A_124 = arith.constant 0 : i32
        %parallel_loop3A_125 = arith.constant 8 : i32
        %parallel_loop3A_126 = arith.index_cast %parallel_loop3A_124 : i32 to index
        %parallel_loop3A_127 = arith.index_cast %parallel_loop3A_125 : i32 to index
        %parallel_loop3A_128 = arith.index_cast %parallel_loop3A_123 : i32 to index
        %parallel_loop3A_129 = tpu.vector_load %arg7[%parallel_loop3A_126, %parallel_loop3A_127, %parallel_loop3A_128] {strides = array<i32>} : memref<3x16x1024xf32, #tpu.memory_space<vmem>>, vector<16xf32>,
        tpu.vector_store %arg7[%parallel_loop3A_126, %parallel_loop3A_127, %parallel_loop3A_128], %parallel_loop3A_121 {strides = array<i32>} : memref<3x16x1024xf32, #tpu.memory_space<vmem>>, vector<16xf32>,
        %parallel_loop3A_130 = arith.constant 1062 : i32
        %parallel_loop3A_131 = vector.broadcast %parallel_loop3A_130 : i32 to vector<16xi32>
        %parallel_loop3A_132 = arith.addi %parallel_loop3A_21, %parallel_loop3A_131 : vector<16xi32>
        %parallel_loop3A_133 = tpu.vector_load_idx %arg5[%parallel_loop3A_132] : memref<5664xf32, #tpu.memory_space<vmem>>[vector<16xi32>], vector<16xf32>,
        %parallel_loop3A_134 = arith.constant 16 : i32
        %parallel_loop3A_135 = arith.muli %parallel_loop3A_17, %parallel_loop3A_134 : i32
        %parallel_loop3A_136 = arith.constant 0 : i32
        %parallel_loop3A_137 = arith.constant 9 : i32
        %parallel_loop3A_138 = arith.index_cast %parallel_loop3A_136 : i32 to index
        %parallel_loop3A_139 = arith.index_cast %parallel_loop3A_137 : i32 to index
        %parallel_loop3A_140 = arith.index_cast %parallel_loop3A_135 : i32 to index
        %parallel_loop3A_141 = tpu.vector_load %arg7[%parallel_loop3A_138, %parallel_loop3A_139, %parallel_loop3A_140] {strides = array<i32>} : memref<3x16x1024xf32, #tpu.memory_space<vmem>>, vector<16xf32>,
        tpu.vector_store %arg7[%parallel_loop3A_138, %parallel_loop3A_139, %parallel_loop3A_140], %parallel_loop3A_133 {strides = array<i32>} : memref<3x16x1024xf32, #tpu.memory_space<vmem>>, vector<16xf32>,
        %parallel_loop3A_142 = arith.constant 1180 : i32
        %parallel_loop3A_143 = vector.broadcast %parallel_loop3A_142 : i32 to vector<16xi32>
        %parallel_loop3A_144 = arith.addi %parallel_loop3A_21, %parallel_loop3A_143 : vector<16xi32>
        %parallel_loop3A_145 = tpu.vector_load_idx %arg5[%parallel_loop3A_144] : memref<5664xf32, #tpu.memory_space<vmem>>[vector<16xi32>], vector<16xf32>,
        %parallel_loop3A_146 = arith.constant 16 : i32
        %parallel_loop3A_147 = arith.muli %parallel_loop3A_17, %parallel_loop3A_146 : i32
        %parallel_loop3A_148 = arith.constant 0 : i32
        %parallel_loop3A_149 = arith.constant 10 : i32
        %parallel_loop3A_150 = arith.index_cast %parallel_loop3A_148 : i32 to index
        %parallel_loop3A_151 = arith.index_cast %parallel_loop3A_149 : i32 to index
        %parallel_loop3A_152 = arith.index_cast %parallel_loop3A_147 : i32 to index
        %parallel_loop3A_153 = tpu.vector_load %arg7[%parallel_loop3A_150, %parallel_loop3A_151, %parallel_loop3A_152] {strides = array<i32>} : memref<3x16x1024xf32, #tpu.memory_space<vmem>>, vector<16xf32>,
        tpu.vector_store %arg7[%parallel_loop3A_150, %parallel_loop3A_151, %parallel_loop3A_152], %parallel_loop3A_145 {strides = array<i32>} : memref<3x16x1024xf32, #tpu.memory_space<vmem>>, vector<16xf32>,
        %parallel_loop3A_154 = arith.constant 1298 : i32
        %parallel_loop3A_155 = vector.broadcast %parallel_loop3A_154 : i32 to vector<16xi32>
        %parallel_loop3A_156 = arith.addi %parallel_loop3A_21, %parallel_loop3A_155 : vector<16xi32>
        %parallel_loop3A_157 = tpu.vector_load_idx %arg5[%parallel_loop3A_156] : memref<5664xf32, #tpu.memory_space<vmem>>[vector<16xi32>], vector<16xf32>,
        %parallel_loop3A_158 = arith.constant 16 : i32
        %parallel_loop3A_159 = arith.muli %parallel_loop3A_17, %parallel_loop3A_158 : i32
        %parallel_loop3A_160 = arith.constant 0 : i32
        %parallel_loop3A_161 = arith.constant 11 : i32
        %parallel_loop3A_162 = arith.index_cast %parallel_loop3A_160 : i32 to index
        %parallel_loop3A_163 = arith.index_cast %parallel_loop3A_161 : i32 to index
        %parallel_loop3A_164 = arith.index_cast %parallel_loop3A_159 : i32 to index
        %parallel_loop3A_165 = tpu.vector_load %arg7[%parallel_loop3A_162, %parallel_loop3A_163, %parallel_loop3A_164] {strides = array<i32>} : memref<3x16x1024xf32, #tpu.memory_space<vmem>>, vector<16xf32>,
        tpu.vector_store %arg7[%parallel_loop3A_162, %parallel_loop3A_163, %parallel_loop3A_164], %parallel_loop3A_157 {strides = array<i32>} : memref<3x16x1024xf32, #tpu.memory_space<vmem>>, vector<16xf32>,
        %parallel_loop3A_166 = arith.constant 1416 : i32
        %parallel_loop3A_167 = vector.broadcast %parallel_loop3A_166 : i32 to vector<16xi32>
        %parallel_loop3A_168 = arith.addi %parallel_loop3A_21, %parallel_loop3A_167 : vector<16xi32>
        %parallel_loop3A_169 = tpu.vector_load_idx %arg5[%parallel_loop3A_168] : memref<5664xf32, #tpu.memory_space<vmem>>[vector<16xi32>], vector<16xf32>,
        %parallel_loop3A_170 = arith.constant 16 : i32
        %parallel_loop3A_171 = arith.muli %parallel_loop3A_17, %parallel_loop3A_170 : i32
        %parallel_loop3A_172 = arith.constant 0 : i32
        %parallel_loop3A_173 = arith.constant 12 : i32
        %parallel_loop3A_174 = arith.index_cast %parallel_loop3A_172 : i32 to index
        %parallel_loop3A_175 = arith.index_cast %parallel_loop3A_173 : i32 to index
        %parallel_loop3A_176 = arith.index_cast %parallel_loop3A_171 : i32 to index
        %parallel_loop3A_177 = tpu.vector_load %arg7[%parallel_loop3A_174, %parallel_loop3A_175, %parallel_loop3A_176] {strides = array<i32>} : memref<3x16x1024xf32, #tpu.memory_space<vmem>>, vector<16xf32>,
        tpu.vector_store %arg7[%parallel_loop3A_174, %parallel_loop3A_175, %parallel_loop3A_176], %parallel_loop3A_169 {strides = array<i32>} : memref<3x16x1024xf32, #tpu.memory_space<vmem>>, vector<16xf32>,
        %parallel_loop3A_178 = arith.constant 1534 : i32
        %parallel_loop3A_179 = vector.broadcast %parallel_loop3A_178 : i32 to vector<16xi32>
        %parallel_loop3A_180 = arith.addi %parallel_loop3A_21, %parallel_loop3A_179 : vector<16xi32>
        %parallel_loop3A_181 = tpu.vector_load_idx %arg5[%parallel_loop3A_180] : memref<5664xf32, #tpu.memory_space<vmem>>[vector<16xi32>], vector<16xf32>,
        %parallel_loop3A_182 = arith.constant 16 : i32
        %parallel_loop3A_183 = arith.muli %parallel_loop3A_17, %parallel_loop3A_182 : i32
        %parallel_loop3A_184 = arith.constant 0 : i32
        %parallel_loop3A_185 = arith.constant 13 : i32
        %parallel_loop3A_186 = arith.index_cast %parallel_loop3A_184 : i32 to index
        %parallel_loop3A_187 = arith.index_cast %parallel_loop3A_185 : i32 to index
        %parallel_loop3A_188 = arith.index_cast %parallel_loop3A_183 : i32 to index
        %parallel_loop3A_189 = tpu.vector_load %arg7[%parallel_loop3A_186, %parallel_loop3A_187, %parallel_loop3A_188] {strides = array<i32>} : memref<3x16x1024xf32, #tpu.memory_space<vmem>>, vector<16xf32>,
        tpu.vector_store %arg7[%parallel_loop3A_186, %parallel_loop3A_187, %parallel_loop3A_188], %parallel_loop3A_181 {strides = array<i32>} : memref<3x16x1024xf32, #tpu.memory_space<vmem>>, vector<16xf32>,
        %parallel_loop3A_190 = arith.constant 1652 : i32
        %parallel_loop3A_191 = vector.broadcast %parallel_loop3A_190 : i32 to vector<16xi32>
        %parallel_loop3A_192 = arith.addi %parallel_loop3A_21, %parallel_loop3A_191 : vector<16xi32>
        %parallel_loop3A_193 = tpu.vector_load_idx %arg5[%parallel_loop3A_192] : memref<5664xf32, #tpu.memory_space<vmem>>[vector<16xi32>], vector<16xf32>,
        %parallel_loop3A_194 = arith.constant 16 : i32
        %parallel_loop3A_195 = arith.muli %parallel_loop3A_17, %parallel_loop3A_194 : i32
        %parallel_loop3A_196 = arith.constant 0 : i32
        %parallel_loop3A_197 = arith.constant 14 : i32
        %parallel_loop3A_198 = arith.index_cast %parallel_loop3A_196 : i32 to index
        %parallel_loop3A_199 = arith.index_cast %parallel_loop3A_197 : i32 to index
        %parallel_loop3A_200 = arith.index_cast %parallel_loop3A_195 : i32 to index
        %parallel_loop3A_201 = tpu.vector_load %arg7[%parallel_loop3A_198, %parallel_loop3A_199, %parallel_loop3A_200] {strides = array<i32>} : memref<3x16x1024xf32, #tpu.memory_space<vmem>>, vector<16xf32>,
        tpu.vector_store %arg7[%parallel_loop3A_198, %parallel_loop3A_199, %parallel_loop3A_200], %parallel_loop3A_193 {strides = array<i32>} : memref<3x16x1024xf32, #tpu.memory_space<vmem>>, vector<16xf32>,
        %parallel_loop3A_202 = arith.constant 1770 : i32
        %parallel_loop3A_203 = vector.broadcast %parallel_loop3A_202 : i32 to vector<16xi32>
        %parallel_loop3A_204 = arith.addi %parallel_loop3A_21, %parallel_loop3A_203 : vector<16xi32>
        %parallel_loop3A_205 = tpu.vector_load_idx %arg5[%parallel_loop3A_204] : memref<5664xf32, #tpu.memory_space<vmem>>[vector<16xi32>], vector<16xf32>,
        %parallel_loop3A_206 = arith.constant 16 : i32
        %parallel_loop3A_207 = arith.muli %parallel_loop3A_17, %parallel_loop3A_206 : i32
        %parallel_loop3A_208 = arith.constant 0 : i32
        %parallel_loop3A_209 = arith.constant 15 : i32
        %parallel_loop3A_210 = arith.index_cast %parallel_loop3A_208 : i32 to index
        %parallel_loop3A_211 = arith.index_cast %parallel_loop3A_209 : i32 to index
        %parallel_loop3A_212 = arith.index_cast %parallel_loop3A_207 : i32 to index
        %parallel_loop3A_213 = tpu.vector_load %arg7[%parallel_loop3A_210, %parallel_loop3A_211, %parallel_loop3A_212] {strides = array<i32>} : memref<3x16x1024xf32, #tpu.memory_space<vmem>>, vector<16xf32>,
        tpu.vector_store %arg7[%parallel_loop3A_210, %parallel_loop3A_211, %parallel_loop3A_212], %parallel_loop3A_205 {strides = array<i32>} : memref<3x16x1024xf32, #tpu.memory_space<vmem>>, vector<16xf32>,
        %parallel_loop3A_214 = arith.constant 1888 : i32
        %parallel_loop3A_215 = vector.broadcast %parallel_loop3A_214 : i32 to vector<16xi32>
        %parallel_loop3A_216 = arith.addi %parallel_loop3A_21, %parallel_loop3A_215 : vector<16xi32>
        %parallel_loop3A_217 = tpu.vector_load_idx %arg5[%parallel_loop3A_216] : memref<5664xf32, #tpu.memory_space<vmem>>[vector<16xi32>], vector<16xf32>,
        %parallel_loop3A_218 = arith.constant 16 : i32
        %parallel_loop3A_219 = arith.muli %parallel_loop3A_17, %parallel_loop3A_218 : i32
        %parallel_loop3A_220 = arith.constant 1 : i32
        %parallel_loop3A_221 = arith.constant 0 : i32
        %parallel_loop3A_222 = arith.index_cast %parallel_loop3A_220 : i32 to index
        %parallel_loop3A_223 = arith.index_cast %parallel_loop3A_221 : i32 to index
        %parallel_loop3A_224 = arith.index_cast %parallel_loop3A_219 : i32 to index
        %parallel_loop3A_225 = tpu.vector_load %arg7[%parallel_loop3A_222, %parallel_loop3A_223, %parallel_loop3A_224] {strides = array<i32>} : memref<3x16x1024xf32, #tpu.memory_space<vmem>>, vector<16xf32>,
        tpu.vector_store %arg7[%parallel_loop3A_222, %parallel_loop3A_223, %parallel_loop3A_224], %parallel_loop3A_217 {strides = array<i32>} : memref<3x16x1024xf32, #tpu.memory_space<vmem>>, vector<16xf32>,
        %parallel_loop3A_226 = arith.constant 2006 : i32
        %parallel_loop3A_227 = vector.broadcast %parallel_loop3A_226 : i32 to vector<16xi32>
        %parallel_loop3A_228 = arith.addi %parallel_loop3A_21, %parallel_loop3A_227 : vector<16xi32>
        %parallel_loop3A_229 = tpu.vector_load_idx %arg5[%parallel_loop3A_228] : memref<5664xf32, #tpu.memory_space<vmem>>[vector<16xi32>], vector<16xf32>,
        %parallel_loop3A_230 = arith.constant 16 : i32
        %parallel_loop3A_231 = arith.muli %parallel_loop3A_17, %parallel_loop3A_230 : i32
        %parallel_loop3A_232 = arith.constant 1 : i32
        %parallel_loop3A_233 = arith.constant 1 : i32
        %parallel_loop3A_234 = arith.index_cast %parallel_loop3A_232 : i32 to index
        %parallel_loop3A_235 = arith.index_cast %parallel_loop3A_233 : i32 to index
        %parallel_loop3A_236 = arith.index_cast %parallel_loop3A_231 : i32 to index
        %parallel_loop3A_237 = tpu.vector_load %arg7[%parallel_loop3A_234, %parallel_loop3A_235, %parallel_loop3A_236] {strides = array<i32>} : memref<3x16x1024xf32, #tpu.memory_space<vmem>>, vector<16xf32>,
        tpu.vector_store %arg7[%parallel_loop3A_234, %parallel_loop3A_235, %parallel_loop3A_236], %parallel_loop3A_229 {strides = array<i32>} : memref<3x16x1024xf32, #tpu.memory_space<vmem>>, vector<16xf32>,
        %parallel_loop3A_238 = arith.constant 2124 : i32
        %parallel_loop3A_239 = vector.broadcast %parallel_loop3A_238 : i32 to vector<16xi32>
        %parallel_loop3A_240 = arith.addi %parallel_loop3A_21, %parallel_loop3A_239 : vector<16xi32>
        %parallel_loop3A_241 = tpu.vector_load_idx %arg5[%parallel_loop3A_240] : memref<5664xf32, #tpu.memory_space<vmem>>[vector<16xi32>], vector<16xf32>,
        %parallel_loop3A_242 = arith.constant 16 : i32
        %parallel_loop3A_243 = arith.muli %parallel_loop3A_17, %parallel_loop3A_242 : i32
        %parallel_loop3A_244 = arith.constant 1 : i32
        %parallel_loop3A_245 = arith.constant 2 : i32
        %parallel_loop3A_246 = arith.index_cast %parallel_loop3A_244 : i32 to index
        %parallel_loop3A_247 = arith.index_cast %parallel_loop3A_245 : i32 to index
        %parallel_loop3A_248 = arith.index_cast %parallel_loop3A_243 : i32 to index
        %parallel_loop3A_249 = tpu.vector_load %arg7[%parallel_loop3A_246, %parallel_loop3A_247, %parallel_loop3A_248] {strides = array<i32>} : memref<3x16x1024xf32, #tpu.memory_space<vmem>>, vector<16xf32>,
        tpu.vector_store %arg7[%parallel_loop3A_246, %parallel_loop3A_247, %parallel_loop3A_248], %parallel_loop3A_241 {strides = array<i32>} : memref<3x16x1024xf32, #tpu.memory_space<vmem>>, vector<16xf32>,
        %parallel_loop3A_250 = arith.constant 2242 : i32
        %parallel_loop3A_251 = vector.broadcast %parallel_loop3A_250 : i32 to vector<16xi32>
        %parallel_loop3A_252 = arith.addi %parallel_loop3A_21, %parallel_loop3A_251 : vector<16xi32>
        %parallel_loop3A_253 = tpu.vector_load_idx %arg5[%parallel_loop3A_252] : memref<5664xf32, #tpu.memory_space<vmem>>[vector<16xi32>], vector<16xf32>,
        %parallel_loop3A_254 = arith.constant 16 : i32
        %parallel_loop3A_255 = arith.muli %parallel_loop3A_17, %parallel_loop3A_254 : i32
        %parallel_loop3A_256 = arith.constant 1 : i32
        %parallel_loop3A_257 = arith.constant 3 : i32
        %parallel_loop3A_258 = arith.index_cast %parallel_loop3A_256 : i32 to index
        %parallel_loop3A_259 = arith.index_cast %parallel_loop3A_257 : i32 to index
        %parallel_loop3A_260 = arith.index_cast %parallel_loop3A_255 : i32 to index
        %parallel_loop3A_261 = tpu.vector_load %arg7[%parallel_loop3A_258, %parallel_loop3A_259, %parallel_loop3A_260] {strides = array<i32>} : memref<3x16x1024xf32, #tpu.memory_space<vmem>>, vector<16xf32>,
        tpu.vector_store %arg7[%parallel_loop3A_258, %parallel_loop3A_259, %parallel_loop3A_260], %parallel_loop3A_253 {strides = array<i32>} : memref<3x16x1024xf32, #tpu.memory_space<vmem>>, vector<16xf32>,
        %parallel_loop3A_262 = arith.constant 2360 : i32
        %parallel_loop3A_263 = vector.broadcast %parallel_loop3A_262 : i32 to vector<16xi32>
        %parallel_loop3A_264 = arith.addi %parallel_loop3A_21, %parallel_loop3A_263 : vector<16xi32>
        %parallel_loop3A_265 = tpu.vector_load_idx %arg5[%parallel_loop3A_264] : memref<5664xf32, #tpu.memory_space<vmem>>[vector<16xi32>], vector<16xf32>,
        %parallel_loop3A_266 = arith.constant 16 : i32
        %parallel_loop3A_267 = arith.muli %parallel_loop3A_17, %parallel_loop3A_266 : i32
        %parallel_loop3A_268 = arith.constant 1 : i32
        %parallel_loop3A_269 = arith.constant 4 : i32
        %parallel_loop3A_270 = arith.index_cast %parallel_loop3A_268 : i32 to index
        %parallel_loop3A_271 = arith.index_cast %parallel_loop3A_269 : i32 to index
        %parallel_loop3A_272 = arith.index_cast %parallel_loop3A_267 : i32 to index
        %parallel_loop3A_273 = tpu.vector_load %arg7[%parallel_loop3A_270, %parallel_loop3A_271, %parallel_loop3A_272] {strides = array<i32>} : memref<3x16x1024xf32, #tpu.memory_space<vmem>>, vector<16xf32>,
        tpu.vector_store %arg7[%parallel_loop3A_270, %parallel_loop3A_271, %parallel_loop3A_272], %parallel_loop3A_265 {strides = array<i32>} : memref<3x16x1024xf32, #tpu.memory_space<vmem>>, vector<16xf32>,
        %parallel_loop3A_274 = arith.constant 2478 : i32
        %parallel_loop3A_275 = vector.broadcast %parallel_loop3A_274 : i32 to vector<16xi32>
        %parallel_loop3A_276 = arith.addi %parallel_loop3A_21, %parallel_loop3A_275 : vector<16xi32>
        %parallel_loop3A_277 = tpu.vector_load_idx %arg5[%parallel_loop3A_276] : memref<5664xf32, #tpu.memory_space<vmem>>[vector<16xi32>], vector<16xf32>,
        %parallel_loop3A_278 = arith.constant 16 : i32
        %parallel_loop3A_279 = arith.muli %parallel_loop3A_17, %parallel_loop3A_278 : i32
        %parallel_loop3A_280 = arith.constant 1 : i32
        %parallel_loop3A_281 = arith.constant 5 : i32
        %parallel_loop3A_282 = arith.index_cast %parallel_loop3A_280 : i32 to index
        %parallel_loop3A_283 = arith.index_cast %parallel_loop3A_281 : i32 to index
        %parallel_loop3A_284 = arith.index_cast %parallel_loop3A_279 : i32 to index
        %parallel_loop3A_285 = tpu.vector_load %arg7[%parallel_loop3A_282, %parallel_loop3A_283, %parallel_loop3A_284] {strides = array<i32>} : memref<3x16x1024xf32, #tpu.memory_space<vmem>>, vector<16xf32>,
        tpu.vector_store %arg7[%parallel_loop3A_282, %parallel_loop3A_283, %parallel_loop3A_284], %parallel_loop3A_277 {strides = array<i32>} : memref<3x16x1024xf32, #tpu.memory_space<vmem>>, vector<16xf32>,
        %parallel_loop3A_286 = arith.constant 2596 : i32
        %parallel_loop3A_287 = vector.broadcast %parallel_loop3A_286 : i32 to vector<16xi32>
        %parallel_loop3A_288 = arith.addi %parallel_loop3A_21, %parallel_loop3A_287 : vector<16xi32>
        %parallel_loop3A_289 = tpu.vector_load_idx %arg5[%parallel_loop3A_288] : memref<5664xf32, #tpu.memory_space<vmem>>[vector<16xi32>], vector<16xf32>,
        %parallel_loop3A_290 = arith.constant 16 : i32
        %parallel_loop3A_291 = arith.muli %parallel_loop3A_17, %parallel_loop3A_290 : i32
        %parallel_loop3A_292 = arith.constant 1 : i32
        %parallel_loop3A_293 = arith.constant 6 : i32
        %parallel_loop3A_294 = arith.index_cast %parallel_loop3A_292 : i32 to index
        %parallel_loop3A_295 = arith.index_cast %parallel_loop3A_293 : i32 to index
        %parallel_loop3A_296 = arith.index_cast %parallel_loop3A_291 : i32 to index
        %parallel_loop3A_297 = tpu.vector_load %arg7[%parallel_loop3A_294, %parallel_loop3A_295, %parallel_loop3A_296] {strides = array<i32>} : memref<3x16x1024xf32, #tpu.memory_space<vmem>>, vector<16xf32>,
        tpu.vector_store %arg7[%parallel_loop3A_294, %parallel_loop3A_295, %parallel_loop3A_296], %parallel_loop3A_289 {strides = array<i32>} : memref<3x16x1024xf32, #tpu.memory_space<vmem>>, vector<16xf32>,
        %parallel_loop3A_298 = arith.constant 2714 : i32
        %parallel_loop3A_299 = vector.broadcast %parallel_loop3A_298 : i32 to vector<16xi32>
        %parallel_loop3A_300 = arith.addi %parallel_loop3A_21, %parallel_loop3A_299 : vector<16xi32>
        %parallel_loop3A_301 = tpu.vector_load_idx %arg5[%parallel_loop3A_300] : memref<5664xf32, #tpu.memory_space<vmem>>[vector<16xi32>], vector<16xf32>,
        %parallel_loop3A_302 = arith.constant 16 : i32
        %parallel_loop3A_303 = arith.muli %parallel_loop3A_17, %parallel_loop3A_302 : i32
        %parallel_loop3A_304 = arith.constant 1 : i32
        %parallel_loop3A_305 = arith.constant 7 : i32
        %parallel_loop3A_306 = arith.index_cast %parallel_loop3A_304 : i32 to index
        %parallel_loop3A_307 = arith.index_cast %parallel_loop3A_305 : i32 to index
        %parallel_loop3A_308 = arith.index_cast %parallel_loop3A_303 : i32 to index
        %parallel_loop3A_309 = tpu.vector_load %arg7[%parallel_loop3A_306, %parallel_loop3A_307, %parallel_loop3A_308] {strides = array<i32>} : memref<3x16x1024xf32, #tpu.memory_space<vmem>>, vector<16xf32>,
        tpu.vector_store %arg7[%parallel_loop3A_306, %parallel_loop3A_307, %parallel_loop3A_308], %parallel_loop3A_301 {strides = array<i32>} : memref<3x16x1024xf32, #tpu.memory_space<vmem>>, vector<16xf32>,
        %parallel_loop3A_310 = arith.constant 2832 : i32
        %parallel_loop3A_311 = vector.broadcast %parallel_loop3A_310 : i32 to vector<16xi32>
        %parallel_loop3A_312 = arith.addi %parallel_loop3A_21, %parallel_loop3A_311 : vector<16xi32>
        %parallel_loop3A_313 = tpu.vector_load_idx %arg5[%parallel_loop3A_312] : memref<5664xf32, #tpu.memory_space<vmem>>[vector<16xi32>], vector<16xf32>,
        %parallel_loop3A_314 = arith.constant 16 : i32
        %parallel_loop3A_315 = arith.muli %parallel_loop3A_17, %parallel_loop3A_314 : i32
        %parallel_loop3A_316 = arith.constant 1 : i32
        %parallel_loop3A_317 = arith.constant 8 : i32
        %parallel_loop3A_318 = arith.index_cast %parallel_loop3A_316 : i32 to index
        %parallel_loop3A_319 = arith.index_cast %parallel_loop3A_317 : i32 to index
        %parallel_loop3A_320 = arith.index_cast %parallel_loop3A_315 : i32 to index
        %parallel_loop3A_321 = tpu.vector_load %arg7[%parallel_loop3A_318, %parallel_loop3A_319, %parallel_loop3A_320] {strides = array<i32>} : memref<3x16x1024xf32, #tpu.memory_space<vmem>>, vector<16xf32>,
        tpu.vector_store %arg7[%parallel_loop3A_318, %parallel_loop3A_319, %parallel_loop3A_320], %parallel_loop3A_313 {strides = array<i32>} : memref<3x16x1024xf32, #tpu.memory_space<vmem>>, vector<16xf32>,
        %parallel_loop3A_322 = arith.constant 2950 : i32
        %parallel_loop3A_323 = vector.broadcast %parallel_loop3A_322 : i32 to vector<16xi32>
        %parallel_loop3A_324 = arith.addi %parallel_loop3A_21, %parallel_loop3A_323 : vector<16xi32>
        %parallel_loop3A_325 = tpu.vector_load_idx %arg5[%parallel_loop3A_324] : memref<5664xf32, #tpu.memory_space<vmem>>[vector<16xi32>], vector<16xf32>,
        %parallel_loop3A_326 = arith.constant 16 : i32
        %parallel_loop3A_327 = arith.muli %parallel_loop3A_17, %parallel_loop3A_326 : i32
        %parallel_loop3A_328 = arith.constant 1 : i32
        %parallel_loop3A_329 = arith.constant 9 : i32
        %parallel_loop3A_330 = arith.index_cast %parallel_loop3A_328 : i32 to index
        %parallel_loop3A_331 = arith.index_cast %parallel_loop3A_329 : i32 to index
        %parallel_loop3A_332 = arith.index_cast %parallel_loop3A_327 : i32 to index
        %parallel_loop3A_333 = tpu.vector_load %arg7[%parallel_loop3A_330, %parallel_loop3A_331, %parallel_loop3A_332] {strides = array<i32>} : memref<3x16x1024xf32, #tpu.memory_space<vmem>>, vector<16xf32>,
        tpu.vector_store %arg7[%parallel_loop3A_330, %parallel_loop3A_331, %parallel_loop3A_332], %parallel_loop3A_325 {strides = array<i32>} : memref<3x16x1024xf32, #tpu.memory_space<vmem>>, vector<16xf32>,
        %parallel_loop3A_334 = arith.constant 3068 : i32
        %parallel_loop3A_335 = vector.broadcast %parallel_loop3A_334 : i32 to vector<16xi32>
        %parallel_loop3A_336 = arith.addi %parallel_loop3A_21, %parallel_loop3A_335 : vector<16xi32>
        %parallel_loop3A_337 = tpu.vector_load_idx %arg5[%parallel_loop3A_336] : memref<5664xf32, #tpu.memory_space<vmem>>[vector<16xi32>], vector<16xf32>,
        %parallel_loop3A_338 = arith.constant 16 : i32
        %parallel_loop3A_339 = arith.muli %parallel_loop3A_17, %parallel_loop3A_338 : i32
        %parallel_loop3A_340 = arith.constant 1 : i32
        %parallel_loop3A_341 = arith.constant 10 : i32
        %parallel_loop3A_342 = arith.index_cast %parallel_loop3A_340 : i32 to index
        %parallel_loop3A_343 = arith.index_cast %parallel_loop3A_341 : i32 to index
        %parallel_loop3A_344 = arith.index_cast %parallel_loop3A_339 : i32 to index
        %parallel_loop3A_345 = tpu.vector_load %arg7[%parallel_loop3A_342, %parallel_loop3A_343, %parallel_loop3A_344] {strides = array<i32>} : memref<3x16x1024xf32, #tpu.memory_space<vmem>>, vector<16xf32>,
        tpu.vector_store %arg7[%parallel_loop3A_342, %parallel_loop3A_343, %parallel_loop3A_344], %parallel_loop3A_337 {strides = array<i32>} : memref<3x16x1024xf32, #tpu.memory_space<vmem>>, vector<16xf32>,
        %parallel_loop3A_346 = arith.constant 3186 : i32
        %parallel_loop3A_347 = vector.broadcast %parallel_loop3A_346 : i32 to vector<16xi32>
        %parallel_loop3A_348 = arith.addi %parallel_loop3A_21, %parallel_loop3A_347 : vector<16xi32>
        %parallel_loop3A_349 = tpu.vector_load_idx %arg5[%parallel_loop3A_348] : memref<5664xf32, #tpu.memory_space<vmem>>[vector<16xi32>], vector<16xf32>,
        %parallel_loop3A_350 = arith.constant 16 : i32
        %parallel_loop3A_351 = arith.muli %parallel_loop3A_17, %parallel_loop3A_350 : i32
        %parallel_loop3A_352 = arith.constant 1 : i32
        %parallel_loop3A_353 = arith.constant 11 : i32
        %parallel_loop3A_354 = arith.index_cast %parallel_loop3A_352 : i32 to index
        %parallel_loop3A_355 = arith.index_cast %parallel_loop3A_353 : i32 to index
        %parallel_loop3A_356 = arith.index_cast %parallel_loop3A_351 : i32 to index
        %parallel_loop3A_357 = tpu.vector_load %arg7[%parallel_loop3A_354, %parallel_loop3A_355, %parallel_loop3A_356] {strides = array<i32>} : memref<3x16x1024xf32, #tpu.memory_space<vmem>>, vector<16xf32>,
        tpu.vector_store %arg7[%parallel_loop3A_354, %parallel_loop3A_355, %parallel_loop3A_356], %parallel_loop3A_349 {strides = array<i32>} : memref<3x16x1024xf32, #tpu.memory_space<vmem>>, vector<16xf32>,
        %parallel_loop3A_358 = arith.constant 3304 : i32
        %parallel_loop3A_359 = vector.broadcast %parallel_loop3A_358 : i32 to vector<16xi32>
        %parallel_loop3A_360 = arith.addi %parallel_loop3A_21, %parallel_loop3A_359 : vector<16xi32>
        %parallel_loop3A_361 = tpu.vector_load_idx %arg5[%parallel_loop3A_360] : memref<5664xf32, #tpu.memory_space<vmem>>[vector<16xi32>], vector<16xf32>,
        %parallel_loop3A_362 = arith.constant 16 : i32
        %parallel_loop3A_363 = arith.muli %parallel_loop3A_17, %parallel_loop3A_362 : i32
        %parallel_loop3A_364 = arith.constant 1 : i32
        %parallel_loop3A_365 = arith.constant 12 : i32
        %parallel_loop3A_366 = arith.index_cast %parallel_loop3A_364 : i32 to index
        %parallel_loop3A_367 = arith.index_cast %parallel_loop3A_365 : i32 to index
        %parallel_loop3A_368 = arith.index_cast %parallel_loop3A_363 : i32 to index
        %parallel_loop3A_369 = tpu.vector_load %arg7[%parallel_loop3A_366, %parallel_loop3A_367, %parallel_loop3A_368] {strides = array<i32>} : memref<3x16x1024xf32, #tpu.memory_space<vmem>>, vector<16xf32>,
        tpu.vector_store %arg7[%parallel_loop3A_366, %parallel_loop3A_367, %parallel_loop3A_368], %parallel_loop3A_361 {strides = array<i32>} : memref<3x16x1024xf32, #tpu.memory_space<vmem>>, vector<16xf32>,
        %parallel_loop3A_370 = arith.constant 3422 : i32
        %parallel_loop3A_371 = vector.broadcast %parallel_loop3A_370 : i32 to vector<16xi32>
        %parallel_loop3A_372 = arith.addi %parallel_loop3A_21, %parallel_loop3A_371 : vector<16xi32>
        %parallel_loop3A_373 = tpu.vector_load_idx %arg5[%parallel_loop3A_372] : memref<5664xf32, #tpu.memory_space<vmem>>[vector<16xi32>], vector<16xf32>,
        %parallel_loop3A_374 = arith.constant 16 : i32
        %parallel_loop3A_375 = arith.muli %parallel_loop3A_17, %parallel_loop3A_374 : i32
        %parallel_loop3A_376 = arith.constant 1 : i32
        %parallel_loop3A_377 = arith.constant 13 : i32
        %parallel_loop3A_378 = arith.index_cast %parallel_loop3A_376 : i32 to index
        %parallel_loop3A_379 = arith.index_cast %parallel_loop3A_377 : i32 to index
        %parallel_loop3A_380 = arith.index_cast %parallel_loop3A_375 : i32 to index
        %parallel_loop3A_381 = tpu.vector_load %arg7[%parallel_loop3A_378, %parallel_loop3A_379, %parallel_loop3A_380] {strides = array<i32>} : memref<3x16x1024xf32, #tpu.memory_space<vmem>>, vector<16xf32>,
        tpu.vector_store %arg7[%parallel_loop3A_378, %parallel_loop3A_379, %parallel_loop3A_380], %parallel_loop3A_373 {strides = array<i32>} : memref<3x16x1024xf32, #tpu.memory_space<vmem>>, vector<16xf32>,
        %parallel_loop3A_382 = arith.constant 3540 : i32
        %parallel_loop3A_383 = vector.broadcast %parallel_loop3A_382 : i32 to vector<16xi32>
        %parallel_loop3A_384 = arith.addi %parallel_loop3A_21, %parallel_loop3A_383 : vector<16xi32>
        %parallel_loop3A_385 = tpu.vector_load_idx %arg5[%parallel_loop3A_384] : memref<5664xf32, #tpu.memory_space<vmem>>[vector<16xi32>], vector<16xf32>,
        %parallel_loop3A_386 = arith.constant 16 : i32
        %parallel_loop3A_387 = arith.muli %parallel_loop3A_17, %parallel_loop3A_386 : i32
        %parallel_loop3A_388 = arith.constant 1 : i32
        %parallel_loop3A_389 = arith.constant 14 : i32
        %parallel_loop3A_390 = arith.index_cast %parallel_loop3A_388 : i32 to index
        %parallel_loop3A_391 = arith.index_cast %parallel_loop3A_389 : i32 to index
        %parallel_loop3A_392 = arith.index_cast %parallel_loop3A_387 : i32 to index
        %parallel_loop3A_393 = tpu.vector_load %arg7[%parallel_loop3A_390, %parallel_loop3A_391, %parallel_loop3A_392] {strides = array<i32>} : memref<3x16x1024xf32, #tpu.memory_space<vmem>>, vector<16xf32>,
        tpu.vector_store %arg7[%parallel_loop3A_390, %parallel_loop3A_391, %parallel_loop3A_392], %parallel_loop3A_385 {strides = array<i32>} : memref<3x16x1024xf32, #tpu.memory_space<vmem>>, vector<16xf32>,
        %parallel_loop3A_394 = arith.constant 3658 : i32
        %parallel_loop3A_395 = vector.broadcast %parallel_loop3A_394 : i32 to vector<16xi32>
        %parallel_loop3A_396 = arith.addi %parallel_loop3A_21, %parallel_loop3A_395 : vector<16xi32>
        %parallel_loop3A_397 = tpu.vector_load_idx %arg5[%parallel_loop3A_396] : memref<5664xf32, #tpu.memory_space<vmem>>[vector<16xi32>], vector<16xf32>,
        %parallel_loop3A_398 = arith.constant 16 : i32
        %parallel_loop3A_399 = arith.muli %parallel_loop3A_17, %parallel_loop3A_398 : i32
        %parallel_loop3A_400 = arith.constant 1 : i32
        %parallel_loop3A_401 = arith.constant 15 : i32
        %parallel_loop3A_402 = arith.index_cast %parallel_loop3A_400 : i32 to index
        %parallel_loop3A_403 = arith.index_cast %parallel_loop3A_401 : i32 to index
        %parallel_loop3A_404 = arith.index_cast %parallel_loop3A_399 : i32 to index
        %parallel_loop3A_405 = tpu.vector_load %arg7[%parallel_loop3A_402, %parallel_loop3A_403, %parallel_loop3A_404] {strides = array<i32>} : memref<3x16x1024xf32, #tpu.memory_space<vmem>>, vector<16xf32>,
        tpu.vector_store %arg7[%parallel_loop3A_402, %parallel_loop3A_403, %parallel_loop3A_404], %parallel_loop3A_397 {strides = array<i32>} : memref<3x16x1024xf32, #tpu.memory_space<vmem>>, vector<16xf32>,
        %parallel_loop3A_406 = arith.constant 3776 : i32
        %parallel_loop3A_407 = vector.broadcast %parallel_loop3A_406 : i32 to vector<16xi32>
        %parallel_loop3A_408 = arith.addi %parallel_loop3A_21, %parallel_loop3A_407 : vector<16xi32>
        %parallel_loop3A_409 = tpu.vector_load_idx %arg5[%parallel_loop3A_408] : memref<5664xf32, #tpu.memory_space<vmem>>[vector<16xi32>], vector<16xf32>,
        %parallel_loop3A_410 = arith.constant 16 : i32
        %parallel_loop3A_411 = arith.muli %parallel_loop3A_17, %parallel_loop3A_410 : i32
        %parallel_loop3A_412 = arith.constant 2 : i32
        %parallel_loop3A_413 = arith.constant 0 : i32
        %parallel_loop3A_414 = arith.index_cast %parallel_loop3A_412 : i32 to index
        %parallel_loop3A_415 = arith.index_cast %parallel_loop3A_413 : i32 to index
        %parallel_loop3A_416 = arith.index_cast %parallel_loop3A_411 : i32 to index
        %parallel_loop3A_417 = tpu.vector_load %arg7[%parallel_loop3A_414, %parallel_loop3A_415, %parallel_loop3A_416] {strides = array<i32>} : memref<3x16x1024xf32, #tpu.memory_space<vmem>>, vector<16xf32>,
        tpu.vector_store %arg7[%parallel_loop3A_414, %parallel_loop3A_415, %parallel_loop3A_416], %parallel_loop3A_409 {strides = array<i32>} : memref<3x16x1024xf32, #tpu.memory_space<vmem>>, vector<16xf32>,
        %parallel_loop3A_418 = arith.constant 3894 : i32
        %parallel_loop3A_419 = vector.broadcast %parallel_loop3A_418 : i32 to vector<16xi32>
        %parallel_loop3A_420 = arith.addi %parallel_loop3A_21, %parallel_loop3A_419 : vector<16xi32>
        %parallel_loop3A_421 = tpu.vector_load_idx %arg5[%parallel_loop3A_420] : memref<5664xf32, #tpu.memory_space<vmem>>[vector<16xi32>], vector<16xf32>,
        %parallel_loop3A_422 = arith.constant 16 : i32
        %parallel_loop3A_423 = arith.muli %parallel_loop3A_17, %parallel_loop3A_422 : i32
        %parallel_loop3A_424 = arith.constant 2 : i32
        %parallel_loop3A_425 = arith.constant 1 : i32
        %parallel_loop3A_426 = arith.index_cast %parallel_loop3A_424 : i32 to index
        %parallel_loop3A_427 = arith.index_cast %parallel_loop3A_425 : i32 to index
        %parallel_loop3A_428 = arith.index_cast %parallel_loop3A_423 : i32 to index
        %parallel_loop3A_429 = tpu.vector_load %arg7[%parallel_loop3A_426, %parallel_loop3A_427, %parallel_loop3A_428] {strides = array<i32>} : memref<3x16x1024xf32, #tpu.memory_space<vmem>>, vector<16xf32>,
        tpu.vector_store %arg7[%parallel_loop3A_426, %parallel_loop3A_427, %parallel_loop3A_428], %parallel_loop3A_421 {strides = array<i32>} : memref<3x16x1024xf32, #tpu.memory_space<vmem>>, vector<16xf32>,
        %parallel_loop3A_430 = arith.constant 4012 : i32
        %parallel_loop3A_431 = vector.broadcast %parallel_loop3A_430 : i32 to vector<16xi32>
        %parallel_loop3A_432 = arith.addi %parallel_loop3A_21, %parallel_loop3A_431 : vector<16xi32>
        %parallel_loop3A_433 = tpu.vector_load_idx %arg5[%parallel_loop3A_432] : memref<5664xf32, #tpu.memory_space<vmem>>[vector<16xi32>], vector<16xf32>,
        %parallel_loop3A_434 = arith.constant 16 : i32
        %parallel_loop3A_435 = arith.muli %parallel_loop3A_17, %parallel_loop3A_434 : i32
        %parallel_loop3A_436 = arith.constant 2 : i32
        %parallel_loop3A_437 = arith.constant 2 : i32
        %parallel_loop3A_438 = arith.index_cast %parallel_loop3A_436 : i32 to index
        %parallel_loop3A_439 = arith.index_cast %parallel_loop3A_437 : i32 to index
        %parallel_loop3A_440 = arith.index_cast %parallel_loop3A_435 : i32 to index
        %parallel_loop3A_441 = tpu.vector_load %arg7[%parallel_loop3A_438, %parallel_loop3A_439, %parallel_loop3A_440] {strides = array<i32>} : memref<3x16x1024xf32, #tpu.memory_space<vmem>>, vector<16xf32>,
        tpu.vector_store %arg7[%parallel_loop3A_438, %parallel_loop3A_439, %parallel_loop3A_440], %parallel_loop3A_433 {strides = array<i32>} : memref<3x16x1024xf32, #tpu.memory_space<vmem>>, vector<16xf32>,
        %parallel_loop3A_442 = arith.constant 4130 : i32
        %parallel_loop3A_443 = vector.broadcast %parallel_loop3A_442 : i32 to vector<16xi32>
        %parallel_loop3A_444 = arith.addi %parallel_loop3A_21, %parallel_loop3A_443 : vector<16xi32>
        %parallel_loop3A_445 = tpu.vector_load_idx %arg5[%parallel_loop3A_444] : memref<5664xf32, #tpu.memory_space<vmem>>[vector<16xi32>], vector<16xf32>,
        %parallel_loop3A_446 = arith.constant 16 : i32
        %parallel_loop3A_447 = arith.muli %parallel_loop3A_17, %parallel_loop3A_446 : i32
        %parallel_loop3A_448 = arith.constant 2 : i32
        %parallel_loop3A_449 = arith.constant 3 : i32
        %parallel_loop3A_450 = arith.index_cast %parallel_loop3A_448 : i32 to index
        %parallel_loop3A_451 = arith.index_cast %parallel_loop3A_449 : i32 to index
        %parallel_loop3A_452 = arith.index_cast %parallel_loop3A_447 : i32 to index
        %parallel_loop3A_453 = tpu.vector_load %arg7[%parallel_loop3A_450, %parallel_loop3A_451, %parallel_loop3A_452] {strides = array<i32>} : memref<3x16x1024xf32, #tpu.memory_space<vmem>>, vector<16xf32>,
        tpu.vector_store %arg7[%parallel_loop3A_450, %parallel_loop3A_451, %parallel_loop3A_452], %parallel_loop3A_445 {strides = array<i32>} : memref<3x16x1024xf32, #tpu.memory_space<vmem>>, vector<16xf32>,
        %parallel_loop3A_454 = arith.constant 4248 : i32
        %parallel_loop3A_455 = vector.broadcast %parallel_loop3A_454 : i32 to vector<16xi32>
        %parallel_loop3A_456 = arith.addi %parallel_loop3A_21, %parallel_loop3A_455 : vector<16xi32>
        %parallel_loop3A_457 = tpu.vector_load_idx %arg5[%parallel_loop3A_456] : memref<5664xf32, #tpu.memory_space<vmem>>[vector<16xi32>], vector<16xf32>,
        %parallel_loop3A_458 = arith.constant 16 : i32
        %parallel_loop3A_459 = arith.muli %parallel_loop3A_17, %parallel_loop3A_458 : i32
        %parallel_loop3A_460 = arith.constant 2 : i32
        %parallel_loop3A_461 = arith.constant 4 : i32
        %parallel_loop3A_462 = arith.index_cast %parallel_loop3A_460 : i32 to index
        %parallel_loop3A_463 = arith.index_cast %parallel_loop3A_461 : i32 to index
        %parallel_loop3A_464 = arith.index_cast %parallel_loop3A_459 : i32 to index
        %parallel_loop3A_465 = tpu.vector_load %arg7[%parallel_loop3A_462, %parallel_loop3A_463, %parallel_loop3A_464] {strides = array<i32>} : memref<3x16x1024xf32, #tpu.memory_space<vmem>>, vector<16xf32>,
        tpu.vector_store %arg7[%parallel_loop3A_462, %parallel_loop3A_463, %parallel_loop3A_464], %parallel_loop3A_457 {strides = array<i32>} : memref<3x16x1024xf32, #tpu.memory_space<vmem>>, vector<16xf32>,
        %parallel_loop3A_466 = arith.constant 4366 : i32
        %parallel_loop3A_467 = vector.broadcast %parallel_loop3A_466 : i32 to vector<16xi32>
        %parallel_loop3A_468 = arith.addi %parallel_loop3A_21, %parallel_loop3A_467 : vector<16xi32>
        %parallel_loop3A_469 = tpu.vector_load_idx %arg5[%parallel_loop3A_468] : memref<5664xf32, #tpu.memory_space<vmem>>[vector<16xi32>], vector<16xf32>,
        %parallel_loop3A_470 = arith.constant 16 : i32
        %parallel_loop3A_471 = arith.muli %parallel_loop3A_17, %parallel_loop3A_470 : i32
        %parallel_loop3A_472 = arith.constant 2 : i32
        %parallel_loop3A_473 = arith.constant 5 : i32
        %parallel_loop3A_474 = arith.index_cast %parallel_loop3A_472 : i32 to index
        %parallel_loop3A_475 = arith.index_cast %parallel_loop3A_473 : i32 to index
        %parallel_loop3A_476 = arith.index_cast %parallel_loop3A_471 : i32 to index
        %parallel_loop3A_477 = tpu.vector_load %arg7[%parallel_loop3A_474, %parallel_loop3A_475, %parallel_loop3A_476] {strides = array<i32>} : memref<3x16x1024xf32, #tpu.memory_space<vmem>>, vector<16xf32>,
        tpu.vector_store %arg7[%parallel_loop3A_474, %parallel_loop3A_475, %parallel_loop3A_476], %parallel_loop3A_469 {strides = array<i32>} : memref<3x16x1024xf32, #tpu.memory_space<vmem>>, vector<16xf32>,
        %parallel_loop3A_478 = arith.constant 4484 : i32
        %parallel_loop3A_479 = vector.broadcast %parallel_loop3A_478 : i32 to vector<16xi32>
        %parallel_loop3A_480 = arith.addi %parallel_loop3A_21, %parallel_loop3A_479 : vector<16xi32>
        %parallel_loop3A_481 = tpu.vector_load_idx %arg5[%parallel_loop3A_480] : memref<5664xf32, #tpu.memory_space<vmem>>[vector<16xi32>], vector<16xf32>,
        %parallel_loop3A_482 = arith.constant 16 : i32
        %parallel_loop3A_483 = arith.muli %parallel_loop3A_17, %parallel_loop3A_482 : i32
        %parallel_loop3A_484 = arith.constant 2 : i32
        %parallel_loop3A_485 = arith.constant 6 : i32
        %parallel_loop3A_486 = arith.index_cast %parallel_loop3A_484 : i32 to index
        %parallel_loop3A_487 = arith.index_cast %parallel_loop3A_485 : i32 to index
        %parallel_loop3A_488 = arith.index_cast %parallel_loop3A_483 : i32 to index
        %parallel_loop3A_489 = tpu.vector_load %arg7[%parallel_loop3A_486, %parallel_loop3A_487, %parallel_loop3A_488] {strides = array<i32>} : memref<3x16x1024xf32, #tpu.memory_space<vmem>>, vector<16xf32>,
        tpu.vector_store %arg7[%parallel_loop3A_486, %parallel_loop3A_487, %parallel_loop3A_488], %parallel_loop3A_481 {strides = array<i32>} : memref<3x16x1024xf32, #tpu.memory_space<vmem>>, vector<16xf32>,
        %parallel_loop3A_490 = arith.constant 4602 : i32
        %parallel_loop3A_491 = vector.broadcast %parallel_loop3A_490 : i32 to vector<16xi32>
        %parallel_loop3A_492 = arith.addi %parallel_loop3A_21, %parallel_loop3A_491 : vector<16xi32>
        %parallel_loop3A_493 = tpu.vector_load_idx %arg5[%parallel_loop3A_492] : memref<5664xf32, #tpu.memory_space<vmem>>[vector<16xi32>], vector<16xf32>,
        %parallel_loop3A_494 = arith.constant 16 : i32
        %parallel_loop3A_495 = arith.muli %parallel_loop3A_17, %parallel_loop3A_494 : i32
        %parallel_loop3A_496 = arith.constant 2 : i32
        %parallel_loop3A_497 = arith.constant 7 : i32
        %parallel_loop3A_498 = arith.index_cast %parallel_loop3A_496 : i32 to index
        %parallel_loop3A_499 = arith.index_cast %parallel_loop3A_497 : i32 to index
        %parallel_loop3A_500 = arith.index_cast %parallel_loop3A_495 : i32 to index
        %parallel_loop3A_501 = tpu.vector_load %arg7[%parallel_loop3A_498, %parallel_loop3A_499, %parallel_loop3A_500] {strides = array<i32>} : memref<3x16x1024xf32, #tpu.memory_space<vmem>>, vector<16xf32>,
        tpu.vector_store %arg7[%parallel_loop3A_498, %parallel_loop3A_499, %parallel_loop3A_500], %parallel_loop3A_493 {strides = array<i32>} : memref<3x16x1024xf32, #tpu.memory_space<vmem>>, vector<16xf32>,
        %parallel_loop3A_502 = arith.constant 4720 : i32
        %parallel_loop3A_503 = vector.broadcast %parallel_loop3A_502 : i32 to vector<16xi32>
        %parallel_loop3A_504 = arith.addi %parallel_loop3A_21, %parallel_loop3A_503 : vector<16xi32>
        %parallel_loop3A_505 = tpu.vector_load_idx %arg5[%parallel_loop3A_504] : memref<5664xf32, #tpu.memory_space<vmem>>[vector<16xi32>], vector<16xf32>,
        %parallel_loop3A_506 = arith.constant 16 : i32
        %parallel_loop3A_507 = arith.muli %parallel_loop3A_17, %parallel_loop3A_506 : i32
        %parallel_loop3A_508 = arith.constant 2 : i32
        %parallel_loop3A_509 = arith.constant 8 : i32
        %parallel_loop3A_510 = arith.index_cast %parallel_loop3A_508 : i32 to index
        %parallel_loop3A_511 = arith.index_cast %parallel_loop3A_509 : i32 to index
        %parallel_loop3A_512 = arith.index_cast %parallel_loop3A_507 : i32 to index
        %parallel_loop3A_513 = tpu.vector_load %arg7[%parallel_loop3A_510, %parallel_loop3A_511, %parallel_loop3A_512] {strides = array<i32>} : memref<3x16x1024xf32, #tpu.memory_space<vmem>>, vector<16xf32>,
        tpu.vector_store %arg7[%parallel_loop3A_510, %parallel_loop3A_511, %parallel_loop3A_512], %parallel_loop3A_505 {strides = array<i32>} : memref<3x16x1024xf32, #tpu.memory_space<vmem>>, vector<16xf32>,
        %parallel_loop3A_514 = arith.constant 4838 : i32
        %parallel_loop3A_515 = vector.broadcast %parallel_loop3A_514 : i32 to vector<16xi32>
        %parallel_loop3A_516 = arith.addi %parallel_loop3A_21, %parallel_loop3A_515 : vector<16xi32>
        %parallel_loop3A_517 = tpu.vector_load_idx %arg5[%parallel_loop3A_516] : memref<5664xf32, #tpu.memory_space<vmem>>[vector<16xi32>], vector<16xf32>,
        %parallel_loop3A_518 = arith.constant 16 : i32
        %parallel_loop3A_519 = arith.muli %parallel_loop3A_17, %parallel_loop3A_518 : i32
        %parallel_loop3A_520 = arith.constant 2 : i32
        %parallel_loop3A_521 = arith.constant 9 : i32
        %parallel_loop3A_522 = arith.index_cast %parallel_loop3A_520 : i32 to index
        %parallel_loop3A_523 = arith.index_cast %parallel_loop3A_521 : i32 to index
        %parallel_loop3A_524 = arith.index_cast %parallel_loop3A_519 : i32 to index
        %parallel_loop3A_525 = tpu.vector_load %arg7[%parallel_loop3A_522, %parallel_loop3A_523, %parallel_loop3A_524] {strides = array<i32>} : memref<3x16x1024xf32, #tpu.memory_space<vmem>>, vector<16xf32>,
        tpu.vector_store %arg7[%parallel_loop3A_522, %parallel_loop3A_523, %parallel_loop3A_524], %parallel_loop3A_517 {strides = array<i32>} : memref<3x16x1024xf32, #tpu.memory_space<vmem>>, vector<16xf32>,
        %parallel_loop3A_526 = arith.constant 4956 : i32
        %parallel_loop3A_527 = vector.broadcast %parallel_loop3A_526 : i32 to vector<16xi32>
        %parallel_loop3A_528 = arith.addi %parallel_loop3A_21, %parallel_loop3A_527 : vector<16xi32>
        %parallel_loop3A_529 = tpu.vector_load_idx %arg5[%parallel_loop3A_528] : memref<5664xf32, #tpu.memory_space<vmem>>[vector<16xi32>], vector<16xf32>,
        %parallel_loop3A_530 = arith.constant 16 : i32
        %parallel_loop3A_531 = arith.muli %parallel_loop3A_17, %parallel_loop3A_530 : i32
        %parallel_loop3A_532 = arith.constant 2 : i32
        %parallel_loop3A_533 = arith.constant 10 : i32
        %parallel_loop3A_534 = arith.index_cast %parallel_loop3A_532 : i32 to index
        %parallel_loop3A_535 = arith.index_cast %parallel_loop3A_533 : i32 to index
        %parallel_loop3A_536 = arith.index_cast %parallel_loop3A_531 : i32 to index
        %parallel_loop3A_537 = tpu.vector_load %arg7[%parallel_loop3A_534, %parallel_loop3A_535, %parallel_loop3A_536] {strides = array<i32>} : memref<3x16x1024xf32, #tpu.memory_space<vmem>>, vector<16xf32>,
        tpu.vector_store %arg7[%parallel_loop3A_534, %parallel_loop3A_535, %parallel_loop3A_536], %parallel_loop3A_529 {strides = array<i32>} : memref<3x16x1024xf32, #tpu.memory_space<vmem>>, vector<16xf32>,
        %parallel_loop3A_538 = arith.constant 5074 : i32
        %parallel_loop3A_539 = vector.broadcast %parallel_loop3A_538 : i32 to vector<16xi32>
        %parallel_loop3A_540 = arith.addi %parallel_loop3A_21, %parallel_loop3A_539 : vector<16xi32>
        %parallel_loop3A_541 = tpu.vector_load_idx %arg5[%parallel_loop3A_540] : memref<5664xf32, #tpu.memory_space<vmem>>[vector<16xi32>], vector<16xf32>,
        %parallel_loop3A_542 = arith.constant 16 : i32
        %parallel_loop3A_543 = arith.muli %parallel_loop3A_17, %parallel_loop3A_542 : i32
        %parallel_loop3A_544 = arith.constant 2 : i32
        %parallel_loop3A_545 = arith.constant 11 : i32
        %parallel_loop3A_546 = arith.index_cast %parallel_loop3A_544 : i32 to index
        %parallel_loop3A_547 = arith.index_cast %parallel_loop3A_545 : i32 to index
        %parallel_loop3A_548 = arith.index_cast %parallel_loop3A_543 : i32 to index
        %parallel_loop3A_549 = tpu.vector_load %arg7[%parallel_loop3A_546, %parallel_loop3A_547, %parallel_loop3A_548] {strides = array<i32>} : memref<3x16x1024xf32, #tpu.memory_space<vmem>>, vector<16xf32>,
        tpu.vector_store %arg7[%parallel_loop3A_546, %parallel_loop3A_547, %parallel_loop3A_548], %parallel_loop3A_541 {strides = array<i32>} : memref<3x16x1024xf32, #tpu.memory_space<vmem>>, vector<16xf32>,
        %parallel_loop3A_550 = arith.constant 5192 : i32
        %parallel_loop3A_551 = vector.broadcast %parallel_loop3A_550 : i32 to vector<16xi32>
        %parallel_loop3A_552 = arith.addi %parallel_loop3A_21, %parallel_loop3A_551 : vector<16xi32>
        %parallel_loop3A_553 = tpu.vector_load_idx %arg5[%parallel_loop3A_552] : memref<5664xf32, #tpu.memory_space<vmem>>[vector<16xi32>], vector<16xf32>,
        %parallel_loop3A_554 = arith.constant 16 : i32
        %parallel_loop3A_555 = arith.muli %parallel_loop3A_17, %parallel_loop3A_554 : i32
        %parallel_loop3A_556 = arith.constant 2 : i32
        %parallel_loop3A_557 = arith.constant 12 : i32
        %parallel_loop3A_558 = arith.index_cast %parallel_loop3A_556 : i32 to index
        %parallel_loop3A_559 = arith.index_cast %parallel_loop3A_557 : i32 to index
        %parallel_loop3A_560 = arith.index_cast %parallel_loop3A_555 : i32 to index
        %parallel_loop3A_561 = tpu.vector_load %arg7[%parallel_loop3A_558, %parallel_loop3A_559, %parallel_loop3A_560] {strides = array<i32>} : memref<3x16x1024xf32, #tpu.memory_space<vmem>>, vector<16xf32>,
        tpu.vector_store %arg7[%parallel_loop3A_558, %parallel_loop3A_559, %parallel_loop3A_560], %parallel_loop3A_553 {strides = array<i32>} : memref<3x16x1024xf32, #tpu.memory_space<vmem>>, vector<16xf32>,
        %parallel_loop3A_562 = arith.constant 5310 : i32
        %parallel_loop3A_563 = vector.broadcast %parallel_loop3A_562 : i32 to vector<16xi32>
        %parallel_loop3A_564 = arith.addi %parallel_loop3A_21, %parallel_loop3A_563 : vector<16xi32>
        %parallel_loop3A_565 = tpu.vector_load_idx %arg5[%parallel_loop3A_564] : memref<5664xf32, #tpu.memory_space<vmem>>[vector<16xi32>], vector<16xf32>,
        %parallel_loop3A_566 = arith.constant 16 : i32
        %parallel_loop3A_567 = arith.muli %parallel_loop3A_17, %parallel_loop3A_566 : i32
        %parallel_loop3A_568 = arith.constant 2 : i32
        %parallel_loop3A_569 = arith.constant 13 : i32
        %parallel_loop3A_570 = arith.index_cast %parallel_loop3A_568 : i32 to index
        %parallel_loop3A_571 = arith.index_cast %parallel_loop3A_569 : i32 to index
        %parallel_loop3A_572 = arith.index_cast %parallel_loop3A_567 : i32 to index
        %parallel_loop3A_573 = tpu.vector_load %arg7[%parallel_loop3A_570, %parallel_loop3A_571, %parallel_loop3A_572] {strides = array<i32>} : memref<3x16x1024xf32, #tpu.memory_space<vmem>>, vector<16xf32>,
        tpu.vector_store %arg7[%parallel_loop3A_570, %parallel_loop3A_571, %parallel_loop3A_572], %parallel_loop3A_565 {strides = array<i32>} : memref<3x16x1024xf32, #tpu.memory_space<vmem>>, vector<16xf32>,
        %parallel_loop3A_574 = arith.constant 5428 : i32
        %parallel_loop3A_575 = vector.broadcast %parallel_loop3A_574 : i32 to vector<16xi32>
        %parallel_loop3A_576 = arith.addi %parallel_loop3A_21, %parallel_loop3A_575 : vector<16xi32>
        %parallel_loop3A_577 = tpu.vector_load_idx %arg5[%parallel_loop3A_576] : memref<5664xf32, #tpu.memory_space<vmem>>[vector<16xi32>], vector<16xf32>,
        %parallel_loop3A_578 = arith.constant 16 : i32
        %parallel_loop3A_579 = arith.muli %parallel_loop3A_17, %parallel_loop3A_578 : i32
        %parallel_loop3A_580 = arith.constant 2 : i32
        %parallel_loop3A_581 = arith.constant 14 : i32
        %parallel_loop3A_582 = arith.index_cast %parallel_loop3A_580 : i32 to index
        %parallel_loop3A_583 = arith.index_cast %parallel_loop3A_581 : i32 to index
        %parallel_loop3A_584 = arith.index_cast %parallel_loop3A_579 : i32 to index
        %parallel_loop3A_585 = tpu.vector_load %arg7[%parallel_loop3A_582, %parallel_loop3A_583, %parallel_loop3A_584] {strides = array<i32>} : memref<3x16x1024xf32, #tpu.memory_space<vmem>>, vector<16xf32>,
        tpu.vector_store %arg7[%parallel_loop3A_582, %parallel_loop3A_583, %parallel_loop3A_584], %parallel_loop3A_577 {strides = array<i32>} : memref<3x16x1024xf32, #tpu.memory_space<vmem>>, vector<16xf32>,
        %parallel_loop3A_586 = arith.constant 5546 : i32
        %parallel_loop3A_587 = vector.broadcast %parallel_loop3A_586 : i32 to vector<16xi32>
        %parallel_loop3A_588 = arith.addi %parallel_loop3A_21, %parallel_loop3A_587 : vector<16xi32>
        %parallel_loop3A_589 = tpu.vector_load_idx %arg5[%parallel_loop3A_588] : memref<5664xf32, #tpu.memory_space<vmem>>[vector<16xi32>], vector<16xf32>,
        %parallel_loop3A_590 = arith.constant 16 : i32
        %parallel_loop3A_591 = arith.muli %parallel_loop3A_17, %parallel_loop3A_590 : i32
        %parallel_loop3A_592 = arith.constant 2 : i32
        %parallel_loop3A_593 = arith.constant 15 : i32
        %parallel_loop3A_594 = arith.index_cast %parallel_loop3A_592 : i32 to index
        %parallel_loop3A_595 = arith.index_cast %parallel_loop3A_593 : i32 to index
        %parallel_loop3A_596 = arith.index_cast %parallel_loop3A_591 : i32 to index
        %parallel_loop3A_597 = tpu.vector_load %arg7[%parallel_loop3A_594, %parallel_loop3A_595, %parallel_loop3A_596] {strides = array<i32>} : memref<3x16x1024xf32, #tpu.memory_space<vmem>>, vector<16xf32>,
        tpu.vector_store %arg7[%parallel_loop3A_594, %parallel_loop3A_595, %parallel_loop3A_596], %parallel_loop3A_589 {strides = array<i32>} : memref<3x16x1024xf32, #tpu.memory_space<vmem>>, vector<16xf32>,
      } {sc.loop_unroll_factor = 2 : i64, sc.parallel_access}
      "tpu.region"() ({
        %run_scoped3A = tpu.sem_alloc : memref<!tpu.dma_semaphore, #tpu.memory_space<semaphore_mem>>
        %dma_start3A = arith.constant 0 : i32
        %dma_start3A_17 = arith.constant 0 : i32
        %dma_start3A_18 = arith.constant 0 : i32
        %dma_start3A_19 = tpu.memref_slice %arg7[%dma_start3A, %dma_start3A_17, %dma_start3A_18] : memref<3x16x1024xf32, #tpu.memory_space<vmem>> -> memref<3x16x128xf32, #tpu.memory_space<vmem>>
        %dma_start3A_20 = arith.constant 0 : i32
        %dma_start3A_21 = arith.constant 0 : i32
        %dma_start3A_22 = arith.constant 1999872 : i32
        %dma_start3A_23 = tpu.memref_slice %arg4[%dma_start3A_20, %dma_start3A_21, %dma_start3A_22] : memref<3x16x2000000xf32, #tpu.memory_space<hbm>> -> memref<3x16x128xf32, #tpu.memory_space<hbm>>
        %dma_start3A_24 = arith.constant 0 : i32
        %dma_start3A_25 = arith.constant 0 : i32
        %dma_start3A_26 = arith.constant 1999872 : i32
        %dma_start3A_27 = tpu.memref_slice %arg4[%dma_start3A_24, %dma_start3A_25, %dma_start3A_26] : memref<3x16x2000000xf32, #tpu.memory_space<hbm>> -> memref<3x16x128xf32, #tpu.memory_space<hbm>>
        %dma_start3A_28 = arith.constant 0 : i32
        %dma_start3A_29 = arith.constant 0 : i32
        %dma_start3A_30 = arith.constant 0 : i32
        %dma_start3A_31 = tpu.memref_slice %arg7[%dma_start3A_28, %dma_start3A_29, %dma_start3A_30] : memref<3x16x1024xf32, #tpu.memory_space<vmem>> -> memref<3x16x128xf32, #tpu.memory_space<vmem>>
        tpu.enqueue_dma source(%dma_start3A_31 : memref<3x16x128xf32, #tpu.memory_space<vmem>>) target(%dma_start3A_27 : memref<3x16x128xf32, #tpu.memory_space<hbm>>) target_semaphore(%run_scoped3A : memref<!tpu.dma_semaphore, #tpu.memory_space<semaphore_mem>>)
        %dma_wait3A = arith.constant 0 : i32
        %dma_wait3A_32 = arith.constant 0 : i32
        %dma_wait3A_33 = arith.constant 0 : i32
        %dma_wait3A_34 = tpu.memref_slice %arg7[%dma_wait3A, %dma_wait3A_32, %dma_wait3A_33] : memref<3x16x1024xf32, #tpu.memory_space<vmem>> -> memref<3x16x128xf32, #tpu.memory_space<vmem>>
        %dma_wait3A_35 = arith.constant 0 : i32
        %dma_wait3A_36 = arith.constant 0 : i32
        %dma_wait3A_37 = arith.constant 1999872 : i32
        %dma_wait3A_38 = tpu.memref_slice %arg4[%dma_wait3A_35, %dma_wait3A_36, %dma_wait3A_37] : memref<3x16x2000000xf32, #tpu.memory_space<hbm>> -> memref<3x16x128xf32, #tpu.memory_space<hbm>>
        %dma_wait3A_39 = arith.constant 0 : i32
        %dma_wait3A_40 = arith.constant 0 : i32
        %dma_wait3A_41 = arith.constant 1999872 : i32
        %dma_wait3A_42 = tpu.memref_slice %arg4[%dma_wait3A_39, %dma_wait3A_40, %dma_wait3A_41] : memref<3x16x2000000xf32, #tpu.memory_space<hbm>> -> memref<3x16x128xf32, #tpu.memory_space<hbm>>
        %dma_wait3A_43 = arith.constant 0 : i32
        %dma_wait3A_44 = arith.constant 0 : i32
        %dma_wait3A_45 = arith.constant 0 : i32
        %dma_wait3A_46 = tpu.memref_slice %arg7[%dma_wait3A_43, %dma_wait3A_44, %dma_wait3A_45] : memref<3x16x1024xf32, #tpu.memory_space<vmem>> -> memref<3x16x128xf32, #tpu.memory_space<vmem>>
        tpu.wait_dma2 semaphore(%run_scoped3A : memref<!tpu.dma_semaphore, #tpu.memory_space<semaphore_mem>>) src(%dma_wait3A_46 : memref<3x16x128xf32, #tpu.memory_space<vmem>>) dst(%dma_wait3A_42 : memref<3x16x128xf32, #tpu.memory_space<hbm>>)
        tpu.yield
      }) : () -> ()
    } else {
    }
    return
  }
}

</mosaic_0001>

<sc_bundles>
// kernel: kernel.3.cloned.1.call-start
scs
__scs_entry_jumppad:
0x0: {  	(pc) =	sbr.rel $0x88, $3  }
0x1: {  	(tag) =	ssettag $0x0;
	lr =	simm.s32 $0x1  }
0x2: {  	[smem:$0x3F9F] =	sst lr;
	_ =	strace $0xD0000000  }
0x3: {  	_ = 	snop  }
0x4: {  	_ = 	snop  }
0x5: {  	_ = 	snop  }
0x6: {  	_ = 	snop  }
0x7: {  	_ = 	snop  }
__scs_overlays_trampoline_lowered:
0x8: {  	[smem:$0x3FAE] =	sst s0  }
0x9: {  	[smem:$0x3FAF] =	sst s1  }
0xa: {  	[smem:$0x3FB0] =	sst s2  }
0xb: {  	[smem:$0x3FB1] =	sst s3  }
0xc: {  	[smem:$0x3FB2] =	sst s4  }
0xd: {  	[smem:$0x3FB3] =	sst s5  }
0xe: {  	[smem:$0x3FB4] =	sst s6  }
0xf: {  	[smem:$0x3FB5] =	sst s7  }
0x10: {  	[smem:$0x3FB6] =	sst s8  }
0x11: {  	[smem:$0x3FB7] =	sst s9;
	s0 =	simm.s32 @!p0 $0x0  }
0x12: {  	s1 =	sld [smem:$0x3F9D];
	s0 =	simm.s32 @p0 $0x1  }
0x13: {  	[smem:$0x3FB8] =	sst s0;
	s0 =	simm.s32 @!p1 $0x0  }
0x14: {  	s2 =	sld [smem:$0x3F9C];
	s0 =	simm.s32 @p1 $0x1  }
0x15: {  	[smem:$0x3FB9] =	sst s0;
	s0 =	simm.s32 @!p2 $0x0  }
0x16: {  	s3 =	sld [smem:$0x3FDB];
	s0 =	simm.s32 @p2 $0x1  }
0x17: {  	s4 =	simm.s32 $0x1BF5;
	[smem:$0x3FBB] =	sst s0  }
0x18: {  	s0 =	sld [smem:$0x3F9E];
	_ =	swait.ge [sflag:s4], $0x0  }
0x19: {  	s7 =	sld [smem:$0x3F9F]  }
0x1a: {  	s8 =	sadd.s32 $0xFFFFE003, lr  }
0x1b: {  	s9 =	sadd.s32 $0xFFFFFEF7, lr;
	s5 =	simm.s32 $0xFFFFFFFF;
	p2 =	slt.u32 s8, $0xFFFFF086  }
0x1c: {  	p1 =	slt.u32 s9, $0xF7A;
	s5 =	simm.s32 @!p2 $0x0  }
0x1d: {  	s5 =	simm.s32 @p1 $0x1;
	p0 =	seq.s32 s7, s2  }
0x1e: {  	s7 =	smul.u32 @!p0 $0xF7A, s2;
	p2 =	seq.s32 @!p0 s5, $0x0  }
0x1f: {  	s9 =	smul.u32 $0xF7A, s1;
	s8 =	simm.s32 @!p0 $0x1BF5;
	p2 =	por !p2, p0  }
0x20: {  	[sflag:s8] =	ssyncset.s32 @!p0 $0xFFFFF086;
	s6 =	sadd.s32 @!p0 s3, s7;
	s7 =	simm.s32 @!p0 $0x108  }
0x21: {  	s3 =	sadd.s32 s3, s9;
	s6 =	sadd.s32 @!p0 $0x88, s6;
	s7 =	simm.s32 @p2 $0x1082  }
0x22: {  	[simem:s7], [sflag:s8] =	dma.local @!p0 [hbm:s6], $0xF7A  }
0x23: {  	s9 =	sor.u32 $0xD0000000, s2;
	s6 =	simm.s32 $0x108;
	_ =	swait.ge @!p0 [sflag:s8], $0x0  }
0x24: {  	s3 =	sadd.s32 $0x88, s3;
	s6 =	simm.s32 @!p1 $0x1082;
	[sflag:s4] =	ssyncset.s32 $0xFFFFF086  }
0x25: {  	[simem:s6], [sflag:s4] =	dma.local [hbm:s3], $0xF7A  }
0x26: {  	[smem:$0x3F9F] =	sst s1;
	(tag) =	ssettag s2;
	_ =	strace s9  }
0x27: {  	s1 =	sld [smem:$0x3FAF]  }
0x28: {  	s2 =	sld [smem:$0x3FB0]  }
0x29: {  	s4 =	sld [smem:$0x3FB2]  }
0x2a: {  	p0 =	seq.s32 s5, $0x0;
	s5 =	sld [smem:$0x3FB3]  }
0x2b: {  	s6 =	sld [smem:$0x3FB4]  }
0x2c: {  	s7 =	sld [smem:$0x3FB5]  }
0x2d: {  	s3 =	simm.s32 $0x108;
	s8 =	sld [smem:$0x3FB6]  }
0x2e: {  	s3 =	simm.s32 @!p0 $0x1082;
	s9 =	sld [smem:$0x3FB7]  }
0x2f: {  	lr =	sadd.s32 s0, s3;
	s0 =	sld [smem:$0x3FAE]  }
0x30: {  	s3 =	sld [smem:$0x3FB1]  }
0x31: {  	[smem:$0x3FBA] =	sst s10  }
0x32: {  	s10 =	sld [smem:$0x3FB8];
	_ =	sdelay $0x3  }
0x33: {  	p0 =	seq.s32 s10, $0x1;
	s10 =	sld [smem:$0x3FBA];
	_ =	sdelay $0x3  }
0x34: {  	[smem:$0x3FBA] =	sst s10  }
0x35: {  	s10 =	sld [smem:$0x3FB9];
	_ =	sdelay $0x3  }
0x36: {  	p1 =	seq.s32 s10, $0x1;
	s10 =	sld [smem:$0x3FBA];
	_ =	sdelay $0x3  }
0x37: {  	[smem:$0x3FBA] =	sst s10  }
0x38: {  	s10 =	sld [smem:$0x3FBB]  }
0x39: {  	_ = 	snop;
	(pc) =	sbr.ind lr, $3  }
0x3a: {  	_ = 	snop  }
0x3b: {  	_ = 	snop  }
0x3c: {  	p2 =	seq.s32 s10, $0x1;
	s10 =	sld [smem:$0x3FBA]  }
0x3d: {  	_ =	shalt  }
0x3e: {  	_ =	shalt  }
0x3f: {  	_ =	shalt  }
0x40: {  	_ =	shalt  }
0x41: {  	_ =	shalt  }
0x42: {  	_ =	shalt  }
0x43: {  	_ =	shalt  }
0x44: {  	_ =	shalt  }
0x45: {  	_ =	shalt  }
0x46: {  	_ =	shalt  }
0x47: {  	_ =	shalt  }
0x48: {  	_ =	shalt  }
0x49: {  	_ =	shalt  }
0x4a: {  	_ =	shalt  }
0x4b: {  	_ =	shalt  }
0x4c: {  	_ =	shalt  }
0x4d: {  	_ =	shalt  }
0x4e: {  	_ =	shalt  }
0x4f: {  	_ =	shalt  }
0x50: {  	_ =	shalt  }
0x51: {  	_ =	shalt  }
0x52: {  	_ =	shalt  }
0x53: {  	_ =	shalt  }
0x54: {  	_ =	shalt  }
0x55: {  	_ =	shalt  }
0x56: {  	_ =	shalt  }
0x57: {  	_ =	shalt  }
0x58: {  	_ =	shalt  }
0x59: {  	_ =	shalt  }
0x5a: {  	_ =	shalt  }
0x5b: {  	_ =	shalt  }
0x5c: {  	_ =	shalt  }
0x5d: {  	_ =	shalt  }
0x5e: {  	_ =	shalt  }
0x5f: {  	_ =	shalt  }
0x60: {  	_ =	shalt  }
0x61: {  	_ =	shalt  }
0x62: {  	_ =	shalt  }
0x63: {  	_ =	shalt  }
0x64: {  	_ =	shalt  }
0x65: {  	_ =	shalt  }
0x66: {  	_ =	shalt  }
0x67: {  	_ =	shalt  }
0x68: {  	_ =	shalt  }
0x69: {  	_ =	shalt  }
0x6a: {  	_ =	shalt  }
0x6b: {  	_ =	shalt  }
0x6c: {  	_ =	shalt  }
0x6d: {  	_ =	shalt  }
0x6e: {  	_ =	shalt  }
0x6f: {  	_ =	shalt  }
0x70: {  	_ =	shalt  }
0x71: {  	_ =	shalt  }
0x72: {  	_ =	shalt  }
0x73: {  	_ =	shalt  }
0x74: {  	_ =	shalt  }
0x75: {  	_ =	shalt  }
0x76: {  	_ =	shalt  }
0x77: {  	_ =	shalt  }
0x78: {  	_ =	shalt  }
0x79: {  	_ =	shalt  }
0x7a: {  	_ =	shalt  }
0x7b: {  	_ =	shalt  }
0x7c: {  	_ =	shalt  }
0x7d: {  	_ =	shalt  }
0x7e: {  	_ =	shalt  }
0x7f: {  	_ =	shalt  }
0x80: {  	_ =	shalt  }
0x81: {  	_ =	shalt  }
0x82: {  	_ =	shalt  }
0x83: {  	_ =	shalt  }
0x84: {  	_ =	shalt  }
0x85: {  	_ =	shalt  }
0x86: {  	_ =	shalt  }
0x87: {  	_ =	shalt  }
.Lfunc_end0:
.L_simem_size_0:
called_computation_lowered:
.L_overlay_start_0:
0x88: {  	s2 =	sld [smem:$0x3FD9]  }
0x89: {  	s3 =	sld [smem:$0x3FFE];
	_ =	sdelay $0x1  }
0x8a: {  	s1 =	srdreg.scid  }
0x8b: {  	s0 =	sand.u32 $0x1, s1  }
0x8c: {  	s17 =	sshll.u32 s0, $0xA;
	s2 =	sadd.s32 s3, s2  }
0x8d: {  	s2 =	sadd.s32 s2, s17  }
0x8e: {  	[smem:$0x3FC6] =	sst s2  }
0x8f: {  	_ = 	snop  }
0x90: {  	s2 =	sld [smem:$0x3FC9]  }
0x91: {  	s18 =	sld [smem:$0x3FD0];
	(tm) =	ssettm $0x1  }
0x92: {  	s4 =	sld [smem:$0x3FFB];
	_ =	sdelay $0x3  }
0x93: {  	_ =	strace s4  }
0x94: {  	s4 =	sld [smem:$0x3FFC];
	_ =	sdelay $0x3  }
0x95: {  	_ =	strace s4  }
0x96: {  	s4 =	sld [smem:$0x3FFD];
	_ =	sdelay $0x3  }
0x97: {  	_ =	strace s4  }
0x98: {  	_ =	strace $0x8FFFFFFF  }
0x99: {  	s19 =	sld [smem:$0x3FDB];
	_ =	sdelay $0x1  }
0x9a: {  	s5 =	simm.s32 $_scs_section_size  }
0x9b: {  	s6 =	simm.s32 $_size__tile_overlayer_lowered;
	s7 =	simm.s32 $_tile_overlayer_lowered  }
0x9c: {  	s22 =	simm.s32 $0x1BFF;
	s21 =	sshll.u32 s7, $0x1;
	s4 =	sadd.s32 s5, s19  }
0x9d: {  	s8 =	simm.s32 $0x0;
	s20 =	sshll.u32 s6, $0x1;
	s6 =	sadd.s32 s21, s4  }
0x9e: {  	[timem:s8], [sflag:s22] =	dma.local [hbm:s6], s20  }
0x9f: {  	_ =	swait.ge [sflag:s22], s20  }
0xa0: {  	s5 =	ssub.s32 $0x0, s20;
	[sflag:s22] =	ssyncset.done $0x0  }
0xa1: {  	[sflag:s22] =	ssyncadd.s32 s5;
	_ =	sdelay $0x1  }
0xa2: {  	s23 =	simm.s32 $0x1B8B  }
0xa3: {  	_ =	swait.ge [sflag:s23], $0x1  }
0xa4: {  	[sflag:s23] =	ssyncset.done $0x0  }
0xa5: {  	s25 =	simm.s32 $0x1B8E;
	s24 =	sld [smem:$0x3FFE];
	[sflag:s23] =	ssyncadd.s32 $0xFFFFFFFF  }
0xa6: {  	s26 =	simm.s32 $execute0_lowered;
	[smem:$0x3FD2] =	sst s25  }
0xa7: {  	s6 =	sshll.u32 s26, $0x1;
	_ =	strace $0x80000046;
	[dreg:$0x1] =	wrdreg $0xFFFFFFFF  }
0xa8: {  	s28 =	simm.s32 $_size_execute0_lowered;
	s4 =	sadd.s32 s4, s6;
	[dreg:$0x0] =	wrdreg $0x0  }
0xa9: {  	s6 =	sshll.u32 s28, $0x1;
	[dreg:$0x2] =	wrdreg s4  }
0xaa: {  	[dreg:$0x3] =	wrdreg s6  }
0xab: {  	[dreg:$0x4] =	wrdreg $0xC0  }
0xac: {  	_ =	task [dreg:s8], $0x5FFFF  }
0xad: {  	[dreg:$0x1] =	wrdreg $0xFFFFFFFF  }
0xae: {  	[dreg:$0x0] =	wrdreg $0x60  }
0xaf: {  	[dreg:$0x2] =	wrdreg s2  }
0xb0: {  	[dreg:$0x3] =	wrdreg s24  }
0xb1: {  	[dreg:$0x4] =	wrdreg s18  }
0xb2: {  	[dreg:$0x5] =	wrdreg $0x9  }
0xb3: {  	_ =	task.clear_ibuf [dreg:s8], $0x6FFFF;
	_ =	strace $0x90000046  }
0xb4: {  	s29 =	simm.s32 $0x9;
	_ =	strace $0x80000048  }
0xb5: {  	_ =	swait.ge [sflag:s29], $0x1  }
0xb6: {  	[sflag:s29] =	ssyncadd.s32 $0xFFFFFFFF  }
0xb7: {  	_ =	strace $0x90000048  }
0xb8: {  	_ =	sfence  }
0xb9: {  	s30 =	sld [smem:$0x0];
	_ =	sdelay $0x2  }
0xba: {  	s31 =	sshll.u32 s1, $0xD;
	s1 =	sshrl.u32 s1, $0x2  }
0xbb: {  	s3 =	sand.u32 $0x4000, s31;
	s1 =	sadd.s32 s1, s30  }
0xbc: {  	s0 =	sor.u32 s3, s0;
	s1 =	sshll.u32 s1, $0x11  }
0xbd: {  	s0 =	sor.u32 s1, s0  }
0xbe: {  	s0 =	sadd.s32 $0x8F2B, s0  }
0xbf: {  	[sflag:s0] =	ssyncadd.remote.s32 $0x1  }
0xc0: {  	_ =	sfence.sel $0xFFFF  }
0xc1: {  	[dreg:$0x0] =	wrdreg $0xFFFFFFFF;
	(pc) =	sbr.abs _section_cstart, $3  }
0xc2: {  	[dreg:$0x1] =	wrdreg $0xFFFFFFFF  }
0xc3: {  	_ =	task.clear_ibuf [dreg:s8], $0x2FFFF;
	_ =	strace $0x9FFFFFFF  }
0xc4: {  	(tm) =	ssettm $0x7FFFFFFF  }
0xc5: {  	_ =	shalt  }
tec
execute0_lowered:
.L_overlay_start_1:
0x0: {  	(tag) =	ssettag $0x1  }
0x1: {  	s6 =	rddreg [dreg:$0x0]  }
0x2: {  	s0 =	rddreg [dreg:$0x1]  }
0x3: {  	s7 =	rddreg [dreg:$0x2]  }
0x4: {  	s1 =	srdreg.scid;
	s4 =	simm.s32 $0x0;
	s5 =	stileid.u32  }
0x5: {  	s1 =	sand.u32 $0x1, s1;
	[smem:$0x7FF] =	sst s4;
	s5 =	sshll.u32 s5, $0x1  }
0x6: {  	s0 =	sadd.s32 $0x400, s0;
	s28 =	sadd.s32 $0x3D000, s6;
	s29 =	sadd.s32 $0x1E8000, s7  }
0x7: {  	s30 =	sadd.s32 $0x3D080, s6;
	_ =	strace $0x80000047;
	[dreg:$0x4] =	wrdreg s0  }
0x8: {  	s31 =	sadd.s32 $0x1E8400, s7;
	s2 =	ssub.s32 $0x2, s1;
	[dreg:$0x6] =	wrdreg s28  }
.Ltmp0:
0x9: {  	s1 =	sor.u32 s1, s5;
	[dreg:$0x7] =	wrdreg s29;
	(pc) =	sbr.rel .LBB2_1-.Ltmp0, $4  }
0xa: {  	[dreg:$0x8] =	wrdreg s30;
	s3 =	sshrl.u32 s2, $0x1;
	s26 =	smul.u32 $0xF400, s1  }
0xb: {  	[dreg:$0x9] =	wrdreg s31;
	s25 =	ssub.s32 s2, s3  }
0xc: {  	s6 =	simm.s32 $0x1;
	[dreg:$0x5] =	wrdreg s26;
	s0 =	smax.u32 s25, $0x1  }
0xd: {  	p0 =	sne.s32 s1, $0x1F;
	s1 =	simm.s32 $0x0;
	[dreg:$0xa] =	wrdreg s0  }
.LBB2_11:
0xe: {  	s1 =	sadd.s32 $0x1, s1;
	s0 =	rddreg [dreg:$0xa]  }
0xf: {  	p1 =	sne.s32 s1, s0  }
.Ltmp1:
0x10: {  	_ = 	snop;
	(pc) =	sbr.rel @!p1 .LBB2_12-.Ltmp1, $1  }
0x11: {  	_ =	sdelay $0x3  }
.LBB2_1:
0x12: {  	[dreg:$0xb] =	wrdreg s1  }
0x13: {  	s0 =	rddreg [dreg:$0x4]  }
0x14: {  	[tilespmem:s4], [sflag:$0x1] =	stream.linear.gather [hbm4b:s0+s4], $0x1680, $0x38;
	[tilespmem:$0xDA80] =	vst v63  }
0x15: {  	_ =	swait.ge [sflag:s6], $0x1680  }
0x16: {  	[sflag:s6] =	ssyncset.done $0x0  }
0x17: {  	s23 =	simm.s32 $0x0;
	[sflag:s6] =	ssyncadd.s32 $0xFFFFE980  }
.LBB2_2:
0x18: {  	s0 =	sshll.u32 s23, $0xA;
	s1 =	rddreg [dreg:$0x5]  }
0x19: {  	s16 =	rddreg [dreg:$0x0];
	s0 =	sadd.s32 s1, s0  }
0x1a: {  	[dreg:$0xc] =	wrdreg s0;
	s0 =	sshrl.u32 s0, $0x3  }
0x1b: {  	s17 =	simm.s32 $0x0;
	s2 =	simm.s32 $0x1680;
	s1 =	sadd.s32 s16, s0  }
0x1c: {  	[tilespmem:s2], [sflag:$0x1] =	stream.linear.gather [hbm4b:s1+s17], $0x400, $0x38;
	[tilespmem:$0xDA80] =	vst v63  }
0x1d: {  	s29 =	sand.u32 $0x60, s17;
	_ =	swait.ge [sflag:s6], $0x400  }
0x1e: {  	s18 =	sand.u32 $0x380, s17;
	s3 =	sor.u32 $0x10, s29;
	[sflag:s6] =	ssyncset.done $0x0  }
0x1f: {  	s1 =	sor.u32 s3, s18;
	[sflag:s6] =	ssyncadd.s32 $0xFFFFFC00  }
0x20: {  	v7 =	vld [tilespmem:s1+$0x1680];
	_ =	sdelay $0x1  }
0x21: {  	v2 =	vld [tilespmem:s2+$0x0];
	_ =	sdelay $0x5  }
0x22: {  	v0 =	vld.idx.msk [tilespmem:v7+s4+$0x0], $0xffff  }
0x23: {  	v1 =	vadd.s32 $0x76, v7  }
0x24: {  	s16 =	sand.u32 $0x1C00, s17;
	v3 =	vld.idx.msk [tilespmem:v2+s4+$0x0], $0xffff  }
0x25: {  	s19 =	sadd.s32 $0x1A80, s16;
	v4 =	vadd.s32 $0x76, v2  }
0x26: {  	s20 =	sor.u32 s3, s19  }
0x27: {  	[tilespmem:s20+$0x0] =	vst v0  }
0x28: {  	s1 =	sor.u32 s29, s19;
	v0 =	vld.idx.msk [tilespmem:v1+s4+$0x0], $0xffff  }
0x29: {  	[tilespmem:s1+$0x0] =	vst v3;
	v1 =	vadd.s32 $0xEC, v7  }
0x2a: {  	v3 =	vld.idx.msk [tilespmem:v4+s4+$0x0], $0xffff  }
0x2b: {  	v4 =	vadd.s32 $0xEC, v2;
	_ =	sdelay $0x1  }
0x2c: {  	[tilespmem:s20+$0x80] =	vst v0  }
0x2d: {  	v0 =	vld.idx.msk [tilespmem:v1+s4+$0x0], $0xffff  }
0x2e: {  	[tilespmem:s1+$0x80] =	vst v3;
	v1 =	vadd.s32 $0x162, v7  }
0x2f: {  	v3 =	vld.idx.msk [tilespmem:v4+s4+$0x0], $0xffff  }
0x30: {  	v4 =	vadd.s32 $0x162, v2;
	_ =	sdelay $0x1  }
0x31: {  	[tilespmem:s20+$0x100] =	vst v0  }
0x32: {  	v0 =	vld.idx.msk [tilespmem:v1+s4+$0x0], $0xffff  }
0x33: {  	[tilespmem:s1+$0x100] =	vst v3;
	v1 =	vadd.s32 $0x1D8, v7  }
0x34: {  	v3 =	vld.idx.msk [tilespmem:v4+s4+$0x0], $0xffff  }
0x35: {  	v4 =	vadd.s32 $0x1D8, v2;
	_ =	sdelay $0x1  }
0x36: {  	[tilespmem:s20+$0x180] =	vst v0  }
0x37: {  	v0 =	vld.idx.msk [tilespmem:v1+s4+$0x0], $0xffff  }
0x38: {  	[tilespmem:s1+$0x180] =	vst v3;
	v1 =	vadd.s32 $0x24E, v7  }
0x39: {  	v3 =	vld.idx.msk [tilespmem:v4+s4+$0x0], $0xffff  }
0x3a: {  	v4 =	vadd.s32 $0x24E, v2;
	_ =	sdelay $0x1  }
0x3b: {  	[tilespmem:s20+$0x200] =	vst v0  }
0x3c: {  	v0 =	vld.idx.msk [tilespmem:v1+s4+$0x0], $0xffff  }
0x3d: {  	[tilespmem:s1+$0x200] =	vst v3;
	v1 =	vadd.s32 $0x2C4, v7  }
0x3e: {  	v3 =	vld.idx.msk [tilespmem:v4+s4+$0x0], $0xffff  }
0x3f: {  	v4 =	vadd.s32 $0x2C4, v2;
	_ =	sdelay $0x1  }
0x40: {  	[tilespmem:s20+$0x280] =	vst v0  }
0x41: {  	s21 =	sand.u32 $0x3, s17;
	v0 =	vld.idx.msk [tilespmem:v1+s4+$0x0], $0xffff  }
0x42: {  	s2 =	sshll.u32 s21, $0x5;
	[tilespmem:s1+$0x280] =	vst v3;
	v1 =	vadd.s32 $0x33A, v7  }
0x43: {  	s22 =	sadd.s32 $0x0, s2;
	v3 =	vld.idx.msk [tilespmem:v4+s4+$0x0], $0xffff  }
0x44: {  	s2 =	sadd.s32 $0x10, s22;
	v4 =	vadd.s32 $0x33A, v2  }
0x45: {  	s5 =	sor.u32 $0x300, s2  }
0x46: {  	[tilespmem:s5+$0x1A80] =	vst v0  }
0x47: {  	s1 =	sor.u32 $0x300, s22;
	v0 =	vld.idx.msk [tilespmem:v1+s4+$0x0], $0xffff  }
0x48: {  	[tilespmem:s1+$0x1A80] =	vst v3;
	v1 =	vadd.s32 $0x3B0, v7  }
0x49: {  	v3 =	vld.idx.msk [tilespmem:v4+s4+$0x0], $0xffff  }
0x4a: {  	v4 =	vadd.s32 $0x3B0, v2  }
0x4b: {  	s24 =	sor.u32 $0x380, s2  }
0x4c: {  	s0 =	sor.u32 s17, s17;
	[tilespmem:s24+$0x1A80] =	vst v0  }
0x4d: {  	s0 =	sor.u32 $0x380, s0;
	v0 =	vld.idx.msk [tilespmem:v1+s4+$0x0], $0xffff  }
0x4e: {  	[tilespmem:s0+$0x1A80] =	vst v3;
	v1 =	vadd.s32 $0x426, v7  }
0x4f: {  	v3 =	vld.idx.msk [tilespmem:v4+s4+$0x0], $0xffff  }
0x50: {  	s25 =	sadd.s32 $0x3A80, s16;
	v4 =	vadd.s32 $0x426, v2  }
0x51: {  	s26 =	sor.u32 s3, s25  }
0x52: {  	[tilespmem:s26+$0x0] =	vst v0  }
0x53: {  	s0 =	sor.u32 s29, s25;
	v0 =	vld.idx.msk [tilespmem:v1+s4+$0x0], $0xffff  }
0x54: {  	[tilespmem:s0+$0x0] =	vst v3;
	v1 =	vadd.s32 $0x49C, v7  }
0x55: {  	v3 =	vld.idx.msk [tilespmem:v4+s4+$0x0], $0xffff  }
0x56: {  	s2 =	sadd.s32 $0x3B00, s16;
	v4 =	vadd.s32 $0x49C, v2  }
0x57: {  	s5 =	sor.u32 s3, s2  }
0x58: {  	[tilespmem:s5+$0x0] =	vst v0  }
0x59: {  	s0 =	sor.u32 s29, s2;
	v0 =	vld.idx.msk [tilespmem:v1+s4+$0x0], $0xffff  }
0x5a: {  	[tilespmem:s0+$0x0] =	vst v3;
	v1 =	vadd.s32 $0x512, v7  }
0x5b: {  	v3 =	vld.idx.msk [tilespmem:v4+s4+$0x0], $0xffff  }
0x5c: {  	s6 =	sadd.s32 $0x3B80, s16;
	v4 =	vadd.s32 $0x512, v2  }
0x5d: {  	s7 =	sor.u32 s3, s6  }
0x5e: {  	[tilespmem:s7+$0x0] =	vst v0  }
0x5f: {  	s0 =	sor.u32 s29, s6;
	v0 =	vld.idx.msk [tilespmem:v1+s4+$0x0], $0xffff  }
0x60: {  	[tilespmem:s0+$0x0] =	vst v3;
	v1 =	vadd.s32 $0x588, v7  }
0x61: {  	v3 =	vld.idx.msk [tilespmem:v4+s4+$0x0], $0xffff  }
0x62: {  	s8 =	sadd.s32 $0x3C00, s16;
	v4 =	vadd.s32 $0x588, v2  }
0x63: {  	s9 =	sor.u32 s3, s8  }
0x64: {  	s0 =	simm.s32 $0x20;
	[tilespmem:s9+$0x0] =	vst v0  }
0x65: {  	s1 =	sor.u32 s29, s8;
	s25 =	sand.u32 $0x60, s0;
	v5 =	vld.idx.msk [tilespmem:v1+s4+$0x0], $0xffff  }
0x66: {  	s10 =	sand.u32 $0x380, s0;
	s26 =	sor.u32 $0x10, s25;
	[tilespmem:s1+$0x0] =	vst v3;
	v3 =	vadd.s32 $0x5FE, v7  }
0x67: {  	s1 =	sor.u32 s26, s10;
	v4 =	vld.idx.msk [tilespmem:v4+s4+$0x0], $0xffff  }
0x68: {  	s11 =	sadd.s32 $0x3C80, s16;
	v1 =	vld [tilespmem:s1+$0x1680]  }
0x69: {  	s12 =	simm.s32 $0x16A0;
	s13 =	sor.u32 s3, s11;
	v6 =	vadd.s32 $0x5FE, v2  }
0x6a: {  	v0 =	vld [tilespmem:s12+$0x0];
	[tilespmem:s13+$0x0] =	vst v5  }
0x6b: {  	v3 =	vld.idx.msk [tilespmem:v3+s4+$0x0], $0xffff  }
0x6c: {  	s14 =	sor.u32 s29, s11;
	v5 =	vadd.s32 $0x674, v7  }
0x6d: {  	[tilespmem:s14+$0x0] =	vst v4  }
0x6e: {  	s15 =	sadd.s32 $0x3D00, s16;
	v4 =	vld.idx.msk [tilespmem:v6+s4+$0x0], $0xffff  }
0x6f: {  	s17 =	sor.u32 s3, s15;
	v6 =	vadd.s32 $0x674, v2  }
0x70: {  	v8 =	vld.idx.msk [tilespmem:v1+s4+$0x0], $0xffff;
	[tilespmem:s17+$0x0] =	vst v3  }
0x71: {  	s1 =	simm.s32 $0x100;
	v3 =	vld.idx.msk [tilespmem:v5+s4+$0x0], $0xffff;
	v5 =	vadd.s32 $0x76, v1  }
0x72: {  	v10 =	vadd.s32 $0x6EA, v7;
	s2 =	sor.u32 s29, s15;
	s28 =	sand.u32 $0x1C00, s1;
	v9 =	vld.idx.msk [tilespmem:v0+s4+$0x0], $0xffff  }
0x73: {  	s18 =	sadd.s32 $0x1A80, s28;
	[tilespmem:s2+$0x0] =	vst v4;
	v4 =	vadd.s32 $0x76, v0  }
0x74: {  	s20 =	sadd.s32 $0x3D80, s16;
	s19 =	sor.u32 s26, s18;
	v6 =	vld.idx.msk [tilespmem:v6+s4+$0x0], $0xffff  }
0x75: {  	s7 =	sor.u32 s3, s20;
	[tilespmem:s19+$0x0] =	vst v8;
	v8 =	vadd.s32 $0x6EA, v2  }
0x76: {  	s2 =	sor.u32 s25, s18;
	v5 =	vld.idx.msk [tilespmem:v5+s4+$0x0], $0xffff;
	[tilespmem:s7+$0x0] =	vst v3  }
0x77: {  	[tilespmem:s2+$0x0] =	vst v9;
	v3 =	vld.idx.msk [tilespmem:v10+s4+$0x0], $0xffff;
	v10 =	vadd.s32 $0xEC, v1  }
0x78: {  	s6 =	sor.u32 s29, s20;
	v9 =	vadd.s32 $0x760, v7;
	v4 =	vld.idx.msk [tilespmem:v4+s4+$0x0], $0xffff  }
0x79: {  	[tilespmem:s6+$0x0] =	vst v6;
	v6 =	vadd.s32 $0xEC, v0  }
0x7a: {  	s21 =	sadd.s32 $0x3E00, s16;
	v8 =	vld.idx.msk [tilespmem:v8+s4+$0x0], $0xffff  }
0x7b: {  	s22 =	sor.u32 s3, s21;
	[tilespmem:s19+$0x80] =	vst v5;
	v5 =	vadd.s32 $0x760, v2  }
0x7c: {  	v10 =	vld.idx.msk [tilespmem:v10+s4+$0x0], $0xffff;
	[tilespmem:s22+$0x0] =	vst v3  }
0x7d: {  	[tilespmem:s2+$0x80] =	vst v4;
	v3 =	vld.idx.msk [tilespmem:v9+s4+$0x0], $0xffff;
	v9 =	vadd.s32 $0x162, v1  }
0x7e: {  	s6 =	sor.u32 s29, s21;
	v4 =	vadd.s32 $0x7D6, v7;
	v6 =	vld.idx.msk [tilespmem:v6+s4+$0x0], $0xffff  }
0x7f: {  	[tilespmem:s6+$0x0] =	vst v8;
	v8 =	vadd.s32 $0x162, v0  }
0x80: {  	s24 =	sadd.s32 $0x5A80, s16;
	v5 =	vld.idx.msk [tilespmem:v5+s4+$0x0], $0xffff  }
0x81: {  	s8 =	sor.u32 s3, s24;
	[tilespmem:s19+$0x100] =	vst v10;
	v10 =	vadd.s32 $0x7D6, v2  }
0x82: {  	v9 =	vld.idx.msk [tilespmem:v9+s4+$0x0], $0xffff;
	[tilespmem:s8+$0x0] =	vst v3  }
0x83: {  	[tilespmem:s2+$0x100] =	vst v6;
	v3 =	vld.idx.msk [tilespmem:v4+s4+$0x0], $0xffff;
	v4 =	vadd.s32 $0x1D8, v1  }
0x84: {  	s6 =	sor.u32 s29, s24;
	v6 =	vadd.s32 $0x84C, v7;
	v8 =	vld.idx.msk [tilespmem:v8+s4+$0x0], $0xffff  }
0x85: {  	[tilespmem:s6+$0x0] =	vst v5;
	v5 =	vadd.s32 $0x1D8, v0  }
0x86: {  	s9 =	sadd.s32 $0x5B00, s16;
	v10 =	vld.idx.msk [tilespmem:v10+s4+$0x0], $0xffff  }
0x87: {  	s10 =	sor.u32 s3, s9;
	[tilespmem:s19+$0x180] =	vst v9;
	v9 =	vadd.s32 $0x84C, v2  }
0x88: {  	v4 =	vld.idx.msk [tilespmem:v4+s4+$0x0], $0xffff;
	[tilespmem:s10+$0x0] =	vst v3  }
0x89: {  	[tilespmem:s2+$0x180] =	vst v8;
	v3 =	vld.idx.msk [tilespmem:v6+s4+$0x0], $0xffff;
	v6 =	vadd.s32 $0x24E, v1  }
0x8a: {  	s6 =	sor.u32 s29, s9;
	v8 =	vadd.s32 $0x8C2, v7;
	v5 =	vld.idx.msk [tilespmem:v5+s4+$0x0], $0xffff  }
0x8b: {  	[tilespmem:s6+$0x0] =	vst v10;
	v10 =	vadd.s32 $0x24E, v0  }
0x8c: {  	s11 =	sadd.s32 $0x5B80, s16;
	v9 =	vld.idx.msk [tilespmem:v9+s4+$0x0], $0xffff  }
0x8d: {  	s12 =	sor.u32 s3, s11;
	[tilespmem:s19+$0x200] =	vst v4;
	v4 =	vadd.s32 $0x8C2, v2  }
0x8e: {  	v6 =	vld.idx.msk [tilespmem:v6+s4+$0x0], $0xffff;
	[tilespmem:s12+$0x0] =	vst v3  }
0x8f: {  	v3 =	vld.idx.msk [tilespmem:v8+s4+$0x0], $0xffff;
	[tilespmem:s2+$0x200] =	vst v5;
	v5 =	vadd.s32 $0x2C4, v1  }
0x90: {  	s6 =	sor.u32 s29, s11;
	v8 =	vld.idx.msk [tilespmem:v10+s4+$0x0], $0xffff;
	v10 =	vadd.s32 $0x938, v7  }
0x91: {  	[tilespmem:s6+$0x0] =	vst v9;
	v9 =	vadd.s32 $0x2C4, v0  }
0x92: {  	s13 =	sadd.s32 $0x5C00, s16;
	v4 =	vld.idx.msk [tilespmem:v4+s4+$0x0], $0xffff  }
0x93: {  	s15 =	simm.s32 $0x1;
	s14 =	sor.u32 s3, s13;
	[tilespmem:s19+$0x280] =	vst v6;
	v6 =	vadd.s32 $0x938, v2  }
0x94: {  	s17 =	sand.u32 $0x3, s15;
	[tilespmem:s14+$0x0] =	vst v3;
	v3 =	vld.idx.msk [tilespmem:v5+s4+$0x0], $0xffff  }
0x95: {  	s5 =	sshll.u32 s17, $0x5;
	v5 =	vld.idx.msk [tilespmem:v10+s4+$0x0], $0xffff;
	[tilespmem:s2+$0x280] =	vst v8;
	v8 =	vadd.s32 $0x33A, v1  }
0x96: {  	s18 =	sor.u32 s29, s13;
	s5 =	sadd.s32 $0x100, s5;
	v10 =	vadd.s32 $0x9AE, v7;
	v9 =	vld.idx.msk [tilespmem:v9+s4+$0x0], $0xffff  }
0x97: {  	s19 =	sadd.s32 $0x10, s5;
	[tilespmem:s18+$0x0] =	vst v4;
	v4 =	vadd.s32 $0x33A, v0  }
0x98: {  	s21 =	sadd.s32 $0x5C80, s16;
	s20 =	sor.u32 $0x300, s19;
	v6 =	vld.idx.msk [tilespmem:v6+s4+$0x0], $0xffff  }
0x99: {  	s22 =	sor.u32 s3, s21;
	[tilespmem:s20+$0x1A80] =	vst v3;
	v3 =	vadd.s32 $0x9AE, v2  }
0x9a: {  	s5 =	sor.u32 $0x300, s5;
	v8 =	vld.idx.msk [tilespmem:v8+s4+$0x0], $0xffff;
	[tilespmem:s22+$0x0] =	vst v5  }
0x9b: {  	v5 =	vld.idx.msk [tilespmem:v10+s4+$0x0], $0xffff;
	[tilespmem:s5+$0x1A80] =	vst v9;
	v9 =	vadd.s32 $0x3B0, v1  }
0x9c: {  	s24 =	sor.u32 s29, s21;
	v10 =	vadd.s32 $0xA24, v7;
	v4 =	vld.idx.msk [tilespmem:v4+s4+$0x0], $0xffff  }
0x9d: {  	[tilespmem:s24+$0x0] =	vst v6;
	v6 =	vadd.s32 $0x3B0, v0  }
0x9e: {  	s6 =	sadd.s32 $0x5D00, s16;
	s2 =	sor.u32 $0x380, s19;
	v3 =	vld.idx.msk [tilespmem:v3+s4+$0x0], $0xffff  }
0x9f: {  	s0 =	sor.u32 s1, s0;
	s7 =	sor.u32 s3, s6;
	[tilespmem:s2+$0x1A80] =	vst v8;
	v8 =	vadd.s32 $0xA24, v2  }
0xa0: {  	s0 =	sor.u32 $0x380, s0;
	v9 =	vld.idx.msk [tilespmem:v9+s4+$0x0], $0xffff;
	[tilespmem:s7+$0x0] =	vst v5  }
0xa1: {  	v5 =	vld.idx.msk [tilespmem:v10+s4+$0x0], $0xffff;
	[tilespmem:s0+$0x1A80] =	vst v4;
	v4 =	vadd.s32 $0x426, v1  }
0xa2: {  	s8 =	sor.u32 s29, s6;
	v10 =	vadd.s32 $0xA9A, v7;
	v6 =	vld.idx.msk [tilespmem:v6+s4+$0x0], $0xffff  }
0xa3: {  	s9 =	sadd.s32 $0x3A80, s28;
	[tilespmem:s8+$0x0] =	vst v3;
	v3 =	vadd.s32 $0x426, v0  }
0xa4: {  	s10 =	sor.u32 s26, s9;
	s11 =	sadd.s32 $0x5D80, s16;
	v8 =	vld.idx.msk [tilespmem:v8+s4+$0x0], $0xffff  }
0xa5: {  	s12 =	sor.u32 s3, s11;
	[tilespmem:s10+$0x0] =	vst v9;
	v9 =	vadd.s32 $0xA9A, v2  }
0xa6: {  	s0 =	sor.u32 s25, s9;
	v4 =	vld.idx.msk [tilespmem:v4+s4+$0x0], $0xffff;
	[tilespmem:s12+$0x0] =	vst v5  }
0xa7: {  	v5 =	vld.idx.msk [tilespmem:v10+s4+$0x0], $0xffff;
	[tilespmem:s0+$0x0] =	vst v6;
	v6 =	vadd.s32 $0x49C, v1  }
0xa8: {  	s13 =	sor.u32 s29, s11;
	v10 =	vadd.s32 $0xB10, v7;
	v3 =	vld.idx.msk [tilespmem:v3+s4+$0x0], $0xffff  }
0xa9: {  	s14 =	sadd.s32 $0x3B00, s28;
	[tilespmem:s13+$0x0] =	vst v8;
	v8 =	vadd.s32 $0x49C, v0  }
0xaa: {  	s17 =	sadd.s32 $0x5E00, s16;
	s15 =	sor.u32 s26, s14;
	v9 =	vld.idx.msk [tilespmem:v9+s4+$0x0], $0xffff  }
0xab: {  	s18 =	sor.u32 s3, s17;
	[tilespmem:s15+$0x0] =	vst v4;
	v4 =	vadd.s32 $0xB10, v2  }
0xac: {  	s0 =	sor.u32 s25, s14;
	v6 =	vld.idx.msk [tilespmem:v6+s4+$0x0], $0xffff;
	[tilespmem:s18+$0x0] =	vst v5  }
0xad: {  	v5 =	vld.idx.msk [tilespmem:v10+s4+$0x0], $0xffff;
	[tilespmem:s0+$0x0] =	vst v3;
	v3 =	vadd.s32 $0x512, v1  }
0xae: {  	s19 =	sor.u32 s29, s17;
	v10 =	vadd.s32 $0xB86, v7;
	v8 =	vld.idx.msk [tilespmem:v8+s4+$0x0], $0xffff  }
0xaf: {  	s20 =	sadd.s32 $0x3B80, s28;
	[tilespmem:s19+$0x0] =	vst v9;
	v9 =	vadd.s32 $0x512, v0  }
0xb0: {  	s21 =	sor.u32 s26, s20;
	s22 =	sadd.s32 $0x7A80, s16;
	v4 =	vld.idx.msk [tilespmem:v4+s4+$0x0], $0xffff  }
0xb1: {  	s24 =	sor.u32 s3, s22;
	[tilespmem:s21+$0x0] =	vst v6;
	v6 =	vadd.s32 $0xB86, v2  }
0xb2: {  	s0 =	sor.u32 s25, s20;
	v3 =	vld.idx.msk [tilespmem:v3+s4+$0x0], $0xffff;
	[tilespmem:s24+$0x0] =	vst v5  }
0xb3: {  	v5 =	vld.idx.msk [tilespmem:v10+s4+$0x0], $0xffff;
	[tilespmem:s0+$0x0] =	vst v8;
	v8 =	vadd.s32 $0x588, v1  }
0xb4: {  	s2 =	sor.u32 s29, s22;
	v10 =	vadd.s32 $0xBFC, v7;
	v9 =	vld.idx.msk [tilespmem:v9+s4+$0x0], $0xffff  }
0xb5: {  	s5 =	sadd.s32 $0x3C00, s28;
	[tilespmem:s2+$0x0] =	vst v4;
	v4 =	vadd.s32 $0x588, v0  }
0xb6: {  	s6 =	sor.u32 s26, s5;
	s7 =	sadd.s32 $0x7B00, s16;
	v6 =	vld.idx.msk [tilespmem:v6+s4+$0x0], $0xffff  }
0xb7: {  	v11 =	vadd.s32 $0xBFC, v2;
	s1 =	simm.s32 $0x40;
	s8 =	sor.u32 s3, s7;
	[tilespmem:s6+$0x0] =	vst v3  }
0xb8: {  	s30 =	sand.u32 $0x60, s1;
	s0 =	sor.u32 s25, s5;
	v8 =	vld.idx.msk [tilespmem:v8+s4+$0x0], $0xffff;
	[tilespmem:s8+$0x0] =	vst v5  }
0xb9: {  	s31 =	sor.u32 $0x10, s30;
	s9 =	sand.u32 $0x380, s1;
	v5 =	vld.idx.msk [tilespmem:v10+s4+$0x0], $0xffff;
	[tilespmem:s0+$0x0] =	vst v9;
	v9 =	vadd.s32 $0x5FE, v1  }
0xba: {  	v12 =	vadd.s32 $0xC72, v7;
	s2 =	sor.u32 s29, s7;
	s0 =	sor.u32 s31, s9;
	v10 =	vld.idx.msk [tilespmem:v4+s4+$0x0], $0xffff  }
0xbb: {  	s10 =	sadd.s32 $0x3C80, s28;
	v3 =	vld [tilespmem:s0+$0x1680];
	[tilespmem:s2+$0x0] =	vst v6  }
0xbc: {  	s11 =	simm.s32 $0x16C0;
	s12 =	sor.u32 s26, s10;
	s13 =	sadd.s32 $0x7B80, s16;
	v6 =	vld.idx.msk [tilespmem:v11+s4+$0x0], $0xffff;
	v11 =	vadd.s32 $0x5FE, v0  }
0xbd: {  	s14 =	sor.u32 s3, s13;
	v4 =	vld [tilespmem:s11+$0x0];
	[tilespmem:s12+$0x0] =	vst v8;
	v8 =	vadd.s32 $0xC72, v2  }
0xbe: {  	v9 =	vld.idx.msk [tilespmem:v9+s4+$0x0], $0xffff;
	[tilespmem:s14+$0x0] =	vst v5  }
0xbf: {  	s15 =	sor.u32 s25, s10;
	v5 =	vld.idx.msk [tilespmem:v12+s4+$0x0], $0xffff;
	v12 =	vadd.s32 $0x674, v1  }
0xc0: {  	s17 =	sor.u32 s29, s13;
	[tilespmem:s15+$0x0] =	vst v10;
	v10 =	vadd.s32 $0xCE8, v7  }
0xc1: {  	s18 =	sadd.s32 $0x3D00, s28;
	v11 =	vld.idx.msk [tilespmem:v11+s4+$0x0], $0xffff;
	[tilespmem:s17+$0x0] =	vst v6  }
0xc2: {  	s20 =	sadd.s32 $0x7C00, s16;
	s19 =	sor.u32 s26, s18;
	v6 =	vld.idx.msk [tilespmem:v8+s4+$0x0], $0xffff;
	v8 =	vadd.s32 $0x674, v0  }
0xc3: {  	s21 =	sor.u32 s3, s20;
	v13 =	vld.idx.msk [tilespmem:v3+s4+$0x0], $0xffff;
	[tilespmem:s19+$0x0] =	vst v9;
	v9 =	vadd.s32 $0xCE8, v2  }
0xc4: {  	s2 =	simm.s32 $0x200;
	v12 =	vld.idx.msk [tilespmem:v12+s4+$0x0], $0xffff;
	[tilespmem:s21+$0x0] =	vst v5;
	v5 =	vadd.s32 $0x76, v3  }
0xc5: {  	v14 =	vadd.s32 $0x6EA, v1;
	s22 =	sor.u32 s25, s18;
	s0 =	sand.u32 $0x1C00, s2;
	v10 =	vld.idx.msk [tilespmem:v10+s4+$0x0], $0xffff  }
0xc6: {  	s5 =	sor.u32 s29, s20;
	s24 =	sadd.s32 $0x1A80, s0;
	v15 =	vld.idx.msk [tilespmem:v4+s4+$0x0], $0xffff;
	[tilespmem:s22+$0x0] =	vst v11;
	v11 =	vadd.s32 $0xD5E, v7  }
0xc7: {  	s8 =	sadd.s32 $0x3D80, s28;
	s6 =	sor.u32 s31, s24;
	v8 =	vld.idx.msk [tilespmem:v8+s4+$0x0], $0xffff;
	[tilespmem:s5+$0x0] =	vst v6;
	v6 =	vadd.s32 $0x76, v4  }
0xc8: {  	s10 =	sor.u32 s26, s8;
	s9 =	sadd.s32 $0x7C80, s16;
	[tilespmem:s6+$0x0] =	vst v13;
	v13 =	vadd.s32 $0x6EA, v0;
	v9 =	vld.idx.msk [tilespmem:v9+s4+$0x0], $0xffff  }
0xc9: {  	v5 =	vld.idx.msk [tilespmem:v5+s4+$0x0], $0xffff;
	[tilespmem:s10+$0x0] =	vst v12;
	s10 =	sor.u32 s3, s9;
	v12 =	vadd.s32 $0xD5E, v2  }
0xca: {  	s5 =	sor.u32 s30, s24;
	v14 =	vld.idx.msk [tilespmem:v14+s4+$0x0], $0xffff;
	[tilespmem:s10+$0x0] =	vst v10;
	v10 =	vadd.s32 $0xEC, v3  }
0xcb: {  	s11 =	sor.u32 s25, s8;
	[tilespmem:s5+$0x0] =	vst v15;
	v15 =	vadd.s32 $0x760, v1;
	v11 =	vld.idx.msk [tilespmem:v11+s4+$0x0], $0xffff  }
0xcc: {  	s12 =	sor.u32 s29, s9;
	v6 =	vld.idx.msk [tilespmem:v6+s4+$0x0], $0xffff;
	[tilespmem:s11+$0x0] =	vst v8;
	v8 =	vadd.s32 $0xDD4, v7  }
0xcd: {  	s13 =	sadd.s32 $0x3E00, s28;
	v13 =	vld.idx.msk [tilespmem:v13+s4+$0x0], $0xffff;
	[tilespmem:s12+$0x0] =	vst v9;
	v9 =	vadd.s32 $0xEC, v4  }
0xce: {  	s14 =	sor.u32 s26, s13;
	s15 =	sadd.s32 $0x7D00, s16;
	[tilespmem:s6+$0x80] =	vst v5;
	v5 =	vld.idx.msk [tilespmem:v12+s4+$0x0], $0xffff;
	v12 =	vadd.s32 $0x760, v0  }
0xcf: {  	s17 =	sor.u32 s3, s15;
	v10 =	vld.idx.msk [tilespmem:v10+s4+$0x0], $0xffff;
	[tilespmem:s14+$0x0] =	vst v14;
	v14 =	vadd.s32 $0xDD4, v2  }
0xd0: {  	v15 =	vld.idx.msk [tilespmem:v15+s4+$0x0], $0xffff;
	[tilespmem:s17+$0x0] =	vst v11;
	v11 =	vadd.s32 $0x162, v3  }
0xd1: {  	s7 =	sor.u32 s25, s13;
	v8 =	vld.idx.msk [tilespmem:v8+s4+$0x0], $0xffff;
	[tilespmem:s5+$0x80] =	vst v6;
	v6 =	vadd.s32 $0x7D6, v1  }
0xd2: {  	s18 =	sor.u32 s29, s15;
	v9 =	vld.idx.msk [tilespmem:v9+s4+$0x0], $0xffff;
	[tilespmem:s7+$0x0] =	vst v13;
	v13 =	vadd.s32 $0xE4A, v7  }
0xd3: {  	s19 =	sadd.s32 $0x5A80, s28;
	v12 =	vld.idx.msk [tilespmem:v12+s4+$0x0], $0xffff;
	[tilespmem:s18+$0x0] =	vst v5;
	v5 =	vadd.s32 $0x162, v4  }
0xd4: {  	s20 =	sor.u32 s26, s19;
	s21 =	sadd.s32 $0x7D80, s16;
	[tilespmem:s6+$0x100] =	vst v10;
	v10 =	vld.idx.msk [tilespmem:v14+s4+$0x0], $0xffff;
	v14 =	vadd.s32 $0x7D6, v0  }
0xd5: {  	s22 =	sor.u32 s3, s21;
	v11 =	vld.idx.msk [tilespmem:v11+s4+$0x0], $0xffff;
	[tilespmem:s20+$0x0] =	vst v15;
	v15 =	vadd.s32 $0xE4A, v2  }
0xd6: {  	v6 =	vld.idx.msk [tilespmem:v6+s4+$0x0], $0xffff;
	[tilespmem:s22+$0x0] =	vst v8;
	v8 =	vadd.s32 $0x1D8, v3  }
0xd7: {  	s7 =	sor.u32 s25, s19;
	v13 =	vld.idx.msk [tilespmem:v13+s4+$0x0], $0xffff;
	[tilespmem:s5+$0x100] =	vst v9;
	v9 =	vadd.s32 $0x84C, v1  }
0xd8: {  	s24 =	sor.u32 s29, s21;
	v5 =	vld.idx.msk [tilespmem:v5+s4+$0x0], $0xffff;
	[tilespmem:s7+$0x0] =	vst v12;
	v12 =	vadd.s32 $0xEC0, v7  }
0xd9: {  	s9 =	sadd.s32 $0x5B00, s28;
	v14 =	vld.idx.msk [tilespmem:v14+s4+$0x0], $0xffff;
	[tilespmem:s24+$0x0] =	vst v10;
	v10 =	vadd.s32 $0x1D8, v4  }
0xda: {  	s10 =	sor.u32 s26, s9;
	s11 =	sadd.s32 $0x7E00, s16;
	[tilespmem:s6+$0x180] =	vst v11;
	v11 =	vld.idx.msk [tilespmem:v15+s4+$0x0], $0xffff;
	v15 =	vadd.s32 $0x84C, v0  }
0xdb: {  	s12 =	sor.u32 s3, s11;
	v8 =	vld.idx.msk [tilespmem:v8+s4+$0x0], $0xffff;
	[tilespmem:s10+$0x0] =	vst v6;
	v6 =	vadd.s32 $0xEC0, v2  }
0xdc: {  	v9 =	vld.idx.msk [tilespmem:v9+s4+$0x0], $0xffff;
	[tilespmem:s12+$0x0] =	vst v13;
	v13 =	vadd.s32 $0x24E, v3  }
0xdd: {  	s7 =	sor.u32 s25, s9;
	v12 =	vld.idx.msk [tilespmem:v12+s4+$0x0], $0xffff;
	[tilespmem:s5+$0x180] =	vst v5;
	v5 =	vadd.s32 $0x8C2, v1  }
0xde: {  	s13 =	sor.u32 s29, s11;
	v10 =	vld.idx.msk [tilespmem:v10+s4+$0x0], $0xffff;
	[tilespmem:s7+$0x0] =	vst v14  }
0xdf: {  	s14 =	sadd.s32 $0x5B80, s28;
	v14 =	vadd.s32 $0xF36, v7;
	v15 =	vld.idx.msk [tilespmem:v15+s4+$0x0], $0xffff;
	[tilespmem:s13+$0x0] =	vst v11  }
0xe0: {  	s15 =	sor.u32 s26, s14;
	s17 =	sadd.s32 $0x9A80, s16;
	v11 =	vadd.s32 $0x24E, v4;
	[tilespmem:s6+$0x200] =	vst v8;
	v6 =	vld.idx.msk [tilespmem:v6+s4+$0x0], $0xffff  }
0xe1: {  	s18 =	sor.u32 s3, s17;
	v8 =	vadd.s32 $0x8C2, v0;
	v13 =	vld.idx.msk [tilespmem:v13+s4+$0x0], $0xffff;
	[tilespmem:s15+$0x0] =	vst v9  }
0xe2: {  	s20 =	simm.s32 $0x16E0;
	v9 =	vadd.s32 $0xF36, v2;
	v16 =	vld.idx.msk [tilespmem:v5+s4+$0x0], $0xffff;
	[tilespmem:s18+$0x0] =	vst v12  }
0xe3: {  	s7 =	sor.u32 s25, s14;
	v5 =	vld [tilespmem:s20+$0x0];
	[tilespmem:s5+$0x200] =	vst v10;
	v10 =	vadd.s32 $0x2C4, v3  }
0xe4: {  	s19 =	sor.u32 s29, s17;
	v12 =	vld.idx.msk [tilespmem:v14+s4+$0x0], $0xffff;
	v14 =	vadd.s32 $0x938, v1;
	[tilespmem:s7+$0x0] =	vst v15  }
0xe5: {  	v11 =	vld.idx.msk [tilespmem:v11+s4+$0x0], $0xffff;
	[tilespmem:s19+$0x0] =	vst v6;
	v6 =	vadd.s32 $0xFAC, v7  }
0xe6: {  	s21 =	sadd.s32 $0x5C00, s28;
	v15 =	vadd.s32 $0x2C4, v4;
	v8 =	vld.idx.msk [tilespmem:v8+s4+$0x0], $0xffff  }
0xe7: {  	s22 =	sor.u32 s26, s21;
	s24 =	sadd.s32 $0x9B00, s16;
	s20 =	simm.s32 $0x2;
	v9 =	vld.idx.msk [tilespmem:v9+s4+$0x0], $0xffff;
	[tilespmem:s6+$0x280] =	vst v13;
	v13 =	vadd.s32 $0x938, v0  }
0xe8: {  	s10 =	sor.u32 s3, s24;
	s11 =	sand.u32 $0x3, s20;
	[tilespmem:s22+$0x0] =	vst v16;
	v16 =	vadd.s32 $0xFAC, v2;
	v10 =	vld.idx.msk [tilespmem:v10+s4+$0x0], $0xffff  }
0xe9: {  	s12 =	sshll.u32 s11, $0x5;
	[tilespmem:s10+$0x0] =	vst v12;
	v12 =	vld.idx.msk [tilespmem:v14+s4+$0x0], $0xffff;
	v14 =	vadd.s32 $0x33A, v3  }
0xea: {  	s13 =	sor.u32 s25, s21;
	s14 =	sadd.s32 $0x200, s12;
	[tilespmem:s5+$0x280] =	vst v11;
	v11 =	vadd.s32 $0x9AE, v1;
	v6 =	vld.idx.msk [tilespmem:v6+s4+$0x0], $0xffff  }
0xeb: {  	s15 =	sor.u32 s29, s24;
	s17 =	sadd.s32 $0x10, s14;
	v15 =	vld.idx.msk [tilespmem:v15+s4+$0x0], $0xffff;
	[tilespmem:s13+$0x0] =	vst v8;
	v8 =	vadd.s32 $0x1022, v7  }
0xec: {  	s19 =	sadd.s32 $0x5C80, s28;
	s18 =	sor.u32 $0x300, s17;
	v13 =	vld.idx.msk [tilespmem:v13+s4+$0x0], $0xffff;
	[tilespmem:s15+$0x0] =	vst v9;
	v9 =	vadd.s32 $0x33A, v4  }
0xed: {  	s21 =	sor.u32 s26, s19;
	s22 =	sadd.s32 $0x9B80, s16;
	v16 =	vld.idx.msk [tilespmem:v16+s4+$0x0], $0xffff;
	[tilespmem:s18+$0x1A80] =	vst v10;
	v10 =	vadd.s32 $0x9AE, v0  }
0xee: {  	s24 =	sor.u32 s3, s22;
	[tilespmem:s21+$0x0] =	vst v12;
	v12 =	vadd.s32 $0x1022, v2;
	v14 =	vld.idx.msk [tilespmem:v14+s4+$0x0], $0xffff  }
0xef: {  	s5 =	sor.u32 $0x300, s14;
	v11 =	vld.idx.msk [tilespmem:v11+s4+$0x0], $0xffff;
	[tilespmem:s24+$0x0] =	vst v6;
	v6 =	vadd.s32 $0x3B0, v3  }
0xf0: {  	s10 =	sor.u32 s25, s19;
	[tilespmem:s5+$0x1A80] =	vst v15;
	v15 =	vadd.s32 $0xA24, v1;
	v8 =	vld.idx.msk [tilespmem:v8+s4+$0x0], $0xffff  }
0xf1: {  	s11 =	sor.u32 s29, s22;
	v9 =	vld.idx.msk [tilespmem:v9+s4+$0x0], $0xffff;
	[tilespmem:s10+$0x0] =	vst v13;
	v13 =	vadd.s32 $0x1098, v7  }
0xf2: {  	s12 =	sor.u32 $0x380, s17;
	s13 =	sadd.s32 $0x5D00, s28;
	[tilespmem:s11+$0x0] =	vst v16;
	v16 =	vadd.s32 $0x3B0, v4;
	v10 =	vld.idx.msk [tilespmem:v10+s4+$0x0], $0xffff  }
0xf3: {  	s14 =	sor.u32 s26, s13;
	s15 =	sadd.s32 $0x9C00, s16;
	v12 =	vld.idx.msk [tilespmem:v12+s4+$0x0], $0xffff;
	[tilespmem:s12+$0x1A80] =	vst v14;
	v14 =	vadd.s32 $0xA24, v0  }
0xf4: {  	s1 =	sor.u32 s2, s1;
	s17 =	sor.u32 s3, s15;
	[tilespmem:s14+$0x0] =	vst v11;
	v11 =	vadd.s32 $0x1098, v2;
	v6 =	vld.idx.msk [tilespmem:v6+s4+$0x0], $0xffff  }
0xf5: {  	s1 =	sor.u32 $0x380, s1;
	v15 =	vld.idx.msk [tilespmem:v15+s4+$0x0], $0xffff;
	[tilespmem:s17+$0x0] =	vst v8;
	v8 =	vadd.s32 $0x426, v3  }
0xf6: {  	s18 =	sor.u32 s25, s13;
	[tilespmem:s1+$0x1A80] =	vst v9;
	v9 =	vld.idx.msk [tilespmem:v13+s4+$0x0], $0xffff;
	v13 =	vadd.s32 $0xA9A, v1  }
0xf7: {  	s19 =	sor.u32 s29, s15;
	s21 =	sadd.s32 $0x3A80, s0;
	v16 =	vld.idx.msk [tilespmem:v16+s4+$0x0], $0xffff;
	[tilespmem:s18+$0x0] =	vst v10;
	v10 =	vadd.s32 $0x110E, v7  }
0xf8: {  	s22 =	sor.u32 s31, s21;
	s24 =	sadd.s32 $0x5D80, s28;
	[tilespmem:s19+$0x0] =	vst v12;
	v12 =	vadd.s32 $0x426, v4;
	v14 =	vld.idx.msk [tilespmem:v14+s4+$0x0], $0xffff  }
0xf9: {  	s7 =	sadd.s32 $0x9C80, s16;
	s6 =	sor.u32 s26, s24;
	v11 =	vld.idx.msk [tilespmem:v11+s4+$0x0], $0xffff;
	[tilespmem:s22+$0x0] =	vst v6;
	v6 =	vadd.s32 $0xA9A, v0  }
0xfa: {  	s8 =	sor.u32 s3, s7;
	[tilespmem:s6+$0x0] =	vst v15;
	v15 =	vadd.s32 $0x110E, v2;
	v8 =	vld.idx.msk [tilespmem:v8+s4+$0x0], $0xffff  }
0xfb: {  	s2 =	sor.u32 s30, s21;
	v13 =	vld.idx.msk [tilespmem:v13+s4+$0x0], $0xffff;
	[tilespmem:s8+$0x0] =	vst v9;
	v9 =	vadd.s32 $0x49C, v3  }
0xfc: {  	s9 =	sor.u32 s25, s24;
	[tilespmem:s2+$0x0] =	vst v16;
	v16 =	vadd.s32 $0xB10, v1;
	v10 =	vld.idx.msk [tilespmem:v10+s4+$0x0], $0xffff  }
0xfd: {  	s10 =	sor.u32 s29, s7;
	s11 =	sadd.s32 $0x3B00, s0;
	v12 =	vld.idx.msk [tilespmem:v12+s4+$0x0], $0xffff;
	[tilespmem:s9+$0x0] =	vst v14;
	v14 =	vadd.s32 $0x1184, v7  }
0xfe: {  	s13 =	sadd.s32 $0x5E00, s28;
	s12 =	sor.u32 s31, s11;
	[tilespmem:s10+$0x0] =	vst v11;
	v11 =	vadd.s32 $0x49C, v4;
	v6 =	vld.idx.msk [tilespmem:v6+s4+$0x0], $0xffff  }
0xff: {  	s15 =	sadd.s32 $0x9D00, s16;
	s14 =	sor.u32 s26, s13;
	v15 =	vld.idx.msk [tilespmem:v15+s4+$0x0], $0xffff;
	[tilespmem:s12+$0x0] =	vst v8;
	v8 =	vadd.s32 $0xB10, v0  }
0x100: {  	s17 =	sor.u32 s3, s15;
	v9 =	vld.idx.msk [tilespmem:v9+s4+$0x0], $0xffff;
	[tilespmem:s14+$0x0] =	vst v13;
	v13 =	vadd.s32 $0x1184, v2  }
0x101: {  	s1 =	sor.u32 s30, s11;
	v16 =	vld.idx.msk [tilespmem:v16+s4+$0x0], $0xffff;
	[tilespmem:s17+$0x0] =	vst v10;
	v10 =	vadd.s32 $0x512, v3  }
0x102: {  	s18 =	sor.u32 s25, s13;
	[tilespmem:s1+$0x0] =	vst v12;
	v12 =	vld.idx.msk [tilespmem:v14+s4+$0x0], $0xffff;
	v14 =	vadd.s32 $0xB86, v1  }
0x103: {  	s21 =	sadd.s32 $0x3B80, s0;
	s19 =	sor.u32 s29, s15;
	v11 =	vld.idx.msk [tilespmem:v11+s4+$0x0], $0xffff;
	[tilespmem:s18+$0x0] =	vst v6;
	v6 =	vadd.s32 $0x11FA, v7  }
0x104: {  	s24 =	sadd.s32 $0x7A80, s28;
	s22 =	sor.u32 s31, s21;
	[tilespmem:s19+$0x0] =	vst v15;
	v15 =	vadd.s32 $0x512, v4;
	v8 =	vld.idx.msk [tilespmem:v8+s4+$0x0], $0xffff  }
0x105: {  	s7 =	sadd.s32 $0x9D80, s16;
	s6 =	sor.u32 s26, s24;
	v13 =	vld.idx.msk [tilespmem:v13+s4+$0x0], $0xffff;
	[tilespmem:s22+$0x0] =	vst v9;
	v9 =	vadd.s32 $0xB86, v0  }
0x106: {  	s8 =	sor.u32 s3, s7;
	v10 =	vld.idx.msk [tilespmem:v10+s4+$0x0], $0xffff;
	[tilespmem:s6+$0x0] =	vst v16;
	v16 =	vadd.s32 $0x11FA, v2  }
0x107: {  	s2 =	sor.u32 s30, s21;
	v14 =	vld.idx.msk [tilespmem:v14+s4+$0x0], $0xffff;
	[tilespmem:s8+$0x0] =	vst v12;
	v12 =	vadd.s32 $0x588, v3  }
0x108: {  	s9 =	sor.u32 s25, s24;
	[tilespmem:s2+$0x0] =	vst v11;
	v11 =	vadd.s32 $0xBFC, v1;
	v6 =	vld.idx.msk [tilespmem:v6+s4+$0x0], $0xffff  }
0x109: {  	s11 =	sadd.s32 $0x3C00, s0;
	s10 =	sor.u32 s29, s7;
	v15 =	vld.idx.msk [tilespmem:v15+s4+$0x0], $0xffff;
	[tilespmem:s9+$0x0] =	vst v8;
	v8 =	vadd.s32 $0x1270, v7  }
0x10a: {  	s13 =	sadd.s32 $0x7B00, s28;
	s12 =	sor.u32 s31, s11;
	v9 =	vld.idx.msk [tilespmem:v9+s4+$0x0], $0xffff;
	[tilespmem:s10+$0x0] =	vst v13;
	v13 =	vadd.s32 $0x588, v4  }
0x10b: {  	s15 =	sadd.s32 $0x9E00, s16;
	s14 =	sor.u32 s26, s13;
	v16 =	vld.idx.msk [tilespmem:v16+s4+$0x0], $0xffff;
	[tilespmem:s12+$0x0] =	vst v10  }
0x10c: {  	s7 =	simm.s32 $0x60;
	s18 =	sor.u32 s3, s15;
	v10 =	vadd.s32 $0xBFC, v0;
	v12 =	vld.idx.msk [tilespmem:v12+s4+$0x0], $0xffff;
	[tilespmem:s14+$0x0] =	vst v14  }
0x10d: {  	s1 =	sor.u32 s30, s11;
	s17 =	sand.u32 $0x60, s7;
	v14 =	vadd.s32 $0x1270, v2;
	v11 =	vld.idx.msk [tilespmem:v11+s4+$0x0], $0xffff;
	[tilespmem:s18+$0x0] =	vst v6  }
0x10e: {  	s21 =	sand.u32 $0x380, s7;
	s19 =	sor.u32 s25, s13;
	[tilespmem:s1+$0x0] =	vst v15;
	v15 =	vadd.s32 $0x5FE, v3;
	s18 =	sor.u32 $0x10, s17;
	v8 =	vld.idx.msk [tilespmem:v8+s4+$0x0], $0xffff  }
0x10f: {  	s1 =	sor.u32 s18, s21;
	v13 =	vld.idx.msk [tilespmem:v13+s4+$0x0], $0xffff;
	[tilespmem:s19+$0x0] =	vst v9;
	v9 =	vadd.s32 $0xC72, v1  }
0x110: {  	v17 =	vadd.s32 $0x12E6, v7;
	s24 =	sadd.s32 $0x3C80, s0;
	s22 =	sor.u32 s29, s15;
	v6 =	vld [tilespmem:s1+$0x1680]  }
0x111: {  	s6 =	sor.u32 s31, s24;
	s8 =	sadd.s32 $0x7B80, s28;
	v10 =	vld.idx.msk [tilespmem:v10+s4+$0x0], $0xffff;
	[tilespmem:s22+$0x0] =	vst v16  }
0x112: {  	s9 =	sor.u32 s26, s8;
	s10 =	sadd.s32 $0xBA80, s16;
	v16 =	vadd.s32 $0x5FE, v4;
	[tilespmem:s6+$0x0] =	vst v12;
	v14 =	vld.idx.msk [tilespmem:v14+s4+$0x0], $0xffff  }
0x113: {  	s11 =	sor.u32 s3, s10;
	v12 =	vadd.s32 $0xC72, v0;
	v15 =	vld.idx.msk [tilespmem:v15+s4+$0x0], $0xffff;
	[tilespmem:s9+$0x0] =	vst v11  }
0x114: {  	s5 =	sor.u32 s30, s24;
	[tilespmem:s11+$0x0] =	vst v8;
	v9 =	vld.idx.msk [tilespmem:v9+s4+$0x0], $0xffff  }
0x115: {  	s12 =	sor.u32 s25, s8;
	v8 =	vadd.s32 $0x674, v3;
	[tilespmem:s5+$0x0] =	vst v13;
	v11 =	vld.idx.msk [tilespmem:v17+s4+$0x0], $0xffff  }
0x116: {  	v17 =	vld.idx.msk [tilespmem:v5+s4+$0x0], $0xffff;
	[tilespmem:s12+$0x0] =	vst v10;
	v10 =	vadd.s32 $0xCE8, v1  }
0x117: {  	s13 =	sadd.s32 $0x3D00, s0;
	s22 =	sor.u32 s29, s10;
	v13 =	vld.idx.msk [tilespmem:v16+s4+$0x0], $0xffff;
	v16 =	vadd.s32 $0x135C, v7  }
0x118: {  	v18 =	vadd.s32 $0x674, v4;
	s15 =	sadd.s32 $0x7C00, s28;
	s14 =	sor.u32 s31, s13;
	v12 =	vld.idx.msk [tilespmem:v12+s4+$0x0], $0xffff;
	[tilespmem:s22+$0x0] =	vst v14  }
0x119: {  	s19 =	sor.u32 s26, s15;
	s1 =	sadd.s32 $0xBB00, s16;
	v19 =	vld.idx.msk [tilespmem:v6+s4+$0x0], $0xffff;
	[tilespmem:s14+$0x0] =	vst v15;
	v15 =	vadd.s32 $0xCE8, v0  }
0x11a: {  	s21 =	sor.u32 s3, s1;
	s5 =	simm.s32 $0x300;
	v20 =	vld.idx.msk [tilespmem:v8+s4+$0x0], $0xffff;
	v8 =	vadd.s32 $0x12E6, v2;
	[tilespmem:s19+$0x0] =	vst v9  }
0x11b: {  	s2 =	sor.u32 s30, s13;
	v9 =	vadd.s32 $0x76, v6;
	[tilespmem:s21+$0x0] =	vst v11;
	s19 =	sand.u32 $0x1C00, s5;
	v10 =	vld.idx.msk [tilespmem:v10+s4+$0x0], $0xffff  }
0x11c: {  	s8 =	sor.u32 s25, s15;
	v11 =	vadd.s32 $0x6EA, v3;
	[tilespmem:s2+$0x0] =	vst v13;
	v13 =	vld.idx.msk [tilespmem:v16+s4+$0x0], $0xffff;
	s24 =	sadd.s32 $0x1A80, s19  }
0x11d: {  	v16 =	vld.idx.msk [tilespmem:v18+s4+$0x0], $0xffff;
	[tilespmem:s8+$0x0] =	vst v12;
	v12 =	vadd.s32 $0xD5E, v1;
	s2 =	sor.u32 s18, s24  }
0x11e: {  	s10 =	sadd.s32 $0x3D80, s0;
	v18 =	vadd.s32 $0x76, v5;
	s13 =	sor.u32 s17, s24;
	v14 =	vld.idx.msk [tilespmem:v15+s4+$0x0], $0xffff;
	[tilespmem:s2+$0x0] =	vst v19  }
0x11f: {  	s11 =	sor.u32 s31, s10;
	s12 =	sadd.s32 $0x7C80, s28;
	v15 =	vadd.s32 $0x13D2, v7;
	[tilespmem:s13+$0x0] =	vst v17;
	v8 =	vld.idx.msk [tilespmem:v8+s4+$0x0], $0xffff  }
0x120: {  	s6 =	sadd.s32 $0xBB80, s16;
	v19 =	vadd.s32 $0x6EA, v4;
	[tilespmem:s11+$0x0] =	vst v20;
	s11 =	sor.u32 s26, s12;
	v9 =	vld.idx.msk [tilespmem:v9+s4+$0x0], $0xffff  }
0x121: {  	s14 =	sor.u32 s3, s6;
	v20 =	vadd.s32 $0xD5E, v0;
	v11 =	vld.idx.msk [tilespmem:v11+s4+$0x0], $0xffff;
	[tilespmem:s11+$0x0] =	vst v10  }
0x122: {  	s8 =	sor.u32 s30, s10;
	v10 =	vadd.s32 $0xEC, v6;
	[tilespmem:s14+$0x0] =	vst v13;
	v12 =	vld.idx.msk [tilespmem:v12+s4+$0x0], $0xffff  }
0x123: {  	s15 =	sor.u32 s25, s12;
	v13 =	vadd.s32 $0x760, v3;
	v17 =	vld.idx.msk [tilespmem:v18+s4+$0x0], $0xffff;
	[tilespmem:s8+$0x0] =	vst v16  }
0x124: {  	s21 =	sadd.s32 $0x3E00, s0;
	v16 =	vadd.s32 $0xDD4, v1;
	v15 =	vld.idx.msk [tilespmem:v15+s4+$0x0], $0xffff;
	[tilespmem:s15+$0x0] =	vst v14  }
0x125: {  	s22 =	sor.u32 s31, s21;
	s24 =	sadd.s32 $0x7D00, s28;
	v18 =	vld.idx.msk [tilespmem:v19+s4+$0x0], $0xffff;
	v19 =	vadd.s32 $0xEC, v5;
	[tilespmem:s2+$0x80] =	vst v9  }
0x126: {  	s12 =	sor.u32 s26, s24;
	v14 =	vadd.s32 $0x1448, v7;
	v9 =	vld.idx.msk [tilespmem:v20+s4+$0x0], $0xffff;
	[tilespmem:s22+$0x0] =	vst v11  }
0x127: {  	s8 =	sadd.s32 $0xBC00, s16;
	v20 =	vadd.s32 $0x760, v4;
	v10 =	vld.idx.msk [tilespmem:v10+s4+$0x0], $0xffff;
	[tilespmem:s12+$0x0] =	vst v12  }
0x128: {  	s14 =	sor.u32 s3, s8;
	v11 =	vld.idx.msk [tilespmem:v13+s4+$0x0], $0xffff;
	v13 =	vadd.s32 $0xDD4, v0;
	[tilespmem:s13+$0x80] =	vst v17  }
0x129: {  	s10 =	sor.u32 s30, s21;
	v12 =	vadd.s32 $0x162, v6;
	v16 =	vld.idx.msk [tilespmem:v16+s4+$0x0], $0xffff;
	[tilespmem:s14+$0x0] =	vst v15  }
0x12a: {  	s9 =	sor.u32 s25, s24;
	v15 =	vadd.s32 $0x7D6, v3;
	v17 =	vld.idx.msk [tilespmem:v19+s4+$0x0], $0xffff;
	[tilespmem:s10+$0x0] =	vst v18  }
0x12b: {  	s15 =	sadd.s32 $0x5A80, s0;
	v18 =	vadd.s32 $0xE4A, v1;
	v14 =	vld.idx.msk [tilespmem:v14+s4+$0x0], $0xffff;
	[tilespmem:s9+$0x0] =	vst v9  }
0x12c: {  	s21 =	sor.u32 s31, s15;
	s22 =	sadd.s32 $0x7D80, s28;
	v19 =	vld.idx.msk [tilespmem:v20+s4+$0x0], $0xffff;
	v9 =	vadd.s32 $0x14BE, v7;
	[tilespmem:s2+$0x100] =	vst v10  }
0x12d: {  	s12 =	sor.u32 s26, s22;
	v20 =	vadd.s32 $0x162, v5;
	v10 =	vld.idx.msk [tilespmem:v13+s4+$0x0], $0xffff;
	[tilespmem:s21+$0x0] =	vst v11  }
0x12e: {  	s9 =	sadd.s32 $0xBC80, s16;
	v13 =	vadd.s32 $0x7D6, v4;
	v12 =	vld.idx.msk [tilespmem:v12+s4+$0x0], $0xffff;
	[tilespmem:s12+$0x0] =	vst v16  }
0x12f: {  	s24 =	sor.u32 s3, s9;
	v11 =	vld.idx.msk [tilespmem:v15+s4+$0x0], $0xffff;
	v15 =	vadd.s32 $0xE4A, v0;
	[tilespmem:s13+$0x100] =	vst v17  }
0x130: {  	s10 =	sor.u32 s30, s15;
	v16 =	vadd.s32 $0x1D8, v6;
	v18 =	vld.idx.msk [tilespmem:v18+s4+$0x0], $0xffff;
	[tilespmem:s24+$0x0] =	vst v14  }
0x131: {  	s11 =	sor.u32 s25, s22;
	v14 =	vadd.s32 $0x84C, v3;
	v9 =	vld.idx.msk [tilespmem:v9+s4+$0x0], $0xffff;
	[tilespmem:s10+$0x0] =	vst v19  }
0x132: {  	s12 =	sadd.s32 $0x5B00, s0;
	v17 =	vld.idx.msk [tilespmem:v20+s4+$0x0], $0xffff;
	v19 =	vadd.s32 $0xEC0, v1;
	[tilespmem:s11+$0x0] =	vst v10  }
0x133: {  	s22 =	sor.u32 s31, s12;
	s24 =	sadd.s32 $0x7E00, s28;
	v13 =	vld.idx.msk [tilespmem:v13+s4+$0x0], $0xffff;
	v10 =	vadd.s32 $0x1534, v7;
	[tilespmem:s2+$0x180] =	vst v12  }
0x134: {  	s15 =	sadd.s32 $0xBD00, s16;
	v20 =	vadd.s32 $0x1D8, v5;
	s14 =	sor.u32 s26, s24;
	v12 =	vld.idx.msk [tilespmem:v15+s4+$0x0], $0xffff;
	[tilespmem:s22+$0x0] =	vst v11  }
0x135: {  	s21 =	sor.u32 s3, s15;
	v15 =	vld.idx.msk [tilespmem:v16+s4+$0x0], $0xffff;
	v16 =	vadd.s32 $0x84C, v4;
	[tilespmem:s14+$0x0] =	vst v18  }
0x136: {  	v11 =	vld.idx.msk [tilespmem:v14+s4+$0x0], $0xffff;
	v18 =	vadd.s32 $0x24E, v6;
	[tilespmem:s21+$0x0] =	vst v9  }
0x137: {  	s10 =	sor.u32 s30, s12;
	v14 =	vadd.s32 $0xEC0, v0;
	v19 =	vld.idx.msk [tilespmem:v19+s4+$0x0], $0xffff;
	[tilespmem:s13+$0x180] =	vst v17  }
0x138: {  	s22 =	sor.u32 s25, s24;
	v9 =	vadd.s32 $0x8C2, v3;
	v10 =	vld.idx.msk [tilespmem:v10+s4+$0x0], $0xffff;
	[tilespmem:s10+$0x0] =	vst v13  }
0x139: {  	s12 =	sadd.s32 $0x5B80, s0;
	v17 =	vld.idx.msk [tilespmem:v20+s4+$0x0], $0xffff;
	v20 =	vadd.s32 $0xF36, v1;
	[tilespmem:s22+$0x0] =	vst v12  }
0x13a: {  	v7 =	vadd.s32 $0x15AA, v7;
	s24 =	sor.u32 s31, s12;
	s21 =	sadd.s32 $0x9A80, s28;
	v16 =	vld.idx.msk [tilespmem:v16+s4+$0x0], $0xffff;
	[tilespmem:s2+$0x200] =	vst v15  }
0x13b: {  	s11 =	sor.u32 s26, s21;
	v12 =	vadd.s32 $0x24E, v5;
	v15 =	vld.idx.msk [tilespmem:v18+s4+$0x0], $0xffff;
	[tilespmem:s24+$0x0] =	vst v11;
	s24 =	sadd.s32 $0xBD80, s16  }
0x13c: {  	v21 =	vadd.s32 $0x8C2, v4;
	v14 =	vld.idx.msk [tilespmem:v14+s4+$0x0], $0xffff;
	[tilespmem:s11+$0x0] =	vst v19;
	s22 =	sor.u32 s3, s24  }
0x13d: {  	s9 =	sor.u32 s29, s9;
	v13 =	vld.idx.msk [tilespmem:v9+s4+$0x0], $0xffff;
	v19 =	vadd.s32 $0xF36, v0;
	[tilespmem:s22+$0x0] =	vst v10  }
0x13e: {  	s14 =	sor.u32 s5, s7;
	s11 =	sor.u32 s29, s8;
	s8 =	sor.u32 s30, s12;
	v11 =	vld.idx.msk [tilespmem:v20+s4+$0x0], $0xffff;
	[tilespmem:s13+$0x200] =	vst v17  }
0x13f: {  	s14 =	sor.u32 $0x380, s14;
	s10 =	sor.u32 s29, s6;
	v18 =	vadd.s32 $0x2C4, v6;
	s12 =	sor.u32 s25, s21;
	v10 =	vld.idx.msk [tilespmem:v7+s4+$0x0], $0xffff;
	[tilespmem:s8+$0x0] =	vst v16  }
0x140: {  	s21 =	sor.u32 s29, s24;
	s8 =	sor.u32 s29, s15;
	v16 =	vld.idx.msk [tilespmem:v12+s4+$0x0], $0xffff;
	s15 =	sadd.s32 $0x5C00, s0;
	[tilespmem:s2+$0x280] =	vst v15;
	v15 =	vadd.s32 $0x938, v3  }
0x141: {  	v9 =	vadd.s32 $0xFAC, v1;
	s22 =	sor.u32 s29, s1;
	s1 =	simm.s32 $0x6;
	[tilespmem:s12+$0x0] =	vst v14;
	v14 =	vld.idx.msk [tilespmem:v21+s4+$0x0], $0xffff;
	s6 =	sor.u32 s30, s15  }
0x142: {  	v17 =	vadd.s32 $0x2C4, v5;
	s12 =	sor.u32 s31, s15;
	s2 =	simm.s32 $0x1700;
	s15 =	sadd.s32 $0x9B00, s28;
	v7 =	vld.idx.msk [tilespmem:v19+s4+$0x0], $0xffff  }
.LBB2_3:
0x143: {  	v12 =	vld [tilespmem:s2+$0x0];
	v19 =	vadd.s32 $0x938, v4;
	[tilespmem:s12+$0x0] =	vst v13;
	s12 =	sor.u32 s25, s15;
	s15 =	sor.u32 s26, s15;
	s16 =	sadd.s32 $0xBE00, s16  }
0x144: {  	s20 =	sadd.s32 $0x1, s20;
	v13 =	vld.idx.msk [tilespmem:v18+s4+$0x0], $0xffff;
	v18 =	vadd.s32 $0xFAC, v0;
	[tilespmem:s15+$0x0] =	vst v11;
	s15 =	sor.u32 s29, s16;
	s3 =	sor.u32 s3, s16  }
0x145: {  	s16 =	sand.u32 $0x3, s20;
	s29 =	smov.u32 s25;
	s25 =	smov.u32 s30;
	v11 =	vld.idx.msk [tilespmem:v15+s4+$0x0], $0xffff;
	v15 =	vadd.s32 $0x135C, v2;
	[tilespmem:s3+$0x0] =	vst v10  }
0x146: {  	s30 =	smov.u32 s17;
	s16 =	sshll.u32 s16, $0x5;
	v10 =	vadd.s32 $0x33A, v6;
	s3 =	smov.u32 s26;
	[tilespmem:s13+$0x280] =	vst v16;
	v9 =	vld.idx.msk [tilespmem:v9+s4+$0x0], $0xffff  }
0x147: {  	s26 =	smov.u32 s31;
	s31 =	smov.u32 s18;
	s13 =	sadd.s32 s16, s5;
	v16 =	vld.idx.msk [tilespmem:v17+s4+$0x0], $0xffff;
	[tilespmem:s6+$0x0] =	vst v14;
	v14 =	vadd.s32 $0x9AE, v3  }
0x148: {  	s16 =	smov.u32 s28;
	s6 =	sor.u32 $0x300, s13;
	s13 =	sadd.s32 $0x10, s13;
	v17 =	vld.idx.msk [tilespmem:v19+s4+$0x0], $0xffff;
	[tilespmem:s12+$0x0] =	vst v7;
	v7 =	vadd.s32 $0x1022, v1  }
0x149: {  	s17 =	sadd.s32 $0x5C80, s0;
	s28 =	smov.u32 s0;
	v19 =	vadd.s32 $0x33A, v5;
	s12 =	sor.u32 $0x300, s13;
	v18 =	vld.idx.msk [tilespmem:v18+s4+$0x0], $0xffff;
	[tilespmem:s22+$0x0] =	vst v8  }
0x14a: {  	s0 =	sor.u32 s26, s17;
	v8 =	vadd.s32 $0x9AE, v4;
	[tilespmem:s12+$0x1A80] =	vst v13;
	s12 =	sor.u32 s25, s17;
	s17 =	sadd.s32 $0x9B80, s16;
	v13 =	vld.idx.msk [tilespmem:v15+s4+$0x0], $0xffff  }
0x14b: {  	v10 =	vld.idx.msk [tilespmem:v10+s4+$0x0], $0xffff;
	[tilespmem:s0+$0x0] =	vst v11;
	s18 =	sor.u32 s29, s17;
	v11 =	vadd.s32 $0x1022, v0;
	s17 =	sor.u32 s3, s17;
	s0 =	smov.u32 s19  }
0x14c: {  	v14 =	vld.idx.msk [tilespmem:v14+s4+$0x0], $0xffff;
	[tilespmem:s17+$0x0] =	vst v9;
	v9 =	vadd.s32 $0x13D2, v2  }
0x14d: {  	v15 =	vadd.s32 $0x3B0, v6;
	[tilespmem:s6+$0x1A80] =	vst v16;
	v7 =	vld.idx.msk [tilespmem:v7+s4+$0x0], $0xffff  }
0x14e: {  	v16 =	vld.idx.msk [tilespmem:v19+s4+$0x0], $0xffff;
	[tilespmem:s12+$0x0] =	vst v17;
	v17 =	vadd.s32 $0xA24, v3  }
0x14f: {  	v8 =	vld.idx.msk [tilespmem:v8+s4+$0x0], $0xffff;
	[tilespmem:s18+$0x0] =	vst v18;
	v18 =	vadd.s32 $0x1098, v1  }
0x150: {  	s6 =	sor.u32 $0x380, s13;
	v19 =	vadd.s32 $0x3B0, v5;
	s12 =	sadd.s32 $0x5D00, s28;
	v11 =	vld.idx.msk [tilespmem:v11+s4+$0x0], $0xffff;
	[tilespmem:s10+$0x0] =	vst v13  }
0x151: {  	s10 =	sor.u32 s26, s12;
	[tilespmem:s6+$0x1A80] =	vst v10;
	s6 =	sor.u32 s25, s12;
	v10 =	vadd.s32 $0xA24, v4;
	s12 =	sadd.s32 $0x9C00, s16;
	v9 =	vld.idx.msk [tilespmem:v9+s4+$0x0], $0xffff  }
0x152: {  	v13 =	vld.idx.msk [tilespmem:v15+s4+$0x0], $0xffff;
	[tilespmem:s10+$0x0] =	vst v14;
	s10 =	sor.u32 s29, s12;
	v14 =	vadd.s32 $0x1098, v0;
	s12 =	sor.u32 s3, s12  }
0x153: {  	v15 =	vld.idx.msk [tilespmem:v17+s4+$0x0], $0xffff;
	[tilespmem:s12+$0x0] =	vst v7;
	v7 =	vadd.s32 $0x1448, v2  }
0x154: {  	[tilespmem:s14+$0x1A80] =	vst v16;
	v16 =	vadd.s32 $0x426, v6;
	v17 =	vld.idx.msk [tilespmem:v18+s4+$0x0], $0xffff  }
0x155: {  	v18 =	vld.idx.msk [tilespmem:v19+s4+$0x0], $0xffff;
	[tilespmem:s6+$0x0] =	vst v8;
	v8 =	vadd.s32 $0xA9A, v3  }
0x156: {  	s6 =	sadd.s32 $0x3A80, s0;
	v10 =	vld.idx.msk [tilespmem:v10+s4+$0x0], $0xffff;
	[tilespmem:s10+$0x0] =	vst v11;
	v11 =	vadd.s32 $0x110E, v1  }
0x157: {  	s12 =	sadd.s32 $0x5D80, s28;
	v19 =	vadd.s32 $0x426, v5;
	s10 =	sor.u32 s30, s6;
	s6 =	sor.u32 s31, s6;
	v14 =	vld.idx.msk [tilespmem:v14+s4+$0x0], $0xffff;
	[tilespmem:s11+$0x0] =	vst v9  }
0x158: {  	v9 =	vadd.s32 $0xA9A, v4;
	s11 =	sor.u32 s26, s12;
	[tilespmem:s6+$0x0] =	vst v13;
	s6 =	sor.u32 s25, s12;
	s12 =	sadd.s32 $0x9C80, s16;
	v7 =	vld.idx.msk [tilespmem:v7+s4+$0x0], $0xffff  }
0x159: {  	v13 =	vld.idx.msk [tilespmem:v16+s4+$0x0], $0xffff;
	[tilespmem:s11+$0x0] =	vst v15;
	s11 =	sor.u32 s29, s12;
	v15 =	vadd.s32 $0x110E, v0;
	s12 =	sor.u32 s3, s12  }
0x15a: {  	v16 =	vadd.s32 $0x14BE, v2;
	v8 =	vld.idx.msk [tilespmem:v8+s4+$0x0], $0xffff;
	[tilespmem:s12+$0x0] =	vst v17  }
0x15b: {  	v17 =	vadd.s32 $0x49C, v6;
	[tilespmem:s10+$0x0] =	vst v18;
	v11 =	vld.idx.msk [tilespmem:v11+s4+$0x0], $0xffff  }
0x15c: {  	v18 =	vld.idx.msk [tilespmem:v19+s4+$0x0], $0xffff;
	[tilespmem:s6+$0x0] =	vst v10;
	v10 =	vadd.s32 $0xB10, v3  }
0x15d: {  	s6 =	sadd.s32 $0x3B00, s0;
	v9 =	vld.idx.msk [tilespmem:v9+s4+$0x0], $0xffff;
	[tilespmem:s11+$0x0] =	vst v14;
	v14 =	vadd.s32 $0x1184, v1  }
0x15e: {  	v19 =	vadd.s32 $0x49C, v5;
	s10 =	sor.u32 s30, s6;
	s6 =	sor.u32 s31, s6;
	s11 =	sadd.s32 $0x5E00, s28;
	v15 =	vld.idx.msk [tilespmem:v15+s4+$0x0], $0xffff;
	[tilespmem:s9+$0x0] =	vst v7  }
0x15f: {  	v7 =	vadd.s32 $0xB10, v4;
	s9 =	sor.u32 s26, s11;
	[tilespmem:s6+$0x0] =	vst v13;
	s6 =	sor.u32 s25, s11;
	s11 =	sadd.s32 $0x9D00, s16;
	v13 =	vld.idx.msk [tilespmem:v16+s4+$0x0], $0xffff  }
0x160: {  	v16 =	vld.idx.msk [tilespmem:v17+s4+$0x0], $0xffff;
	[tilespmem:s9+$0x0] =	vst v8;
	s9 =	sor.u32 s29, s11;
	v8 =	vadd.s32 $0x1184, v0;
	s11 =	sor.u32 s3, s11  }
0x161: {  	v10 =	vld.idx.msk [tilespmem:v10+s4+$0x0], $0xffff;
	[tilespmem:s11+$0x0] =	vst v11;
	v11 =	vadd.s32 $0x1534, v2  }
0x162: {  	v17 =	vadd.s32 $0x512, v6;
	[tilespmem:s10+$0x0] =	vst v18;
	v14 =	vld.idx.msk [tilespmem:v14+s4+$0x0], $0xffff  }
0x163: {  	v18 =	vld.idx.msk [tilespmem:v19+s4+$0x0], $0xffff;
	[tilespmem:s6+$0x0] =	vst v9;
	v9 =	vadd.s32 $0xB86, v3  }
0x164: {  	s6 =	sadd.s32 $0x3B80, s0;
	v7 =	vld.idx.msk [tilespmem:v7+s4+$0x0], $0xffff;
	[tilespmem:s9+$0x0] =	vst v15;
	v15 =	vadd.s32 $0x11FA, v1  }
0x165: {  	s10 =	sadd.s32 $0x7A80, s28;
	v19 =	vadd.s32 $0x512, v5;
	s9 =	sor.u32 s30, s6;
	s6 =	sor.u32 s31, s6;
	v8 =	vld.idx.msk [tilespmem:v8+s4+$0x0], $0xffff;
	[tilespmem:s8+$0x0] =	vst v13  }
0x166: {  	v13 =	vadd.s32 $0xB86, v4;
	s8 =	sor.u32 s26, s10;
	[tilespmem:s6+$0x0] =	vst v16;
	s6 =	sor.u32 s25, s10;
	s10 =	sadd.s32 $0x9D80, s16;
	v11 =	vld.idx.msk [tilespmem:v11+s4+$0x0], $0xffff  }
0x167: {  	v16 =	vld.idx.msk [tilespmem:v17+s4+$0x0], $0xffff;
	[tilespmem:s8+$0x0] =	vst v10;
	s8 =	sor.u32 s29, s10;
	v10 =	vadd.s32 $0x11FA, v0;
	s10 =	sor.u32 s3, s10  }
0x168: {  	v9 =	vld.idx.msk [tilespmem:v9+s4+$0x0], $0xffff;
	[tilespmem:s10+$0x0] =	vst v14;
	v14 =	vadd.s32 $0x15AA, v2;
	v2 =	vmovc v0;
	v0 =	vmovc v4;
	v4 =	vmov v5;
	v5 =	vmov v12  }
0x169: {  	v12 =	vadd.s32 $0x588, v6;
	[tilespmem:s9+$0x0] =	vst v18;
	v15 =	vld.idx.msk [tilespmem:v15+s4+$0x0], $0xffff  }
0x16a: {  	v17 =	vld.idx.msk [tilespmem:v19+s4+$0x0], $0xffff;
	[tilespmem:s6+$0x0] =	vst v7;
	v7 =	vadd.s32 $0xBFC, v3  }
0x16b: {  	s6 =	sadd.s32 $0x3C00, s0;
	v13 =	vld.idx.msk [tilespmem:v13+s4+$0x0], $0xffff;
	[tilespmem:s8+$0x0] =	vst v8;
	v8 =	vadd.s32 $0x1270, v1  }
0x16c: {  	v18 =	vadd.s32 $0x588, v4;
	s9 =	sadd.s32 $0x7B00, s28;
	s8 =	sor.u32 s30, s6;
	s6 =	sor.u32 s31, s6;
	v10 =	vld.idx.msk [tilespmem:v10+s4+$0x0], $0xffff;
	[tilespmem:s21+$0x0] =	vst v11  }
0x16d: {  	s10 =	sadd.s32 $0x9E00, s16;
	v11 =	vadd.s32 $0xBFC, v0;
	[tilespmem:s6+$0x0] =	vst v16;
	s6 =	sor.u32 s25, s9;
	s9 =	sor.u32 s26, s9;
	v14 =	vld.idx.msk [tilespmem:v14+s4+$0x0], $0xffff  }
0x16e: {  	v12 =	vld.idx.msk [tilespmem:v12+s4+$0x0], $0xffff;
	[tilespmem:s9+$0x0] =	vst v9;
	s9 =	sor.u32 s29, s10;
	s10 =	sor.u32 s3, s10  }
0x16f: {  	s7 =	sadd.s32 $0x20, s7;
	v16 =	vadd.s32 $0x1270, v2;
	v9 =	vld.idx.msk [tilespmem:v7+s4+$0x0], $0xffff;
	[tilespmem:s10+$0x0] =	vst v15  }
0x170: {  	s17 =	sand.u32 $0x60, s7;
	v15 =	vadd.s32 $0x5FE, v6;
	[tilespmem:s8+$0x0] =	vst v17;
	v8 =	vld.idx.msk [tilespmem:v8+s4+$0x0], $0xffff  }
0x171: {  	s18 =	sor.u32 $0x10, s17;
	s8 =	sand.u32 $0x380, s7;
	v17 =	vld.idx.msk [tilespmem:v18+s4+$0x0], $0xffff;
	[tilespmem:s6+$0x0] =	vst v13;
	v13 =	vadd.s32 $0xC72, v3  }
0x172: {  	s6 =	sor.u32 s18, s8;
	s8 =	sadd.s32 $0x3C80, s0;
	v11 =	vld.idx.msk [tilespmem:v11+s4+$0x0], $0xffff;
	[tilespmem:s9+$0x0] =	vst v10;
	v10 =	vadd.s32 $0x12E6, v1  }
0x173: {  	s1 =	sadd.s32 $0x2, s1;
	v18 =	vadd.s32 $0x5FE, v4;
	s9 =	sadd.s32 $0x7B80, s28;
	v7 =	vld [tilespmem:s6+$0x1680];
	s6 =	sor.u32 s31, s8;
	[tilespmem:s15+$0x0] =	vst v14  }
0x174: {  	p1 =	slt.u32 s1, $0x3E;
	s10 =	sadd.s32 $0xBA80, s16;
	[tilespmem:s6+$0x0] =	vst v12;
	v12 =	vadd.s32 $0xC72, v0;
	s6 =	sor.u32 s26, s9;
	v14 =	vld.idx.msk [tilespmem:v16+s4+$0x0], $0xffff  }
0x175: {  	s8 =	sor.u32 s30, s8;
	s9 =	sor.u32 s25, s9;
	v15 =	vld.idx.msk [tilespmem:v15+s4+$0x0], $0xffff;
	[tilespmem:s6+$0x0] =	vst v9;
	s6 =	sor.u32 s3, s10  }
0x176: {  	s10 =	sor.u32 s29, s10;
	v9 =	vld.idx.msk [tilespmem:v13+s4+$0x0], $0xffff;
	[tilespmem:s6+$0x0] =	vst v8  }
0x177: {  	v8 =	vadd.s32 $0x674, v6;
	[tilespmem:s8+$0x0] =	vst v17;
	v10 =	vld.idx.msk [tilespmem:v10+s4+$0x0], $0xffff  }
0x178: {  	v13 =	vld.idx.msk [tilespmem:v18+s4+$0x0], $0xffff;
	[tilespmem:s9+$0x0] =	vst v11;
	v11 =	vadd.s32 $0xCE8, v3  }
0x179: {  	v16 =	vadd.s32 $0x135C, v1;
	s6 =	sadd.s32 $0x3D00, s0;
	v12 =	vld.idx.msk [tilespmem:v12+s4+$0x0], $0xffff  }
0x17a: {  	s8 =	sor.u32 s30, s6;
	s6 =	sor.u32 s31, s6;
	v18 =	vadd.s32 $0x674, v4;
	s9 =	sadd.s32 $0x7C00, s28;
	v17 =	vld.idx.msk [tilespmem:v5+s4+$0x0], $0xffff;
	[tilespmem:s10+$0x0] =	vst v14  }
0x17b: {  	s10 =	sadd.s32 $0xBB00, s16;
	v14 =	vld.idx.msk [tilespmem:v7+s4+$0x0], $0xffff;
	[tilespmem:s6+$0x0] =	vst v15;
	s6 =	sor.u32 s25, s9;
	v15 =	vadd.s32 $0xCE8, v0;
	s9 =	sor.u32 s26, s9  }
0x17c: {  	s22 =	sor.u32 s29, s10;
	v19 =	vld.idx.msk [tilespmem:v8+s4+$0x0], $0xffff;
	[tilespmem:s9+$0x0] =	vst v9;
	v8 =	vadd.s32 $0x12E6, v2;
	s9 =	sor.u32 s3, s10  }
0x17d: {  	s5 =	sadd.s32 $0x100, s5;
	v9 =	vadd.s32 $0x76, v7;
	v11 =	vld.idx.msk [tilespmem:v11+s4+$0x0], $0xffff;
	[tilespmem:s9+$0x0] =	vst v10  }
0x17e: {  	s19 =	sand.u32 $0x1C00, s5;
	s9 =	sor.u32 s5, s7;
	v10 =	vadd.s32 $0x6EA, v6;
	[tilespmem:s8+$0x0] =	vst v13;
	v13 =	vld.idx.msk [tilespmem:v16+s4+$0x0], $0xffff  }
0x17f: {  	s8 =	sadd.s32 $0x1A80, s19;
	s14 =	sor.u32 $0x380, s9;
	v16 =	vld.idx.msk [tilespmem:v18+s4+$0x0], $0xffff;
	[tilespmem:s6+$0x0] =	vst v12;
	v12 =	vadd.s32 $0xD5E, v3  }
0x180: {  	s13 =	sor.u32 s17, s8;
	s15 =	sor.u32 s18, s8;
	s6 =	sadd.s32 $0x3D80, s0;
	v18 =	vadd.s32 $0x13D2, v1;
	v15 =	vld.idx.msk [tilespmem:v15+s4+$0x0], $0xffff  }
0x181: {  	v20 =	vadd.s32 $0x76, v5;
	s9 =	sadd.s32 $0x7C80, s28;
	s8 =	sor.u32 s30, s6;
	s6 =	sor.u32 s31, s6;
	[tilespmem:s15+$0x0] =	vst v14;
	v8 =	vld.idx.msk [tilespmem:v8+s4+$0x0], $0xffff  }
0x182: {  	s11 =	sadd.s32 $0xBB80, s16;
	v14 =	vadd.s32 $0x6EA, v4;
	v9 =	vld.idx.msk [tilespmem:v9+s4+$0x0], $0xffff;
	[tilespmem:s6+$0x0] =	vst v19;
	s6 =	sor.u32 s25, s9;
	s9 =	sor.u32 s26, s9  }
0x183: {  	s10 =	sor.u32 s29, s11;
	v19 =	vadd.s32 $0xD5E, v0;
	v10 =	vld.idx.msk [tilespmem:v10+s4+$0x0], $0xffff;
	[tilespmem:s9+$0x0] =	vst v11;
	s9 =	sor.u32 s3, s11  }
0x184: {  	v11 =	vadd.s32 $0xEC, v7;
	v12 =	vld.idx.msk [tilespmem:v12+s4+$0x0], $0xffff;
	[tilespmem:s9+$0x0] =	vst v13  }
0x185: {  	v13 =	vadd.s32 $0x760, v6;
	[tilespmem:s13+$0x0] =	vst v17;
	v17 =	vld.idx.msk [tilespmem:v18+s4+$0x0], $0xffff  }
0x186: {  	v18 =	vld.idx.msk [tilespmem:v20+s4+$0x0], $0xffff;
	[tilespmem:s8+$0x0] =	vst v16;
	v16 =	vadd.s32 $0xDD4, v3  }
0x187: {  	s8 =	sadd.s32 $0x3E00, s0;
	v14 =	vld.idx.msk [tilespmem:v14+s4+$0x0], $0xffff;
	[tilespmem:s6+$0x0] =	vst v15;
	v15 =	vadd.s32 $0x1448, v1  }
0x188: {  	s9 =	sadd.s32 $0x7D00, s28;
	v20 =	vadd.s32 $0xEC, v5;
	s6 =	sor.u32 s30, s8;
	s8 =	sor.u32 s31, s8;
	[tilespmem:s15+$0x80] =	vst v9;
	v9 =	vld.idx.msk [tilespmem:v19+s4+$0x0], $0xffff  }
0x189: {  	s12 =	sadd.s32 $0xBC00, s16;
	v19 =	vadd.s32 $0x760, v4;
	v11 =	vld.idx.msk [tilespmem:v11+s4+$0x0], $0xffff;
	[tilespmem:s8+$0x0] =	vst v10;
	s8 =	sor.u32 s25, s9;
	s9 =	sor.u32 s26, s9  }
0x18a: {  	s11 =	sor.u32 s29, s12;
	v10 =	vld.idx.msk [tilespmem:v13+s4+$0x0], $0xffff;
	v13 =	vadd.s32 $0xDD4, v0;
	[tilespmem:s9+$0x0] =	vst v12;
	s9 =	sor.u32 s3, s12  }
0x18b: {  	v12 =	vadd.s32 $0x162, v7;
	v16 =	vld.idx.msk [tilespmem:v16+s4+$0x0], $0xffff;
	[tilespmem:s9+$0x0] =	vst v17  }
0x18c: {  	v17 =	vadd.s32 $0x7D6, v6;
	[tilespmem:s13+$0x80] =	vst v18;
	v15 =	vld.idx.msk [tilespmem:v15+s4+$0x0], $0xffff  }
0x18d: {  	v18 =	vld.idx.msk [tilespmem:v20+s4+$0x0], $0xffff;
	[tilespmem:s6+$0x0] =	vst v14;
	v14 =	vadd.s32 $0xE4A, v3  }
0x18e: {  	s6 =	sadd.s32 $0x5A80, s0;
	v19 =	vld.idx.msk [tilespmem:v19+s4+$0x0], $0xffff;
	[tilespmem:s8+$0x0] =	vst v9;
	v9 =	vadd.s32 $0x14BE, v1  }
0x18f: {  	s9 =	sadd.s32 $0x7D80, s28;
	v20 =	vadd.s32 $0x162, v5;
	s8 =	sor.u32 s30, s6;
	s6 =	sor.u32 s31, s6;
	[tilespmem:s15+$0x100] =	vst v11;
	v11 =	vld.idx.msk [tilespmem:v13+s4+$0x0], $0xffff  }
0x190: {  	s12 =	sadd.s32 $0xBC80, s16;
	v13 =	vadd.s32 $0x7D6, v4;
	v12 =	vld.idx.msk [tilespmem:v12+s4+$0x0], $0xffff;
	[tilespmem:s6+$0x0] =	vst v10;
	s6 =	sor.u32 s25, s9;
	s9 =	sor.u32 s26, s9  }
0x191: {  	v10 =	vld.idx.msk [tilespmem:v17+s4+$0x0], $0xffff;
	v17 =	vadd.s32 $0xE4A, v0;
	[tilespmem:s9+$0x0] =	vst v16;
	s9 =	sor.u32 s29, s12;
	s12 =	sor.u32 s3, s12  }
0x192: {  	v16 =	vadd.s32 $0x1D8, v7;
	v14 =	vld.idx.msk [tilespmem:v14+s4+$0x0], $0xffff;
	[tilespmem:s12+$0x0] =	vst v15  }
0x193: {  	v15 =	vadd.s32 $0x84C, v6;
	[tilespmem:s13+$0x100] =	vst v18;
	v9 =	vld.idx.msk [tilespmem:v9+s4+$0x0], $0xffff  }
0x194: {  	v18 =	vld.idx.msk [tilespmem:v20+s4+$0x0], $0xffff;
	[tilespmem:s8+$0x0] =	vst v19;
	v19 =	vadd.s32 $0xEC0, v3  }
0x195: {  	s8 =	sadd.s32 $0x5B00, s0;
	v13 =	vld.idx.msk [tilespmem:v13+s4+$0x0], $0xffff;
	[tilespmem:s6+$0x0] =	vst v11;
	v11 =	vadd.s32 $0x1534, v1  }
0x196: {  	s12 =	sadd.s32 $0x7E00, s28;
	v20 =	vadd.s32 $0x1D8, v5;
	s6 =	sor.u32 s30, s8;
	s8 =	sor.u32 s31, s8;
	[tilespmem:s15+$0x180] =	vst v12;
	v12 =	vld.idx.msk [tilespmem:v17+s4+$0x0], $0xffff  }
0x197: {  	s21 =	sor.u32 s25, s12;
	v17 =	vadd.s32 $0x84C, v4;
	v16 =	vld.idx.msk [tilespmem:v16+s4+$0x0], $0xffff;
	[tilespmem:s8+$0x0] =	vst v10;
	s8 =	sor.u32 s26, s12;
	s12 =	sadd.s32 $0xBD00, s16  }
0x198: {  	v10 =	vld.idx.msk [tilespmem:v15+s4+$0x0], $0xffff;
	v15 =	vadd.s32 $0xEC0, v0;
	[tilespmem:s8+$0x0] =	vst v14;
	s8 =	sor.u32 s29, s12;
	s12 =	sor.u32 s3, s12  }
0x199: {  	v14 =	vadd.s32 $0x24E, v7;
	v19 =	vld.idx.msk [tilespmem:v19+s4+$0x0], $0xffff;
	[tilespmem:s12+$0x0] =	vst v9  }
0x19a: {  	v9 =	vadd.s32 $0x8C2, v6;
	[tilespmem:s13+$0x180] =	vst v18;
	v18 =	vld.idx.msk [tilespmem:v11+s4+$0x0], $0xffff  }
0x19b: {  	v11 =	vadd.s32 $0xF36, v3;
	v20 =	vld.idx.msk [tilespmem:v20+s4+$0x0], $0xffff;
	[tilespmem:s6+$0x0] =	vst v13  }
0x19c: {  	s6 =	sadd.s32 $0x5B80, s0;
	v17 =	vld.idx.msk [tilespmem:v17+s4+$0x0], $0xffff;
	[tilespmem:s21+$0x0] =	vst v12;
	v12 =	vadd.s32 $0x15AA, v1;
	v1 =	vmovc v3;
	v3 =	vmov v6;
	v6 =	vmov v7  }
0x19d: {  	v7 =	vadd.s32 $0x24E, v5;
	s12 =	sor.u32 s30, s6;
	s6 =	sor.u32 s31, s6;
	s21 =	sadd.s32 $0x9A80, s28;
	[tilespmem:s15+$0x200] =	vst v16;
	v21 =	vld.idx.msk [tilespmem:v15+s4+$0x0], $0xffff  }
0x19e: {  	s24 =	sadd.s32 $0xBD80, s16;
	v22 =	vld.idx.msk [tilespmem:v14+s4+$0x0], $0xffff;
	v14 =	vadd.s32 $0x8C2, v4;
	[tilespmem:s6+$0x0] =	vst v10;
	s6 =	sor.u32 s25, s21;
	s21 =	sor.u32 s26, s21  }
0x19f: {  	v23 =	vadd.s32 $0xF36, v0;
	v13 =	vld.idx.msk [tilespmem:v9+s4+$0x0], $0xffff;
	[tilespmem:s21+$0x0] =	vst v19;
	s21 =	sor.u32 s29, s24;
	s24 =	sor.u32 s3, s24  }
.Ltmp2:
0x1a0: {  	v11 =	vld.idx.msk [tilespmem:v11+s4+$0x0], $0xffff;
	[tilespmem:s24+$0x0] =	vst v18;
	(pc) =	sbr.rel @p1 .LBB2_3-.Ltmp2, $4  }
0x1a1: {  	v18 =	vadd.s32 $0x2C4, v6;
	[tilespmem:s13+$0x200] =	vst v20;
	v10 =	vld.idx.msk [tilespmem:v12+s4+$0x0], $0xffff  }
0x1a2: {  	v15 =	vadd.s32 $0x938, v3;
	v16 =	vld.idx.msk [tilespmem:v7+s4+$0x0], $0xffff;
	[tilespmem:s12+$0x0] =	vst v17  }
0x1a3: {  	s2 =	sadd.s32 $0x20, s2;
	v9 =	vadd.s32 $0xFAC, v1;
	s12 =	sadd.s32 $0x5C00, s0;
	v14 =	vld.idx.msk [tilespmem:v14+s4+$0x0], $0xffff;
	[tilespmem:s6+$0x0] =	vst v21  }
0x1a4: {  	v17 =	vadd.s32 $0x2C4, v5;
	s6 =	sor.u32 s30, s12;
	s12 =	sor.u32 s31, s12;
	[tilespmem:s15+$0x280] =	vst v22;
	v7 =	vld.idx.msk [tilespmem:v23+s4+$0x0], $0xffff;
	s15 =	sadd.s32 $0x9B00, s28  }
0x1a5: {  	_ =	sdelay $0x2  }
0x1a6: {  	s1 =	sadd.s32 $0x1, s20  }
0x1a7: {  	v12 =	vld.idx.msk [tilespmem:v18+s4+$0x0], $0xffff;
	s1 =	sand.u32 $0x3, s1;
	[tilespmem:s13+$0x280] =	vst v16  }
0x1a8: {  	v52 =	vadd.s32 $0x33A, v6;
	s1 =	sshll.u32 s1, $0x5;
	v17 =	vld.idx.msk [tilespmem:v17+s4+$0x0], $0xffff  }
0x1a9: {  	v53 =	vadd.s32 $0x33A, v5;
	s1 =	sadd.s32 s1, s5  }
0x1aa: {  	s2 =	sadd.s32 $0x10, s1  }
0x1ab: {  	s24 =	sor.u32 $0x300, s2  }
0x1ac: {  	s1 =	sor.u32 $0x300, s1;
	[tilespmem:s24+$0x1A80] =	vst v12  }
0x1ad: {  	v12 =	vld.idx.msk [tilespmem:v52+s4+$0x0], $0xffff;
	[tilespmem:s1+$0x1A80] =	vst v17  }
0x1ae: {  	v54 =	vadd.s32 $0x3B0, v6;
	v17 =	vld.idx.msk [tilespmem:v53+s4+$0x0], $0xffff  }
0x1af: {  	v55 =	vadd.s32 $0x3B0, v5;
	_ =	sdelay $0x1  }
0x1b0: {  	s2 =	sor.u32 $0x380, s2  }
0x1b1: {  	[tilespmem:s2+$0x1A80] =	vst v12  }
0x1b2: {  	v12 =	vld.idx.msk [tilespmem:v54+s4+$0x0], $0xffff;
	[tilespmem:s14+$0x1A80] =	vst v17  }
0x1b3: {  	v56 =	vadd.s32 $0x426, v6;
	v17 =	vld.idx.msk [tilespmem:v55+s4+$0x0], $0xffff  }
0x1b4: {  	v57 =	vadd.s32 $0x426, v5  }
0x1b5: {  	s5 =	sadd.s32 $0x3A80, s19  }
0x1b6: {  	s7 =	sor.u32 s18, s5  }
0x1b7: {  	s1 =	sor.u32 s17, s5;
	[tilespmem:s7+$0x0] =	vst v12  }
0x1b8: {  	v12 =	vld.idx.msk [tilespmem:v56+s4+$0x0], $0xffff;
	[tilespmem:s1+$0x0] =	vst v17  }
0x1b9: {  	v58 =	vadd.s32 $0x49C, v6;
	v17 =	vld.idx.msk [tilespmem:v57+s4+$0x0], $0xffff  }
0x1ba: {  	v59 =	vadd.s32 $0x49C, v5  }
0x1bb: {  	s13 =	sadd.s32 $0x3B00, s19  }
0x1bc: {  	s14 =	sor.u32 s18, s13  }
0x1bd: {  	s1 =	sor.u32 s17, s13;
	[tilespmem:s14+$0x0] =	vst v12  }
0x1be: {  	v12 =	vld.idx.msk [tilespmem:v58+s4+$0x0], $0xffff;
	[tilespmem:s1+$0x0] =	vst v17  }
0x1bf: {  	v60 =	vadd.s32 $0x512, v6;
	v17 =	vld.idx.msk [tilespmem:v59+s4+$0x0], $0xffff  }
0x1c0: {  	v61 =	vadd.s32 $0x512, v5  }
0x1c1: {  	s20 =	sadd.s32 $0x3B80, s19  }
0x1c2: {  	s24 =	sor.u32 s18, s20  }
0x1c3: {  	s1 =	sor.u32 s17, s20;
	[tilespmem:s24+$0x0] =	vst v12  }
0x1c4: {  	v12 =	vld.idx.msk [tilespmem:v60+s4+$0x0], $0xffff;
	[tilespmem:s1+$0x0] =	vst v17  }
0x1c5: {  	v62 =	vadd.s32 $0x588, v6;
	v17 =	vld.idx.msk [tilespmem:v61+s4+$0x0], $0xffff  }
0x1c6: {  	v63 =	vadd.s32 $0x588, v5  }
0x1c7: {  	s5 =	sadd.s32 $0x3C00, s19  }
0x1c8: {  	s7 =	sor.u32 s18, s5  }
0x1c9: {  	s1 =	sor.u32 s17, s5;
	[tilespmem:s7+$0x0] =	vst v12  }
0x1ca: {  	v12 =	vld.idx.msk [tilespmem:v62+s4+$0x0], $0xffff;
	[tilespmem:s1+$0x0] =	vst v17  }
0x1cb: {  	v21 =	vadd.s32 $0x5FE, v6;
	v17 =	vld.idx.msk [tilespmem:v63+s4+$0x0], $0xffff  }
0x1cc: {  	v22 =	vadd.s32 $0x5FE, v5  }
0x1cd: {  	s13 =	sadd.s32 $0x3C80, s19  }
0x1ce: {  	s14 =	sor.u32 s18, s13  }
0x1cf: {  	s1 =	sor.u32 s17, s13;
	[tilespmem:s14+$0x0] =	vst v12  }
0x1d0: {  	v12 =	vld.idx.msk [tilespmem:v21+s4+$0x0], $0xffff;
	[tilespmem:s1+$0x0] =	vst v17  }
0x1d1: {  	v23 =	vadd.s32 $0x674, v6;
	v17 =	vld.idx.msk [tilespmem:v22+s4+$0x0], $0xffff  }
0x1d2: {  	v24 =	vadd.s32 $0x674, v5  }
0x1d3: {  	s20 =	sadd.s32 $0x3D00, s19  }
0x1d4: {  	s24 =	sor.u32 s18, s20  }
0x1d5: {  	s1 =	sor.u32 s17, s20;
	[tilespmem:s24+$0x0] =	vst v12  }
0x1d6: {  	v12 =	vld.idx.msk [tilespmem:v23+s4+$0x0], $0xffff;
	[tilespmem:s1+$0x0] =	vst v17  }
0x1d7: {  	v25 =	vadd.s32 $0x6EA, v6;
	v17 =	vld.idx.msk [tilespmem:v24+s4+$0x0], $0xffff  }
0x1d8: {  	v26 =	vadd.s32 $0x6EA, v5  }
0x1d9: {  	s5 =	sadd.s32 $0x3D80, s19  }
0x1da: {  	s7 =	sor.u32 s18, s5  }
0x1db: {  	s1 =	sor.u32 s17, s5;
	[tilespmem:s7+$0x0] =	vst v12  }
0x1dc: {  	v12 =	vld.idx.msk [tilespmem:v25+s4+$0x0], $0xffff;
	[tilespmem:s1+$0x0] =	vst v17  }
0x1dd: {  	v27 =	vadd.s32 $0x760, v6;
	v17 =	vld.idx.msk [tilespmem:v26+s4+$0x0], $0xffff  }
0x1de: {  	v28 =	vadd.s32 $0x760, v5  }
0x1df: {  	s13 =	sadd.s32 $0x3E00, s19  }
0x1e0: {  	s14 =	sor.u32 s18, s13  }
0x1e1: {  	s1 =	sor.u32 s17, s13;
	[tilespmem:s14+$0x0] =	vst v12  }
0x1e2: {  	v12 =	vld.idx.msk [tilespmem:v27+s4+$0x0], $0xffff;
	[tilespmem:s1+$0x0] =	vst v17  }
0x1e3: {  	v29 =	vadd.s32 $0x7D6, v6;
	v17 =	vld.idx.msk [tilespmem:v28+s4+$0x0], $0xffff  }
0x1e4: {  	v30 =	vadd.s32 $0x7D6, v5  }
0x1e5: {  	s20 =	sadd.s32 $0x5A80, s19  }
0x1e6: {  	s24 =	sor.u32 s18, s20  }
0x1e7: {  	s1 =	sor.u32 s17, s20;
	[tilespmem:s24+$0x0] =	vst v12  }
0x1e8: {  	v12 =	vld.idx.msk [tilespmem:v29+s4+$0x0], $0xffff;
	[tilespmem:s1+$0x0] =	vst v17  }
0x1e9: {  	v31 =	vadd.s32 $0x84C, v6;
	v17 =	vld.idx.msk [tilespmem:v30+s4+$0x0], $0xffff  }
0x1ea: {  	v32 =	vadd.s32 $0x84C, v5  }
0x1eb: {  	s5 =	sadd.s32 $0x5B00, s19  }
0x1ec: {  	s7 =	sor.u32 s18, s5  }
0x1ed: {  	s1 =	sor.u32 s17, s5;
	[tilespmem:s7+$0x0] =	vst v12  }
0x1ee: {  	v12 =	vld.idx.msk [tilespmem:v31+s4+$0x0], $0xffff;
	[tilespmem:s1+$0x0] =	vst v17  }
0x1ef: {  	v33 =	vadd.s32 $0x8C2, v6;
	v17 =	vld.idx.msk [tilespmem:v32+s4+$0x0], $0xffff  }
0x1f0: {  	v34 =	vadd.s32 $0x8C2, v5  }
0x1f1: {  	s13 =	sadd.s32 $0x5B80, s19  }
0x1f2: {  	s14 =	sor.u32 s18, s13  }
0x1f3: {  	s1 =	sor.u32 s17, s13;
	[tilespmem:s14+$0x0] =	vst v12  }
0x1f4: {  	v35 =	vadd.s32 $0x938, v4;
	v16 =	vld.idx.msk [tilespmem:v33+s4+$0x0], $0xffff;
	[tilespmem:s1+$0x0] =	vst v17  }
0x1f5: {  	v36 =	vadd.s32 $0x938, v6;
	v18 =	vld.idx.msk [tilespmem:v34+s4+$0x0], $0xffff  }
0x1f6: {  	v19 =	vadd.s32 $0x938, v5;
	[tilespmem:s12+$0x0] =	vst v13  }
0x1f7: {  	v13 =	vld.idx.msk [tilespmem:v15+s4+$0x0], $0xffff;
	s20 =	sadd.s32 $0x5C00, s19  }
0x1f8: {  	v37 =	vadd.s32 $0x9AE, v3;
	[tilespmem:s6+$0x0] =	vst v14;
	s24 =	sor.u32 s18, s20  }
0x1f9: {  	v12 =	vld.idx.msk [tilespmem:v35+s4+$0x0], $0xffff;
	s1 =	sor.u32 s17, s20;
	[tilespmem:s24+$0x0] =	vst v16  }
0x1fa: {  	v38 =	vadd.s32 $0x9AE, v4;
	s5 =	sadd.s32 $0x5C80, s0;
	v16 =	vld.idx.msk [tilespmem:v36+s4+$0x0], $0xffff;
	[tilespmem:s1+$0x0] =	vst v18  }
0x1fb: {  	v39 =	vadd.s32 $0x9AE, v6;
	s6 =	sor.u32 s31, s5;
	v18 =	vld.idx.msk [tilespmem:v19+s4+$0x0], $0xffff  }
0x1fc: {  	v40 =	vadd.s32 $0x9AE, v5;
	[tilespmem:s6+$0x0] =	vst v13  }
0x1fd: {  	v13 =	vld.idx.msk [tilespmem:v37+s4+$0x0], $0xffff;
	s7 =	sadd.s32 $0x5C80, s19;
	s1 =	sor.u32 s30, s5  }
0x1fe: {  	v41 =	vadd.s32 $0xA24, v3;
	s12 =	sor.u32 s18, s7;
	[tilespmem:s1+$0x0] =	vst v12  }
0x1ff: {  	s2 =	sor.u32 s17, s7;
	v42 =	vld.idx.msk [tilespmem:v38+s4+$0x0], $0xffff;
	[tilespmem:s12+$0x0] =	vst v16  }
0x200: {  	v43 =	vadd.s32 $0xA24, v4;
	s13 =	sadd.s32 $0x5D00, s0;
	v16 =	vld.idx.msk [tilespmem:v39+s4+$0x0], $0xffff;
	[tilespmem:s2+$0x0] =	vst v18  }
0x201: {  	v44 =	vadd.s32 $0xA24, v6;
	s14 =	sor.u32 s31, s13;
	v18 =	vld.idx.msk [tilespmem:v40+s4+$0x0], $0xffff  }
0x202: {  	v45 =	vadd.s32 $0xA24, v5;
	[tilespmem:s14+$0x0] =	vst v13  }
0x203: {  	s20 =	sadd.s32 $0x5D00, s19;
	s1 =	sor.u32 s30, s13;
	v12 =	vld.idx.msk [tilespmem:v41+s4+$0x0], $0xffff  }
0x204: {  	v46 =	vadd.s32 $0xA9A, v3;
	s24 =	sor.u32 s18, s20;
	[tilespmem:s1+$0x0] =	vst v42  }
0x205: {  	s2 =	sor.u32 s17, s20;
	v14 =	vld.idx.msk [tilespmem:v43+s4+$0x0], $0xffff;
	[tilespmem:s24+$0x0] =	vst v16  }
0x206: {  	v47 =	vadd.s32 $0xA9A, v4;
	s5 =	sadd.s32 $0x5D80, s0;
	v16 =	vld.idx.msk [tilespmem:v44+s4+$0x0], $0xffff;
	[tilespmem:s2+$0x0] =	vst v18  }
0x207: {  	v48 =	vadd.s32 $0xA9A, v6;
	s6 =	sor.u32 s31, s5;
	v18 =	vld.idx.msk [tilespmem:v45+s4+$0x0], $0xffff  }
0x208: {  	v49 =	vadd.s32 $0xA9A, v5;
	[tilespmem:s6+$0x0] =	vst v12  }
0x209: {  	s7 =	sadd.s32 $0x5D80, s19;
	s1 =	sor.u32 s30, s5;
	v12 =	vld.idx.msk [tilespmem:v46+s4+$0x0], $0xffff  }
0x20a: {  	v50 =	vadd.s32 $0xB10, v3;
	s12 =	sor.u32 s18, s7;
	[tilespmem:s1+$0x0] =	vst v14  }
0x20b: {  	s2 =	sor.u32 s17, s7;
	v14 =	vld.idx.msk [tilespmem:v47+s4+$0x0], $0xffff;
	[tilespmem:s12+$0x0] =	vst v16  }
0x20c: {  	v51 =	vadd.s32 $0xB10, v4;
	s13 =	sadd.s32 $0x5E00, s0;
	v16 =	vld.idx.msk [tilespmem:v48+s4+$0x0], $0xffff;
	[tilespmem:s2+$0x0] =	vst v18  }
0x20d: {  	v52 =	vadd.s32 $0xB10, v6;
	s14 =	sor.u32 s31, s13;
	v18 =	vld.idx.msk [tilespmem:v49+s4+$0x0], $0xffff  }
0x20e: {  	v53 =	vadd.s32 $0xB10, v5;
	[tilespmem:s14+$0x0] =	vst v12  }
0x20f: {  	s20 =	sadd.s32 $0x5E00, s19;
	s1 =	sor.u32 s30, s13;
	v12 =	vld.idx.msk [tilespmem:v50+s4+$0x0], $0xffff  }
0x210: {  	v54 =	vadd.s32 $0xB86, v3;
	s24 =	sor.u32 s18, s20;
	[tilespmem:s1+$0x0] =	vst v14  }
0x211: {  	s2 =	sor.u32 s17, s20;
	v14 =	vld.idx.msk [tilespmem:v51+s4+$0x0], $0xffff;
	[tilespmem:s24+$0x0] =	vst v16  }
0x212: {  	v55 =	vadd.s32 $0xB86, v4;
	s5 =	sadd.s32 $0x7A80, s0;
	v16 =	vld.idx.msk [tilespmem:v52+s4+$0x0], $0xffff;
	[tilespmem:s2+$0x0] =	vst v18  }
0x213: {  	v56 =	vadd.s32 $0xB86, v6;
	s6 =	sor.u32 s31, s5;
	v18 =	vld.idx.msk [tilespmem:v53+s4+$0x0], $0xffff  }
0x214: {  	v57 =	vadd.s32 $0xB86, v5;
	[tilespmem:s6+$0x0] =	vst v12  }
0x215: {  	s7 =	sadd.s32 $0x7A80, s19;
	s1 =	sor.u32 s30, s5;
	v12 =	vld.idx.msk [tilespmem:v54+s4+$0x0], $0xffff  }
0x216: {  	v58 =	vadd.s32 $0xBFC, v3;
	s12 =	sor.u32 s18, s7;
	[tilespmem:s1+$0x0] =	vst v14  }
0x217: {  	s2 =	sor.u32 s17, s7;
	v14 =	vld.idx.msk [tilespmem:v55+s4+$0x0], $0xffff;
	[tilespmem:s12+$0x0] =	vst v16  }
0x218: {  	v59 =	vadd.s32 $0xBFC, v4;
	s13 =	sadd.s32 $0x7B00, s0;
	v16 =	vld.idx.msk [tilespmem:v56+s4+$0x0], $0xffff;
	[tilespmem:s2+$0x0] =	vst v18  }
0x219: {  	v60 =	vadd.s32 $0xBFC, v6;
	s14 =	sor.u32 s31, s13;
	v18 =	vld.idx.msk [tilespmem:v57+s4+$0x0], $0xffff  }
0x21a: {  	v61 =	vadd.s32 $0xBFC, v5;
	[tilespmem:s14+$0x0] =	vst v12  }
0x21b: {  	s20 =	sadd.s32 $0x7B00, s19;
	s1 =	sor.u32 s30, s13;
	v12 =	vld.idx.msk [tilespmem:v58+s4+$0x0], $0xffff  }
0x21c: {  	v62 =	vadd.s32 $0xC72, v3;
	s24 =	sor.u32 s18, s20;
	[tilespmem:s1+$0x0] =	vst v14  }
0x21d: {  	s2 =	sor.u32 s17, s20;
	v14 =	vld.idx.msk [tilespmem:v59+s4+$0x0], $0xffff;
	[tilespmem:s24+$0x0] =	vst v16  }
0x21e: {  	v63 =	vadd.s32 $0xC72, v4;
	s5 =	sadd.s32 $0x7B80, s0;
	v16 =	vld.idx.msk [tilespmem:v60+s4+$0x0], $0xffff;
	[tilespmem:s2+$0x0] =	vst v18  }
0x21f: {  	v21 =	vadd.s32 $0xC72, v6;
	s6 =	sor.u32 s31, s5;
	v18 =	vld.idx.msk [tilespmem:v61+s4+$0x0], $0xffff  }
0x220: {  	v22 =	vadd.s32 $0xC72, v5;
	[tilespmem:s6+$0x0] =	vst v12  }
0x221: {  	s7 =	sadd.s32 $0x7B80, s19;
	s1 =	sor.u32 s30, s5;
	v12 =	vld.idx.msk [tilespmem:v62+s4+$0x0], $0xffff  }
0x222: {  	v23 =	vadd.s32 $0xCE8, v3;
	s12 =	sor.u32 s18, s7;
	[tilespmem:s1+$0x0] =	vst v14  }
0x223: {  	s2 =	sor.u32 s17, s7;
	v14 =	vld.idx.msk [tilespmem:v63+s4+$0x0], $0xffff;
	[tilespmem:s12+$0x0] =	vst v16  }
0x224: {  	v24 =	vadd.s32 $0xCE8, v4;
	s13 =	sadd.s32 $0x7C00, s0;
	v16 =	vld.idx.msk [tilespmem:v21+s4+$0x0], $0xffff;
	[tilespmem:s2+$0x0] =	vst v18  }
0x225: {  	v25 =	vadd.s32 $0xCE8, v6;
	s14 =	sor.u32 s31, s13;
	v18 =	vld.idx.msk [tilespmem:v22+s4+$0x0], $0xffff  }
0x226: {  	v26 =	vadd.s32 $0xCE8, v5;
	[tilespmem:s14+$0x0] =	vst v12  }
0x227: {  	s20 =	sadd.s32 $0x7C00, s19;
	s1 =	sor.u32 s30, s13;
	v12 =	vld.idx.msk [tilespmem:v23+s4+$0x0], $0xffff  }
0x228: {  	v27 =	vadd.s32 $0xD5E, v3;
	s24 =	sor.u32 s18, s20;
	[tilespmem:s1+$0x0] =	vst v14  }
0x229: {  	s2 =	sor.u32 s17, s20;
	v14 =	vld.idx.msk [tilespmem:v24+s4+$0x0], $0xffff;
	[tilespmem:s24+$0x0] =	vst v16  }
0x22a: {  	v28 =	vadd.s32 $0xD5E, v4;
	s5 =	sadd.s32 $0x7C80, s0;
	v16 =	vld.idx.msk [tilespmem:v25+s4+$0x0], $0xffff;
	[tilespmem:s2+$0x0] =	vst v18  }
0x22b: {  	v29 =	vadd.s32 $0xD5E, v6;
	s6 =	sor.u32 s31, s5;
	v18 =	vld.idx.msk [tilespmem:v26+s4+$0x0], $0xffff  }
0x22c: {  	v30 =	vadd.s32 $0xD5E, v5;
	[tilespmem:s6+$0x0] =	vst v12  }
0x22d: {  	s7 =	sadd.s32 $0x7C80, s19;
	s1 =	sor.u32 s30, s5;
	v12 =	vld.idx.msk [tilespmem:v27+s4+$0x0], $0xffff  }
0x22e: {  	v31 =	vadd.s32 $0xDD4, v3;
	s12 =	sor.u32 s18, s7;
	[tilespmem:s1+$0x0] =	vst v14  }
0x22f: {  	s13 =	sor.u32 s17, s7;
	v14 =	vld.idx.msk [tilespmem:v28+s4+$0x0], $0xffff;
	[tilespmem:s12+$0x0] =	vst v16  }
0x230: {  	v32 =	vadd.s32 $0xDD4, v4;
	s20 =	sadd.s32 $0x7D00, s0;
	v16 =	vld.idx.msk [tilespmem:v29+s4+$0x0], $0xffff;
	[tilespmem:s13+$0x0] =	vst v18  }
0x231: {  	[tilespmem:s22+$0x0] =	vst v8;
	v33 =	vadd.s32 $0xDD4, v6;
	s24 =	sor.u32 s31, s20;
	v34 =	vld.idx.msk [tilespmem:v30+s4+$0x0], $0xffff  }
0x232: {  	v35 =	vadd.s32 $0xDD4, v5;
	s14 =	sor.u32 s26, s15;
	[tilespmem:s24+$0x0] =	vst v12;
	s1 =	sadd.s32 $0xBE00, s16  }
0x233: {  	[tilespmem:s14+$0x0] =	vst v11;
	s5 =	sadd.s32 $0x7D00, s19;
	v13 =	vld.idx.msk [tilespmem:v31+s4+$0x0], $0xffff;
	s16 =	sor.u32 s3, s1;
	s3 =	sor.u32 s30, s20  }
0x234: {  	v37 =	vadd.s32 $0xE4A, v3;
	s6 =	sor.u32 s18, s5;
	[tilespmem:s3+$0x0] =	vst v14  }
0x235: {  	v36 =	vadd.s32 $0xFAC, v0;
	s2 =	sor.u32 s17, s5;
	v15 =	vld.idx.msk [tilespmem:v32+s4+$0x0], $0xffff;
	[tilespmem:s6+$0x0] =	vst v16  }
0x236: {  	v38 =	vadd.s32 $0xE4A, v4;
	s12 =	sadd.s32 $0x7D80, s0;
	v11 =	vld.idx.msk [tilespmem:v33+s4+$0x0], $0xffff;
	[tilespmem:s2+$0x0] =	vst v34  }
0x237: {  	v39 =	vadd.s32 $0xE4A, v6;
	[tilespmem:s16+$0x0] =	vst v10;
	s13 =	sor.u32 s31, s12;
	v10 =	vld.idx.msk [tilespmem:v35+s4+$0x0], $0xffff  }
0x238: {  	v40 =	vadd.s32 $0xE4A, v5;
	v9 =	vld.idx.msk [tilespmem:v9+s4+$0x0], $0xffff;
	s7 =	sor.u32 s25, s15;
	[tilespmem:s13+$0x0] =	vst v13  }
0x239: {  	v41 =	vadd.s32 $0x135C, v2;
	s14 =	sadd.s32 $0x7D80, s19;
	[tilespmem:s7+$0x0] =	vst v7;
	v14 =	vld.idx.msk [tilespmem:v37+s4+$0x0], $0xffff;
	s2 =	sor.u32 s30, s12  }
0x23a: {  	v42 =	vadd.s32 $0x1022, v1;
	s15 =	sor.u32 s18, s14;
	v12 =	vld.idx.msk [tilespmem:v36+s4+$0x0], $0xffff;
	[tilespmem:s2+$0x0] =	vst v15  }
0x23b: {  	v43 =	vadd.s32 $0xEC0, v3;
	s16 =	sadd.s32 $0x9B80, s28;
	s3 =	sor.u32 s17, s14;
	v15 =	vld.idx.msk [tilespmem:v38+s4+$0x0], $0xffff;
	[tilespmem:s15+$0x0] =	vst v11  }
0x23c: {  	s22 =	sadd.s32 $0x7E00, s0;
	v44 =	vadd.s32 $0xEC0, v4;
	s20 =	sor.u32 s26, s16;
	v7 =	vld.idx.msk [tilespmem:v39+s4+$0x0], $0xffff;
	[tilespmem:s3+$0x0] =	vst v10  }
0x23d: {  	v45 =	vadd.s32 $0xEC0, v6;
	s24 =	sor.u32 s31, s22;
	[tilespmem:s20+$0x0] =	vst v9;
	v8 =	vld.idx.msk [tilespmem:v40+s4+$0x0], $0xffff  }
0x23e: {  	v46 =	vld.idx.msk [tilespmem:v41+s4+$0x0], $0xffff;
	v47 =	vadd.s32 $0xEC0, v5;
	s2 =	sor.u32 s25, s16;
	[tilespmem:s24+$0x0] =	vst v14  }
0x23f: {  	v49 =	vadd.s32 $0x13D2, v2;
	s5 =	sadd.s32 $0x7E00, s19;
	v13 =	vld.idx.msk [tilespmem:v42+s4+$0x0], $0xffff;
	[tilespmem:s2+$0x0] =	vst v12;
	s3 =	sor.u32 s30, s22  }
0x240: {  	v48 =	vadd.s32 $0x1022, v0;
	s6 =	sor.u32 s18, s5;
	v11 =	vld.idx.msk [tilespmem:v43+s4+$0x0], $0xffff;
	[tilespmem:s3+$0x0] =	vst v15  }
0x241: {  	v50 =	vadd.s32 $0xF36, v3;
	s2 =	sor.u32 s17, s5;
	v10 =	vld.idx.msk [tilespmem:v44+s4+$0x0], $0xffff;
	[tilespmem:s6+$0x0] =	vst v7  }
0x242: {  	v51 =	vadd.s32 $0xF36, v4;
	s7 =	sadd.s32 $0x9C00, s28;
	v9 =	vld.idx.msk [tilespmem:v45+s4+$0x0], $0xffff;
	[tilespmem:s2+$0x0] =	vst v8  }
0x243: {  	[tilespmem:s10+$0x0] =	vst v46;
	v52 =	vadd.s32 $0xF36, v6;
	s10 =	sor.u32 s26, s7;
	s12 =	sadd.s32 $0x9A80, s0;
	v12 =	vld.idx.msk [tilespmem:v47+s4+$0x0], $0xffff  }
0x244: {  	v54 =	vadd.s32 $0xF36, v5;
	[tilespmem:s10+$0x0] =	vst v13;
	s13 =	sor.u32 s31, s12;
	v14 =	vld.idx.msk [tilespmem:v49+s4+$0x0], $0xffff  }
0x245: {  	v55 =	vadd.s32 $0x1098, v1;
	s14 =	sadd.s32 $0x9A80, s19;
	s5 =	sor.u32 s30, s12;
	v53 =	vld.idx.msk [tilespmem:v48+s4+$0x0], $0xffff;
	[tilespmem:s13+$0x0] =	vst v11  }
0x246: {  	v56 =	vadd.s32 $0x1098, v0;
	s15 =	sor.u32 s18, s14;
	v15 =	vld.idx.msk [tilespmem:v50+s4+$0x0], $0xffff;
	[tilespmem:s5+$0x0] =	vst v10  }
0x247: {  	v57 =	vadd.s32 $0xFAC, v3;
	s2 =	sor.u32 s17, s14;
	v7 =	vld.idx.msk [tilespmem:v51+s4+$0x0], $0xffff;
	[tilespmem:s15+$0x0] =	vst v9  }
0x248: {  	v58 =	vadd.s32 $0xFAC, v4;
	v8 =	vld.idx.msk [tilespmem:v52+s4+$0x0], $0xffff;
	[tilespmem:s2+$0x0] =	vst v12  }
0x249: {  	v59 =	vadd.s32 $0xFAC, v6;
	s20 =	sadd.s32 $0x9B00, s0;
	s16 =	sor.u32 s25, s7;
	[tilespmem:s11+$0x0] =	vst v14;
	v13 =	vld.idx.msk [tilespmem:v54+s4+$0x0], $0xffff  }
0x24a: {  	v61 =	vadd.s32 $0xFAC, v5;
	v60 =	vld.idx.msk [tilespmem:v55+s4+$0x0], $0xffff;
	s22 =	sor.u32 s31, s20;
	[tilespmem:s16+$0x0] =	vst v53  }
0x24b: {  	v62 =	vadd.s32 $0x1448, v2;
	s24 =	sadd.s32 $0x9B00, s19;
	v11 =	vld.idx.msk [tilespmem:v56+s4+$0x0], $0xffff;
	[tilespmem:s22+$0x0] =	vst v15;
	s2 =	sor.u32 s30, s20  }
0x24c: {  	v63 =	vadd.s32 $0x110E, v1;
	s5 =	sor.u32 s18, s24;
	v9 =	vld.idx.msk [tilespmem:v57+s4+$0x0], $0xffff;
	[tilespmem:s2+$0x0] =	vst v7  }
0x24d: {  	v20 =	vadd.s32 $0x1022, v3;
	s3 =	sor.u32 s17, s24;
	s6 =	sadd.s32 $0x9C80, s28;
	v21 =	vld.idx.msk [tilespmem:v58+s4+$0x0], $0xffff;
	[tilespmem:s5+$0x0] =	vst v8  }
0x24e: {  	v22 =	vadd.s32 $0x1022, v4;
	s7 =	sor.u32 s26, s6;
	v12 =	vld.idx.msk [tilespmem:v59+s4+$0x0], $0xffff;
	[tilespmem:s3+$0x0] =	vst v13  }
0x24f: {  	v23 =	vadd.s32 $0x1022, v6;
	s10 =	sadd.s32 $0x9B80, s0;
	[tilespmem:s7+$0x0] =	vst v60;
	s2 =	sor.u32 s25, s6;
	v14 =	vld.idx.msk [tilespmem:v61+s4+$0x0], $0xffff  }
0x250: {  	v25 =	vadd.s32 $0x1022, v5;
	s11 =	sor.u32 s31, s10;
	v24 =	vld.idx.msk [tilespmem:v62+s4+$0x0], $0xffff;
	[tilespmem:s2+$0x0] =	vst v11  }
0x251: {  	v26 =	vadd.s32 $0x110E, v0;
	s12 =	sadd.s32 $0x9B80, s19;
	v15 =	vld.idx.msk [tilespmem:v63+s4+$0x0], $0xffff;
	[tilespmem:s11+$0x0] =	vst v9;
	s3 =	sor.u32 s30, s10  }
0x252: {  	v27 =	vadd.s32 $0x14BE, v2;
	s13 =	sor.u32 s18, s12;
	v7 =	vld.idx.msk [tilespmem:v20+s4+$0x0], $0xffff;
	[tilespmem:s3+$0x0] =	vst v21  }
0x253: {  	v28 =	vadd.s32 $0x1098, v3;
	s2 =	sor.u32 s17, s12;
	v10 =	vld.idx.msk [tilespmem:v22+s4+$0x0], $0xffff;
	[tilespmem:s13+$0x0] =	vst v12  }
0x254: {  	v29 =	vadd.s32 $0x1098, v4;
	s14 =	sadd.s32 $0x9D00, s28;
	v13 =	vld.idx.msk [tilespmem:v23+s4+$0x0], $0xffff;
	[tilespmem:s2+$0x0] =	vst v14  }
0x255: {  	v30 =	vadd.s32 $0x1098, v6;
	s16 =	sadd.s32 $0x9C00, s0;
	[tilespmem:s9+$0x0] =	vst v24;
	s15 =	sor.u32 s26, s14;
	v11 =	vld.idx.msk [tilespmem:v25+s4+$0x0], $0xffff  }
0x256: {  	v32 =	vadd.s32 $0x1098, v5;
	s20 =	sor.u32 s31, s16;
	[tilespmem:s15+$0x0] =	vst v15;
	v31 =	vld.idx.msk [tilespmem:v26+s4+$0x0], $0xffff  }
0x257: {  	v33 =	vadd.s32 $0x1184, v1;
	s22 =	sadd.s32 $0x9C00, s19;
	v9 =	vld.idx.msk [tilespmem:v27+s4+$0x0], $0xffff;
	s5 =	sor.u32 s30, s16;
	[tilespmem:s20+$0x0] =	vst v7  }
0x258: {  	v34 =	vadd.s32 $0x1184, v0;
	s24 =	sor.u32 s18, s22;
	v8 =	vld.idx.msk [tilespmem:v28+s4+$0x0], $0xffff;
	[tilespmem:s5+$0x0] =	vst v10  }
0x259: {  	v35 =	vadd.s32 $0x110E, v3;
	s2 =	sor.u32 s17, s22;
	v12 =	vld.idx.msk [tilespmem:v29+s4+$0x0], $0xffff;
	[tilespmem:s24+$0x0] =	vst v13  }
0x25a: {  	v36 =	vadd.s32 $0x110E, v4;
	s3 =	sor.u32 s25, s14;
	v13 =	vld.idx.msk [tilespmem:v30+s4+$0x0], $0xffff;
	[tilespmem:s2+$0x0] =	vst v11  }
0x25b: {  	v37 =	vadd.s32 $0x110E, v6;
	[tilespmem:s3+$0x0] =	vst v31;
	s5 =	sadd.s32 $0x9C80, s0;
	v15 =	vld.idx.msk [tilespmem:v32+s4+$0x0], $0xffff  }
0x25c: {  	v39 =	vadd.s32 $0x110E, v5;
	v38 =	vld.idx.msk [tilespmem:v33+s4+$0x0], $0xffff;
	[tilespmem:s8+$0x0] =	vst v9;
	s6 =	sor.u32 s31, s5  }
0x25d: {  	v40 =	vadd.s32 $0x1534, v2;
	s7 =	sadd.s32 $0x9C80, s19;
	v7 =	vld.idx.msk [tilespmem:v34+s4+$0x0], $0xffff;
	[tilespmem:s6+$0x0] =	vst v8;
	s2 =	sor.u32 s30, s5  }
0x25e: {  	v41 =	vadd.s32 $0x11FA, v1;
	s8 =	sor.u32 s18, s7;
	v10 =	vld.idx.msk [tilespmem:v35+s4+$0x0], $0xffff;
	[tilespmem:s2+$0x0] =	vst v12  }
0x25f: {  	v42 =	vadd.s32 $0x1184, v3;
	s9 =	sadd.s32 $0x9D80, s28;
	s3 =	sor.u32 s17, s7;
	v11 =	vld.idx.msk [tilespmem:v36+s4+$0x0], $0xffff;
	[tilespmem:s8+$0x0] =	vst v13  }
0x260: {  	v43 =	vadd.s32 $0x1184, v4;
	s10 =	sor.u32 s26, s9;
	v14 =	vld.idx.msk [tilespmem:v37+s4+$0x0], $0xffff;
	[tilespmem:s3+$0x0] =	vst v15  }
0x261: {  	v44 =	vadd.s32 $0x1184, v6;
	s11 =	sadd.s32 $0x9D00, s0;
	[tilespmem:s10+$0x0] =	vst v38;
	s2 =	sor.u32 s25, s9;
	v9 =	vld.idx.msk [tilespmem:v39+s4+$0x0], $0xffff  }
0x262: {  	v46 =	vadd.s32 $0x1184, v5;
	s12 =	sor.u32 s31, s11;
	v45 =	vld.idx.msk [tilespmem:v40+s4+$0x0], $0xffff;
	[tilespmem:s2+$0x0] =	vst v7  }
0x263: {  	v48 =	vadd.s32 $0x15AA, v2;
	s13 =	sadd.s32 $0x9D00, s19;
	v8 =	vld.idx.msk [tilespmem:v41+s4+$0x0], $0xffff;
	[tilespmem:s12+$0x0] =	vst v10;
	s3 =	sor.u32 s30, s11  }
0x264: {  	v47 =	vadd.s32 $0x11FA, v0;
	s14 =	sor.u32 s18, s13;
	v10 =	vld.idx.msk [tilespmem:v42+s4+$0x0], $0xffff;
	[tilespmem:s3+$0x0] =	vst v11  }
0x265: {  	v49 =	vadd.s32 $0x11FA, v3;
	s2 =	sor.u32 s17, s13;
	v50 =	vld.idx.msk [tilespmem:v43+s4+$0x0], $0xffff;
	[tilespmem:s14+$0x0] =	vst v14  }
0x266: {  	v51 =	vadd.s32 $0x11FA, v4;
	s15 =	sadd.s32 $0x9E00, s28;
	v14 =	vld.idx.msk [tilespmem:v44+s4+$0x0], $0xffff;
	[tilespmem:s2+$0x0] =	vst v9  }
0x267: {  	v52 =	vadd.s32 $0x11FA, v6;
	s16 =	sor.u32 s26, s15;
	s20 =	sadd.s32 $0x9D80, s0;
	[tilespmem:s21+$0x0] =	vst v45;
	v7 =	vld.idx.msk [tilespmem:v46+s4+$0x0], $0xffff  }
0x268: {  	v54 =	vadd.s32 $0x11FA, v5;
	s21 =	sor.u32 s31, s20;
	v2 =	vld.idx.msk [tilespmem:v48+s4+$0x0], $0xffff;
	[tilespmem:s16+$0x0] =	vst v8  }
0x269: {  	v55 =	vadd.s32 $0x1270, v1;
	s22 =	sadd.s32 $0x9D80, s19;
	s5 =	sor.u32 s30, s20;
	v53 =	vld.idx.msk [tilespmem:v47+s4+$0x0], $0xffff;
	[tilespmem:s21+$0x0] =	vst v10  }
0x26a: {  	v56 =	vadd.s32 $0x1270, v0;
	s24 =	sor.u32 s18, s22;
	v11 =	vld.idx.msk [tilespmem:v49+s4+$0x0], $0xffff;
	[tilespmem:s5+$0x0] =	vst v50  }
0x26b: {  	v57 =	vadd.s32 $0x1270, v3;
	s2 =	sor.u32 s17, s22;
	v13 =	vld.idx.msk [tilespmem:v51+s4+$0x0], $0xffff;
	[tilespmem:s24+$0x0] =	vst v14  }
0x26c: {  	s1 =	sor.u32 s29, s1;
	v58 =	vadd.s32 $0x1270, v4;
	v9 =	vld.idx.msk [tilespmem:v52+s4+$0x0], $0xffff;
	[tilespmem:s2+$0x0] =	vst v7  }
0x26d: {  	v59 =	vadd.s32 $0x1270, v6;
	s7 =	sadd.s32 $0x9E00, s0;
	s6 =	sor.u32 s25, s15;
	[tilespmem:s1+$0x0] =	vst v2;
	v8 =	vld.idx.msk [tilespmem:v54+s4+$0x0], $0xffff  }
0x26e: {  	v61 =	vadd.s32 $0x1270, v5;
	v60 =	vld.idx.msk [tilespmem:v55+s4+$0x0], $0xffff;
	s8 =	sor.u32 s31, s7;
	[tilespmem:s6+$0x0] =	vst v53  }
0x26f: {  	v62 =	vadd.s32 $0x12E6, v1;
	s9 =	sadd.s32 $0x9E00, s19;
	v10 =	vld.idx.msk [tilespmem:v56+s4+$0x0], $0xffff;
	[tilespmem:s8+$0x0] =	vst v11;
	s2 =	sor.u32 s30, s7  }
0x270: {  	v63 =	vadd.s32 $0x12E6, v0;
	s10 =	sor.u32 s18, s9;
	v12 =	vld.idx.msk [tilespmem:v57+s4+$0x0], $0xffff;
	[tilespmem:s2+$0x0] =	vst v13  }
0x271: {  	v20 =	vadd.s32 $0x12E6, v3;
	s1 =	sor.u32 s17, s9;
	s11 =	sadd.s32 $0xBA80, s28;
	v7 =	vld.idx.msk [tilespmem:v58+s4+$0x0], $0xffff;
	[tilespmem:s10+$0x0] =	vst v9  }
0x272: {  	v21 =	vadd.s32 $0x12E6, v4;
	s12 =	sor.u32 s26, s11;
	v22 =	vld.idx.msk [tilespmem:v59+s4+$0x0], $0xffff;
	[tilespmem:s1+$0x0] =	vst v8  }
0x273: {  	v23 =	vadd.s32 $0x12E6, v6;
	s13 =	sadd.s32 $0xBA80, s0;
	[tilespmem:s12+$0x0] =	vst v60;
	s2 =	sor.u32 s25, s11;
	v2 =	vld.idx.msk [tilespmem:v61+s4+$0x0], $0xffff  }
0x274: {  	v24 =	vadd.s32 $0x12E6, v5;
	v15 =	vld.idx.msk [tilespmem:v62+s4+$0x0], $0xffff;
	s14 =	sor.u32 s31, s13;
	[tilespmem:s2+$0x0] =	vst v10  }
0x275: {  	v25 =	vadd.s32 $0x135C, v1;
	s15 =	sadd.s32 $0xBA80, s19;
	v11 =	vld.idx.msk [tilespmem:v63+s4+$0x0], $0xffff;
	[tilespmem:s14+$0x0] =	vst v12;
	s1 =	sor.u32 s30, s13  }
0x276: {  	v26 =	vadd.s32 $0x135C, v0;
	s16 =	sor.u32 s18, s15;
	v9 =	vld.idx.msk [tilespmem:v20+s4+$0x0], $0xffff;
	[tilespmem:s1+$0x0] =	vst v7  }
0x277: {  	v27 =	vadd.s32 $0x135C, v3;
	s20 =	sadd.s32 $0xBB00, s28;
	s2 =	sor.u32 s17, s15;
	v8 =	vld.idx.msk [tilespmem:v21+s4+$0x0], $0xffff;
	[tilespmem:s16+$0x0] =	vst v22  }
0x278: {  	v28 =	vadd.s32 $0x135C, v4;
	s21 =	sor.u32 s26, s20;
	v13 =	vld.idx.msk [tilespmem:v23+s4+$0x0], $0xffff;
	[tilespmem:s2+$0x0] =	vst v2  }
0x279: {  	v29 =	vadd.s32 $0x135C, v6;
	s22 =	sadd.s32 $0xBB00, s0;
	[tilespmem:s21+$0x0] =	vst v15;
	s1 =	sor.u32 s25, s20;
	v10 =	vld.idx.msk [tilespmem:v24+s4+$0x0], $0xffff  }
0x27a: {  	v30 =	vadd.s32 $0x135C, v5;
	v15 =	vld.idx.msk [tilespmem:v25+s4+$0x0], $0xffff;
	s24 =	sor.u32 s31, s22;
	[tilespmem:s1+$0x0] =	vst v11  }
0x27b: {  	s29 =	sadd.s32 $0xBB00, s19;
	v31 =	vadd.s32 $0x13D2, v1;
	v12 =	vld.idx.msk [tilespmem:v26+s4+$0x0], $0xffff;
	[tilespmem:s24+$0x0] =	vst v9;
	s2 =	sor.u32 s30, s22  }
0x27c: {  	v32 =	vadd.s32 $0x13D2, v0;
	s3 =	sor.u32 s18, s29;
	v7 =	vld.idx.msk [tilespmem:v27+s4+$0x0], $0xffff;
	[tilespmem:s2+$0x0] =	vst v8  }
0x27d: {  	v33 =	vadd.s32 $0x13D2, v3;
	s5 =	sadd.s32 $0xBB80, s28;
	s1 =	sor.u32 s17, s29;
	v2 =	vld.idx.msk [tilespmem:v28+s4+$0x0], $0xffff;
	[tilespmem:s3+$0x0] =	vst v13  }
0x27e: {  	v34 =	vadd.s32 $0x13D2, v4;
	s6 =	sor.u32 s26, s5;
	v13 =	vld.idx.msk [tilespmem:v29+s4+$0x0], $0xffff;
	[tilespmem:s1+$0x0] =	vst v10  }
0x27f: {  	v35 =	vadd.s32 $0x13D2, v6;
	s7 =	sadd.s32 $0xBB80, s0;
	[tilespmem:s6+$0x0] =	vst v15;
	s2 =	sor.u32 s25, s5;
	v11 =	vld.idx.msk [tilespmem:v30+s4+$0x0], $0xffff  }
0x280: {  	v36 =	vadd.s32 $0x13D2, v5;
	s8 =	sor.u32 s31, s7;
	v15 =	vld.idx.msk [tilespmem:v31+s4+$0x0], $0xffff;
	[tilespmem:s2+$0x0] =	vst v12  }
0x281: {  	s9 =	sadd.s32 $0xBB80, s19;
	v37 =	vadd.s32 $0x1448, v1;
	v9 =	vld.idx.msk [tilespmem:v32+s4+$0x0], $0xffff;
	[tilespmem:s8+$0x0] =	vst v7;
	s1 =	sor.u32 s30, s7  }
0x282: {  	v38 =	vadd.s32 $0x1448, v0;
	s10 =	sor.u32 s18, s9;
	v8 =	vld.idx.msk [tilespmem:v33+s4+$0x0], $0xffff;
	[tilespmem:s1+$0x0] =	vst v2  }
0x283: {  	v39 =	vadd.s32 $0x1448, v3;
	s11 =	sadd.s32 $0xBC00, s28;
	s2 =	sor.u32 s17, s9;
	v10 =	vld.idx.msk [tilespmem:v34+s4+$0x0], $0xffff;
	[tilespmem:s10+$0x0] =	vst v13  }
0x284: {  	v40 =	vadd.s32 $0x1448, v4;
	s12 =	sor.u32 s26, s11;
	v13 =	vld.idx.msk [tilespmem:v35+s4+$0x0], $0xffff;
	[tilespmem:s2+$0x0] =	vst v11  }
0x285: {  	v41 =	vadd.s32 $0x1448, v6;
	s13 =	sadd.s32 $0xBC00, s0;
	[tilespmem:s12+$0x0] =	vst v15;
	s1 =	sor.u32 s25, s11;
	v12 =	vld.idx.msk [tilespmem:v36+s4+$0x0], $0xffff  }
0x286: {  	v42 =	vadd.s32 $0x1448, v5;
	s14 =	sor.u32 s31, s13;
	v15 =	vld.idx.msk [tilespmem:v37+s4+$0x0], $0xffff;
	[tilespmem:s1+$0x0] =	vst v9  }
0x287: {  	v43 =	vadd.s32 $0x14BE, v1;
	s15 =	sadd.s32 $0xBC00, s19;
	v7 =	vld.idx.msk [tilespmem:v38+s4+$0x0], $0xffff;
	[tilespmem:s14+$0x0] =	vst v8;
	s2 =	sor.u32 s30, s13  }
0x288: {  	v44 =	vadd.s32 $0x14BE, v0;
	s16 =	sor.u32 s18, s15;
	v2 =	vld.idx.msk [tilespmem:v39+s4+$0x0], $0xffff;
	[tilespmem:s2+$0x0] =	vst v10  }
0x289: {  	v45 =	vadd.s32 $0x14BE, v3;
	s20 =	sadd.s32 $0xBC80, s28;
	s1 =	sor.u32 s17, s15;
	v11 =	vld.idx.msk [tilespmem:v40+s4+$0x0], $0xffff;
	[tilespmem:s16+$0x0] =	vst v13  }
0x28a: {  	v46 =	vadd.s32 $0x14BE, v4;
	s21 =	sor.u32 s26, s20;
	v13 =	vld.idx.msk [tilespmem:v41+s4+$0x0], $0xffff;
	[tilespmem:s1+$0x0] =	vst v12  }
0x28b: {  	v47 =	vadd.s32 $0x14BE, v6;
	s22 =	sadd.s32 $0xBC80, s0;
	[tilespmem:s21+$0x0] =	vst v15;
	s2 =	sor.u32 s25, s20;
	v9 =	vld.idx.msk [tilespmem:v42+s4+$0x0], $0xffff  }
0x28c: {  	v48 =	vadd.s32 $0x14BE, v5;
	s24 =	sor.u32 s31, s22;
	v15 =	vld.idx.msk [tilespmem:v43+s4+$0x0], $0xffff;
	[tilespmem:s2+$0x0] =	vst v7  }
0x28d: {  	v49 =	vadd.s32 $0x1534, v1;
	s29 =	sadd.s32 $0xBC80, s19;
	v8 =	vld.idx.msk [tilespmem:v44+s4+$0x0], $0xffff;
	[tilespmem:s24+$0x0] =	vst v2;
	s1 =	sor.u32 s30, s22  }
0x28e: {  	v50 =	vadd.s32 $0x1534, v0;
	s3 =	sor.u32 s18, s29;
	v10 =	vld.idx.msk [tilespmem:v45+s4+$0x0], $0xffff;
	[tilespmem:s1+$0x0] =	vst v11  }
0x28f: {  	v51 =	vadd.s32 $0x1534, v3;
	s5 =	sadd.s32 $0xBD00, s28;
	s2 =	sor.u32 s17, s29;
	v12 =	vld.idx.msk [tilespmem:v46+s4+$0x0], $0xffff;
	[tilespmem:s3+$0x0] =	vst v13  }
0x290: {  	v52 =	vadd.s32 $0x1534, v4;
	s6 =	sor.u32 s26, s5;
	v13 =	vld.idx.msk [tilespmem:v47+s4+$0x0], $0xffff;
	[tilespmem:s2+$0x0] =	vst v9  }
0x291: {  	v53 =	vadd.s32 $0x1534, v6;
	s7 =	sadd.s32 $0xBD00, s0;
	[tilespmem:s6+$0x0] =	vst v15;
	s1 =	sor.u32 s25, s5;
	v7 =	vld.idx.msk [tilespmem:v48+s4+$0x0], $0xffff  }
0x292: {  	v54 =	vadd.s32 $0x1534, v5;
	s8 =	sor.u32 s31, s7;
	v15 =	vld.idx.msk [tilespmem:v49+s4+$0x0], $0xffff;
	[tilespmem:s1+$0x0] =	vst v8  }
0x293: {  	v55 =	vadd.s32 $0x15AA, v1;
	s9 =	sadd.s32 $0xBD00, s19;
	v2 =	vld.idx.msk [tilespmem:v50+s4+$0x0], $0xffff;
	[tilespmem:s8+$0x0] =	vst v10;
	s2 =	sor.u32 s30, s7  }
0x294: {  	v56 =	vadd.s32 $0x15AA, v0;
	s10 =	sor.u32 s18, s9;
	v10 =	vld.idx.msk [tilespmem:v51+s4+$0x0], $0xffff;
	[tilespmem:s2+$0x0] =	vst v12  }
0x295: {  	v57 =	vadd.s32 $0x15AA, v3;
	s11 =	sadd.s32 $0xBD80, s28;
	s1 =	sor.u32 s17, s9;
	v9 =	vld.idx.msk [tilespmem:v52+s4+$0x0], $0xffff;
	[tilespmem:s10+$0x0] =	vst v13  }
0x296: {  	v58 =	vadd.s32 $0x15AA, v4;
	s12 =	sor.u32 s26, s11;
	v59 =	vld.idx.msk [tilespmem:v53+s4+$0x0], $0xffff;
	[tilespmem:s1+$0x0] =	vst v7  }
0x297: {  	v60 =	vadd.s32 $0x15AA, v6;
	s13 =	sadd.s32 $0xBD80, s0;
	[tilespmem:s12+$0x0] =	vst v15;
	s2 =	sor.u32 s25, s11;
	v8 =	vld.idx.msk [tilespmem:v54+s4+$0x0], $0xffff  }
0x298: {  	v61 =	vadd.s32 $0x15AA, v5;
	s14 =	sor.u32 s31, s13;
	v1 =	vld.idx.msk [tilespmem:v55+s4+$0x0], $0xffff;
	[tilespmem:s2+$0x0] =	vst v2  }
0x299: {  	s15 =	sadd.s32 $0xBD80, s19;
	v0 =	vld.idx.msk [tilespmem:v56+s4+$0x0], $0xffff;
	[tilespmem:s14+$0x0] =	vst v10;
	s1 =	sor.u32 s30, s13  }
0x29a: {  	s16 =	sor.u32 s18, s15;
	v3 =	vld.idx.msk [tilespmem:v57+s4+$0x0], $0xffff;
	[tilespmem:s1+$0x0] =	vst v9  }
0x29b: {  	s20 =	sadd.s32 $0xBE00, s28;
	s2 =	sor.u32 s17, s15;
	v4 =	vld.idx.msk [tilespmem:v58+s4+$0x0], $0xffff;
	[tilespmem:s16+$0x0] =	vst v59  }
0x29c: {  	s21 =	sor.u32 s26, s20;
	v62 =	vld.idx.msk [tilespmem:v60+s4+$0x0], $0xffff;
	[tilespmem:s2+$0x0] =	vst v8  }
0x29d: {  	s22 =	sadd.s32 $0xBE00, s0;
	[tilespmem:s21+$0x0] =	vst v1;
	s1 =	sor.u32 s25, s20;
	v63 =	vld.idx.msk [tilespmem:v61+s4+$0x0], $0xffff  }
0x29e: {  	s24 =	sor.u32 s31, s22;
	[tilespmem:s1+$0x0] =	vst v0  }
0x29f: {  	s0 =	sor.u32 s30, s22;
	s25 =	sadd.s32 $0xBE00, s19;
	[tilespmem:s24+$0x0] =	vst v3  }
0x2a0: {  	s26 =	sor.u32 s18, s25;
	[tilespmem:s0+$0x0] =	vst v4  }
0x2a1: {  	s23 =	sadd.s32 $0x1, s23;
	s1 =	sor.u32 s17, s25;
	[tilespmem:s26+$0x0] =	vst v62  }
0x2a2: {  	p1 =	sne.s32 s23, $0x3D;
	s6 =	simm.s32 $0x1;
	s28 =	rddreg [dreg:$0x2];
	[tilespmem:s1+$0x0] =	vst v63  }
0x2a3: {  	s29 =	simm.s32 $0x2000;
	s31 =	simm.s32 $0x1A80;
	s1 =	rddreg [dreg:$0xc]  }
.Ltmp3:
0x2a4: {  	s30 =	simm.s32 $0xF42400;
	s0 =	sadd.s32 s28, s1;
	(pc) =	sbr.rel @p1 .LBB2_2-.Ltmp3, $4  }
0x2a5: {  	[hbm4b:s0+s29] =	stream.strided.scatter [tilespmem:s31], [sflag:$0x1], $0xC000, s30, s29, $0x38;
	[tilespmem:$0xDA80] =	vst v63  }
0x2a6: {  	_ =	swait.ge [sflag:s6], $0xC000  }
0x2a7: {  	[sflag:s6] =	ssyncset.done $0x0  }
0x2a8: {  	[sflag:s6] =	ssyncadd.s32 $0xFFFF4000  }
.Ltmp4:
0x2a9: {  	(pc) =	sbr.rel @p0 .LBB2_11-.Ltmp4, $2  }
0x2aa: {  	_ =	sdelay $0x2  }
0x2ab: {  	s1 =	rddreg [dreg:$0xb]  }
0x2ac: {  	s0 =	simm.s32 $0x0;
	s1 =	simm.s32 $0x1680;
	s2 =	rddreg [dreg:$0x6]  }
0x2ad: {  	[tilespmem:s1], [sflag:$0x1] =	stream.linear.gather [hbm4b:s2+s0], $0x400, $0x38;
	[tilespmem:$0xDA80] =	vst v63  }
0x2ae: {  	s26 =	sand.u32 $0x60, s0;
	_ =	swait.ge [sflag:s6], $0x400  }
0x2af: {  	s22 =	sand.u32 $0x380, s0;
	s28 =	sor.u32 $0x10, s26;
	[sflag:s6] =	ssyncset.done $0x0  }
0x2b0: {  	s2 =	sor.u32 s28, s22;
	[sflag:s6] =	ssyncadd.s32 $0xFFFFFC00  }
0x2b1: {  	v7 =	vld [tilespmem:s2+$0x1680];
	_ =	sdelay $0x1  }
0x2b2: {  	v3 =	vld [tilespmem:s1+$0x0];
	_ =	sdelay $0x5  }
0x2b3: {  	v0 =	vld.idx.msk [tilespmem:v7+s4+$0x0], $0xffff  }
0x2b4: {  	v1 =	vadd.s32 $0x76, v7  }
0x2b5: {  	s29 =	sand.u32 $0x1C00, s0;
	v2 =	vld.idx.msk [tilespmem:v3+s4+$0x0], $0xffff  }
0x2b6: {  	s23 =	sadd.s32 $0x1A80, s29;
	v4 =	vadd.s32 $0x76, v3  }
0x2b7: {  	s24 =	sor.u32 s28, s23  }
0x2b8: {  	[tilespmem:s24+$0x0] =	vst v0  }
0x2b9: {  	s1 =	sor.u32 s26, s23;
	v0 =	vld.idx.msk [tilespmem:v1+s4+$0x0], $0xffff  }
0x2ba: {  	[tilespmem:s1+$0x0] =	vst v2;
	v1 =	vadd.s32 $0xEC, v7  }
0x2bb: {  	v2 =	vld.idx.msk [tilespmem:v4+s4+$0x0], $0xffff  }
0x2bc: {  	v4 =	vadd.s32 $0xEC, v3;
	_ =	sdelay $0x1  }
0x2bd: {  	[tilespmem:s24+$0x80] =	vst v0  }
0x2be: {  	v0 =	vld.idx.msk [tilespmem:v1+s4+$0x0], $0xffff  }
0x2bf: {  	[tilespmem:s1+$0x80] =	vst v2;
	v1 =	vadd.s32 $0x162, v7  }
0x2c0: {  	v2 =	vld.idx.msk [tilespmem:v4+s4+$0x0], $0xffff  }
0x2c1: {  	v4 =	vadd.s32 $0x162, v3;
	_ =	sdelay $0x1  }
0x2c2: {  	[tilespmem:s24+$0x100] =	vst v0  }
0x2c3: {  	v0 =	vld.idx.msk [tilespmem:v1+s4+$0x0], $0xffff  }
0x2c4: {  	[tilespmem:s1+$0x100] =	vst v2;
	v1 =	vadd.s32 $0x1D8, v7  }
0x2c5: {  	v2 =	vld.idx.msk [tilespmem:v4+s4+$0x0], $0xffff  }
0x2c6: {  	v4 =	vadd.s32 $0x1D8, v3;
	_ =	sdelay $0x1  }
0x2c7: {  	[tilespmem:s24+$0x180] =	vst v0  }
0x2c8: {  	v0 =	vld.idx.msk [tilespmem:v1+s4+$0x0], $0xffff  }
0x2c9: {  	[tilespmem:s1+$0x180] =	vst v2;
	v1 =	vadd.s32 $0x24E, v7  }
0x2ca: {  	v2 =	vld.idx.msk [tilespmem:v4+s4+$0x0], $0xffff  }
0x2cb: {  	v4 =	vadd.s32 $0x24E, v3;
	_ =	sdelay $0x1  }
0x2cc: {  	[tilespmem:s24+$0x200] =	vst v0  }
0x2cd: {  	v0 =	vld.idx.msk [tilespmem:v1+s4+$0x0], $0xffff  }
0x2ce: {  	[tilespmem:s1+$0x200] =	vst v2;
	v1 =	vadd.s32 $0x2C4, v7  }
0x2cf: {  	v2 =	vld.idx.msk [tilespmem:v4+s4+$0x0], $0xffff  }
0x2d0: {  	v4 =	vadd.s32 $0x2C4, v3;
	_ =	sdelay $0x1  }
0x2d1: {  	[tilespmem:s24+$0x280] =	vst v0  }
0x2d2: {  	s25 =	sand.u32 $0x3, s0;
	v0 =	vld.idx.msk [tilespmem:v1+s4+$0x0], $0xffff  }
0x2d3: {  	s2 =	sshll.u32 s25, $0x5;
	[tilespmem:s1+$0x280] =	vst v2;
	v1 =	vadd.s32 $0x33A, v7  }
0x2d4: {  	s31 =	sadd.s32 $0x0, s2;
	v2 =	vld.idx.msk [tilespmem:v4+s4+$0x0], $0xffff  }
0x2d5: {  	s2 =	sadd.s32 $0x10, s31;
	v4 =	vadd.s32 $0x33A, v3  }
0x2d6: {  	s3 =	sor.u32 $0x300, s2  }
0x2d7: {  	[tilespmem:s3+$0x1A80] =	vst v0  }
0x2d8: {  	s1 =	sor.u32 $0x300, s31;
	v0 =	vld.idx.msk [tilespmem:v1+s4+$0x0], $0xffff  }
0x2d9: {  	[tilespmem:s1+$0x1A80] =	vst v2;
	v1 =	vadd.s32 $0x3B0, v7  }
0x2da: {  	v2 =	vld.idx.msk [tilespmem:v4+s4+$0x0], $0xffff  }
0x2db: {  	v4 =	vadd.s32 $0x3B0, v3  }
0x2dc: {  	s5 =	sor.u32 $0x380, s2  }
0x2dd: {  	s0 =	sor.u32 s0, s0;
	[tilespmem:s5+$0x1A80] =	vst v0  }
0x2de: {  	s0 =	sor.u32 $0x380, s0;
	v0 =	vld.idx.msk [tilespmem:v1+s4+$0x0], $0xffff  }
0x2df: {  	[tilespmem:s0+$0x1A80] =	vst v2;
	v1 =	vadd.s32 $0x426, v7  }
0x2e0: {  	v2 =	vld.idx.msk [tilespmem:v4+s4+$0x0], $0xffff  }
0x2e1: {  	s6 =	sadd.s32 $0x3A80, s29;
	v4 =	vadd.s32 $0x426, v3  }
0x2e2: {  	s7 =	sor.u32 s28, s6  }
0x2e3: {  	[tilespmem:s7+$0x0] =	vst v0  }
0x2e4: {  	s0 =	sor.u32 s26, s6;
	v0 =	vld.idx.msk [tilespmem:v1+s4+$0x0], $0xffff  }
0x2e5: {  	[tilespmem:s0+$0x0] =	vst v2;
	v1 =	vadd.s32 $0x49C, v7  }
0x2e6: {  	v2 =	vld.idx.msk [tilespmem:v4+s4+$0x0], $0xffff  }
0x2e7: {  	s8 =	sadd.s32 $0x3B00, s29;
	v4 =	vadd.s32 $0x49C, v3  }
0x2e8: {  	s9 =	sor.u32 s28, s8  }
0x2e9: {  	[tilespmem:s9+$0x0] =	vst v0  }
0x2ea: {  	s0 =	sor.u32 s26, s8;
	v0 =	vld.idx.msk [tilespmem:v1+s4+$0x0], $0xffff  }
0x2eb: {  	[tilespmem:s0+$0x0] =	vst v2;
	v1 =	vadd.s32 $0x512, v7  }
0x2ec: {  	v2 =	vld.idx.msk [tilespmem:v4+s4+$0x0], $0xffff  }
0x2ed: {  	s10 =	sadd.s32 $0x3B80, s29;
	v4 =	vadd.s32 $0x512, v3  }
0x2ee: {  	s11 =	sor.u32 s28, s10  }
0x2ef: {  	[tilespmem:s11+$0x0] =	vst v0  }
0x2f0: {  	s0 =	sor.u32 s26, s10;
	v0 =	vld.idx.msk [tilespmem:v1+s4+$0x0], $0xffff  }
0x2f1: {  	[tilespmem:s0+$0x0] =	vst v2;
	v1 =	vadd.s32 $0x588, v7  }
0x2f2: {  	v2 =	vld.idx.msk [tilespmem:v4+s4+$0x0], $0xffff  }
0x2f3: {  	s12 =	sadd.s32 $0x3C00, s29;
	v4 =	vadd.s32 $0x588, v3  }
0x2f4: {  	s13 =	sor.u32 s28, s12  }
0x2f5: {  	s0 =	simm.s32 $0x20;
	[tilespmem:s13+$0x0] =	vst v0  }
0x2f6: {  	s1 =	sor.u32 s26, s12;
	s23 =	sand.u32 $0x60, s0;
	v1 =	vld.idx.msk [tilespmem:v1+s4+$0x0], $0xffff  }
0x2f7: {  	s14 =	sand.u32 $0x380, s0;
	s3 =	sor.u32 $0x10, s23;
	[tilespmem:s1+$0x0] =	vst v2;
	v2 =	vadd.s32 $0x5FE, v7  }
0x2f8: {  	s1 =	sor.u32 s3, s14;
	v5 =	vld.idx.msk [tilespmem:v4+s4+$0x0], $0xffff  }
0x2f9: {  	s15 =	sadd.s32 $0x3C80, s29;
	v4 =	vld [tilespmem:s1+$0x1680]  }
0x2fa: {  	s16 =	simm.s32 $0x16A0;
	v6 =	vadd.s32 $0x5FE, v3;
	s5 =	sor.u32 s28, s15  }
0x2fb: {  	v0 =	vld [tilespmem:s16+$0x0];
	[tilespmem:s5+$0x0] =	vst v1  }
0x2fc: {  	v1 =	vld.idx.msk [tilespmem:v2+s4+$0x0], $0xffff  }
0x2fd: {  	s17 =	sor.u32 s26, s15;
	v2 =	vadd.s32 $0x674, v7  }
0x2fe: {  	[tilespmem:s17+$0x0] =	vst v5  }
0x2ff: {  	s18 =	sadd.s32 $0x3D00, s29;
	v5 =	vld.idx.msk [tilespmem:v6+s4+$0x0], $0xffff  }
0x300: {  	s19 =	sor.u32 s28, s18;
	v6 =	vadd.s32 $0x674, v3  }
0x301: {  	v8 =	vld.idx.msk [tilespmem:v4+s4+$0x0], $0xffff;
	[tilespmem:s19+$0x0] =	vst v1  }
0x302: {  	s1 =	simm.s32 $0x100;
	v1 =	vld.idx.msk [tilespmem:v2+s4+$0x0], $0xffff;
	v2 =	vadd.s32 $0x76, v4  }
0x303: {  	s2 =	sor.u32 s26, s18;
	v10 =	vadd.s32 $0x6EA, v7;
	s16 =	sand.u32 $0x1C00, s1;
	v9 =	vld.idx.msk [tilespmem:v0+s4+$0x0], $0xffff  }
0x304: {  	s20 =	sadd.s32 $0x1A80, s16;
	[tilespmem:s2+$0x0] =	vst v5;
	v5 =	vadd.s32 $0x76, v0  }
0x305: {  	s22 =	sadd.s32 $0x3D80, s29;
	s21 =	sor.u32 s3, s20;
	v6 =	vld.idx.msk [tilespmem:v6+s4+$0x0], $0xffff  }
0x306: {  	s7 =	sor.u32 s28, s22;
	[tilespmem:s21+$0x0] =	vst v8;
	v8 =	vadd.s32 $0x6EA, v3  }
0x307: {  	s2 =	sor.u32 s23, s20;
	v2 =	vld.idx.msk [tilespmem:v2+s4+$0x0], $0xffff;
	[tilespmem:s7+$0x0] =	vst v1  }
0x308: {  	[tilespmem:s2+$0x0] =	vst v9;
	v1 =	vld.idx.msk [tilespmem:v10+s4+$0x0], $0xffff;
	v10 =	vadd.s32 $0xEC, v4  }
0x309: {  	s6 =	sor.u32 s26, s22;
	v9 =	vadd.s32 $0x760, v7;
	v5 =	vld.idx.msk [tilespmem:v5+s4+$0x0], $0xffff  }
0x30a: {  	[tilespmem:s6+$0x0] =	vst v6;
	v6 =	vadd.s32 $0xEC, v0  }
0x30b: {  	s24 =	sadd.s32 $0x3E00, s29;
	v8 =	vld.idx.msk [tilespmem:v8+s4+$0x0], $0xffff  }
0x30c: {  	s25 =	sor.u32 s28, s24;
	[tilespmem:s21+$0x80] =	vst v2;
	v2 =	vadd.s32 $0x760, v3  }
0x30d: {  	v10 =	vld.idx.msk [tilespmem:v10+s4+$0x0], $0xffff;
	[tilespmem:s25+$0x0] =	vst v1  }
0x30e: {  	[tilespmem:s2+$0x80] =	vst v5;
	v1 =	vld.idx.msk [tilespmem:v9+s4+$0x0], $0xffff;
	v9 =	vadd.s32 $0x162, v4  }
0x30f: {  	s6 =	sor.u32 s26, s24;
	v5 =	vadd.s32 $0x7D6, v7;
	v6 =	vld.idx.msk [tilespmem:v6+s4+$0x0], $0xffff  }
0x310: {  	[tilespmem:s6+$0x0] =	vst v8;
	v8 =	vadd.s32 $0x162, v0  }
0x311: {  	s31 =	sadd.s32 $0x5A80, s29;
	v2 =	vld.idx.msk [tilespmem:v2+s4+$0x0], $0xffff  }
0x312: {  	s8 =	sor.u32 s28, s31;
	[tilespmem:s21+$0x100] =	vst v10;
	v10 =	vadd.s32 $0x7D6, v3  }
0x313: {  	v9 =	vld.idx.msk [tilespmem:v9+s4+$0x0], $0xffff;
	[tilespmem:s8+$0x0] =	vst v1  }
0x314: {  	[tilespmem:s2+$0x100] =	vst v6;
	v1 =	vld.idx.msk [tilespmem:v5+s4+$0x0], $0xffff;
	v5 =	vadd.s32 $0x1D8, v4  }
0x315: {  	s6 =	sor.u32 s26, s31;
	v6 =	vadd.s32 $0x84C, v7;
	v8 =	vld.idx.msk [tilespmem:v8+s4+$0x0], $0xffff  }
0x316: {  	[tilespmem:s6+$0x0] =	vst v2;
	v2 =	vadd.s32 $0x1D8, v0  }
0x317: {  	s9 =	sadd.s32 $0x5B00, s29;
	v10 =	vld.idx.msk [tilespmem:v10+s4+$0x0], $0xffff  }
0x318: {  	s10 =	sor.u32 s28, s9;
	[tilespmem:s21+$0x180] =	vst v9;
	v9 =	vadd.s32 $0x84C, v3  }
0x319: {  	v5 =	vld.idx.msk [tilespmem:v5+s4+$0x0], $0xffff;
	[tilespmem:s10+$0x0] =	vst v1  }
0x31a: {  	[tilespmem:s2+$0x180] =	vst v8;
	v1 =	vld.idx.msk [tilespmem:v6+s4+$0x0], $0xffff;
	v6 =	vadd.s32 $0x24E, v4  }
0x31b: {  	s6 =	sor.u32 s26, s9;
	v8 =	vadd.s32 $0x8C2, v7;
	v2 =	vld.idx.msk [tilespmem:v2+s4+$0x0], $0xffff  }
0x31c: {  	[tilespmem:s6+$0x0] =	vst v10;
	v10 =	vadd.s32 $0x24E, v0  }
0x31d: {  	s11 =	sadd.s32 $0x5B80, s29;
	v9 =	vld.idx.msk [tilespmem:v9+s4+$0x0], $0xffff  }
0x31e: {  	s12 =	sor.u32 s28, s11;
	[tilespmem:s21+$0x200] =	vst v5;
	v5 =	vadd.s32 $0x8C2, v3  }
0x31f: {  	v6 =	vld.idx.msk [tilespmem:v6+s4+$0x0], $0xffff;
	[tilespmem:s12+$0x0] =	vst v1  }
0x320: {  	v1 =	vld.idx.msk [tilespmem:v8+s4+$0x0], $0xffff;
	[tilespmem:s2+$0x200] =	vst v2;
	v2 =	vadd.s32 $0x2C4, v4  }
0x321: {  	s6 =	sor.u32 s26, s11;
	v8 =	vld.idx.msk [tilespmem:v10+s4+$0x0], $0xffff;
	v10 =	vadd.s32 $0x938, v7  }
0x322: {  	[tilespmem:s6+$0x0] =	vst v9;
	v9 =	vadd.s32 $0x2C4, v0  }
0x323: {  	s13 =	sadd.s32 $0x5C00, s29;
	v5 =	vld.idx.msk [tilespmem:v5+s4+$0x0], $0xffff  }
0x324: {  	s15 =	simm.s32 $0x1;
	s14 =	sor.u32 s28, s13;
	[tilespmem:s21+$0x280] =	vst v6;
	v6 =	vadd.s32 $0x938, v3  }
0x325: {  	s17 =	sand.u32 $0x3, s15;
	[tilespmem:s14+$0x0] =	vst v1;
	v1 =	vld.idx.msk [tilespmem:v2+s4+$0x0], $0xffff  }
0x326: {  	s5 =	sshll.u32 s17, $0x5;
	v2 =	vld.idx.msk [tilespmem:v10+s4+$0x0], $0xffff;
	[tilespmem:s2+$0x280] =	vst v8;
	v8 =	vadd.s32 $0x33A, v4  }
0x327: {  	s18 =	sor.u32 s26, s13;
	s5 =	sadd.s32 $0x100, s5;
	v10 =	vadd.s32 $0x9AE, v7;
	v9 =	vld.idx.msk [tilespmem:v9+s4+$0x0], $0xffff  }
0x328: {  	s19 =	sadd.s32 $0x10, s5;
	[tilespmem:s18+$0x0] =	vst v5;
	v5 =	vadd.s32 $0x33A, v0  }
0x329: {  	s20 =	sor.u32 $0x300, s19;
	s21 =	sadd.s32 $0x5C80, s29;
	v6 =	vld.idx.msk [tilespmem:v6+s4+$0x0], $0xffff  }
0x32a: {  	s22 =	sor.u32 s28, s21;
	[tilespmem:s20+$0x1A80] =	vst v1;
	v1 =	vadd.s32 $0x9AE, v3  }
0x32b: {  	s5 =	sor.u32 $0x300, s5;
	v8 =	vld.idx.msk [tilespmem:v8+s4+$0x0], $0xffff;
	[tilespmem:s22+$0x0] =	vst v2  }
0x32c: {  	v2 =	vld.idx.msk [tilespmem:v10+s4+$0x0], $0xffff;
	[tilespmem:s5+$0x1A80] =	vst v9;
	v9 =	vadd.s32 $0x3B0, v4  }
0x32d: {  	s24 =	sor.u32 s26, s21;
	v10 =	vadd.s32 $0xA24, v7;
	v5 =	vld.idx.msk [tilespmem:v5+s4+$0x0], $0xffff  }
0x32e: {  	[tilespmem:s24+$0x0] =	vst v6;
	v6 =	vadd.s32 $0x3B0, v0  }
0x32f: {  	s25 =	sadd.s32 $0x5D00, s29;
	s2 =	sor.u32 $0x380, s19;
	v1 =	vld.idx.msk [tilespmem:v1+s4+$0x0], $0xffff  }
0x330: {  	s0 =	sor.u32 s1, s0;
	s31 =	sor.u32 s28, s25;
	[tilespmem:s2+$0x1A80] =	vst v8;
	v8 =	vadd.s32 $0xA24, v3  }
0x331: {  	s0 =	sor.u32 $0x380, s0;
	v9 =	vld.idx.msk [tilespmem:v9+s4+$0x0], $0xffff;
	[tilespmem:s31+$0x0] =	vst v2  }
0x332: {  	v2 =	vld.idx.msk [tilespmem:v10+s4+$0x0], $0xffff;
	[tilespmem:s0+$0x1A80] =	vst v5;
	v5 =	vadd.s32 $0x426, v4  }
0x333: {  	s1 =	sor.u32 s26, s25;
	v10 =	vadd.s32 $0xA9A, v7;
	v6 =	vld.idx.msk [tilespmem:v6+s4+$0x0], $0xffff  }
0x334: {  	s2 =	sadd.s32 $0x3A80, s16;
	[tilespmem:s1+$0x0] =	vst v1;
	v1 =	vadd.s32 $0x426, v0  }
0x335: {  	s6 =	sadd.s32 $0x5D80, s29;
	s5 =	sor.u32 s3, s2;
	v8 =	vld.idx.msk [tilespmem:v8+s4+$0x0], $0xffff  }
0x336: {  	s7 =	sor.u32 s28, s6;
	[tilespmem:s5+$0x0] =	vst v9;
	v9 =	vadd.s32 $0xA9A, v3  }
0x337: {  	s0 =	sor.u32 s23, s2;
	v5 =	vld.idx.msk [tilespmem:v5+s4+$0x0], $0xffff;
	[tilespmem:s7+$0x0] =	vst v2  }
0x338: {  	v2 =	vld.idx.msk [tilespmem:v10+s4+$0x0], $0xffff;
	[tilespmem:s0+$0x0] =	vst v6;
	v6 =	vadd.s32 $0x49C, v4  }
0x339: {  	s8 =	sor.u32 s26, s6;
	v10 =	vadd.s32 $0xB10, v7;
	v1 =	vld.idx.msk [tilespmem:v1+s4+$0x0], $0xffff  }
0x33a: {  	s9 =	sadd.s32 $0x3B00, s16;
	[tilespmem:s8+$0x0] =	vst v8;
	v8 =	vadd.s32 $0x49C, v0  }
0x33b: {  	s10 =	sor.u32 s3, s9;
	s11 =	sadd.s32 $0x5E00, s29;
	v9 =	vld.idx.msk [tilespmem:v9+s4+$0x0], $0xffff  }
0x33c: {  	s12 =	sor.u32 s28, s11;
	[tilespmem:s10+$0x0] =	vst v5;
	v5 =	vadd.s32 $0xB10, v3  }
0x33d: {  	s0 =	sor.u32 s23, s9;
	v6 =	vld.idx.msk [tilespmem:v6+s4+$0x0], $0xffff;
	[tilespmem:s12+$0x0] =	vst v2  }
0x33e: {  	v2 =	vld.idx.msk [tilespmem:v10+s4+$0x0], $0xffff;
	[tilespmem:s0+$0x0] =	vst v1;
	v1 =	vadd.s32 $0x512, v4  }
0x33f: {  	s13 =	sor.u32 s26, s11;
	v10 =	vadd.s32 $0xB86, v7;
	v8 =	vld.idx.msk [tilespmem:v8+s4+$0x0], $0xffff  }
0x340: {  	s14 =	sadd.s32 $0x3B80, s16;
	[tilespmem:s13+$0x0] =	vst v9;
	v9 =	vadd.s32 $0x512, v0  }
0x341: {  	s17 =	sadd.s32 $0x7A80, s29;
	s15 =	sor.u32 s3, s14;
	v5 =	vld.idx.msk [tilespmem:v5+s4+$0x0], $0xffff  }
0x342: {  	s18 =	sor.u32 s28, s17;
	[tilespmem:s15+$0x0] =	vst v6;
	v6 =	vadd.s32 $0xB86, v3  }
0x343: {  	s0 =	sor.u32 s23, s14;
	v1 =	vld.idx.msk [tilespmem:v1+s4+$0x0], $0xffff;
	[tilespmem:s18+$0x0] =	vst v2  }
0x344: {  	v2 =	vld.idx.msk [tilespmem:v10+s4+$0x0], $0xffff;
	[tilespmem:s0+$0x0] =	vst v8;
	v8 =	vadd.s32 $0x588, v4  }
0x345: {  	s19 =	sor.u32 s26, s17;
	v10 =	vadd.s32 $0xBFC, v7;
	v9 =	vld.idx.msk [tilespmem:v9+s4+$0x0], $0xffff  }
0x346: {  	s20 =	sadd.s32 $0x3C00, s16;
	[tilespmem:s19+$0x0] =	vst v5;
	v5 =	vadd.s32 $0x588, v0  }
0x347: {  	s21 =	sor.u32 s3, s20;
	s22 =	sadd.s32 $0x7B00, s29;
	v6 =	vld.idx.msk [tilespmem:v6+s4+$0x0], $0xffff  }
0x348: {  	v11 =	vadd.s32 $0xBFC, v3;
	s31 =	sor.u32 s28, s22;
	s1 =	simm.s32 $0x40;
	[tilespmem:s21+$0x0] =	vst v1  }
0x349: {  	s24 =	sand.u32 $0x60, s1;
	s0 =	sor.u32 s23, s20;
	v8 =	vld.idx.msk [tilespmem:v8+s4+$0x0], $0xffff;
	[tilespmem:s31+$0x0] =	vst v2  }
0x34a: {  	s6 =	sand.u32 $0x380, s1;
	s25 =	sor.u32 $0x10, s24;
	v10 =	vld.idx.msk [tilespmem:v10+s4+$0x0], $0xffff;
	[tilespmem:s0+$0x0] =	vst v9;
	v9 =	vadd.s32 $0x5FE, v4  }
0x34b: {  	v12 =	vadd.s32 $0xC72, v7;
	s2 =	sor.u32 s26, s22;
	s0 =	sor.u32 s25, s6;
	v5 =	vld.idx.msk [tilespmem:v5+s4+$0x0], $0xffff  }
0x34c: {  	s7 =	sadd.s32 $0x3C80, s16;
	v1 =	vld [tilespmem:s0+$0x1680];
	[tilespmem:s2+$0x0] =	vst v6  }
0x34d: {  	s9 =	sor.u32 s3, s7;
	s8 =	simm.s32 $0x16C0;
	s10 =	sadd.s32 $0x7B80, s29;
	v6 =	vld.idx.msk [tilespmem:v11+s4+$0x0], $0xffff;
	v11 =	vadd.s32 $0x5FE, v0  }
0x34e: {  	s11 =	sor.u32 s28, s10;
	v2 =	vld [tilespmem:s8+$0x0];
	[tilespmem:s9+$0x0] =	vst v8;
	v8 =	vadd.s32 $0xC72, v3  }
0x34f: {  	v9 =	vld.idx.msk [tilespmem:v9+s4+$0x0], $0xffff;
	[tilespmem:s11+$0x0] =	vst v10  }
0x350: {  	s12 =	sor.u32 s23, s7;
	v10 =	vld.idx.msk [tilespmem:v12+s4+$0x0], $0xffff;
	v12 =	vadd.s32 $0x674, v4  }
0x351: {  	s13 =	sor.u32 s26, s10;
	[tilespmem:s12+$0x0] =	vst v5;
	v5 =	vadd.s32 $0xCE8, v7  }
0x352: {  	s14 =	sadd.s32 $0x3D00, s16;
	v11 =	vld.idx.msk [tilespmem:v11+s4+$0x0], $0xffff;
	[tilespmem:s13+$0x0] =	vst v6  }
0x353: {  	s17 =	sadd.s32 $0x7C00, s29;
	s15 =	sor.u32 s3, s14;
	v6 =	vld.idx.msk [tilespmem:v8+s4+$0x0], $0xffff;
	v8 =	vadd.s32 $0x674, v0  }
0x354: {  	s18 =	sor.u32 s28, s17;
	v13 =	vld.idx.msk [tilespmem:v1+s4+$0x0], $0xffff;
	[tilespmem:s15+$0x0] =	vst v9;
	v9 =	vadd.s32 $0xCE8, v3  }
0x355: {  	s2 =	simm.s32 $0x200;
	v12 =	vld.idx.msk [tilespmem:v12+s4+$0x0], $0xffff;
	[tilespmem:s18+$0x0] =	vst v10;
	v10 =	vadd.s32 $0x76, v1  }
0x356: {  	v14 =	vadd.s32 $0x6EA, v4;
	s19 =	sor.u32 s23, s14;
	s0 =	sand.u32 $0x1C00, s2;
	v5 =	vld.idx.msk [tilespmem:v5+s4+$0x0], $0xffff  }
0x357: {  	s5 =	sor.u32 s26, s17;
	s20 =	sadd.s32 $0x1A80, s0;
	v15 =	vld.idx.msk [tilespmem:v2+s4+$0x0], $0xffff;
	[tilespmem:s19+$0x0] =	vst v11;
	v11 =	vadd.s32 $0xD5E, v7  }
0x358: {  	s8 =	sadd.s32 $0x3D80, s16;
	s6 =	sor.u32 s25, s20;
	v8 =	vld.idx.msk [tilespmem:v8+s4+$0x0], $0xffff;
	[tilespmem:s5+$0x0] =	vst v6;
	v6 =	vadd.s32 $0x76, v2  }
0x359: {  	s21 =	sor.u32 s3, s8;
	s9 =	sadd.s32 $0x7C80, s29;
	[tilespmem:s6+$0x0] =	vst v13;
	v13 =	vadd.s32 $0x6EA, v0;
	v9 =	vld.idx.msk [tilespmem:v9+s4+$0x0], $0xffff  }
0x35a: {  	s10 =	sor.u32 s28, s9;
	v10 =	vld.idx.msk [tilespmem:v10+s4+$0x0], $0xffff;
	[tilespmem:s21+$0x0] =	vst v12;
	v12 =	vadd.s32 $0xD5E, v3  }
0x35b: {  	s5 =	sor.u32 s24, s20;
	v14 =	vld.idx.msk [tilespmem:v14+s4+$0x0], $0xffff;
	[tilespmem:s10+$0x0] =	vst v5;
	v5 =	vadd.s32 $0xEC, v1  }
0x35c: {  	s22 =	sor.u32 s23, s8;
	[tilespmem:s5+$0x0] =	vst v15;
	v15 =	vadd.s32 $0x760, v4;
	v11 =	vld.idx.msk [tilespmem:v11+s4+$0x0], $0xffff  }
0x35d: {  	s31 =	sor.u32 s26, s9;
	v6 =	vld.idx.msk [tilespmem:v6+s4+$0x0], $0xffff;
	[tilespmem:s22+$0x0] =	vst v8;
	v8 =	vadd.s32 $0xDD4, v7  }
0x35e: {  	s9 =	sadd.s32 $0x3E00, s16;
	v13 =	vld.idx.msk [tilespmem:v13+s4+$0x0], $0xffff;
	[tilespmem:s31+$0x0] =	vst v9;
	v9 =	vadd.s32 $0xEC, v2  }
0x35f: {  	s11 =	sadd.s32 $0x7D00, s29;
	s10 =	sor.u32 s3, s9;
	[tilespmem:s6+$0x80] =	vst v10;
	v10 =	vld.idx.msk [tilespmem:v12+s4+$0x0], $0xffff;
	v12 =	vadd.s32 $0x760, v0  }
0x360: {  	s12 =	sor.u32 s28, s11;
	v5 =	vld.idx.msk [tilespmem:v5+s4+$0x0], $0xffff;
	[tilespmem:s10+$0x0] =	vst v14;
	v14 =	vadd.s32 $0xDD4, v3  }
0x361: {  	v15 =	vld.idx.msk [tilespmem:v15+s4+$0x0], $0xffff;
	[tilespmem:s12+$0x0] =	vst v11;
	v11 =	vadd.s32 $0x162, v1  }
0x362: {  	s7 =	sor.u32 s23, s9;
	v8 =	vld.idx.msk [tilespmem:v8+s4+$0x0], $0xffff;
	[tilespmem:s5+$0x80] =	vst v6;
	v6 =	vadd.s32 $0x7D6, v4  }
0x363: {  	s13 =	sor.u32 s26, s11;
	v9 =	vld.idx.msk [tilespmem:v9+s4+$0x0], $0xffff;
	[tilespmem:s7+$0x0] =	vst v13;
	v13 =	vadd.s32 $0xE4A, v7  }
0x364: {  	s14 =	sadd.s32 $0x5A80, s16;
	v12 =	vld.idx.msk [tilespmem:v12+s4+$0x0], $0xffff;
	[tilespmem:s13+$0x0] =	vst v10;
	v10 =	vadd.s32 $0x162, v2  }
0x365: {  	s17 =	sadd.s32 $0x7D80, s29;
	s15 =	sor.u32 s3, s14;
	[tilespmem:s6+$0x100] =	vst v5;
	v5 =	vld.idx.msk [tilespmem:v14+s4+$0x0], $0xffff;
	v14 =	vadd.s32 $0x7D6, v0  }
0x366: {  	s18 =	sor.u32 s28, s17;
	v11 =	vld.idx.msk [tilespmem:v11+s4+$0x0], $0xffff;
	[tilespmem:s15+$0x0] =	vst v15;
	v15 =	vadd.s32 $0xE4A, v3  }
0x367: {  	v6 =	vld.idx.msk [tilespmem:v6+s4+$0x0], $0xffff;
	[tilespmem:s18+$0x0] =	vst v8;
	v8 =	vadd.s32 $0x1D8, v1  }
0x368: {  	s7 =	sor.u32 s23, s14;
	v13 =	vld.idx.msk [tilespmem:v13+s4+$0x0], $0xffff;
	[tilespmem:s5+$0x100] =	vst v9;
	v9 =	vadd.s32 $0x84C, v4  }
0x369: {  	s19 =	sor.u32 s26, s17;
	v10 =	vld.idx.msk [tilespmem:v10+s4+$0x0], $0xffff;
	[tilespmem:s7+$0x0] =	vst v12;
	v12 =	vadd.s32 $0xEC0, v7  }
0x36a: {  	s20 =	sadd.s32 $0x5B00, s16;
	v14 =	vld.idx.msk [tilespmem:v14+s4+$0x0], $0xffff;
	[tilespmem:s19+$0x0] =	vst v5;
	v5 =	vadd.s32 $0x1D8, v2  }
0x36b: {  	s21 =	sor.u32 s3, s20;
	s22 =	sadd.s32 $0x7E00, s29;
	[tilespmem:s6+$0x180] =	vst v11;
	v11 =	vld.idx.msk [tilespmem:v15+s4+$0x0], $0xffff;
	v15 =	vadd.s32 $0x84C, v0  }
0x36c: {  	s31 =	sor.u32 s28, s22;
	v8 =	vld.idx.msk [tilespmem:v8+s4+$0x0], $0xffff;
	[tilespmem:s21+$0x0] =	vst v6;
	v6 =	vadd.s32 $0xEC0, v3  }
0x36d: {  	v9 =	vld.idx.msk [tilespmem:v9+s4+$0x0], $0xffff;
	[tilespmem:s31+$0x0] =	vst v13;
	v13 =	vadd.s32 $0x24E, v1  }
0x36e: {  	s7 =	sor.u32 s23, s20;
	v12 =	vld.idx.msk [tilespmem:v12+s4+$0x0], $0xffff;
	[tilespmem:s5+$0x180] =	vst v10;
	v10 =	vadd.s32 $0x8C2, v4  }
0x36f: {  	s9 =	sor.u32 s26, s22;
	v5 =	vld.idx.msk [tilespmem:v5+s4+$0x0], $0xffff;
	[tilespmem:s7+$0x0] =	vst v14;
	v14 =	vadd.s32 $0xF36, v7  }
0x370: {  	s10 =	sadd.s32 $0x5B80, s16;
	v15 =	vld.idx.msk [tilespmem:v15+s4+$0x0], $0xffff;
	[tilespmem:s9+$0x0] =	vst v11  }
0x371: {  	s11 =	sor.u32 s3, s10;
	s12 =	sadd.s32 $0x9A80, s29;
	v11 =	vadd.s32 $0x24E, v2;
	[tilespmem:s6+$0x200] =	vst v8;
	v6 =	vld.idx.msk [tilespmem:v6+s4+$0x0], $0xffff  }
0x372: {  	s13 =	sor.u32 s28, s12;
	v8 =	vadd.s32 $0x8C2, v0;
	v13 =	vld.idx.msk [tilespmem:v13+s4+$0x0], $0xffff;
	[tilespmem:s11+$0x0] =	vst v9  }
0x373: {  	v9 =	vadd.s32 $0xF36, v3;
	v10 =	vld.idx.msk [tilespmem:v10+s4+$0x0], $0xffff;
	[tilespmem:s13+$0x0] =	vst v12  }
0x374: {  	s15 =	simm.s32 $0x16E0;
	s7 =	sor.u32 s23, s10;
	v12 =	vld.idx.msk [tilespmem:v14+s4+$0x0], $0xffff;
	[tilespmem:s5+$0x200] =	vst v5;
	v14 =	vadd.s32 $0x2C4, v1  }
0x375: {  	s14 =	sor.u32 s26, s12;
	v5 =	vld [tilespmem:s15+$0x0];
	[tilespmem:s7+$0x0] =	vst v15;
	v15 =	vadd.s32 $0x938, v4  }
0x376: {  	v11 =	vld.idx.msk [tilespmem:v11+s4+$0x0], $0xffff;
	[tilespmem:s14+$0x0] =	vst v6;
	v6 =	vadd.s32 $0xFAC, v7  }
0x377: {  	v16 =	vadd.s32 $0x2C4, v2;
	s17 =	sadd.s32 $0x5C00, s16;
	v8 =	vld.idx.msk [tilespmem:v8+s4+$0x0], $0xffff  }
0x378: {  	s30 =	simm.s32 $0x2;
	s18 =	sor.u32 s3, s17;
	s19 =	sadd.s32 $0x9B00, s29;
	v9 =	vld.idx.msk [tilespmem:v9+s4+$0x0], $0xffff;
	[tilespmem:s6+$0x280] =	vst v13;
	v13 =	vadd.s32 $0x938, v0  }
0x379: {  	s20 =	sor.u32 s28, s19;
	s21 =	sand.u32 $0x3, s30;
	[tilespmem:s18+$0x0] =	vst v10;
	v10 =	vld.idx.msk [tilespmem:v14+s4+$0x0], $0xffff;
	v14 =	vadd.s32 $0xFAC, v3  }
0x37a: {  	s22 =	sshll.u32 s21, $0x5;
	[tilespmem:s20+$0x0] =	vst v12;
	v12 =	vld.idx.msk [tilespmem:v15+s4+$0x0], $0xffff;
	v15 =	vadd.s32 $0x33A, v1  }
0x37b: {  	s31 =	sor.u32 s23, s17;
	s8 =	sadd.s32 $0x200, s22;
	[tilespmem:s5+$0x280] =	vst v11;
	v11 =	vadd.s32 $0x9AE, v4;
	v6 =	vld.idx.msk [tilespmem:v6+s4+$0x0], $0xffff  }
0x37c: {  	s10 =	sor.u32 s26, s19;
	s11 =	sadd.s32 $0x10, s8;
	v16 =	vld.idx.msk [tilespmem:v16+s4+$0x0], $0xffff;
	[tilespmem:s31+$0x0] =	vst v8;
	v8 =	vadd.s32 $0x1022, v7  }
0x37d: {  	s12 =	sor.u32 $0x300, s11;
	s13 =	sadd.s32 $0x5C80, s16;
	v13 =	vld.idx.msk [tilespmem:v13+s4+$0x0], $0xffff;
	[tilespmem:s10+$0x0] =	vst v9;
	v9 =	vadd.s32 $0x33A, v2  }
0x37e: {  	s15 =	sadd.s32 $0x9B80, s29;
	s14 =	sor.u32 s3, s13;
	v14 =	vld.idx.msk [tilespmem:v14+s4+$0x0], $0xffff;
	[tilespmem:s12+$0x1A80] =	vst v10;
	v10 =	vadd.s32 $0x9AE, v0  }
0x37f: {  	s17 =	sor.u32 s28, s15;
	v15 =	vld.idx.msk [tilespmem:v15+s4+$0x0], $0xffff;
	[tilespmem:s14+$0x0] =	vst v12;
	v12 =	vadd.s32 $0x1022, v3  }
0x380: {  	s5 =	sor.u32 $0x300, s8;
	v11 =	vld.idx.msk [tilespmem:v11+s4+$0x0], $0xffff;
	[tilespmem:s17+$0x0] =	vst v6;
	v6 =	vadd.s32 $0x3B0, v1  }
0x381: {  	s18 =	sor.u32 s23, s13;
	[tilespmem:s5+$0x1A80] =	vst v16;
	v16 =	vadd.s32 $0xA24, v4;
	v8 =	vld.idx.msk [tilespmem:v8+s4+$0x0], $0xffff  }
0x382: {  	s19 =	sor.u32 s26, s15;
	v9 =	vld.idx.msk [tilespmem:v9+s4+$0x0], $0xffff;
	[tilespmem:s18+$0x0] =	vst v13;
	v13 =	vadd.s32 $0x1098, v7  }
0x383: {  	s21 =	sadd.s32 $0x5D00, s16;
	s20 =	sor.u32 $0x380, s11;
	v10 =	vld.idx.msk [tilespmem:v10+s4+$0x0], $0xffff;
	[tilespmem:s19+$0x0] =	vst v14;
	v14 =	vadd.s32 $0x3B0, v2  }
0x384: {  	s22 =	sor.u32 s3, s21;
	s31 =	sadd.s32 $0x9C00, s29;
	v12 =	vld.idx.msk [tilespmem:v12+s4+$0x0], $0xffff;
	[tilespmem:s20+$0x1A80] =	vst v15;
	v15 =	vadd.s32 $0xA24, v0  }
0x385: {  	s1 =	sor.u32 s2, s1;
	s5 =	sor.u32 s28, s31;
	v6 =	vld.idx.msk [tilespmem:v6+s4+$0x0], $0xffff;
	[tilespmem:s22+$0x0] =	vst v11;
	v11 =	vadd.s32 $0x1098, v3  }
0x386: {  	s1 =	sor.u32 $0x380, s1;
	v16 =	vld.idx.msk [tilespmem:v16+s4+$0x0], $0xffff;
	[tilespmem:s5+$0x0] =	vst v8;
	v8 =	vadd.s32 $0x426, v1  }
0x387: {  	s6 =	sor.u32 s23, s21;
	[tilespmem:s1+$0x1A80] =	vst v9;
	v9 =	vld.idx.msk [tilespmem:v13+s4+$0x0], $0xffff;
	v13 =	vadd.s32 $0xA9A, v4  }
0x388: {  	s9 =	sadd.s32 $0x3A80, s0;
	s8 =	sor.u32 s26, s31;
	v14 =	vld.idx.msk [tilespmem:v14+s4+$0x0], $0xffff;
	[tilespmem:s6+$0x0] =	vst v10;
	v10 =	vadd.s32 $0x110E, v7  }
0x389: {  	s11 =	sadd.s32 $0x5D80, s16;
	s10 =	sor.u32 s25, s9;
	v15 =	vld.idx.msk [tilespmem:v15+s4+$0x0], $0xffff;
	[tilespmem:s8+$0x0] =	vst v12;
	v12 =	vadd.s32 $0x426, v2  }
0x38a: {  	s13 =	sadd.s32 $0x9C80, s29;
	s12 =	sor.u32 s3, s11;
	v11 =	vld.idx.msk [tilespmem:v11+s4+$0x0], $0xffff;
	[tilespmem:s10+$0x0] =	vst v6;
	v6 =	vadd.s32 $0xA9A, v0  }
0x38b: {  	s14 =	sor.u32 s28, s13;
	v8 =	vld.idx.msk [tilespmem:v8+s4+$0x0], $0xffff;
	[tilespmem:s12+$0x0] =	vst v16;
	v16 =	vadd.s32 $0x110E, v3  }
0x38c: {  	s2 =	sor.u32 s24, s9;
	v13 =	vld.idx.msk [tilespmem:v13+s4+$0x0], $0xffff;
	[tilespmem:s14+$0x0] =	vst v9;
	v9 =	vadd.s32 $0x49C, v1  }
0x38d: {  	s15 =	sor.u32 s23, s11;
	[tilespmem:s2+$0x0] =	vst v14;
	v10 =	vld.idx.msk [tilespmem:v10+s4+$0x0], $0xffff;
	v14 =	vadd.s32 $0xB10, v4  }
0x38e: {  	s17 =	sor.u32 s26, s13;
	s18 =	sadd.s32 $0x3B00, s0;
	v12 =	vld.idx.msk [tilespmem:v12+s4+$0x0], $0xffff;
	[tilespmem:s15+$0x0] =	vst v15;
	v15 =	vadd.s32 $0x1184, v7  }
0x38f: {  	s19 =	sor.u32 s25, s18;
	s20 =	sadd.s32 $0x5E00, s16;
	v6 =	vld.idx.msk [tilespmem:v6+s4+$0x0], $0xffff;
	[tilespmem:s17+$0x0] =	vst v11;
	v11 =	vadd.s32 $0x49C, v2  }
0x390: {  	s21 =	sor.u32 s3, s20;
	s22 =	sadd.s32 $0x9D00, s29;
	v16 =	vld.idx.msk [tilespmem:v16+s4+$0x0], $0xffff;
	[tilespmem:s19+$0x0] =	vst v8;
	v8 =	vadd.s32 $0xB10, v0  }
0x391: {  	s31 =	sor.u32 s28, s22;
	v9 =	vld.idx.msk [tilespmem:v9+s4+$0x0], $0xffff;
	[tilespmem:s21+$0x0] =	vst v13;
	v13 =	vadd.s32 $0x1184, v3  }
0x392: {  	s1 =	sor.u32 s24, s18;
	v14 =	vld.idx.msk [tilespmem:v14+s4+$0x0], $0xffff;
	[tilespmem:s31+$0x0] =	vst v10;
	v10 =	vadd.s32 $0x512, v1  }
0x393: {  	s7 =	sor.u32 s23, s20;
	[tilespmem:s1+$0x0] =	vst v12;
	v12 =	vld.idx.msk [tilespmem:v15+s4+$0x0], $0xffff;
	v15 =	vadd.s32 $0xB86, v4  }
0x394: {  	s9 =	sadd.s32 $0x3B80, s0;
	s8 =	sor.u32 s26, s22;
	v11 =	vld.idx.msk [tilespmem:v11+s4+$0x0], $0xffff;
	[tilespmem:s7+$0x0] =	vst v6;
	v6 =	vadd.s32 $0x11FA, v7  }
0x395: {  	s11 =	sadd.s32 $0x7A80, s16;
	s10 =	sor.u32 s25, s9;
	v8 =	vld.idx.msk [tilespmem:v8+s4+$0x0], $0xffff;
	[tilespmem:s8+$0x0] =	vst v16;
	v16 =	vadd.s32 $0x512, v2  }
0x396: {  	s13 =	sadd.s32 $0x9D80, s29;
	s12 =	sor.u32 s3, s11;
	v13 =	vld.idx.msk [tilespmem:v13+s4+$0x0], $0xffff;
	[tilespmem:s10+$0x0] =	vst v9;
	v9 =	vadd.s32 $0xB86, v0  }
0x397: {  	s14 =	sor.u32 s28, s13;
	v10 =	vld.idx.msk [tilespmem:v10+s4+$0x0], $0xffff;
	[tilespmem:s12+$0x0] =	vst v14;
	v14 =	vadd.s32 $0x11FA, v3  }
0x398: {  	s2 =	sor.u32 s24, s9;
	v15 =	vld.idx.msk [tilespmem:v15+s4+$0x0], $0xffff;
	[tilespmem:s14+$0x0] =	vst v12;
	v12 =	vadd.s32 $0x588, v1  }
0x399: {  	s15 =	sor.u32 s23, s11;
	[tilespmem:s2+$0x0] =	vst v11;
	v6 =	vld.idx.msk [tilespmem:v6+s4+$0x0], $0xffff;
	v11 =	vadd.s32 $0xBFC, v4  }
0x39a: {  	s18 =	sadd.s32 $0x3C00, s0;
	s17 =	sor.u32 s26, s13;
	v16 =	vld.idx.msk [tilespmem:v16+s4+$0x0], $0xffff;
	[tilespmem:s15+$0x0] =	vst v8;
	v8 =	vadd.s32 $0x1270, v7  }
0x39b: {  	s20 =	sadd.s32 $0x7B00, s16;
	s19 =	sor.u32 s25, s18;
	v9 =	vld.idx.msk [tilespmem:v9+s4+$0x0], $0xffff;
	[tilespmem:s17+$0x0] =	vst v13;
	v13 =	vadd.s32 $0x588, v2  }
0x39c: {  	s22 =	sadd.s32 $0x9E00, s29;
	s21 =	sor.u32 s3, s20;
	v14 =	vld.idx.msk [tilespmem:v14+s4+$0x0], $0xffff;
	[tilespmem:s19+$0x0] =	vst v10  }
0x39d: {  	s31 =	sor.u32 s28, s22;
	s7 =	simm.s32 $0x60;
	v10 =	vadd.s32 $0xBFC, v0;
	v12 =	vld.idx.msk [tilespmem:v12+s4+$0x0], $0xffff;
	[tilespmem:s21+$0x0] =	vst v15  }
0x39e: {  	s1 =	sor.u32 s24, s18;
	s17 =	sand.u32 $0x60, s7;
	v15 =	vadd.s32 $0x1270, v3;
	v11 =	vld.idx.msk [tilespmem:v11+s4+$0x0], $0xffff;
	[tilespmem:s31+$0x0] =	vst v6  }
0x39f: {  	s8 =	sor.u32 s23, s20;
	s9 =	sand.u32 $0x380, s7;
	s18 =	sor.u32 $0x10, s17;
	[tilespmem:s1+$0x0] =	vst v16;
	v16 =	vadd.s32 $0x5FE, v1;
	v8 =	vld.idx.msk [tilespmem:v8+s4+$0x0], $0xffff  }
0x3a0: {  	s1 =	sor.u32 s18, s9;
	v13 =	vld.idx.msk [tilespmem:v13+s4+$0x0], $0xffff;
	[tilespmem:s8+$0x0] =	vst v9;
	v9 =	vadd.s32 $0xC72, v4  }
0x3a1: {  	v17 =	vadd.s32 $0x12E6, v7;
	s11 =	sadd.s32 $0x3C80, s0;
	s10 =	sor.u32 s26, s22;
	v6 =	vld [tilespmem:s1+$0x1680]  }
0x3a2: {  	s13 =	sadd.s32 $0x7B80, s16;
	s12 =	sor.u32 s25, s11;
	v10 =	vld.idx.msk [tilespmem:v10+s4+$0x0], $0xffff;
	[tilespmem:s10+$0x0] =	vst v14  }
0x3a3: {  	s14 =	sor.u32 s3, s13;
	s15 =	sadd.s32 $0xBA80, s29;
	v14 =	vadd.s32 $0x5FE, v2;
	[tilespmem:s12+$0x0] =	vst v12;
	v15 =	vld.idx.msk [tilespmem:v15+s4+$0x0], $0xffff  }
0x3a4: {  	s19 =	sor.u32 s28, s15;
	v12 =	vadd.s32 $0xC72, v0;
	[tilespmem:s14+$0x0] =	vst v11;
	v16 =	vld.idx.msk [tilespmem:v16+s4+$0x0], $0xffff  }
0x3a5: {  	s5 =	sor.u32 s24, s11;
	[tilespmem:s19+$0x0] =	vst v8;
	v9 =	vld.idx.msk [tilespmem:v9+s4+$0x0], $0xffff  }
0x3a6: {  	s20 =	sor.u32 s23, s13;
	v8 =	vadd.s32 $0x674, v1;
	[tilespmem:s5+$0x0] =	vst v13;
	v11 =	vld.idx.msk [tilespmem:v17+s4+$0x0], $0xffff  }
0x3a7: {  	v17 =	vld.idx.msk [tilespmem:v5+s4+$0x0], $0xffff;
	[tilespmem:s20+$0x0] =	vst v10;
	v10 =	vadd.s32 $0xCE8, v4  }
0x3a8: {  	s11 =	sor.u32 s26, s15;
	s21 =	sadd.s32 $0x3D00, s0;
	v13 =	vld.idx.msk [tilespmem:v14+s4+$0x0], $0xffff;
	v14 =	vadd.s32 $0x135C, v7  }
0x3a9: {  	v18 =	vadd.s32 $0x674, v2;
	s22 =	sor.u32 s25, s21;
	s31 =	sadd.s32 $0x7C00, s16;
	v12 =	vld.idx.msk [tilespmem:v12+s4+$0x0], $0xffff;
	[tilespmem:s11+$0x0] =	vst v15  }
0x3aa: {  	s9 =	sor.u32 s3, s31;
	s1 =	sadd.s32 $0xBB00, s29;
	v19 =	vld.idx.msk [tilespmem:v6+s4+$0x0], $0xffff;
	[tilespmem:s22+$0x0] =	vst v16;
	v16 =	vadd.s32 $0xCE8, v0  }
0x3ab: {  	s8 =	simm.s32 $0x300;
	s10 =	sor.u32 s28, s1;
	v20 =	vld.idx.msk [tilespmem:v8+s4+$0x0], $0xffff;
	[tilespmem:s9+$0x0] =	vst v9;
	v8 =	vadd.s32 $0x12E6, v3  }
0x3ac: {  	s2 =	sor.u32 s24, s21;
	s19 =	sand.u32 $0x1C00, s8;
	v9 =	vadd.s32 $0x76, v6;
	[tilespmem:s10+$0x0] =	vst v11;
	v10 =	vld.idx.msk [tilespmem:v10+s4+$0x0], $0xffff  }
0x3ad: {  	s5 =	sor.u32 s23, s31;
	s12 =	sadd.s32 $0x1A80, s19;
	v11 =	vadd.s32 $0x6EA, v1;
	[tilespmem:s2+$0x0] =	vst v13;
	v13 =	vld.idx.msk [tilespmem:v14+s4+$0x0], $0xffff  }
0x3ae: {  	s21 =	sor.u32 s17, s12;
	v14 =	vld.idx.msk [tilespmem:v18+s4+$0x0], $0xffff;
	[tilespmem:s5+$0x0] =	vst v12;
	v12 =	vadd.s32 $0xD5E, v4  }
0x3af: {  	s13 =	sadd.s32 $0x3D80, s0;
	s6 =	sor.u32 s18, s12;
	[tilespmem:s21+$0x0] =	vst v17;
	v18 =	vadd.s32 $0x76, v5;
	v15 =	vld.idx.msk [tilespmem:v16+s4+$0x0], $0xffff  }
0x3b0: {  	s15 =	sadd.s32 $0x7C80, s16;
	s14 =	sor.u32 s25, s13;
	[tilespmem:s6+$0x0] =	vst v19;
	v19 =	vadd.s32 $0x6EA, v2;
	v8 =	vld.idx.msk [tilespmem:v8+s4+$0x0], $0xffff  }
0x3b1: {  	s11 =	sor.u32 s3, s15;
	s2 =	sadd.s32 $0xBB80, s29;
	v16 =	vadd.s32 $0x13D2, v7;
	v9 =	vld.idx.msk [tilespmem:v9+s4+$0x0], $0xffff;
	[tilespmem:s14+$0x0] =	vst v20  }
0x3b2: {  	s20 =	sor.u32 s28, s2;
	v20 =	vadd.s32 $0xD5E, v0;
	v11 =	vld.idx.msk [tilespmem:v11+s4+$0x0], $0xffff;
	[tilespmem:s11+$0x0] =	vst v10  }
0x3b3: {  	s5 =	sor.u32 s24, s13;
	v10 =	vadd.s32 $0xEC, v6;
	[tilespmem:s20+$0x0] =	vst v13;
	v12 =	vld.idx.msk [tilespmem:v12+s4+$0x0], $0xffff  }
0x3b4: {  	v13 =	vadd.s32 $0x760, v1;
	v17 =	vld.idx.msk [tilespmem:v18+s4+$0x0], $0xffff;
	[tilespmem:s5+$0x0] =	vst v14  }
0x3b5: {  	s22 =	sor.u32 s23, s15;
	v14 =	vadd.s32 $0xDD4, v4;
	v18 =	vld.idx.msk [tilespmem:v19+s4+$0x0], $0xffff  }
0x3b6: {  	s31 =	sadd.s32 $0x3E00, s0;
	v19 =	vadd.s32 $0xEC, v5;
	v16 =	vld.idx.msk [tilespmem:v16+s4+$0x0], $0xffff;
	[tilespmem:s22+$0x0] =	vst v15  }
0x3b7: {  	s12 =	sor.u32 s25, s31;
	s13 =	sadd.s32 $0x7D00, s16;
	v15 =	vadd.s32 $0x1448, v7;
	[tilespmem:s6+$0x80] =	vst v9;
	v9 =	vld.idx.msk [tilespmem:v20+s4+$0x0], $0xffff  }
0x3b8: {  	s14 =	sor.u32 s3, s13;
	v20 =	vadd.s32 $0x760, v2;
	v10 =	vld.idx.msk [tilespmem:v10+s4+$0x0], $0xffff;
	[tilespmem:s12+$0x0] =	vst v11  }
0x3b9: {  	s5 =	sadd.s32 $0xBC00, s29;
	v11 =	vld.idx.msk [tilespmem:v13+s4+$0x0], $0xffff;
	v13 =	vadd.s32 $0xDD4, v0;
	[tilespmem:s14+$0x0] =	vst v12  }
0x3ba: {  	s15 =	sor.u32 s28, s5;
	v12 =	vadd.s32 $0x162, v6;
	[tilespmem:s21+$0x80] =	vst v17;
	v14 =	vld.idx.msk [tilespmem:v14+s4+$0x0], $0xffff  }
0x3bb: {  	s10 =	sor.u32 s24, s31;
	v17 =	vld.idx.msk [tilespmem:v19+s4+$0x0], $0xffff;
	[tilespmem:s15+$0x0] =	vst v16;
	v16 =	vadd.s32 $0x7D6, v1  }
0x3bc: {  	s9 =	sor.u32 s23, s13;
	[tilespmem:s10+$0x0] =	vst v18;
	v18 =	vadd.s32 $0xE4A, v4;
	v15 =	vld.idx.msk [tilespmem:v15+s4+$0x0], $0xffff  }
0x3bd: {  	s20 =	sadd.s32 $0x5A80, s0;
	v19 =	vld.idx.msk [tilespmem:v20+s4+$0x0], $0xffff;
	[tilespmem:s9+$0x0] =	vst v9;
	v20 =	vadd.s32 $0x162, v5  }
0x3be: {  	s31 =	sadd.s32 $0x7D80, s16;
	s22 =	sor.u32 s25, s20;
	v9 =	vadd.s32 $0x14BE, v7;
	[tilespmem:s6+$0x100] =	vst v10;
	v10 =	vld.idx.msk [tilespmem:v13+s4+$0x0], $0xffff  }
0x3bf: {  	s12 =	sor.u32 s3, s31;
	v12 =	vld.idx.msk [tilespmem:v12+s4+$0x0], $0xffff;
	v13 =	vadd.s32 $0x7D6, v2;
	[tilespmem:s22+$0x0] =	vst v11  }
0x3c0: {  	s9 =	sadd.s32 $0xBC80, s29;
	[tilespmem:s12+$0x0] =	vst v14;
	v14 =	vadd.s32 $0x1D8, v6;
	v11 =	vld.idx.msk [tilespmem:v16+s4+$0x0], $0xffff  }
0x3c1: {  	s13 =	sor.u32 s28, s9;
	[tilespmem:s21+$0x100] =	vst v17;
	v16 =	vadd.s32 $0xE4A, v0;
	v18 =	vld.idx.msk [tilespmem:v18+s4+$0x0], $0xffff  }
0x3c2: {  	s10 =	sor.u32 s24, s20;
	[tilespmem:s13+$0x0] =	vst v15;
	v15 =	vadd.s32 $0x84C, v1;
	v17 =	vld.idx.msk [tilespmem:v20+s4+$0x0], $0xffff  }
0x3c3: {  	[tilespmem:s10+$0x0] =	vst v19;
	v19 =	vadd.s32 $0xEC0, v4;
	v9 =	vld.idx.msk [tilespmem:v9+s4+$0x0], $0xffff  }
0x3c4: {  	s11 =	sor.u32 s23, s31;
	s14 =	sadd.s32 $0x5B00, s0;
	v20 =	vadd.s32 $0x1D8, v5;
	v13 =	vld.idx.msk [tilespmem:v13+s4+$0x0], $0xffff;
	[tilespmem:s6+$0x180] =	vst v12  }
0x3c5: {  	s20 =	sadd.s32 $0x7E00, s16;
	s15 =	sor.u32 s25, s14;
	[tilespmem:s11+$0x0] =	vst v10;
	v10 =	vadd.s32 $0x1534, v7;
	v14 =	vld.idx.msk [tilespmem:v14+s4+$0x0], $0xffff  }
0x3c6: {  	s22 =	sor.u32 s3, s20;
	v12 =	vld.idx.msk [tilespmem:v16+s4+$0x0], $0xffff;
	v16 =	vadd.s32 $0x84C, v2;
	[tilespmem:s15+$0x0] =	vst v11  }
0x3c7: {  	s15 =	sadd.s32 $0xBD00, s29;
	[tilespmem:s22+$0x0] =	vst v18;
	v18 =	vadd.s32 $0x24E, v6;
	v11 =	vld.idx.msk [tilespmem:v15+s4+$0x0], $0xffff  }
0x3c8: {  	v15 =	vadd.s32 $0xEC0, v0;
	s31 =	sor.u32 s28, s15;
	v19 =	vld.idx.msk [tilespmem:v19+s4+$0x0], $0xffff;
	[tilespmem:s21+$0x180] =	vst v17  }
0x3c9: {  	s10 =	sor.u32 s24, s14;
	[tilespmem:s31+$0x0] =	vst v9;
	v9 =	vadd.s32 $0x8C2, v1;
	v17 =	vld.idx.msk [tilespmem:v20+s4+$0x0], $0xffff  }
0x3ca: {  	v20 =	vadd.s32 $0xF36, v4;
	v10 =	vld.idx.msk [tilespmem:v10+s4+$0x0], $0xffff;
	[tilespmem:s10+$0x0] =	vst v13  }
0x3cb: {  	s13 =	sor.u32 s23, s20;
	v7 =	vadd.s32 $0x15AA, v7;
	s10 =	sadd.s32 $0x5B80, s0;
	[tilespmem:s6+$0x200] =	vst v14;
	v16 =	vld.idx.msk [tilespmem:v16+s4+$0x0], $0xffff  }
0x3cc: {  	s12 =	sadd.s32 $0x9A80, s16;
	s14 =	sor.u32 s25, s10;
	[tilespmem:s13+$0x0] =	vst v12;
	v12 =	vadd.s32 $0x24E, v5;
	v21 =	vld.idx.msk [tilespmem:v18+s4+$0x0], $0xffff  }
0x3cd: {  	v22 =	vadd.s32 $0x8C2, v2;
	s20 =	sor.u32 s3, s12;
	s22 =	sadd.s32 $0xBD80, s29;
	v14 =	vld.idx.msk [tilespmem:v15+s4+$0x0], $0xffff;
	[tilespmem:s14+$0x0] =	vst v11  }
0x3ce: {  	s12 =	sor.u32 s23, s12;
	s13 =	sor.u32 s28, s22;
	[tilespmem:s20+$0x0] =	vst v19;
	v19 =	vadd.s32 $0xF36, v0;
	v13 =	vld.idx.msk [tilespmem:v9+s4+$0x0], $0xffff  }
0x3cf: {  	s11 =	sor.u32 s26, s5;
	s5 =	simm.s32 $0x6;
	s31 =	sor.u32 s8, s7;
	v15 =	vld.idx.msk [tilespmem:v20+s4+$0x0], $0xffff;
	[tilespmem:s13+$0x0] =	vst v10  }
0x3d0: {  	s10 =	sor.u32 s24, s10;
	v18 =	vadd.s32 $0x2C4, v6;
	s14 =	sor.u32 s26, s1;
	s20 =	sor.u32 $0x380, s31;
	[tilespmem:s21+$0x200] =	vst v17;
	v11 =	vld.idx.msk [tilespmem:v7+s4+$0x0], $0xffff  }
0x3d1: {  	s31 =	sadd.s32 $0x5C00, s0;
	s1 =	simm.s32 $0x1700;
	v17 =	vadd.s32 $0x938, v1;
	s13 =	sor.u32 s26, s2;
	[tilespmem:s10+$0x0] =	vst v16;
	v10 =	vld.idx.msk [tilespmem:v12+s4+$0x0], $0xffff  }
0x3d2: {  	s2 =	sor.u32 s26, s15;
	s15 =	sor.u32 s25, s31;
	s10 =	sor.u32 s26, s9;
	[tilespmem:s12+$0x0] =	vst v14;
	v9 =	vld.idx.msk [tilespmem:v22+s4+$0x0], $0xffff;
	v14 =	vadd.s32 $0xFAC, v4  }
0x3d3: {  	s9 =	sor.u32 s26, s22;
	[tilespmem:s6+$0x280] =	vst v21;
	v16 =	vadd.s32 $0x2C4, v5;
	s6 =	sadd.s32 $0x9B00, s16;
	s12 =	sor.u32 s24, s31;
	v12 =	vld.idx.msk [tilespmem:v19+s4+$0x0], $0xffff  }
.LBB2_7:
0x3d4: {  	v7 =	vld [tilespmem:s1+$0x0];
	v19 =	vadd.s32 $0x938, v2;
	[tilespmem:s15+$0x0] =	vst v13;
	s22 =	sor.u32 s23, s6;
	s6 =	sor.u32 s3, s6;
	s29 =	sadd.s32 $0xBE00, s29  }
0x3d5: {  	s30 =	sadd.s32 $0x1, s30;
	v13 =	vld.idx.msk [tilespmem:v18+s4+$0x0], $0xffff;
	v18 =	vadd.s32 $0xFAC, v0;
	[tilespmem:s6+$0x0] =	vst v15;
	s15 =	sor.u32 s26, s29;
	s6 =	sor.u32 s28, s29  }
0x3d6: {  	s28 =	sand.u32 $0x3, s30;
	s26 =	smov.u32 s23;
	s23 =	smov.u32 s24;
	v15 =	vld.idx.msk [tilespmem:v17+s4+$0x0], $0xffff;
	v17 =	vadd.s32 $0x135C, v3;
	[tilespmem:s6+$0x0] =	vst v11  }
0x3d7: {  	s24 =	smov.u32 s17;
	s6 =	sshll.u32 s28, $0x5;
	s28 =	smov.u32 s3;
	[tilespmem:s21+$0x280] =	vst v10;
	v10 =	vadd.s32 $0x33A, v6;
	v11 =	vld.idx.msk [tilespmem:v14+s4+$0x0], $0xffff  }
0x3d8: {  	s3 =	smov.u32 s25;
	s25 =	smov.u32 s18;
	s6 =	sadd.s32 s6, s8;
	v14 =	vld.idx.msk [tilespmem:v16+s4+$0x0], $0xffff;
	[tilespmem:s12+$0x0] =	vst v9;
	v9 =	vadd.s32 $0x9AE, v1  }
0x3d9: {  	s29 =	smov.u32 s16;
	s12 =	sor.u32 $0x300, s6;
	s6 =	sadd.s32 $0x10, s6;
	v16 =	vld.idx.msk [tilespmem:v19+s4+$0x0], $0xffff;
	[tilespmem:s22+$0x0] =	vst v12;
	v12 =	vadd.s32 $0x1022, v4  }
0x3da: {  	s16 =	smov.u32 s0;
	s18 =	sadd.s32 $0x5C80, s0;
	v19 =	vadd.s32 $0x33A, v5;
	s17 =	sor.u32 $0x300, s6;
	v18 =	vld.idx.msk [tilespmem:v18+s4+$0x0], $0xffff;
	[tilespmem:s14+$0x0] =	vst v8  }
0x3db: {  	s0 =	sor.u32 s3, s18;
	s14 =	sor.u32 s23, s18;
	v8 =	vadd.s32 $0x9AE, v2;
	[tilespmem:s17+$0x1A80] =	vst v13;
	s17 =	sadd.s32 $0x9B80, s29;
	v13 =	vld.idx.msk [tilespmem:v17+s4+$0x0], $0xffff  }
0x3dc: {  	v10 =	vld.idx.msk [tilespmem:v10+s4+$0x0], $0xffff;
	[tilespmem:s0+$0x0] =	vst v15;
	s18 =	sor.u32 s26, s17;
	v15 =	vadd.s32 $0x1022, v0;
	s17 =	sor.u32 s28, s17;
	s0 =	smov.u32 s19  }
0x3dd: {  	v9 =	vld.idx.msk [tilespmem:v9+s4+$0x0], $0xffff;
	[tilespmem:s17+$0x0] =	vst v11;
	v11 =	vadd.s32 $0x13D2, v3  }
0x3de: {  	[tilespmem:s12+$0x1A80] =	vst v14;
	v14 =	vadd.s32 $0x3B0, v6;
	v12 =	vld.idx.msk [tilespmem:v12+s4+$0x0], $0xffff  }
0x3df: {  	v17 =	vld.idx.msk [tilespmem:v19+s4+$0x0], $0xffff;
	[tilespmem:s14+$0x0] =	vst v16;
	v16 =	vadd.s32 $0xA24, v1  }
0x3e0: {  	v8 =	vld.idx.msk [tilespmem:v8+s4+$0x0], $0xffff;
	[tilespmem:s18+$0x0] =	vst v18;
	v18 =	vadd.s32 $0x1098, v4  }
0x3e1: {  	s6 =	sor.u32 $0x380, s6;
	s12 =	sadd.s32 $0x5D00, s16;
	v19 =	vadd.s32 $0x3B0, v5;
	v15 =	vld.idx.msk [tilespmem:v15+s4+$0x0], $0xffff;
	[tilespmem:s13+$0x0] =	vst v13  }
0x3e2: {  	s13 =	sadd.s32 $0x9C00, s29;
	[tilespmem:s6+$0x1A80] =	vst v10;
	s6 =	sor.u32 s23, s12;
	v10 =	vadd.s32 $0xA24, v2;
	s12 =	sor.u32 s3, s12;
	v11 =	vld.idx.msk [tilespmem:v11+s4+$0x0], $0xffff  }
0x3e3: {  	v13 =	vld.idx.msk [tilespmem:v14+s4+$0x0], $0xffff;
	[tilespmem:s12+$0x0] =	vst v9;
	s12 =	sor.u32 s26, s13;
	v9 =	vadd.s32 $0x1098, v0;
	s13 =	sor.u32 s28, s13  }
0x3e4: {  	v14 =	vld.idx.msk [tilespmem:v16+s4+$0x0], $0xffff;
	[tilespmem:s13+$0x0] =	vst v12;
	v12 =	vadd.s32 $0x1448, v3  }
0x3e5: {  	v16 =	vadd.s32 $0x426, v6;
	[tilespmem:s20+$0x1A80] =	vst v17;
	v17 =	vld.idx.msk [tilespmem:v18+s4+$0x0], $0xffff  }
0x3e6: {  	v18 =	vld.idx.msk [tilespmem:v19+s4+$0x0], $0xffff;
	[tilespmem:s6+$0x0] =	vst v8;
	v8 =	vadd.s32 $0xA9A, v1  }
0x3e7: {  	s6 =	sadd.s32 $0x3A80, s0;
	v10 =	vld.idx.msk [tilespmem:v10+s4+$0x0], $0xffff;
	[tilespmem:s12+$0x0] =	vst v15;
	v15 =	vadd.s32 $0x110E, v4  }
0x3e8: {  	s13 =	sadd.s32 $0x5D80, s16;
	v19 =	vadd.s32 $0x426, v5;
	s12 =	sor.u32 s24, s6;
	s6 =	sor.u32 s25, s6;
	v9 =	vld.idx.msk [tilespmem:v9+s4+$0x0], $0xffff;
	[tilespmem:s11+$0x0] =	vst v11  }
0x3e9: {  	v11 =	vadd.s32 $0xA9A, v2;
	s11 =	sor.u32 s3, s13;
	[tilespmem:s6+$0x0] =	vst v13;
	s6 =	sor.u32 s23, s13;
	s13 =	sadd.s32 $0x9C80, s29;
	v12 =	vld.idx.msk [tilespmem:v12+s4+$0x0], $0xffff  }
0x3ea: {  	v13 =	vld.idx.msk [tilespmem:v16+s4+$0x0], $0xffff;
	[tilespmem:s11+$0x0] =	vst v14;
	s11 =	sor.u32 s26, s13;
	v14 =	vadd.s32 $0x110E, v0;
	s13 =	sor.u32 s28, s13  }
0x3eb: {  	v16 =	vadd.s32 $0x14BE, v3;
	v8 =	vld.idx.msk [tilespmem:v8+s4+$0x0], $0xffff;
	[tilespmem:s13+$0x0] =	vst v17  }
0x3ec: {  	v17 =	vadd.s32 $0x49C, v6;
	[tilespmem:s12+$0x0] =	vst v18;
	v15 =	vld.idx.msk [tilespmem:v15+s4+$0x0], $0xffff  }
0x3ed: {  	v18 =	vld.idx.msk [tilespmem:v19+s4+$0x0], $0xffff;
	[tilespmem:s6+$0x0] =	vst v10;
	v10 =	vadd.s32 $0xB10, v1  }
0x3ee: {  	s6 =	sadd.s32 $0x3B00, s0;
	v11 =	vld.idx.msk [tilespmem:v11+s4+$0x0], $0xffff;
	[tilespmem:s11+$0x0] =	vst v9;
	v9 =	vadd.s32 $0x1184, v4  }
0x3ef: {  	s12 =	sadd.s32 $0x5E00, s16;
	v19 =	vadd.s32 $0x49C, v5;
	s11 =	sor.u32 s24, s6;
	s6 =	sor.u32 s25, s6;
	v14 =	vld.idx.msk [tilespmem:v14+s4+$0x0], $0xffff;
	[tilespmem:s10+$0x0] =	vst v12  }
0x3f0: {  	v12 =	vadd.s32 $0xB10, v2;
	s10 =	sor.u32 s3, s12;
	[tilespmem:s6+$0x0] =	vst v13;
	s6 =	sor.u32 s23, s12;
	s12 =	sadd.s32 $0x9D00, s29;
	v13 =	vld.idx.msk [tilespmem:v16+s4+$0x0], $0xffff  }
0x3f1: {  	v16 =	vld.idx.msk [tilespmem:v17+s4+$0x0], $0xffff;
	[tilespmem:s10+$0x0] =	vst v8;
	s10 =	sor.u32 s26, s12;
	v8 =	vadd.s32 $0x1184, v0;
	s12 =	sor.u32 s28, s12  }
0x3f2: {  	v10 =	vld.idx.msk [tilespmem:v10+s4+$0x0], $0xffff;
	[tilespmem:s12+$0x0] =	vst v15;
	v15 =	vadd.s32 $0x1534, v3  }
0x3f3: {  	v17 =	vadd.s32 $0x512, v6;
	[tilespmem:s11+$0x0] =	vst v18;
	v9 =	vld.idx.msk [tilespmem:v9+s4+$0x0], $0xffff  }
0x3f4: {  	v18 =	vld.idx.msk [tilespmem:v19+s4+$0x0], $0xffff;
	[tilespmem:s6+$0x0] =	vst v11;
	v11 =	vadd.s32 $0xB86, v1  }
0x3f5: {  	s6 =	sadd.s32 $0x3B80, s0;
	v12 =	vld.idx.msk [tilespmem:v12+s4+$0x0], $0xffff;
	[tilespmem:s10+$0x0] =	vst v14;
	v14 =	vadd.s32 $0x11FA, v4  }
0x3f6: {  	s11 =	sadd.s32 $0x7A80, s16;
	v19 =	vadd.s32 $0x512, v5;
	s10 =	sor.u32 s24, s6;
	s6 =	sor.u32 s25, s6;
	v8 =	vld.idx.msk [tilespmem:v8+s4+$0x0], $0xffff;
	[tilespmem:s2+$0x0] =	vst v13  }
0x3f7: {  	s2 =	sor.u32 s23, s11;
	v13 =	vadd.s32 $0xB86, v2;
	[tilespmem:s6+$0x0] =	vst v16;
	s6 =	sor.u32 s3, s11;
	s11 =	sadd.s32 $0x9D80, s29;
	v15 =	vld.idx.msk [tilespmem:v15+s4+$0x0], $0xffff  }
0x3f8: {  	v16 =	vld.idx.msk [tilespmem:v17+s4+$0x0], $0xffff;
	[tilespmem:s6+$0x0] =	vst v10;
	s6 =	sor.u32 s26, s11;
	v10 =	vadd.s32 $0x11FA, v0;
	s11 =	sor.u32 s28, s11  }
0x3f9: {  	v11 =	vld.idx.msk [tilespmem:v11+s4+$0x0], $0xffff;
	[tilespmem:s11+$0x0] =	vst v9;
	v9 =	vadd.s32 $0x15AA, v3;
	v3 =	vmovc v0;
	v0 =	vmovc v2;
	v2 =	vmov v5;
	v5 =	vmov v7  }
0x3fa: {  	v7 =	vadd.s32 $0x588, v6;
	[tilespmem:s10+$0x0] =	vst v18;
	v14 =	vld.idx.msk [tilespmem:v14+s4+$0x0], $0xffff  }
0x3fb: {  	v17 =	vld.idx.msk [tilespmem:v19+s4+$0x0], $0xffff;
	[tilespmem:s2+$0x0] =	vst v12;
	v12 =	vadd.s32 $0xBFC, v1  }
0x3fc: {  	s2 =	sadd.s32 $0x3C00, s0;
	v13 =	vld.idx.msk [tilespmem:v13+s4+$0x0], $0xffff;
	[tilespmem:s6+$0x0] =	vst v8;
	v8 =	vadd.s32 $0x1270, v4  }
0x3fd: {  	v18 =	vadd.s32 $0x588, v2;
	s10 =	sadd.s32 $0x7B00, s16;
	s6 =	sor.u32 s24, s2;
	s2 =	sor.u32 s25, s2;
	v10 =	vld.idx.msk [tilespmem:v10+s4+$0x0], $0xffff;
	[tilespmem:s9+$0x0] =	vst v15  }
0x3fe: {  	v15 =	vadd.s32 $0xBFC, v0;
	s9 =	sor.u32 s3, s10;
	[tilespmem:s2+$0x0] =	vst v16;
	s2 =	sor.u32 s23, s10;
	s10 =	sadd.s32 $0x9E00, s29;
	v9 =	vld.idx.msk [tilespmem:v9+s4+$0x0], $0xffff  }
0x3ff: {  	v16 =	vld.idx.msk [tilespmem:v7+s4+$0x0], $0xffff;
	[tilespmem:s9+$0x0] =	vst v11;
	s9 =	sor.u32 s26, s10;
	s10 =	sor.u32 s28, s10  }
0x400: {  	s7 =	sadd.s32 $0x20, s7;
	v11 =	vld.idx.msk [tilespmem:v12+s4+$0x0], $0xffff;
	v12 =	vadd.s32 $0x1270, v3;
	[tilespmem:s10+$0x0] =	vst v14  }
0x401: {  	s17 =	sand.u32 $0x60, s7;
	v14 =	vadd.s32 $0x5FE, v6;
	[tilespmem:s6+$0x0] =	vst v17;
	v8 =	vld.idx.msk [tilespmem:v8+s4+$0x0], $0xffff  }
0x402: {  	s18 =	sor.u32 $0x10, s17;
	s6 =	sand.u32 $0x380, s7;
	v17 =	vld.idx.msk [tilespmem:v18+s4+$0x0], $0xffff;
	[tilespmem:s2+$0x0] =	vst v13;
	v13 =	vadd.s32 $0xC72, v1  }
0x403: {  	s2 =	sor.u32 s18, s6;
	s6 =	sadd.s32 $0x3C80, s0;
	v15 =	vld.idx.msk [tilespmem:v15+s4+$0x0], $0xffff;
	[tilespmem:s9+$0x0] =	vst v10;
	v10 =	vadd.s32 $0x12E6, v4  }
0x404: {  	s5 =	sadd.s32 $0x2, s5;
	v18 =	vadd.s32 $0x5FE, v2;
	s9 =	sadd.s32 $0x7B80, s16;
	v7 =	vld [tilespmem:s2+$0x1680];
	s2 =	sor.u32 s25, s6;
	[tilespmem:s15+$0x0] =	vst v9  }
0x405: {  	p1 =	slt.u32 s5, $0x3E;
	s10 =	sadd.s32 $0xBA80, s29;
	v9 =	vadd.s32 $0xC72, v0;
	[tilespmem:s2+$0x0] =	vst v16;
	s2 =	sor.u32 s3, s9;
	v12 =	vld.idx.msk [tilespmem:v12+s4+$0x0], $0xffff  }
0x406: {  	s6 =	sor.u32 s24, s6;
	s9 =	sor.u32 s23, s9;
	v14 =	vld.idx.msk [tilespmem:v14+s4+$0x0], $0xffff;
	[tilespmem:s2+$0x0] =	vst v11;
	s2 =	sor.u32 s28, s10  }
0x407: {  	s10 =	sor.u32 s26, s10;
	v11 =	vld.idx.msk [tilespmem:v13+s4+$0x0], $0xffff;
	[tilespmem:s2+$0x0] =	vst v8  }
0x408: {  	v8 =	vadd.s32 $0x674, v6;
	[tilespmem:s6+$0x0] =	vst v17;
	v10 =	vld.idx.msk [tilespmem:v10+s4+$0x0], $0xffff  }
0x409: {  	v13 =	vld.idx.msk [tilespmem:v18+s4+$0x0], $0xffff;
	[tilespmem:s9+$0x0] =	vst v15;
	v15 =	vadd.s32 $0xCE8, v1  }
0x40a: {  	v16 =	vadd.s32 $0x135C, v4;
	s2 =	sadd.s32 $0x3D00, s0;
	v9 =	vld.idx.msk [tilespmem:v9+s4+$0x0], $0xffff  }
0x40b: {  	s6 =	sor.u32 s24, s2;
	s2 =	sor.u32 s25, s2;
	v18 =	vadd.s32 $0x674, v2;
	s9 =	sadd.s32 $0x7C00, s16;
	v17 =	vld.idx.msk [tilespmem:v5+s4+$0x0], $0xffff;
	[tilespmem:s10+$0x0] =	vst v12  }
0x40c: {  	s10 =	sadd.s32 $0xBB00, s29;
	v12 =	vld.idx.msk [tilespmem:v7+s4+$0x0], $0xffff;
	[tilespmem:s2+$0x0] =	vst v14;
	s2 =	sor.u32 s23, s9;
	v14 =	vadd.s32 $0xCE8, v0;
	s9 =	sor.u32 s3, s9  }
0x40d: {  	s14 =	sor.u32 s26, s10;
	v19 =	vld.idx.msk [tilespmem:v8+s4+$0x0], $0xffff;
	[tilespmem:s9+$0x0] =	vst v11;
	v8 =	vadd.s32 $0x12E6, v3;
	s9 =	sor.u32 s28, s10  }
0x40e: {  	s8 =	sadd.s32 $0x100, s8;
	v11 =	vadd.s32 $0x76, v7;
	v15 =	vld.idx.msk [tilespmem:v15+s4+$0x0], $0xffff;
	[tilespmem:s9+$0x0] =	vst v10  }
0x40f: {  	s19 =	sand.u32 $0x1C00, s8;
	s9 =	sor.u32 s8, s7;
	v10 =	vadd.s32 $0x6EA, v6;
	[tilespmem:s6+$0x0] =	vst v13;
	v13 =	vld.idx.msk [tilespmem:v16+s4+$0x0], $0xffff  }
0x410: {  	s6 =	sadd.s32 $0x1A80, s19;
	s20 =	sor.u32 $0x380, s9;
	v16 =	vld.idx.msk [tilespmem:v18+s4+$0x0], $0xffff;
	[tilespmem:s2+$0x0] =	vst v9;
	v9 =	vadd.s32 $0xD5E, v1  }
0x411: {  	s21 =	sor.u32 s17, s6;
	s15 =	sor.u32 s18, s6;
	s2 =	sadd.s32 $0x3D80, s0;
	v18 =	vadd.s32 $0x13D2, v4;
	v14 =	vld.idx.msk [tilespmem:v14+s4+$0x0], $0xffff  }
0x412: {  	v20 =	vadd.s32 $0x76, v5;
	s9 =	sadd.s32 $0x7C80, s16;
	s6 =	sor.u32 s24, s2;
	s2 =	sor.u32 s25, s2;
	[tilespmem:s15+$0x0] =	vst v12;
	v8 =	vld.idx.msk [tilespmem:v8+s4+$0x0], $0xffff  }
0x413: {  	s10 =	sadd.s32 $0xBB80, s29;
	v12 =	vadd.s32 $0x6EA, v2;
	v11 =	vld.idx.msk [tilespmem:v11+s4+$0x0], $0xffff;
	[tilespmem:s2+$0x0] =	vst v19;
	s2 =	sor.u32 s23, s9;
	s9 =	sor.u32 s3, s9  }
0x414: {  	s13 =	sor.u32 s26, s10;
	v19 =	vadd.s32 $0xD5E, v0;
	v10 =	vld.idx.msk [tilespmem:v10+s4+$0x0], $0xffff;
	[tilespmem:s9+$0x0] =	vst v15;
	s9 =	sor.u32 s28, s10  }
0x415: {  	v15 =	vadd.s32 $0xEC, v7;
	v9 =	vld.idx.msk [tilespmem:v9+s4+$0x0], $0xffff;
	[tilespmem:s9+$0x0] =	vst v13  }
0x416: {  	v13 =	vadd.s32 $0x760, v6;
	[tilespmem:s21+$0x0] =	vst v17;
	v17 =	vld.idx.msk [tilespmem:v18+s4+$0x0], $0xffff  }
0x417: {  	v18 =	vld.idx.msk [tilespmem:v20+s4+$0x0], $0xffff;
	[tilespmem:s6+$0x0] =	vst v16;
	v16 =	vadd.s32 $0xDD4, v1  }
0x418: {  	s6 =	sadd.s32 $0x3E00, s0;
	v12 =	vld.idx.msk [tilespmem:v12+s4+$0x0], $0xffff;
	[tilespmem:s2+$0x0] =	vst v14;
	v14 =	vadd.s32 $0x1448, v4  }
0x419: {  	s9 =	sadd.s32 $0x7D00, s16;
	v20 =	vadd.s32 $0xEC, v5;
	s2 =	sor.u32 s24, s6;
	s6 =	sor.u32 s25, s6;
	[tilespmem:s15+$0x80] =	vst v11;
	v11 =	vld.idx.msk [tilespmem:v19+s4+$0x0], $0xffff  }
0x41a: {  	s10 =	sadd.s32 $0xBC00, s29;
	v19 =	vadd.s32 $0x760, v2;
	v15 =	vld.idx.msk [tilespmem:v15+s4+$0x0], $0xffff;
	[tilespmem:s6+$0x0] =	vst v10;
	s6 =	sor.u32 s23, s9;
	s9 =	sor.u32 s3, s9  }
0x41b: {  	s11 =	sor.u32 s26, s10;
	v10 =	vld.idx.msk [tilespmem:v13+s4+$0x0], $0xffff;
	v13 =	vadd.s32 $0xDD4, v0;
	[tilespmem:s9+$0x0] =	vst v9;
	s9 =	sor.u32 s28, s10  }
0x41c: {  	v9 =	vadd.s32 $0x162, v7;
	v16 =	vld.idx.msk [tilespmem:v16+s4+$0x0], $0xffff;
	[tilespmem:s9+$0x0] =	vst v17  }
0x41d: {  	v17 =	vadd.s32 $0x7D6, v6;
	[tilespmem:s21+$0x80] =	vst v18;
	v14 =	vld.idx.msk [tilespmem:v14+s4+$0x0], $0xffff  }
0x41e: {  	v18 =	vld.idx.msk [tilespmem:v20+s4+$0x0], $0xffff;
	[tilespmem:s2+$0x0] =	vst v12;
	v12 =	vadd.s32 $0xE4A, v1  }
0x41f: {  	s2 =	sadd.s32 $0x5A80, s0;
	v19 =	vld.idx.msk [tilespmem:v19+s4+$0x0], $0xffff;
	[tilespmem:s6+$0x0] =	vst v11;
	v11 =	vadd.s32 $0x14BE, v4  }
0x420: {  	s9 =	sadd.s32 $0x7D80, s16;
	v20 =	vadd.s32 $0x162, v5;
	s6 =	sor.u32 s24, s2;
	s2 =	sor.u32 s25, s2;
	[tilespmem:s15+$0x100] =	vst v15;
	v13 =	vld.idx.msk [tilespmem:v13+s4+$0x0], $0xffff  }
0x421: {  	s12 =	sadd.s32 $0xBC80, s29;
	v15 =	vadd.s32 $0x7D6, v2;
	v9 =	vld.idx.msk [tilespmem:v9+s4+$0x0], $0xffff;
	[tilespmem:s2+$0x0] =	vst v10;
	s2 =	sor.u32 s23, s9;
	s9 =	sor.u32 s3, s9  }
0x422: {  	s10 =	sor.u32 s26, s12;
	v10 =	vld.idx.msk [tilespmem:v17+s4+$0x0], $0xffff;
	v17 =	vadd.s32 $0xE4A, v0;
	[tilespmem:s9+$0x0] =	vst v16;
	s9 =	sor.u32 s28, s12  }
0x423: {  	v16 =	vadd.s32 $0x1D8, v7;
	v12 =	vld.idx.msk [tilespmem:v12+s4+$0x0], $0xffff;
	[tilespmem:s9+$0x0] =	vst v14  }
0x424: {  	v14 =	vadd.s32 $0x84C, v6;
	[tilespmem:s21+$0x100] =	vst v18;
	v11 =	vld.idx.msk [tilespmem:v11+s4+$0x0], $0xffff  }
0x425: {  	v18 =	vld.idx.msk [tilespmem:v20+s4+$0x0], $0xffff;
	[tilespmem:s6+$0x0] =	vst v19;
	v19 =	vadd.s32 $0xEC0, v1  }
0x426: {  	s6 =	sadd.s32 $0x5B00, s0;
	v15 =	vld.idx.msk [tilespmem:v15+s4+$0x0], $0xffff;
	[tilespmem:s2+$0x0] =	vst v13;
	v13 =	vadd.s32 $0x1534, v4  }
0x427: {  	v20 =	vadd.s32 $0x1D8, v5;
	s9 =	sor.u32 s24, s6;
	s2 =	sor.u32 s25, s6;
	s6 =	sadd.s32 $0x7E00, s16;
	[tilespmem:s15+$0x180] =	vst v9;
	v9 =	vld.idx.msk [tilespmem:v17+s4+$0x0], $0xffff  }
0x428: {  	v17 =	vadd.s32 $0x84C, v2;
	s12 =	sor.u32 s23, s6;
	v16 =	vld.idx.msk [tilespmem:v16+s4+$0x0], $0xffff;
	[tilespmem:s2+$0x0] =	vst v10;
	s2 =	sor.u32 s3, s6;
	s6 =	sadd.s32 $0xBD00, s29  }
0x429: {  	v10 =	vld.idx.msk [tilespmem:v14+s4+$0x0], $0xffff;
	v14 =	vadd.s32 $0xEC0, v0;
	[tilespmem:s2+$0x0] =	vst v12;
	s2 =	sor.u32 s26, s6;
	s6 =	sor.u32 s28, s6  }
0x42a: {  	v12 =	vadd.s32 $0x24E, v7;
	v19 =	vld.idx.msk [tilespmem:v19+s4+$0x0], $0xffff;
	[tilespmem:s6+$0x0] =	vst v11  }
0x42b: {  	v11 =	vadd.s32 $0x8C2, v6;
	[tilespmem:s21+$0x180] =	vst v18;
	v18 =	vld.idx.msk [tilespmem:v13+s4+$0x0], $0xffff  }
0x42c: {  	v20 =	vld.idx.msk [tilespmem:v20+s4+$0x0], $0xffff;
	[tilespmem:s9+$0x0] =	vst v15;
	v15 =	vadd.s32 $0xF36, v1  }
0x42d: {  	s6 =	sadd.s32 $0x5B80, s0;
	v17 =	vld.idx.msk [tilespmem:v17+s4+$0x0], $0xffff;
	[tilespmem:s12+$0x0] =	vst v9;
	v9 =	vadd.s32 $0x15AA, v4;
	v4 =	vmovc v1;
	v1 =	vmov v6;
	v6 =	vmov v7  }
0x42e: {  	s9 =	sadd.s32 $0x9A80, s16;
	v7 =	vadd.s32 $0x24E, v5;
	s12 =	sor.u32 s24, s6;
	s6 =	sor.u32 s25, s6;
	[tilespmem:s15+$0x200] =	vst v16;
	v14 =	vld.idx.msk [tilespmem:v14+s4+$0x0], $0xffff  }
0x42f: {  	s22 =	sadd.s32 $0xBD80, s29;
	v16 =	vadd.s32 $0x8C2, v2;
	v12 =	vld.idx.msk [tilespmem:v12+s4+$0x0], $0xffff;
	[tilespmem:s6+$0x0] =	vst v10;
	s6 =	sor.u32 s23, s9;
	s9 =	sor.u32 s3, s9  }
0x430: {  	v21 =	vadd.s32 $0xF36, v0;
	v13 =	vld.idx.msk [tilespmem:v11+s4+$0x0], $0xffff;
	[tilespmem:s9+$0x0] =	vst v19;
	s9 =	sor.u32 s26, s22;
	s22 =	sor.u32 s28, s22  }
.Ltmp5:
0x431: {  	v15 =	vld.idx.msk [tilespmem:v15+s4+$0x0], $0xffff;
	[tilespmem:s22+$0x0] =	vst v18;
	(pc) =	sbr.rel @p1 .LBB2_7-.Ltmp5, $4  }
0x432: {  	v18 =	vadd.s32 $0x2C4, v6;
	[tilespmem:s21+$0x200] =	vst v20;
	v11 =	vld.idx.msk [tilespmem:v9+s4+$0x0], $0xffff  }
0x433: {  	v10 =	vld.idx.msk [tilespmem:v7+s4+$0x0], $0xffff;
	[tilespmem:s12+$0x0] =	vst v17;
	v17 =	vadd.s32 $0x938, v1  }
0x434: {  	s1 =	sadd.s32 $0x20, s1;
	s22 =	sadd.s32 $0x5C00, s0;
	v9 =	vld.idx.msk [tilespmem:v16+s4+$0x0], $0xffff;
	[tilespmem:s6+$0x0] =	vst v14;
	v14 =	vadd.s32 $0xFAC, v4  }
0x435: {  	s12 =	sor.u32 s24, s22;
	v16 =	vadd.s32 $0x2C4, v5;
	s6 =	sadd.s32 $0x9B00, s16;
	[tilespmem:s15+$0x280] =	vst v12;
	s15 =	sor.u32 s25, s22;
	v12 =	vld.idx.msk [tilespmem:v21+s4+$0x0], $0xffff  }
0x436: {  	_ =	sdelay $0x2  }
0x437: {  	v7 =	vadd.s32 $0x938, v2;
	[tilespmem:s15+$0x0] =	vst v13;
	s1 =	sor.u32 s3, s6;
	s7 =	sadd.s32 $0xBE00, s29;
	s5 =	sadd.s32 $0x1, s30  }
0x438: {  	v13 =	vld.idx.msk [tilespmem:v18+s4+$0x0], $0xffff;
	[tilespmem:s1+$0x0] =	vst v15;
	s28 =	sor.u32 s28, s7;
	s5 =	sand.u32 $0x3, s5  }
0x439: {  	v15 =	vadd.s32 $0x33A, v6;
	[tilespmem:s28+$0x0] =	vst v11;
	v11 =	vld.idx.msk [tilespmem:v17+s4+$0x0], $0xffff;
	s29 =	sshll.u32 s5, $0x5  }
0x43a: {  	[tilespmem:s21+$0x280] =	vst v10;
	v10 =	vadd.s32 $0x9AE, v1;
	s1 =	sadd.s32 s29, s8  }
0x43b: {  	s30 =	sor.u32 s23, s6;
	v17 =	vadd.s32 $0xFAC, v0;
	v16 =	vld.idx.msk [tilespmem:v16+s4+$0x0], $0xffff;
	[tilespmem:s12+$0x0] =	vst v9;
	s31 =	sadd.s32 $0x10, s1  }
0x43c: {  	s15 =	sadd.s32 $0x5C80, s0;
	v9 =	vadd.s32 $0x33A, v5;
	[tilespmem:s30+$0x0] =	vst v12;
	v7 =	vld.idx.msk [tilespmem:v7+s4+$0x0], $0xffff;
	s12 =	sor.u32 $0x300, s31  }
0x43d: {  	s21 =	sor.u32 s25, s15;
	v12 =	vld.idx.msk [tilespmem:v14+s4+$0x0], $0xffff;
	[tilespmem:s12+$0x1A80] =	vst v13;
	v13 =	vadd.s32 $0x9AE, v2  }
0x43e: {  	[tilespmem:s21+$0x0] =	vst v11;
	v11 =	vadd.s32 $0x135C, v3;
	v14 =	vld.idx.msk [tilespmem:v15+s4+$0x0], $0xffff  }
0x43f: {  	[tilespmem:s14+$0x0] =	vst v8;
	s1 =	sor.u32 $0x300, s1;
	v8 =	vld.idx.msk [tilespmem:v10+s4+$0x0], $0xffff;
	v10 =	vadd.s32 $0x3B0, v6  }
0x440: {  	s22 =	sor.u32 s24, s15;
	s28 =	sadd.s32 $0x9B80, s16;
	v15 =	vld.idx.msk [tilespmem:v17+s4+$0x0], $0xffff;
	[tilespmem:s1+$0x1A80] =	vst v16;
	v16 =	vadd.s32 $0xA24, v1  }
0x441: {  	s29 =	sor.u32 s3, s28;
	[tilespmem:s22+$0x0] =	vst v7;
	v7 =	vld.idx.msk [tilespmem:v9+s4+$0x0], $0xffff  }
0x442: {  	s30 =	sor.u32 $0x380, s31;
	s31 =	sadd.s32 $0x5D00, s0;
	[tilespmem:s29+$0x0] =	vst v12;
	v12 =	vadd.s32 $0x3B0, v5;
	v9 =	vld.idx.msk [tilespmem:v13+s4+$0x0], $0xffff  }
0x443: {  	s8 =	sor.u32 s25, s31;
	v13 =	vadd.s32 $0xA24, v2;
	v11 =	vld.idx.msk [tilespmem:v11+s4+$0x0], $0xffff;
	[tilespmem:s30+$0x1A80] =	vst v14  }
0x444: {  	s1 =	sor.u32 s23, s28;
	[tilespmem:s8+$0x0] =	vst v8;
	v8 =	vadd.s32 $0x1022, v0;
	v10 =	vld.idx.msk [tilespmem:v10+s4+$0x0], $0xffff  }
0x445: {  	[tilespmem:s1+$0x0] =	vst v15;
	v15 =	vadd.s32 $0x426, v6;
	v14 =	vld.idx.msk [tilespmem:v16+s4+$0x0], $0xffff  }
0x446: {  	s12 =	sor.u32 s24, s31;
	[tilespmem:s20+$0x1A80] =	vst v7;
	v7 =	vadd.s32 $0xA9A, v1  }
0x447: {  	s14 =	sadd.s32 $0x3A80, s19;
	v17 =	vadd.s32 $0x1022, v4;
	v12 =	vld.idx.msk [tilespmem:v12+s4+$0x0], $0xffff;
	[tilespmem:s12+$0x0] =	vst v9  }
0x448: {  	s15 =	sor.u32 s18, s14;
	s20 =	sadd.s32 $0x5D80, s0;
	[tilespmem:s13+$0x0] =	vst v11;
	v9 =	vld.idx.msk [tilespmem:v13+s4+$0x0], $0xffff;
	v11 =	vadd.s32 $0x426, v5  }
0x449: {  	s22 =	sor.u32 s25, s20;
	v8 =	vld.idx.msk [tilespmem:v8+s4+$0x0], $0xffff;
	[tilespmem:s15+$0x0] =	vst v10;
	v10 =	vadd.s32 $0xA9A, v2  }
0x44a: {  	v13 =	vadd.s32 $0x13D2, v3;
	[tilespmem:s22+$0x0] =	vst v14;
	v14 =	vld.idx.msk [tilespmem:v15+s4+$0x0], $0xffff  }
0x44b: {  	s1 =	sor.u32 s17, s14;
	v15 =	vadd.s32 $0x49C, v6;
	v7 =	vld.idx.msk [tilespmem:v7+s4+$0x0], $0xffff  }
0x44c: {  	s21 =	sadd.s32 $0x9C00, s16;
	v16 =	vld.idx.msk [tilespmem:v17+s4+$0x0], $0xffff;
	s29 =	sor.u32 s24, s20;
	[tilespmem:s1+$0x0] =	vst v12;
	v12 =	vadd.s32 $0xB10, v1  }
0x44d: {  	s31 =	sadd.s32 $0x3B00, s19;
	s30 =	sor.u32 s23, s21;
	v17 =	vadd.s32 $0x1098, v4;
	v11 =	vld.idx.msk [tilespmem:v11+s4+$0x0], $0xffff;
	[tilespmem:s29+$0x0] =	vst v9  }
0x44e: {  	s6 =	sor.u32 s18, s31;
	s8 =	sadd.s32 $0x5E00, s0;
	v9 =	vadd.s32 $0x49C, v5;
	[tilespmem:s30+$0x0] =	vst v8;
	v8 =	vld.idx.msk [tilespmem:v10+s4+$0x0], $0xffff  }
0x44f: {  	s13 =	sor.u32 s25, s8;
	v10 =	vld.idx.msk [tilespmem:v13+s4+$0x0], $0xffff;
	v13 =	vadd.s32 $0xB10, v2;
	[tilespmem:s6+$0x0] =	vst v14  }
0x450: {  	s28 =	sor.u32 s3, s21;
	v14 =	vadd.s32 $0x1098, v0;
	[tilespmem:s13+$0x0] =	vst v7;
	v7 =	vld.idx.msk [tilespmem:v15+s4+$0x0], $0xffff  }
0x451: {  	s15 =	sor.u32 s17, s31;
	[tilespmem:s28+$0x0] =	vst v16;
	v15 =	vadd.s32 $0x512, v6;
	v12 =	vld.idx.msk [tilespmem:v12+s4+$0x0], $0xffff  }
0x452: {  	s20 =	sor.u32 s24, s8;
	v16 =	vld.idx.msk [tilespmem:v17+s4+$0x0], $0xffff;
	[tilespmem:s15+$0x0] =	vst v11;
	v11 =	vadd.s32 $0xB86, v1  }
0x453: {  	s21 =	sadd.s32 $0x3B80, s19;
	v17 =	vadd.s32 $0x110E, v4;
	v9 =	vld.idx.msk [tilespmem:v9+s4+$0x0], $0xffff;
	[tilespmem:s20+$0x0] =	vst v8  }
0x454: {  	s22 =	sor.u32 s18, s21;
	s28 =	sadd.s32 $0x7A80, s0;
	[tilespmem:s11+$0x0] =	vst v10;
	v10 =	vadd.s32 $0x512, v5;
	v8 =	vld.idx.msk [tilespmem:v13+s4+$0x0], $0xffff  }
0x455: {  	s12 =	sadd.s32 $0x9C80, s16;
	s29 =	sor.u32 s25, s28;
	v13 =	vld.idx.msk [tilespmem:v14+s4+$0x0], $0xffff;
	[tilespmem:s22+$0x0] =	vst v7;
	v7 =	vadd.s32 $0xB86, v2  }
0x456: {  	s14 =	sor.u32 s3, s12;
	v14 =	vadd.s32 $0x1448, v3;
	[tilespmem:s29+$0x0] =	vst v12;
	v12 =	vld.idx.msk [tilespmem:v15+s4+$0x0], $0xffff  }
0x457: {  	s1 =	sor.u32 s17, s21;
	[tilespmem:s14+$0x0] =	vst v16;
	v15 =	vadd.s32 $0x588, v6;
	v11 =	vld.idx.msk [tilespmem:v11+s4+$0x0], $0xffff  }
0x458: {  	s31 =	sor.u32 s24, s28;
	v16 =	vld.idx.msk [tilespmem:v17+s4+$0x0], $0xffff;
	[tilespmem:s1+$0x0] =	vst v9;
	v9 =	vadd.s32 $0xBFC, v1  }
0x459: {  	s8 =	sor.u32 s23, s12;
	v17 =	vadd.s32 $0x1184, v4;
	s11 =	sadd.s32 $0x3C00, s19;
	v10 =	vld.idx.msk [tilespmem:v10+s4+$0x0], $0xffff;
	[tilespmem:s31+$0x0] =	vst v8  }
0x45a: {  	s13 =	sadd.s32 $0x7B00, s0;
	s12 =	sor.u32 s18, s11;
	[tilespmem:s8+$0x0] =	vst v13;
	v8 =	vadd.s32 $0x588, v5;
	v7 =	vld.idx.msk [tilespmem:v7+s4+$0x0], $0xffff  }
0x45b: {  	s6 =	sadd.s32 $0x9D00, s16;
	s14 =	sor.u32 s25, s13;
	v13 =	vld.idx.msk [tilespmem:v14+s4+$0x0], $0xffff;
	[tilespmem:s12+$0x0] =	vst v12;
	v12 =	vadd.s32 $0xBFC, v2  }
0x45c: {  	s30 =	sor.u32 s3, s6;
	v14 =	vadd.s32 $0x110E, v0;
	[tilespmem:s14+$0x0] =	vst v11;
	v11 =	vld.idx.msk [tilespmem:v15+s4+$0x0], $0xffff  }
0x45d: {  	s5 =	sor.u32 s17, s11;
	[tilespmem:s30+$0x0] =	vst v16;
	v15 =	vadd.s32 $0x5FE, v6;
	v9 =	vld.idx.msk [tilespmem:v9+s4+$0x0], $0xffff  }
0x45e: {  	s20 =	sor.u32 s24, s13;
	v16 =	vld.idx.msk [tilespmem:v17+s4+$0x0], $0xffff;
	[tilespmem:s5+$0x0] =	vst v10;
	v10 =	vadd.s32 $0xC72, v1  }
0x45f: {  	s21 =	sadd.s32 $0x3C80, s19;
	v17 =	vadd.s32 $0x11FA, v4;
	v8 =	vld.idx.msk [tilespmem:v8+s4+$0x0], $0xffff;
	[tilespmem:s20+$0x0] =	vst v7  }
0x460: {  	s28 =	sadd.s32 $0x7B80, s0;
	s22 =	sor.u32 s18, s21;
	[tilespmem:s10+$0x0] =	vst v13;
	v7 =	vld.idx.msk [tilespmem:v12+s4+$0x0], $0xffff;
	v12 =	vadd.s32 $0x5FE, v5  }
0x461: {  	s29 =	sor.u32 s25, s28;
	s1 =	sadd.s32 $0x9D80, s16;
	v13 =	vld.idx.msk [tilespmem:v14+s4+$0x0], $0xffff;
	[tilespmem:s22+$0x0] =	vst v11;
	v11 =	vadd.s32 $0xC72, v2  }
0x462: {  	s15 =	sor.u32 s3, s1;
	v14 =	vadd.s32 $0x14BE, v3;
	[tilespmem:s29+$0x0] =	vst v9;
	v9 =	vld.idx.msk [tilespmem:v15+s4+$0x0], $0xffff  }
0x463: {  	s8 =	sor.u32 s17, s21;
	[tilespmem:s15+$0x0] =	vst v16;
	v15 =	vadd.s32 $0x674, v6;
	v10 =	vld.idx.msk [tilespmem:v10+s4+$0x0], $0xffff  }
0x464: {  	s31 =	sor.u32 s24, s28;
	v16 =	vld.idx.msk [tilespmem:v17+s4+$0x0], $0xffff;
	[tilespmem:s8+$0x0] =	vst v8;
	v8 =	vadd.s32 $0xCE8, v1  }
0x465: {  	s6 =	sor.u32 s23, s6;
	s11 =	sadd.s32 $0x3D00, s19;
	v17 =	vadd.s32 $0x1270, v4;
	v12 =	vld.idx.msk [tilespmem:v12+s4+$0x0], $0xffff;
	[tilespmem:s31+$0x0] =	vst v7  }
0x466: {  	s13 =	sadd.s32 $0x7C00, s0;
	s12 =	sor.u32 s18, s11;
	[tilespmem:s6+$0x0] =	vst v13;
	v7 =	vld.idx.msk [tilespmem:v11+s4+$0x0], $0xffff;
	v11 =	vadd.s32 $0x674, v5  }
0x467: {  	s14 =	sor.u32 s25, s13;
	s5 =	sadd.s32 $0x9E00, s16;
	v13 =	vld.idx.msk [tilespmem:v14+s4+$0x0], $0xffff;
	[tilespmem:s12+$0x0] =	vst v9;
	v9 =	vadd.s32 $0xCE8, v2  }
0x468: {  	s30 =	sor.u32 s3, s5;
	v14 =	vadd.s32 $0x1184, v0;
	[tilespmem:s14+$0x0] =	vst v10;
	v10 =	vld.idx.msk [tilespmem:v15+s4+$0x0], $0xffff  }
0x469: {  	s20 =	sor.u32 s17, s11;
	[tilespmem:s30+$0x0] =	vst v16;
	v15 =	vadd.s32 $0x6EA, v6;
	v8 =	vld.idx.msk [tilespmem:v8+s4+$0x0], $0xffff  }
0x46a: {  	s21 =	sor.u32 s24, s13;
	v16 =	vld.idx.msk [tilespmem:v17+s4+$0x0], $0xffff;
	[tilespmem:s20+$0x0] =	vst v12;
	v12 =	vadd.s32 $0xD5E, v1  }
0x46b: {  	s22 =	sadd.s32 $0x3D80, s19;
	v17 =	vadd.s32 $0x12E6, v4;
	v11 =	vld.idx.msk [tilespmem:v11+s4+$0x0], $0xffff;
	[tilespmem:s21+$0x0] =	vst v7  }
0x46c: {  	s28 =	sor.u32 s18, s22;
	s29 =	sadd.s32 $0x7C80, s0;
	[tilespmem:s2+$0x0] =	vst v13;
	v7 =	vld.idx.msk [tilespmem:v9+s4+$0x0], $0xffff;
	v9 =	vadd.s32 $0x6EA, v5  }
0x46d: {  	s30 =	sor.u32 s25, s29;
	s8 =	sadd.s32 $0xBA80, s16;
	v13 =	vld.idx.msk [tilespmem:v14+s4+$0x0], $0xffff;
	[tilespmem:s28+$0x0] =	vst v10;
	v10 =	vadd.s32 $0xD5E, v2  }
0x46e: {  	s15 =	sor.u32 s3, s8;
	v14 =	vadd.s32 $0x1534, v3;
	[tilespmem:s30+$0x0] =	vst v8;
	v8 =	vld.idx.msk [tilespmem:v15+s4+$0x0], $0xffff  }
0x46f: {  	s10 =	sor.u32 s17, s22;
	[tilespmem:s15+$0x0] =	vst v16;
	v15 =	vadd.s32 $0x760, v6;
	v12 =	vld.idx.msk [tilespmem:v12+s4+$0x0], $0xffff  }
0x470: {  	s12 =	sor.u32 s24, s29;
	v16 =	vld.idx.msk [tilespmem:v17+s4+$0x0], $0xffff;
	[tilespmem:s10+$0x0] =	vst v11;
	v11 =	vadd.s32 $0xDD4, v1  }
0x471: {  	s1 =	sor.u32 s23, s1;
	s13 =	sadd.s32 $0x3E00, s19;
	v17 =	vadd.s32 $0x135C, v4;
	v9 =	vld.idx.msk [tilespmem:v9+s4+$0x0], $0xffff;
	[tilespmem:s12+$0x0] =	vst v7  }
0x472: {  	s14 =	sor.u32 s18, s13;
	s15 =	sadd.s32 $0x7D00, s0;
	[tilespmem:s1+$0x0] =	vst v13;
	v7 =	vld.idx.msk [tilespmem:v10+s4+$0x0], $0xffff;
	v10 =	vadd.s32 $0x760, v5  }
0x473: {  	s6 =	sadd.s32 $0xBB00, s16;
	s20 =	sor.u32 s25, s15;
	v13 =	vld.idx.msk [tilespmem:v14+s4+$0x0], $0xffff;
	[tilespmem:s14+$0x0] =	vst v8;
	v8 =	vadd.s32 $0xDD4, v2  }
0x474: {  	s31 =	sor.u32 s3, s6;
	v14 =	vadd.s32 $0x11FA, v0;
	[tilespmem:s20+$0x0] =	vst v12;
	v12 =	vld.idx.msk [tilespmem:v15+s4+$0x0], $0xffff  }
0x475: {  	s2 =	sor.u32 s17, s13;
	[tilespmem:s31+$0x0] =	vst v16;
	v15 =	vadd.s32 $0x7D6, v6;
	v11 =	vld.idx.msk [tilespmem:v11+s4+$0x0], $0xffff  }
0x476: {  	s22 =	sor.u32 s24, s15;
	v16 =	vld.idx.msk [tilespmem:v17+s4+$0x0], $0xffff;
	[tilespmem:s2+$0x0] =	vst v9;
	v9 =	vadd.s32 $0xE4A, v1  }
0x477: {  	v3 =	vadd.s32 $0x15AA, v3;
	s28 =	sadd.s32 $0x5A80, s19;
	v10 =	vld.idx.msk [tilespmem:v10+s4+$0x0], $0xffff;
	[tilespmem:s22+$0x0] =	vst v7  }
0x478: {  	s29 =	sor.u32 s18, s28;
	s30 =	sadd.s32 $0x7D80, s0;
	[tilespmem:s9+$0x0] =	vst v13;
	v7 =	vld.idx.msk [tilespmem:v8+s4+$0x0], $0xffff;
	v8 =	vadd.s32 $0x7D6, v5  }
0x479: {  	s1 =	sadd.s32 $0xBB80, s16;
	s31 =	sor.u32 s25, s30;
	v13 =	vld.idx.msk [tilespmem:v14+s4+$0x0], $0xffff;
	[tilespmem:s29+$0x0] =	vst v12;
	v12 =	vadd.s32 $0xE4A, v2  }
0x47a: {  	s21 =	sor.u32 s3, s1;
	v17 =	vadd.s32 $0x13D2, v4;
	[tilespmem:s31+$0x0] =	vst v11;
	v11 =	vld.idx.msk [tilespmem:v15+s4+$0x0], $0xffff  }
0x47b: {  	s13 =	sor.u32 s17, s28;
	v14 =	vadd.s32 $0x84C, v6;
	[tilespmem:s21+$0x0] =	vst v16;
	v9 =	vld.idx.msk [tilespmem:v9+s4+$0x0], $0xffff  }
0x47c: {  	s10 =	sor.u32 s24, s30;
	v3 =	vld.idx.msk [tilespmem:v3+s4+$0x0], $0xffff;
	[tilespmem:s13+$0x0] =	vst v10;
	v10 =	vadd.s32 $0xEC0, v1  }
0x47d: {  	s5 =	sor.u32 s23, s5;
	s14 =	sadd.s32 $0x5B00, s19;
	v8 =	vld.idx.msk [tilespmem:v8+s4+$0x0], $0xffff;
	[tilespmem:s10+$0x0] =	vst v7  }
0x47e: {  	s15 =	sor.u32 s18, s14;
	s20 =	sadd.s32 $0x7E00, s0;
	[tilespmem:s5+$0x0] =	vst v13;
	v7 =	vld.idx.msk [tilespmem:v12+s4+$0x0], $0xffff;
	v12 =	vadd.s32 $0x84C, v5  }
0x47f: {  	v16 =	vld.idx.msk [tilespmem:v17+s4+$0x0], $0xffff;
	s21 =	sor.u32 s25, s20;
	[tilespmem:s15+$0x0] =	vst v11;
	v11 =	vadd.s32 $0xEC0, v2  }
0x480: {  	s7 =	sor.u32 s26, s7;
	[tilespmem:s21+$0x0] =	vst v9;
	v9 =	vld.idx.msk [tilespmem:v14+s4+$0x0], $0xffff  }
0x481: {  	s9 =	sor.u32 s17, s14;
	[tilespmem:s7+$0x0] =	vst v3;
	v14 =	vadd.s32 $0x8C2, v6;
	v10 =	vld.idx.msk [tilespmem:v10+s4+$0x0], $0xffff  }
0x482: {  	v17 =	vadd.s32 $0x1448, v4;
	s28 =	sor.u32 s24, s20;
	s2 =	sadd.s32 $0xBC00, s16;
	[tilespmem:s9+$0x0] =	vst v8  }
0x483: {  	s12 =	sor.u32 s3, s2;
	s29 =	sadd.s32 $0x5B80, s19;
	v8 =	vadd.s32 $0xF36, v1;
	v12 =	vld.idx.msk [tilespmem:v12+s4+$0x0], $0xffff;
	[tilespmem:s28+$0x0] =	vst v7  }
0x484: {  	[tilespmem:s12+$0x0] =	vst v16;
	s30 =	sor.u32 s18, s29;
	s31 =	sadd.s32 $0x9A80, s0;
	v7 =	vadd.s32 $0x8C2, v5;
	v3 =	vld.idx.msk [tilespmem:v11+s4+$0x0], $0xffff  }
0x485: {  	s12 =	sor.u32 s25, s31;
	[tilespmem:s30+$0x0] =	vst v9;
	v9 =	vadd.s32 $0xF36, v2  }
0x486: {  	v13 =	vadd.s32 $0x1270, v0;
	[tilespmem:s12+$0x0] =	vst v10;
	v10 =	vld.idx.msk [tilespmem:v14+s4+$0x0], $0xffff  }
0x487: {  	v15 =	vld.idx.msk [tilespmem:v17+s4+$0x0], $0xffff;
	s9 =	sor.u32 s17, s29  }
0x488: {  	s14 =	sor.u32 s24, s31;
	v8 =	vld.idx.msk [tilespmem:v8+s4+$0x0], $0xffff;
	[tilespmem:s9+$0x0] =	vst v12  }
0x489: {  	s15 =	sadd.s32 $0x5C00, s19;
	v14 =	vadd.s32 $0x938, v6;
	v7 =	vld.idx.msk [tilespmem:v7+s4+$0x0], $0xffff;
	[tilespmem:s14+$0x0] =	vst v3  }
0x48a: {  	s5 =	sadd.s32 $0xBC80, s16;
	s20 =	sor.u32 s18, s15;
	v3 =	vld.idx.msk [tilespmem:v9+s4+$0x0], $0xffff;
	v9 =	vadd.s32 $0x938, v5  }
0x48b: {  	s22 =	sor.u32 s3, s5;
	s21 =	sadd.s32 $0x9B00, s0;
	v11 =	vld.idx.msk [tilespmem:v13+s4+$0x0], $0xffff;
	[tilespmem:s20+$0x0] =	vst v10;
	v10 =	vadd.s32 $0xFAC, v2  }
0x48c: {  	[tilespmem:s22+$0x0] =	vst v15;
	s22 =	sor.u32 s25, s21;
	v13 =	vadd.s32 $0x12E6, v0  }
0x48d: {  	v16 =	vadd.s32 $0x14BE, v4;
	s9 =	sor.u32 s17, s15;
	[tilespmem:s22+$0x0] =	vst v8  }
0x48e: {  	s28 =	sor.u32 s24, s21;
	v8 =	vld.idx.msk [tilespmem:v14+s4+$0x0], $0xffff;
	[tilespmem:s9+$0x0] =	vst v7  }
0x48f: {  	s8 =	sor.u32 s23, s8;
	v14 =	vadd.s32 $0x9AE, v6;
	v9 =	vld.idx.msk [tilespmem:v9+s4+$0x0], $0xffff;
	[tilespmem:s28+$0x0] =	vst v3  }
0x490: {  	[tilespmem:s8+$0x0] =	vst v11;
	v7 =	vld.idx.msk [tilespmem:v10+s4+$0x0], $0xffff;
	v10 =	vadd.s32 $0x9AE, v5  }
0x491: {  	s29 =	sadd.s32 $0x5C80, s19;
	v11 =	vld.idx.msk [tilespmem:v13+s4+$0x0], $0xffff  }
0x492: {  	v15 =	vld.idx.msk [tilespmem:v16+s4+$0x0], $0xffff;
	s30 =	sor.u32 s18, s29  }
0x493: {  	s12 =	sor.u32 s17, s29;
	[tilespmem:s30+$0x0] =	vst v8  }
0x494: {  	v8 =	vld.idx.msk [tilespmem:v14+s4+$0x0], $0xffff;
	[tilespmem:s12+$0x0] =	vst v9  }
0x495: {  	s6 =	sor.u32 s23, s6;
	s7 =	sadd.s32 $0xBD00, s16;
	v9 =	vadd.s32 $0xA24, v6;
	v10 =	vld.idx.msk [tilespmem:v10+s4+$0x0], $0xffff  }
0x496: {  	s13 =	sor.u32 s3, s7;
	[tilespmem:s6+$0x0] =	vst v11;
	v11 =	vadd.s32 $0xA24, v5  }
0x497: {  	[tilespmem:s13+$0x0] =	vst v15;
	s13 =	sadd.s32 $0x5D00, s19  }
0x498: {  	s8 =	sadd.s32 $0xBD80, s16;
	s14 =	sor.u32 s18, s13;
	s9 =	sadd.s32 $0xBE00, s16  }
0x499: {  	s26 =	sor.u32 s3, s8;
	s11 =	sor.u32 s3, s9;
	s3 =	sor.u32 s17, s13;
	[tilespmem:s14+$0x0] =	vst v8  }
0x49a: {  	v8 =	vld.idx.msk [tilespmem:v9+s4+$0x0], $0xffff;
	[tilespmem:s3+$0x0] =	vst v10  }
0x49b: {  	v9 =	vadd.s32 $0xA9A, v6;
	v10 =	vld.idx.msk [tilespmem:v11+s4+$0x0], $0xffff  }
0x49c: {  	v11 =	vadd.s32 $0xA9A, v5  }
0x49d: {  	s15 =	sadd.s32 $0x5D80, s19  }
0x49e: {  	s16 =	sor.u32 s18, s15  }
0x49f: {  	s3 =	sor.u32 s17, s15;
	[tilespmem:s16+$0x0] =	vst v8  }
0x4a0: {  	v16 =	vadd.s32 $0x1534, v4;
	v8 =	vld.idx.msk [tilespmem:v9+s4+$0x0], $0xffff;
	[tilespmem:s3+$0x0] =	vst v10  }
0x4a1: {  	v9 =	vadd.s32 $0xB10, v6;
	v10 =	vld.idx.msk [tilespmem:v11+s4+$0x0], $0xffff  }
0x4a2: {  	v11 =	vadd.s32 $0xB10, v5  }
0x4a3: {  	s20 =	sadd.s32 $0x5E00, s19  }
0x4a4: {  	s21 =	sor.u32 s18, s20  }
0x4a5: {  	v15 =	vld.idx.msk [tilespmem:v16+s4+$0x0], $0xffff;
	v12 =	vadd.s32 $0xFAC, v1;
	s3 =	sor.u32 s17, s20;
	[tilespmem:s21+$0x0] =	vst v8  }
0x4a6: {  	v4 =	vadd.s32 $0x15AA, v4;
	v8 =	vld.idx.msk [tilespmem:v9+s4+$0x0], $0xffff;
	[tilespmem:s3+$0x0] =	vst v10  }
0x4a7: {  	v9 =	vadd.s32 $0xB86, v6;
	v10 =	vld.idx.msk [tilespmem:v11+s4+$0x0], $0xffff  }
0x4a8: {  	v11 =	vadd.s32 $0xB86, v5  }
0x4a9: {  	s22 =	sadd.s32 $0x7A80, s19  }
0x4aa: {  	[tilespmem:s26+$0x0] =	vst v15;
	v12 =	vld.idx.msk [tilespmem:v12+s4+$0x0], $0xffff;
	s26 =	sor.u32 s18, s22  }
0x4ab: {  	v13 =	vadd.s32 $0x135C, v0;
	v4 =	vld.idx.msk [tilespmem:v4+s4+$0x0], $0xffff;
	s3 =	sor.u32 s17, s22;
	[tilespmem:s26+$0x0] =	vst v8  }
0x4ac: {  	v15 =	vadd.s32 $0x1022, v1;
	v8 =	vld.idx.msk [tilespmem:v9+s4+$0x0], $0xffff;
	[tilespmem:s3+$0x0] =	vst v10  }
0x4ad: {  	s6 =	sadd.s32 $0x9B80, s0;
	v9 =	vadd.s32 $0xBFC, v6;
	v10 =	vld.idx.msk [tilespmem:v11+s4+$0x0], $0xffff  }
0x4ae: {  	s31 =	sor.u32 s25, s6;
	v11 =	vadd.s32 $0xBFC, v5  }
0x4af: {  	s28 =	sadd.s32 $0x7B00, s19;
	[tilespmem:s31+$0x0] =	vst v12  }
0x4b0: {  	v3 =	vld.idx.msk [tilespmem:v13+s4+$0x0], $0xffff;
	s29 =	sor.u32 s18, s28;
	[tilespmem:s11+$0x0] =	vst v4  }
0x4b1: {  	v4 =	vld.idx.msk [tilespmem:v15+s4+$0x0], $0xffff;
	s3 =	sor.u32 s17, s28;
	[tilespmem:s29+$0x0] =	vst v8  }
0x4b2: {  	v8 =	vld.idx.msk [tilespmem:v9+s4+$0x0], $0xffff;
	[tilespmem:s3+$0x0] =	vst v10  }
0x4b3: {  	v9 =	vadd.s32 $0xC72, v6;
	v10 =	vld.idx.msk [tilespmem:v11+s4+$0x0], $0xffff  }
0x4b4: {  	v11 =	vadd.s32 $0xC72, v5  }
0x4b5: {  	s30 =	sadd.s32 $0x7B80, s19  }
0x4b6: {  	s31 =	sor.u32 s18, s30  }
0x4b7: {  	s3 =	sor.u32 s17, s30;
	[tilespmem:s31+$0x0] =	vst v8  }
0x4b8: {  	v8 =	vld.idx.msk [tilespmem:v9+s4+$0x0], $0xffff;
	[tilespmem:s3+$0x0] =	vst v10  }
0x4b9: {  	v9 =	vadd.s32 $0xCE8, v6;
	v10 =	vld.idx.msk [tilespmem:v11+s4+$0x0], $0xffff  }
0x4ba: {  	v11 =	vadd.s32 $0xCE8, v5  }
0x4bb: {  	s11 =	sadd.s32 $0x7C00, s19  }
0x4bc: {  	s12 =	sor.u32 s18, s11  }
0x4bd: {  	s3 =	sor.u32 s17, s11;
	[tilespmem:s12+$0x0] =	vst v8  }
0x4be: {  	v8 =	vld.idx.msk [tilespmem:v9+s4+$0x0], $0xffff;
	[tilespmem:s3+$0x0] =	vst v10  }
0x4bf: {  	v9 =	vadd.s32 $0xD5E, v6;
	v10 =	vld.idx.msk [tilespmem:v11+s4+$0x0], $0xffff  }
0x4c0: {  	v11 =	vadd.s32 $0xD5E, v5  }
0x4c1: {  	s13 =	sadd.s32 $0x7C80, s19  }
0x4c2: {  	s14 =	sor.u32 s18, s13  }
0x4c3: {  	s3 =	sor.u32 s17, s13;
	[tilespmem:s14+$0x0] =	vst v8  }
0x4c4: {  	v8 =	vld.idx.msk [tilespmem:v9+s4+$0x0], $0xffff;
	[tilespmem:s3+$0x0] =	vst v10  }
0x4c5: {  	v9 =	vadd.s32 $0xDD4, v6;
	v10 =	vld.idx.msk [tilespmem:v11+s4+$0x0], $0xffff  }
0x4c6: {  	v11 =	vadd.s32 $0xDD4, v5  }
0x4c7: {  	s15 =	sadd.s32 $0x7D00, s19  }
0x4c8: {  	s16 =	sor.u32 s18, s15  }
0x4c9: {  	s3 =	sor.u32 s17, s15;
	[tilespmem:s16+$0x0] =	vst v8  }
0x4ca: {  	v8 =	vld.idx.msk [tilespmem:v9+s4+$0x0], $0xffff;
	[tilespmem:s3+$0x0] =	vst v10  }
0x4cb: {  	v9 =	vadd.s32 $0xE4A, v6;
	v10 =	vld.idx.msk [tilespmem:v11+s4+$0x0], $0xffff  }
0x4cc: {  	v11 =	vadd.s32 $0xE4A, v5  }
0x4cd: {  	s20 =	sadd.s32 $0x7D80, s19  }
0x4ce: {  	s21 =	sor.u32 s18, s20  }
0x4cf: {  	s3 =	sor.u32 s17, s20;
	[tilespmem:s21+$0x0] =	vst v8  }
0x4d0: {  	v8 =	vld.idx.msk [tilespmem:v9+s4+$0x0], $0xffff;
	[tilespmem:s3+$0x0] =	vst v10  }
0x4d1: {  	v9 =	vadd.s32 $0xEC0, v6;
	v10 =	vld.idx.msk [tilespmem:v11+s4+$0x0], $0xffff  }
0x4d2: {  	v11 =	vadd.s32 $0xEC0, v5  }
0x4d3: {  	s22 =	sadd.s32 $0x7E00, s19  }
0x4d4: {  	s26 =	sor.u32 s18, s22  }
0x4d5: {  	s3 =	sor.u32 s17, s22;
	[tilespmem:s26+$0x0] =	vst v8  }
0x4d6: {  	v8 =	vld.idx.msk [tilespmem:v9+s4+$0x0], $0xffff;
	[tilespmem:s3+$0x0] =	vst v10  }
0x4d7: {  	v9 =	vadd.s32 $0xF36, v6;
	v10 =	vld.idx.msk [tilespmem:v11+s4+$0x0], $0xffff  }
0x4d8: {  	v11 =	vadd.s32 $0xF36, v5  }
0x4d9: {  	s28 =	sadd.s32 $0x9A80, s19  }
0x4da: {  	s29 =	sor.u32 s18, s28  }
0x4db: {  	s3 =	sor.u32 s17, s28;
	[tilespmem:s29+$0x0] =	vst v8  }
0x4dc: {  	v8 =	vld.idx.msk [tilespmem:v9+s4+$0x0], $0xffff;
	[tilespmem:s3+$0x0] =	vst v10  }
0x4dd: {  	v9 =	vadd.s32 $0xFAC, v6;
	v10 =	vld.idx.msk [tilespmem:v11+s4+$0x0], $0xffff  }
0x4de: {  	v11 =	vadd.s32 $0xFAC, v5  }
0x4df: {  	s30 =	sadd.s32 $0x9B00, s19  }
0x4e0: {  	s31 =	sor.u32 s18, s30  }
0x4e1: {  	s3 =	sor.u32 s17, s30;
	[tilespmem:s31+$0x0] =	vst v8  }
0x4e2: {  	v8 =	vadd.s32 $0x1022, v2;
	v9 =	vld.idx.msk [tilespmem:v9+s4+$0x0], $0xffff;
	[tilespmem:s3+$0x0] =	vst v10  }
0x4e3: {  	v10 =	vadd.s32 $0x1022, v6;
	v11 =	vld.idx.msk [tilespmem:v11+s4+$0x0], $0xffff  }
0x4e4: {  	v12 =	vadd.s32 $0x1022, v5  }
0x4e5: {  	s10 =	sor.u32 s24, s6;
	s11 =	sadd.s32 $0x9B80, s19  }
0x4e6: {  	[tilespmem:s10+$0x0] =	vst v7;
	s12 =	sor.u32 s18, s11  }
0x4e7: {  	v7 =	vadd.s32 $0x1098, v1;
	s6 =	sor.u32 s17, s11;
	v8 =	vld.idx.msk [tilespmem:v8+s4+$0x0], $0xffff;
	[tilespmem:s12+$0x0] =	vst v9  }
0x4e8: {  	v9 =	vadd.s32 $0x1098, v2;
	v10 =	vld.idx.msk [tilespmem:v10+s4+$0x0], $0xffff;
	[tilespmem:s6+$0x0] =	vst v11  }
0x4e9: {  	s13 =	sadd.s32 $0x9C00, s0;
	v11 =	vadd.s32 $0x1098, v6;
	v12 =	vld.idx.msk [tilespmem:v12+s4+$0x0], $0xffff  }
0x4ea: {  	v13 =	vadd.s32 $0x1098, v5;
	s14 =	sor.u32 s25, s13  }
0x4eb: {  	[tilespmem:s14+$0x0] =	vst v4;
	s15 =	sadd.s32 $0x9C00, s19;
	s3 =	sor.u32 s24, s13  }
0x4ec: {  	v4 =	vld.idx.msk [tilespmem:v7+s4+$0x0], $0xffff;
	s16 =	sor.u32 s18, s15;
	[tilespmem:s3+$0x0] =	vst v8  }
0x4ed: {  	v7 =	vadd.s32 $0x110E, v1;
	s6 =	sor.u32 s17, s15;
	v8 =	vld.idx.msk [tilespmem:v9+s4+$0x0], $0xffff;
	[tilespmem:s16+$0x0] =	vst v10  }
0x4ee: {  	v9 =	vadd.s32 $0x110E, v2;
	v10 =	vld.idx.msk [tilespmem:v11+s4+$0x0], $0xffff;
	[tilespmem:s6+$0x0] =	vst v12  }
0x4ef: {  	s20 =	sadd.s32 $0x9C80, s0;
	v11 =	vadd.s32 $0x110E, v6;
	v12 =	vld.idx.msk [tilespmem:v13+s4+$0x0], $0xffff  }
0x4f0: {  	s21 =	sor.u32 s25, s20;
	v13 =	vadd.s32 $0x110E, v5  }
0x4f1: {  	[tilespmem:s21+$0x0] =	vst v4;
	s22 =	sadd.s32 $0x9C80, s19;
	s3 =	sor.u32 s24, s20  }
0x4f2: {  	v4 =	vld.idx.msk [tilespmem:v7+s4+$0x0], $0xffff;
	s26 =	sor.u32 s18, s22;
	[tilespmem:s3+$0x0] =	vst v8  }
0x4f3: {  	v7 =	vadd.s32 $0x1184, v1;
	s6 =	sor.u32 s17, s22;
	v8 =	vld.idx.msk [tilespmem:v9+s4+$0x0], $0xffff;
	[tilespmem:s26+$0x0] =	vst v10  }
0x4f4: {  	v9 =	vadd.s32 $0x1184, v2;
	v10 =	vld.idx.msk [tilespmem:v11+s4+$0x0], $0xffff;
	[tilespmem:s6+$0x0] =	vst v12  }
0x4f5: {  	s28 =	sadd.s32 $0x9D00, s0;
	v11 =	vadd.s32 $0x1184, v6;
	v12 =	vld.idx.msk [tilespmem:v13+s4+$0x0], $0xffff  }
0x4f6: {  	s29 =	sor.u32 s25, s28;
	v13 =	vadd.s32 $0x1184, v5  }
0x4f7: {  	[tilespmem:s29+$0x0] =	vst v4;
	s30 =	sadd.s32 $0x9D00, s19;
	s3 =	sor.u32 s24, s28  }
0x4f8: {  	v4 =	vld.idx.msk [tilespmem:v7+s4+$0x0], $0xffff;
	s31 =	sor.u32 s18, s30;
	[tilespmem:s3+$0x0] =	vst v8  }
0x4f9: {  	v7 =	vadd.s32 $0x11FA, v1;
	s6 =	sor.u32 s17, s30;
	v8 =	vld.idx.msk [tilespmem:v9+s4+$0x0], $0xffff;
	[tilespmem:s31+$0x0] =	vst v10  }
0x4fa: {  	v9 =	vadd.s32 $0x11FA, v2;
	v10 =	vld.idx.msk [tilespmem:v11+s4+$0x0], $0xffff;
	[tilespmem:s6+$0x0] =	vst v12  }
0x4fb: {  	s10 =	sadd.s32 $0x9D80, s0;
	v11 =	vadd.s32 $0x11FA, v6;
	v12 =	vld.idx.msk [tilespmem:v13+s4+$0x0], $0xffff  }
0x4fc: {  	s11 =	sor.u32 s25, s10;
	v13 =	vadd.s32 $0x11FA, v5  }
0x4fd: {  	[tilespmem:s11+$0x0] =	vst v4;
	s12 =	sadd.s32 $0x9D80, s19;
	s3 =	sor.u32 s24, s10  }
0x4fe: {  	v4 =	vld.idx.msk [tilespmem:v7+s4+$0x0], $0xffff;
	s13 =	sor.u32 s18, s12;
	[tilespmem:s3+$0x0] =	vst v8  }
0x4ff: {  	v7 =	vadd.s32 $0x1270, v1;
	s6 =	sor.u32 s17, s12;
	v8 =	vld.idx.msk [tilespmem:v9+s4+$0x0], $0xffff;
	[tilespmem:s13+$0x0] =	vst v10  }
0x500: {  	v9 =	vadd.s32 $0x1270, v2;
	v10 =	vld.idx.msk [tilespmem:v11+s4+$0x0], $0xffff;
	[tilespmem:s6+$0x0] =	vst v12  }
0x501: {  	s14 =	sadd.s32 $0x9E00, s0;
	v11 =	vadd.s32 $0x1270, v6;
	v12 =	vld.idx.msk [tilespmem:v13+s4+$0x0], $0xffff  }
0x502: {  	s15 =	sor.u32 s25, s14;
	v13 =	vadd.s32 $0x1270, v5  }
0x503: {  	[tilespmem:s15+$0x0] =	vst v4;
	s16 =	sadd.s32 $0x9E00, s19;
	s3 =	sor.u32 s24, s14  }
0x504: {  	v4 =	vld.idx.msk [tilespmem:v7+s4+$0x0], $0xffff;
	s20 =	sor.u32 s18, s16;
	[tilespmem:s3+$0x0] =	vst v8  }
0x505: {  	v7 =	vadd.s32 $0x12E6, v1;
	s6 =	sor.u32 s17, s16;
	v8 =	vld.idx.msk [tilespmem:v9+s4+$0x0], $0xffff;
	[tilespmem:s20+$0x0] =	vst v10  }
0x506: {  	v9 =	vadd.s32 $0x12E6, v2;
	v10 =	vld.idx.msk [tilespmem:v11+s4+$0x0], $0xffff;
	[tilespmem:s6+$0x0] =	vst v12  }
0x507: {  	s21 =	sadd.s32 $0xBA80, s0;
	v11 =	vadd.s32 $0x12E6, v6;
	v12 =	vld.idx.msk [tilespmem:v13+s4+$0x0], $0xffff  }
0x508: {  	s22 =	sor.u32 s25, s21;
	v13 =	vadd.s32 $0x12E6, v5  }
0x509: {  	[tilespmem:s22+$0x0] =	vst v4;
	s26 =	sadd.s32 $0xBA80, s19;
	s3 =	sor.u32 s24, s21  }
0x50a: {  	v4 =	vld.idx.msk [tilespmem:v7+s4+$0x0], $0xffff;
	s28 =	sor.u32 s18, s26;
	[tilespmem:s3+$0x0] =	vst v8  }
0x50b: {  	v7 =	vadd.s32 $0x135C, v1;
	s6 =	sor.u32 s17, s26;
	v8 =	vld.idx.msk [tilespmem:v9+s4+$0x0], $0xffff;
	[tilespmem:s28+$0x0] =	vst v10  }
0x50c: {  	v9 =	vadd.s32 $0x135C, v2;
	v10 =	vld.idx.msk [tilespmem:v11+s4+$0x0], $0xffff;
	[tilespmem:s6+$0x0] =	vst v12  }
0x50d: {  	s29 =	sadd.s32 $0xBB00, s0;
	v11 =	vadd.s32 $0x135C, v6;
	v12 =	vld.idx.msk [tilespmem:v13+s4+$0x0], $0xffff  }
0x50e: {  	s30 =	sor.u32 s25, s29;
	v13 =	vadd.s32 $0x135C, v5  }
0x50f: {  	[tilespmem:s30+$0x0] =	vst v4;
	s31 =	sadd.s32 $0xBB00, s19;
	s3 =	sor.u32 s24, s29  }
0x510: {  	v4 =	vadd.s32 $0x13D2, v0;
	v7 =	vld.idx.msk [tilespmem:v7+s4+$0x0], $0xffff;
	s10 =	sor.u32 s18, s31;
	[tilespmem:s3+$0x0] =	vst v8  }
0x511: {  	s11 =	sor.u32 s17, s31;
	v8 =	vadd.s32 $0x13D2, v1;
	v9 =	vld.idx.msk [tilespmem:v9+s4+$0x0], $0xffff;
	[tilespmem:s10+$0x0] =	vst v10  }
0x512: {  	v10 =	vadd.s32 $0x13D2, v2;
	v11 =	vld.idx.msk [tilespmem:v11+s4+$0x0], $0xffff;
	[tilespmem:s11+$0x0] =	vst v12  }
0x513: {  	s1 =	sor.u32 s23, s1;
	s12 =	sadd.s32 $0xBB80, s0;
	v12 =	vadd.s32 $0x13D2, v6;
	v13 =	vld.idx.msk [tilespmem:v13+s4+$0x0], $0xffff  }
0x514: {  	[tilespmem:s1+$0x0] =	vst v3;
	v3 =	vadd.s32 $0x13D2, v5;
	s13 =	sor.u32 s25, s12  }
0x515: {  	v4 =	vld.idx.msk [tilespmem:v4+s4+$0x0], $0xffff;
	s14 =	sadd.s32 $0xBB80, s19;
	[tilespmem:s13+$0x0] =	vst v7;
	s3 =	sor.u32 s24, s12  }
0x516: {  	s15 =	sor.u32 s18, s14;
	v7 =	vadd.s32 $0x1448, v0;
	v8 =	vld.idx.msk [tilespmem:v8+s4+$0x0], $0xffff;
	[tilespmem:s3+$0x0] =	vst v9  }
0x517: {  	s1 =	sor.u32 s17, s14;
	v9 =	vadd.s32 $0x1448, v1;
	v10 =	vld.idx.msk [tilespmem:v10+s4+$0x0], $0xffff;
	[tilespmem:s15+$0x0] =	vst v11  }
0x518: {  	v11 =	vadd.s32 $0x1448, v2;
	v12 =	vld.idx.msk [tilespmem:v12+s4+$0x0], $0xffff;
	[tilespmem:s1+$0x0] =	vst v13  }
0x519: {  	s16 =	sor.u32 s23, s2;
	s20 =	sadd.s32 $0xBC00, s0;
	v13 =	vadd.s32 $0x1448, v6;
	v3 =	vld.idx.msk [tilespmem:v3+s4+$0x0], $0xffff  }
0x51a: {  	[tilespmem:s16+$0x0] =	vst v4;
	v4 =	vadd.s32 $0x1448, v5;
	s21 =	sor.u32 s25, s20  }
0x51b: {  	s22 =	sadd.s32 $0xBC00, s19;
	v7 =	vld.idx.msk [tilespmem:v7+s4+$0x0], $0xffff;
	s2 =	sor.u32 s24, s20;
	[tilespmem:s21+$0x0] =	vst v8  }
0x51c: {  	s26 =	sor.u32 s18, s22;
	v8 =	vadd.s32 $0x14BE, v0;
	v9 =	vld.idx.msk [tilespmem:v9+s4+$0x0], $0xffff;
	[tilespmem:s2+$0x0] =	vst v10  }
0x51d: {  	s1 =	sor.u32 s17, s22;
	v10 =	vadd.s32 $0x14BE, v1;
	v11 =	vld.idx.msk [tilespmem:v11+s4+$0x0], $0xffff;
	[tilespmem:s26+$0x0] =	vst v12  }
0x51e: {  	v12 =	vadd.s32 $0x14BE, v2;
	v13 =	vld.idx.msk [tilespmem:v13+s4+$0x0], $0xffff;
	[tilespmem:s1+$0x0] =	vst v3  }
0x51f: {  	s29 =	sadd.s32 $0xBC80, s0;
	s28 =	sor.u32 s23, s5;
	v3 =	vadd.s32 $0x14BE, v6;
	v4 =	vld.idx.msk [tilespmem:v4+s4+$0x0], $0xffff  }
0x520: {  	s30 =	sor.u32 s25, s29;
	[tilespmem:s28+$0x0] =	vst v7;
	v7 =	vadd.s32 $0x14BE, v5  }
0x521: {  	s31 =	sadd.s32 $0xBC80, s19;
	s2 =	sor.u32 s24, s29;
	v8 =	vld.idx.msk [tilespmem:v8+s4+$0x0], $0xffff;
	[tilespmem:s30+$0x0] =	vst v9  }
0x522: {  	s3 =	sor.u32 s18, s31;
	v9 =	vadd.s32 $0x1534, v0;
	v10 =	vld.idx.msk [tilespmem:v10+s4+$0x0], $0xffff;
	[tilespmem:s2+$0x0] =	vst v11  }
0x523: {  	s1 =	sor.u32 s17, s31;
	v11 =	vadd.s32 $0x1534, v1;
	v12 =	vld.idx.msk [tilespmem:v12+s4+$0x0], $0xffff;
	[tilespmem:s3+$0x0] =	vst v13  }
0x524: {  	v13 =	vadd.s32 $0x1534, v2;
	v3 =	vld.idx.msk [tilespmem:v3+s4+$0x0], $0xffff;
	[tilespmem:s1+$0x0] =	vst v4  }
0x525: {  	s5 =	sor.u32 s23, s7;
	s6 =	sadd.s32 $0xBD00, s0;
	v4 =	vadd.s32 $0x1534, v6;
	v7 =	vld.idx.msk [tilespmem:v7+s4+$0x0], $0xffff  }
0x526: {  	s7 =	sor.u32 s25, s6;
	[tilespmem:s5+$0x0] =	vst v8;
	v8 =	vadd.s32 $0x1534, v5  }
0x527: {  	s10 =	sadd.s32 $0xBD00, s19;
	s2 =	sor.u32 s24, s6;
	v9 =	vld.idx.msk [tilespmem:v9+s4+$0x0], $0xffff;
	[tilespmem:s7+$0x0] =	vst v10  }
0x528: {  	s11 =	sor.u32 s18, s10;
	v0 =	vadd.s32 $0x15AA, v0;
	v10 =	vld.idx.msk [tilespmem:v11+s4+$0x0], $0xffff;
	[tilespmem:s2+$0x0] =	vst v12  }
0x529: {  	v1 =	vadd.s32 $0x15AA, v1;
	s1 =	sor.u32 s17, s10;
	[tilespmem:s11+$0x0] =	vst v3;
	v3 =	vld.idx.msk [tilespmem:v13+s4+$0x0], $0xffff  }
0x52a: {  	v2 =	vadd.s32 $0x15AA, v2;
	v4 =	vld.idx.msk [tilespmem:v4+s4+$0x0], $0xffff;
	[tilespmem:s1+$0x0] =	vst v7  }
0x52b: {  	s13 =	sadd.s32 $0xBD80, s0;
	s12 =	sor.u32 s23, s8;
	v6 =	vadd.s32 $0x15AA, v6;
	v7 =	vld.idx.msk [tilespmem:v8+s4+$0x0], $0xffff  }
0x52c: {  	s14 =	sor.u32 s25, s13;
	v5 =	vadd.s32 $0x15AA, v5;
	[tilespmem:s12+$0x0] =	vst v9  }
0x52d: {  	s15 =	sadd.s32 $0xBD80, s19;
	s2 =	sor.u32 s24, s13;
	v0 =	vld.idx.msk [tilespmem:v0+s4+$0x0], $0xffff;
	[tilespmem:s14+$0x0] =	vst v10  }
0x52e: {  	s16 =	sor.u32 s18, s15;
	v1 =	vld.idx.msk [tilespmem:v1+s4+$0x0], $0xffff;
	[tilespmem:s2+$0x0] =	vst v3  }
0x52f: {  	s1 =	sor.u32 s17, s15;
	[tilespmem:s16+$0x0] =	vst v4;
	v2 =	vld.idx.msk [tilespmem:v2+s4+$0x0], $0xffff  }
0x530: {  	v3 =	vld.idx.msk [tilespmem:v6+s4+$0x0], $0xffff;
	[tilespmem:s1+$0x0] =	vst v7  }
0x531: {  	s20 =	sor.u32 s23, s9;
	s21 =	sadd.s32 $0xBE00, s0;
	v4 =	vld.idx.msk [tilespmem:v5+s4+$0x0], $0xffff  }
0x532: {  	s22 =	sor.u32 s25, s21;
	[tilespmem:s20+$0x0] =	vst v0  }
0x533: {  	s23 =	sadd.s32 $0xBE00, s19;
	s0 =	sor.u32 s24, s21;
	[tilespmem:s22+$0x0] =	vst v1  }
0x534: {  	s24 =	sor.u32 s18, s23;
	[tilespmem:s0+$0x0] =	vst v2  }
0x535: {  	s1 =	sor.u32 s17, s23;
	[tilespmem:s24+$0x0] =	vst v3  }
0x536: {  	s28 =	simm.s32 $0x1A80;
	s25 =	simm.s32 $0x2000;
	[tilespmem:s1+$0x0] =	vst v4  }
0x537: {  	s26 =	simm.s32 $0xF42400;
	s6 =	simm.s32 $0x1;
	s0 =	rddreg [dreg:$0x7]  }
0x538: {  	[hbm4b:s0+s25] =	stream.strided.scatter [tilespmem:s28], [sflag:$0x1], $0xC000, s26, s25, $0x38;
	[tilespmem:$0xDA80] =	vst v63  }
0x539: {  	_ =	swait.ge [sflag:s6], $0xC000  }
0x53a: {  	s29 =	simm.s32 $0x0;
	[sflag:s6] =	ssyncset.done $0x0  }
0x53b: {  	s31 =	simm.s32 $0x1680;
	s30 =	rddreg [dreg:$0x8];
	[sflag:s6] =	ssyncadd.s32 $0xFFFF4000  }
0x53c: {  	[tilespmem:s31], [sflag:$0x1] =	stream.linear.gather [hbm4b:s30+s29], $0x80, $0x38;
	[tilespmem:$0xDA80] =	vst v63  }
0x53d: {  	_ =	swait.ge [sflag:s6], $0x80  }
0x53e: {  	[sflag:s6] =	ssyncset.done $0x0  }
0x53f: {  	s0 =	simm.s32 $0x0;
	[sflag:s6] =	ssyncadd.s32 $0xFFFFFF80  }
0x540: {  	v0 =	vld [tilespmem:s0+$0x1690];
	_ =	sdelay $0x3  }
0x541: {  	v3 =	vld [tilespmem:s0+$0x1680];
	_ =	sdelay $0x3  }
0x542: {  	v1 =	vld.idx.msk [tilespmem:v0+s4+$0x0], $0xffff  }
0x543: {  	v2 =	vadd.s32 $0x76, v0;
	_ =	sdelay $0x2  }
0x544: {  	v4 =	vld.idx.msk [tilespmem:v3+s4+$0x0], $0xffff  }
0x545: {  	v5 =	vadd.s32 $0x76, v3;
	[tilespmem:s0+$0x1A90] =	vst v1  }
0x546: {  	v1 =	vld.idx.msk [tilespmem:v2+s4+$0x0], $0xffff  }
0x547: {  	v2 =	vadd.s32 $0xEC, v0;
	_ =	sdelay $0x1  }
0x548: {  	[tilespmem:s0+$0x1A80] =	vst v4  }
0x549: {  	v4 =	vld.idx.msk [tilespmem:v5+s4+$0x0], $0xffff  }
0x54a: {  	v5 =	vadd.s32 $0xEC, v3;
	[tilespmem:s0+$0x1B10] =	vst v1  }
0x54b: {  	v1 =	vld.idx.msk [tilespmem:v2+s4+$0x0], $0xffff  }
0x54c: {  	v2 =	vadd.s32 $0x162, v0;
	_ =	sdelay $0x1  }
0x54d: {  	[tilespmem:s0+$0x1B00] =	vst v4  }
0x54e: {  	v4 =	vld.idx.msk [tilespmem:v5+s4+$0x0], $0xffff  }
0x54f: {  	v5 =	vadd.s32 $0x162, v3;
	[tilespmem:s0+$0x1B90] =	vst v1  }
0x550: {  	v1 =	vld.idx.msk [tilespmem:v2+s4+$0x0], $0xffff  }
0x551: {  	v2 =	vadd.s32 $0x1D8, v0;
	_ =	sdelay $0x1  }
0x552: {  	[tilespmem:s0+$0x1B80] =	vst v4  }
0x553: {  	v4 =	vld.idx.msk [tilespmem:v5+s4+$0x0], $0xffff  }
0x554: {  	v5 =	vadd.s32 $0x1D8, v3;
	[tilespmem:s0+$0x1C10] =	vst v1  }
0x555: {  	v1 =	vld.idx.msk [tilespmem:v2+s4+$0x0], $0xffff  }
0x556: {  	v2 =	vadd.s32 $0x24E, v0;
	_ =	sdelay $0x1  }
0x557: {  	[tilespmem:s0+$0x1C00] =	vst v4  }
0x558: {  	v4 =	vld.idx.msk [tilespmem:v5+s4+$0x0], $0xffff  }
0x559: {  	v5 =	vadd.s32 $0x24E, v3;
	[tilespmem:s0+$0x1C90] =	vst v1  }
0x55a: {  	v1 =	vld.idx.msk [tilespmem:v2+s4+$0x0], $0xffff  }
0x55b: {  	v2 =	vadd.s32 $0x2C4, v0;
	_ =	sdelay $0x1  }
0x55c: {  	[tilespmem:s0+$0x1C80] =	vst v4  }
0x55d: {  	v4 =	vld.idx.msk [tilespmem:v5+s4+$0x0], $0xffff  }
0x55e: {  	v5 =	vadd.s32 $0x2C4, v3;
	[tilespmem:s0+$0x1D10] =	vst v1  }
0x55f: {  	v1 =	vld.idx.msk [tilespmem:v2+s4+$0x0], $0xffff  }
0x560: {  	v2 =	vadd.s32 $0x33A, v0;
	_ =	sdelay $0x1  }
0x561: {  	[tilespmem:s0+$0x1D00] =	vst v4  }
0x562: {  	v4 =	vld.idx.msk [tilespmem:v5+s4+$0x0], $0xffff  }
0x563: {  	v5 =	vadd.s32 $0x33A, v3;
	[tilespmem:s0+$0x1D90] =	vst v1  }
0x564: {  	v1 =	vld.idx.msk [tilespmem:v2+s4+$0x0], $0xffff  }
0x565: {  	v2 =	vadd.s32 $0x3B0, v0;
	_ =	sdelay $0x1  }
0x566: {  	[tilespmem:s0+$0x1D80] =	vst v4  }
0x567: {  	v4 =	vld.idx.msk [tilespmem:v5+s4+$0x0], $0xffff  }
0x568: {  	v5 =	vadd.s32 $0x3B0, v3;
	[tilespmem:s0+$0x1E10] =	vst v1  }
0x569: {  	v1 =	vld.idx.msk [tilespmem:v2+s4+$0x0], $0xffff  }
0x56a: {  	v2 =	vadd.s32 $0x426, v0;
	_ =	sdelay $0x1  }
0x56b: {  	[tilespmem:s0+$0x1E00] =	vst v4  }
0x56c: {  	v4 =	vld.idx.msk [tilespmem:v5+s4+$0x0], $0xffff  }
0x56d: {  	v5 =	vadd.s32 $0x426, v3;
	[tilespmem:s0+$0x3A90] =	vst v1  }
0x56e: {  	v1 =	vld.idx.msk [tilespmem:v2+s4+$0x0], $0xffff  }
0x56f: {  	v2 =	vadd.s32 $0x49C, v0;
	_ =	sdelay $0x1  }
0x570: {  	[tilespmem:s0+$0x3A80] =	vst v4  }
0x571: {  	v4 =	vld.idx.msk [tilespmem:v5+s4+$0x0], $0xffff  }
0x572: {  	v5 =	vadd.s32 $0x49C, v3;
	[tilespmem:s0+$0x3B10] =	vst v1  }
0x573: {  	v1 =	vld.idx.msk [tilespmem:v2+s4+$0x0], $0xffff  }
0x574: {  	v2 =	vadd.s32 $0x512, v0;
	_ =	sdelay $0x1  }
0x575: {  	[tilespmem:s0+$0x3B00] =	vst v4  }
0x576: {  	v4 =	vld.idx.msk [tilespmem:v5+s4+$0x0], $0xffff  }
0x577: {  	v5 =	vadd.s32 $0x512, v3;
	[tilespmem:s0+$0x3B90] =	vst v1  }
0x578: {  	v1 =	vld.idx.msk [tilespmem:v2+s4+$0x0], $0xffff  }
0x579: {  	v2 =	vadd.s32 $0x588, v0;
	_ =	sdelay $0x1  }
0x57a: {  	[tilespmem:s0+$0x3B80] =	vst v4  }
0x57b: {  	v4 =	vld.idx.msk [tilespmem:v5+s4+$0x0], $0xffff  }
0x57c: {  	v5 =	vadd.s32 $0x588, v3;
	[tilespmem:s0+$0x3C10] =	vst v1  }
0x57d: {  	v2 =	vld.idx.msk [tilespmem:v2+s4+$0x0], $0xffff  }
0x57e: {  	v6 =	vadd.s32 $0x5FE, v0;
	_ =	sdelay $0x1  }
0x57f: {  	[tilespmem:s0+$0x3C00] =	vst v4  }
0x580: {  	s3 =	simm.s32 $0x20;
	v5 =	vld.idx.msk [tilespmem:v5+s4+$0x0], $0xffff  }
0x581: {  	v7 =	vadd.s32 $0x5FE, v3;
	v1 =	vld [tilespmem:s3+$0x1690];
	[tilespmem:s0+$0x3C90] =	vst v2  }
0x582: {  	v2 =	vld.idx.msk [tilespmem:v6+s4+$0x0], $0xffff  }
0x583: {  	v4 =	vld [tilespmem:s3+$0x1680];
	v6 =	vadd.s32 $0x674, v0;
	_ =	sdelay $0x1  }
0x584: {  	[tilespmem:s0+$0x3C80] =	vst v5  }
0x585: {  	v5 =	vld.idx.msk [tilespmem:v7+s4+$0x0], $0xffff  }
0x586: {  	[tilespmem:s0+$0x3D10] =	vst v2  }
0x587: {  	v7 =	vadd.s32 $0x674, v3;
	v2 =	vld.idx.msk [tilespmem:v6+s4+$0x0], $0xffff  }
0x588: {  	v8 =	vadd.s32 $0x6EA, v0;
	v6 =	vld.idx.msk [tilespmem:v1+s4+$0x0], $0xffff  }
0x589: {  	v9 =	vadd.s32 $0x76, v1  }
0x58a: {  	[tilespmem:s0+$0x3D00] =	vst v5;
	v5 =	vld.idx.msk [tilespmem:v4+s4+$0x0], $0xffff  }
0x58b: {  	v10 =	vadd.s32 $0x76, v4  }
0x58c: {  	v7 =	vld.idx.msk [tilespmem:v7+s4+$0x0], $0xffff;
	[tilespmem:s0+$0x3D90] =	vst v2  }
0x58d: {  	v11 =	vadd.s32 $0x6EA, v3;
	[tilespmem:s3+$0x1A90] =	vst v6;
	v2 =	vld.idx.msk [tilespmem:v8+s4+$0x0], $0xffff  }
0x58e: {  	v6 =	vld.idx.msk [tilespmem:v9+s4+$0x0], $0xffff;
	v8 =	vadd.s32 $0x760, v0  }
0x58f: {  	[tilespmem:s3+$0x1A80] =	vst v5;
	v5 =	vadd.s32 $0xEC, v1  }
0x590: {  	v9 =	vld.idx.msk [tilespmem:v10+s4+$0x0], $0xffff  }
0x591: {  	[tilespmem:s0+$0x3D80] =	vst v7;
	v7 =	vadd.s32 $0xEC, v4  }
0x592: {  	v10 =	vld.idx.msk [tilespmem:v11+s4+$0x0], $0xffff;
	[tilespmem:s0+$0x3E10] =	vst v2  }
0x593: {  	v11 =	vadd.s32 $0x760, v3;
	[tilespmem:s3+$0x1B10] =	vst v6;
	v2 =	vld.idx.msk [tilespmem:v8+s4+$0x0], $0xffff  }
0x594: {  	v6 =	vadd.s32 $0x7D6, v0;
	v5 =	vld.idx.msk [tilespmem:v5+s4+$0x0], $0xffff  }
0x595: {  	[tilespmem:s3+$0x1B00] =	vst v9;
	v8 =	vadd.s32 $0x162, v1  }
0x596: {  	v7 =	vld.idx.msk [tilespmem:v7+s4+$0x0], $0xffff  }
0x597: {  	[tilespmem:s0+$0x3E00] =	vst v10  }
0x598: {  	v9 =	vadd.s32 $0x162, v4;
	v10 =	vld.idx.msk [tilespmem:v11+s4+$0x0], $0xffff;
	[tilespmem:s0+$0x5A90] =	vst v2  }
0x599: {  	v11 =	vadd.s32 $0x7D6, v3;
	[tilespmem:s3+$0x1B90] =	vst v5;
	v2 =	vld.idx.msk [tilespmem:v6+s4+$0x0], $0xffff  }
0x59a: {  	v5 =	vld.idx.msk [tilespmem:v8+s4+$0x0], $0xffff;
	v6 =	vadd.s32 $0x84C, v0  }
0x59b: {  	[tilespmem:s3+$0x1B80] =	vst v7;
	v7 =	vadd.s32 $0x1D8, v1;
	_ =	sdelay $0x1  }
0x59c: {  	[tilespmem:s0+$0x5A80] =	vst v10;
	v8 =	vld.idx.msk [tilespmem:v9+s4+$0x0], $0xffff  }
0x59d: {  	v9 =	vadd.s32 $0x1D8, v4;
	v10 =	vld.idx.msk [tilespmem:v11+s4+$0x0], $0xffff;
	[tilespmem:s0+$0x5B10] =	vst v2  }
0x59e: {  	v11 =	vadd.s32 $0x84C, v3;
	[tilespmem:s3+$0x1C10] =	vst v5;
	v2 =	vld.idx.msk [tilespmem:v6+s4+$0x0], $0xffff  }
0x59f: {  	v5 =	vld.idx.msk [tilespmem:v7+s4+$0x0], $0xffff;
	v6 =	vadd.s32 $0x8C2, v0  }
0x5a0: {  	v7 =	vadd.s32 $0x24E, v1  }
0x5a1: {  	[tilespmem:s3+$0x1C00] =	vst v8  }
0x5a2: {  	[tilespmem:s0+$0x5B00] =	vst v10;
	v8 =	vld.idx.msk [tilespmem:v9+s4+$0x0], $0xffff  }
0x5a3: {  	v9 =	vadd.s32 $0x24E, v4;
	v10 =	vld.idx.msk [tilespmem:v11+s4+$0x0], $0xffff;
	[tilespmem:s0+$0x5B90] =	vst v2  }
0x5a4: {  	v11 =	vadd.s32 $0x8C2, v3;
	[tilespmem:s3+$0x1C90] =	vst v5;
	v2 =	vld.idx.msk [tilespmem:v6+s4+$0x0], $0xffff  }
0x5a5: {  	v5 =	vld.idx.msk [tilespmem:v7+s4+$0x0], $0xffff;
	v6 =	vadd.s32 $0x938, v0  }
0x5a6: {  	v7 =	vadd.s32 $0x2C4, v1  }
0x5a7: {  	[tilespmem:s3+$0x1C80] =	vst v8  }
0x5a8: {  	[tilespmem:s0+$0x5B80] =	vst v10;
	v8 =	vld.idx.msk [tilespmem:v9+s4+$0x0], $0xffff  }
0x5a9: {  	v9 =	vadd.s32 $0x2C4, v4;
	v10 =	vld.idx.msk [tilespmem:v11+s4+$0x0], $0xffff;
	[tilespmem:s0+$0x5C10] =	vst v2  }
0x5aa: {  	v11 =	vadd.s32 $0x938, v3;
	[tilespmem:s3+$0x1D10] =	vst v5;
	v2 =	vld.idx.msk [tilespmem:v6+s4+$0x0], $0xffff  }
0x5ab: {  	v5 =	vld.idx.msk [tilespmem:v7+s4+$0x0], $0xffff;
	v6 =	vadd.s32 $0x9AE, v0  }
0x5ac: {  	v7 =	vadd.s32 $0x33A, v1  }
0x5ad: {  	[tilespmem:s3+$0x1D00] =	vst v8  }
0x5ae: {  	[tilespmem:s0+$0x5C00] =	vst v10;
	v8 =	vld.idx.msk [tilespmem:v9+s4+$0x0], $0xffff  }
0x5af: {  	v9 =	vadd.s32 $0x33A, v4;
	v10 =	vld.idx.msk [tilespmem:v11+s4+$0x0], $0xffff;
	[tilespmem:s0+$0x5C90] =	vst v2  }
0x5b0: {  	v11 =	vadd.s32 $0x9AE, v3;
	[tilespmem:s3+$0x1D90] =	vst v5;
	v2 =	vld.idx.msk [tilespmem:v6+s4+$0x0], $0xffff  }
0x5b1: {  	v5 =	vld.idx.msk [tilespmem:v7+s4+$0x0], $0xffff;
	v6 =	vadd.s32 $0xA24, v0  }
0x5b2: {  	v7 =	vadd.s32 $0x3B0, v1  }
0x5b3: {  	[tilespmem:s3+$0x1D80] =	vst v8  }
0x5b4: {  	[tilespmem:s0+$0x5C80] =	vst v10;
	v8 =	vld.idx.msk [tilespmem:v9+s4+$0x0], $0xffff  }
0x5b5: {  	v9 =	vadd.s32 $0x3B0, v4;
	v10 =	vld.idx.msk [tilespmem:v11+s4+$0x0], $0xffff;
	[tilespmem:s0+$0x5D10] =	vst v2  }
0x5b6: {  	v11 =	vadd.s32 $0xA24, v3;
	[tilespmem:s3+$0x1E10] =	vst v5;
	v2 =	vld.idx.msk [tilespmem:v6+s4+$0x0], $0xffff  }
0x5b7: {  	v5 =	vld.idx.msk [tilespmem:v7+s4+$0x0], $0xffff;
	v6 =	vadd.s32 $0xA9A, v0  }
0x5b8: {  	v7 =	vadd.s32 $0x426, v1  }
0x5b9: {  	[tilespmem:s3+$0x1E00] =	vst v8  }
0x5ba: {  	[tilespmem:s0+$0x5D00] =	vst v10;
	v8 =	vld.idx.msk [tilespmem:v9+s4+$0x0], $0xffff  }
0x5bb: {  	v9 =	vadd.s32 $0x426, v4;
	v10 =	vld.idx.msk [tilespmem:v11+s4+$0x0], $0xffff;
	[tilespmem:s0+$0x5D90] =	vst v2  }
0x5bc: {  	v11 =	vadd.s32 $0xA9A, v3;
	[tilespmem:s3+$0x3A90] =	vst v5;
	v2 =	vld.idx.msk [tilespmem:v6+s4+$0x0], $0xffff  }
0x5bd: {  	v5 =	vld.idx.msk [tilespmem:v7+s4+$0x0], $0xffff;
	v6 =	vadd.s32 $0xB10, v0  }
0x5be: {  	v7 =	vadd.s32 $0x49C, v1  }
0x5bf: {  	[tilespmem:s3+$0x3A80] =	vst v8  }
0x5c0: {  	[tilespmem:s0+$0x5D80] =	vst v10;
	v8 =	vld.idx.msk [tilespmem:v9+s4+$0x0], $0xffff  }
0x5c1: {  	v9 =	vadd.s32 $0x49C, v4;
	v10 =	vld.idx.msk [tilespmem:v11+s4+$0x0], $0xffff;
	[tilespmem:s0+$0x5E10] =	vst v2  }
0x5c2: {  	v11 =	vadd.s32 $0xB10, v3;
	[tilespmem:s3+$0x3B10] =	vst v5;
	v2 =	vld.idx.msk [tilespmem:v6+s4+$0x0], $0xffff  }
0x5c3: {  	v5 =	vld.idx.msk [tilespmem:v7+s4+$0x0], $0xffff;
	v6 =	vadd.s32 $0xB86, v0  }
0x5c4: {  	v7 =	vadd.s32 $0x512, v1  }
0x5c5: {  	[tilespmem:s3+$0x3B00] =	vst v8  }
0x5c6: {  	[tilespmem:s0+$0x5E00] =	vst v10;
	v8 =	vld.idx.msk [tilespmem:v9+s4+$0x0], $0xffff  }
0x5c7: {  	v9 =	vadd.s32 $0x512, v4;
	v10 =	vld.idx.msk [tilespmem:v11+s4+$0x0], $0xffff;
	[tilespmem:s0+$0x7A90] =	vst v2  }
0x5c8: {  	v11 =	vadd.s32 $0xB86, v3;
	[tilespmem:s3+$0x3B90] =	vst v5;
	v2 =	vld.idx.msk [tilespmem:v6+s4+$0x0], $0xffff  }
0x5c9: {  	v5 =	vld.idx.msk [tilespmem:v7+s4+$0x0], $0xffff;
	v6 =	vadd.s32 $0xBFC, v0  }
0x5ca: {  	v7 =	vadd.s32 $0x588, v1  }
0x5cb: {  	[tilespmem:s3+$0x3B80] =	vst v8  }
0x5cc: {  	[tilespmem:s0+$0x7A80] =	vst v10;
	v8 =	vld.idx.msk [tilespmem:v9+s4+$0x0], $0xffff  }
0x5cd: {  	v9 =	vadd.s32 $0x588, v4;
	v10 =	vld.idx.msk [tilespmem:v11+s4+$0x0], $0xffff;
	[tilespmem:s0+$0x7B10] =	vst v2  }
0x5ce: {  	v11 =	vadd.s32 $0xBFC, v3;
	[tilespmem:s3+$0x3C10] =	vst v5;
	v5 =	vld.idx.msk [tilespmem:v6+s4+$0x0], $0xffff  }
0x5cf: {  	v6 =	vld.idx.msk [tilespmem:v7+s4+$0x0], $0xffff  }
0x5d0: {  	s16 =	simm.s32 $0x40;
	v7 =	vadd.s32 $0xC72, v0  }
0x5d1: {  	[tilespmem:s3+$0x3C00] =	vst v8;
	v8 =	vadd.s32 $0x5FE, v1;
	v2 =	vld [tilespmem:s16+$0x1690]  }
0x5d2: {  	[tilespmem:s0+$0x7B00] =	vst v10;
	v9 =	vld.idx.msk [tilespmem:v9+s4+$0x0], $0xffff  }
0x5d3: {  	v10 =	vld.idx.msk [tilespmem:v11+s4+$0x0], $0xffff;
	[tilespmem:s0+$0x7B90] =	vst v5  }
0x5d4: {  	v5 =	vadd.s32 $0x5FE, v4;
	[tilespmem:s3+$0x3C90] =	vst v6;
	v6 =	vld [tilespmem:s16+$0x1680]  }
0x5d5: {  	v11 =	vadd.s32 $0xC72, v3;
	v7 =	vld.idx.msk [tilespmem:v7+s4+$0x0], $0xffff  }
0x5d6: {  	v12 =	vadd.s32 $0xCE8, v0;
	v8 =	vld.idx.msk [tilespmem:v8+s4+$0x0], $0xffff  }
0x5d7: {  	v13 =	vadd.s32 $0x674, v1  }
0x5d8: {  	[tilespmem:s3+$0x3C80] =	vst v9  }
0x5d9: {  	[tilespmem:s0+$0x7B80] =	vst v10;
	v5 =	vld.idx.msk [tilespmem:v5+s4+$0x0], $0xffff  }
0x5da: {  	v9 =	vadd.s32 $0x674, v4;
	v10 =	vld.idx.msk [tilespmem:v11+s4+$0x0], $0xffff;
	[tilespmem:s0+$0x7C10] =	vst v7  }
0x5db: {  	v7 =	vadd.s32 $0xCE8, v3;
	[tilespmem:s3+$0x3D10] =	vst v8;
	v8 =	vld.idx.msk [tilespmem:v12+s4+$0x0], $0xffff  }
0x5dc: {  	v11 =	vld.idx.msk [tilespmem:v13+s4+$0x0], $0xffff;
	v12 =	vadd.s32 $0xD5E, v0  }
0x5dd: {  	v14 =	vadd.s32 $0x6EA, v1;
	v13 =	vld.idx.msk [tilespmem:v2+s4+$0x0], $0xffff  }
0x5de: {  	v15 =	vadd.s32 $0x76, v2;
	[tilespmem:s3+$0x3D00] =	vst v5;
	v5 =	vld.idx.msk [tilespmem:v6+s4+$0x0], $0xffff  }
0x5df: {  	v16 =	vadd.s32 $0x76, v6;
	[tilespmem:s0+$0x7C00] =	vst v10;
	v9 =	vld.idx.msk [tilespmem:v9+s4+$0x0], $0xffff  }
0x5e0: {  	v10 =	vadd.s32 $0x6EA, v4;
	v7 =	vld.idx.msk [tilespmem:v7+s4+$0x0], $0xffff;
	[tilespmem:s0+$0x7C90] =	vst v8  }
0x5e1: {  	v8 =	vadd.s32 $0xD5E, v3;
	[tilespmem:s3+$0x3D90] =	vst v11;
	v11 =	vld.idx.msk [tilespmem:v12+s4+$0x0], $0xffff  }
0x5e2: {  	[tilespmem:s16+$0x1A90] =	vst v13;
	v13 =	vadd.s32 $0xDD4, v0;
	v12 =	vld.idx.msk [tilespmem:v14+s4+$0x0], $0xffff  }
0x5e3: {  	v14 =	vadd.s32 $0x760, v1;
	[tilespmem:s16+$0x1A80] =	vst v5;
	v5 =	vld.idx.msk [tilespmem:v15+s4+$0x0], $0xffff  }
0x5e4: {  	v15 =	vld.idx.msk [tilespmem:v16+s4+$0x0], $0xffff;
	[tilespmem:s3+$0x3D80] =	vst v9;
	v9 =	vadd.s32 $0xEC, v2  }
0x5e5: {  	v16 =	vadd.s32 $0xEC, v6;
	[tilespmem:s0+$0x7C80] =	vst v7;
	v10 =	vld.idx.msk [tilespmem:v10+s4+$0x0], $0xffff  }
0x5e6: {  	v7 =	vadd.s32 $0x760, v4;
	v8 =	vld.idx.msk [tilespmem:v8+s4+$0x0], $0xffff;
	[tilespmem:s0+$0x7D10] =	vst v11  }
0x5e7: {  	v11 =	vadd.s32 $0xDD4, v3;
	[tilespmem:s3+$0x3E10] =	vst v12;
	v12 =	vld.idx.msk [tilespmem:v13+s4+$0x0], $0xffff  }
0x5e8: {  	v13 =	vadd.s32 $0xE4A, v0;
	[tilespmem:s16+$0x1B10] =	vst v5;
	v5 =	vld.idx.msk [tilespmem:v14+s4+$0x0], $0xffff  }
0x5e9: {  	v14 =	vadd.s32 $0x7D6, v1;
	[tilespmem:s16+$0x1B00] =	vst v15;
	v9 =	vld.idx.msk [tilespmem:v9+s4+$0x0], $0xffff  }
0x5ea: {  	v15 =	vld.idx.msk [tilespmem:v16+s4+$0x0], $0xffff;
	[tilespmem:s3+$0x3E00] =	vst v10;
	v10 =	vadd.s32 $0x162, v2  }
0x5eb: {  	v16 =	vadd.s32 $0x162, v6;
	[tilespmem:s0+$0x7D00] =	vst v8;
	v7 =	vld.idx.msk [tilespmem:v7+s4+$0x0], $0xffff  }
0x5ec: {  	v8 =	vadd.s32 $0x7D6, v4;
	v11 =	vld.idx.msk [tilespmem:v11+s4+$0x0], $0xffff;
	[tilespmem:s0+$0x7D90] =	vst v12  }
0x5ed: {  	v12 =	vadd.s32 $0xE4A, v3;
	[tilespmem:s3+$0x5A90] =	vst v5;
	v5 =	vld.idx.msk [tilespmem:v13+s4+$0x0], $0xffff  }
0x5ee: {  	v13 =	vadd.s32 $0xEC0, v0;
	[tilespmem:s16+$0x1B90] =	vst v9;
	v9 =	vld.idx.msk [tilespmem:v14+s4+$0x0], $0xffff  }
0x5ef: {  	v14 =	vadd.s32 $0x84C, v1;
	[tilespmem:s16+$0x1B80] =	vst v15;
	v10 =	vld.idx.msk [tilespmem:v10+s4+$0x0], $0xffff  }
0x5f0: {  	v15 =	vld.idx.msk [tilespmem:v16+s4+$0x0], $0xffff;
	[tilespmem:s3+$0x5A80] =	vst v7;
	v7 =	vadd.s32 $0x1D8, v2  }
0x5f1: {  	v16 =	vadd.s32 $0x1D8, v6;
	[tilespmem:s0+$0x7D80] =	vst v11;
	v8 =	vld.idx.msk [tilespmem:v8+s4+$0x0], $0xffff  }
0x5f2: {  	v11 =	vadd.s32 $0x84C, v4;
	v12 =	vld.idx.msk [tilespmem:v12+s4+$0x0], $0xffff;
	[tilespmem:s0+$0x7E10] =	vst v5  }
0x5f3: {  	v5 =	vadd.s32 $0xEC0, v3;
	[tilespmem:s3+$0x5B10] =	vst v9;
	v9 =	vld.idx.msk [tilespmem:v13+s4+$0x0], $0xffff  }
0x5f4: {  	v13 =	vadd.s32 $0xF36, v0;
	[tilespmem:s16+$0x1C10] =	vst v10;
	v10 =	vld.idx.msk [tilespmem:v14+s4+$0x0], $0xffff  }
0x5f5: {  	v14 =	vadd.s32 $0x8C2, v1;
	[tilespmem:s16+$0x1C00] =	vst v15;
	v7 =	vld.idx.msk [tilespmem:v7+s4+$0x0], $0xffff  }
0x5f6: {  	v15 =	vld.idx.msk [tilespmem:v16+s4+$0x0], $0xffff;
	[tilespmem:s3+$0x5B00] =	vst v8;
	v8 =	vadd.s32 $0x24E, v2  }
0x5f7: {  	v16 =	vadd.s32 $0x24E, v6;
	[tilespmem:s0+$0x7E00] =	vst v12;
	v11 =	vld.idx.msk [tilespmem:v11+s4+$0x0], $0xffff  }
0x5f8: {  	v12 =	vadd.s32 $0x8C2, v4;
	v5 =	vld.idx.msk [tilespmem:v5+s4+$0x0], $0xffff;
	[tilespmem:s0+$0x9A90] =	vst v9  }
0x5f9: {  	v9 =	vadd.s32 $0xF36, v3;
	[tilespmem:s3+$0x5B90] =	vst v10;
	v10 =	vld.idx.msk [tilespmem:v13+s4+$0x0], $0xffff  }
0x5fa: {  	v13 =	vadd.s32 $0xFAC, v0;
	[tilespmem:s16+$0x1C90] =	vst v7;
	v7 =	vld.idx.msk [tilespmem:v14+s4+$0x0], $0xffff  }
0x5fb: {  	v14 =	vadd.s32 $0x938, v1;
	[tilespmem:s16+$0x1C80] =	vst v15;
	v8 =	vld.idx.msk [tilespmem:v8+s4+$0x0], $0xffff  }
0x5fc: {  	v15 =	vld.idx.msk [tilespmem:v16+s4+$0x0], $0xffff;
	[tilespmem:s3+$0x5B80] =	vst v11;
	v11 =	vadd.s32 $0x2C4, v2  }
0x5fd: {  	v16 =	vadd.s32 $0x2C4, v6;
	[tilespmem:s0+$0x9A80] =	vst v5;
	v12 =	vld.idx.msk [tilespmem:v12+s4+$0x0], $0xffff  }
0x5fe: {  	v5 =	vadd.s32 $0x938, v4;
	v9 =	vld.idx.msk [tilespmem:v9+s4+$0x0], $0xffff;
	[tilespmem:s0+$0x9B10] =	vst v10  }
0x5ff: {  	v10 =	vadd.s32 $0xFAC, v3;
	[tilespmem:s3+$0x5C10] =	vst v7;
	v7 =	vld.idx.msk [tilespmem:v13+s4+$0x0], $0xffff  }
0x600: {  	v13 =	vadd.s32 $0x1022, v0;
	[tilespmem:s16+$0x1D10] =	vst v8;
	v8 =	vld.idx.msk [tilespmem:v14+s4+$0x0], $0xffff  }
0x601: {  	v14 =	vadd.s32 $0x9AE, v1;
	[tilespmem:s16+$0x1D00] =	vst v15;
	v11 =	vld.idx.msk [tilespmem:v11+s4+$0x0], $0xffff  }
0x602: {  	v15 =	vld.idx.msk [tilespmem:v16+s4+$0x0], $0xffff;
	[tilespmem:s3+$0x5C00] =	vst v12;
	v12 =	vadd.s32 $0x33A, v2  }
0x603: {  	v16 =	vadd.s32 $0x33A, v6;
	[tilespmem:s0+$0x9B00] =	vst v9;
	v5 =	vld.idx.msk [tilespmem:v5+s4+$0x0], $0xffff  }
0x604: {  	v9 =	vadd.s32 $0x9AE, v4;
	v10 =	vld.idx.msk [tilespmem:v10+s4+$0x0], $0xffff;
	[tilespmem:s0+$0x9B90] =	vst v7  }
0x605: {  	v7 =	vadd.s32 $0x1022, v3;
	[tilespmem:s3+$0x5C90] =	vst v8;
	v8 =	vld.idx.msk [tilespmem:v13+s4+$0x0], $0xffff  }
0x606: {  	v13 =	vadd.s32 $0x1098, v0;
	[tilespmem:s16+$0x1D90] =	vst v11;
	v11 =	vld.idx.msk [tilespmem:v14+s4+$0x0], $0xffff  }
0x607: {  	[tilespmem:s16+$0x1D80] =	vst v15;
	v12 =	vld.idx.msk [tilespmem:v12+s4+$0x0], $0xffff  }
0x608: {  	v14 =	vadd.s32 $0xA24, v1;
	v15 =	vld.idx.msk [tilespmem:v16+s4+$0x0], $0xffff;
	[tilespmem:s3+$0x5C80] =	vst v5  }
0x609: {  	v5 =	vadd.s32 $0x3B0, v2;
	[tilespmem:s0+$0x9B80] =	vst v10;
	v9 =	vld.idx.msk [tilespmem:v9+s4+$0x0], $0xffff  }
0x60a: {  	v18 =	vadd.s32 $0x3B0, v6;
	v7 =	vld.idx.msk [tilespmem:v7+s4+$0x0], $0xffff;
	[tilespmem:s0+$0x9C10] =	vst v8  }
0x60b: {  	v20 =	vadd.s32 $0xA24, v4;
	[tilespmem:s3+$0x5D10] =	vst v11;
	v8 =	vld.idx.msk [tilespmem:v13+s4+$0x0], $0xffff  }
0x60c: {  	v16 =	vadd.s32 $0x1098, v3;
	[tilespmem:s16+$0x1E10] =	vst v12  }
0x60d: {  	v17 =	vadd.s32 $0x110E, v3;
	v19 =	vadd.s32 $0x11FA, v3;
	v28 =	vadd.s32 $0x1270, v3;
	v11 =	vld.idx.msk [tilespmem:v14+s4+$0x0], $0xffff;
	[tilespmem:s16+$0x1E00] =	vst v15  }
0x60e: {  	v25 =	vadd.s32 $0x12E6, v3;
	v40 =	vadd.s32 $0x135C, v3;
	v12 =	vadd.s32 $0x110E, v0;
	v5 =	vld.idx.msk [tilespmem:v5+s4+$0x0], $0xffff;
	[tilespmem:s3+$0x5D00] =	vst v9  }
0x60f: {  	v38 =	vadd.s32 $0x13D2, v3;
	v34 =	vadd.s32 $0x1448, v3;
	v13 =	vadd.s32 $0xA9A, v1;
	v14 =	vld.idx.msk [tilespmem:v18+s4+$0x0], $0xffff;
	[tilespmem:s0+$0x9C00] =	vst v7  }
0x610: {  	v30 =	vadd.s32 $0x14BE, v3;
	v9 =	vadd.s32 $0x426, v2;
	v20 =	vld.idx.msk [tilespmem:v20+s4+$0x0], $0xffff;
	[tilespmem:s0+$0x9C90] =	vst v8;
	v8 =	vadd.s32 $0xDD4, v4  }
0x611: {  	v26 =	vadd.s32 $0x1534, v3;
	v21 =	vadd.s32 $0x426, v6;
	v7 =	vld.idx.msk [tilespmem:v16+s4+$0x0], $0xffff;
	[tilespmem:$0x1FEF0] =	vst v8;
	v8 =	vadd.s32 $0xE4A, v4  }
0x612: {  	v23 =	vadd.s32 $0x15AA, v3;
	v22 =	vadd.s32 $0xBFC, v4;
	v55 =	vadd.s32 $0xC72, v4;
	[tilespmem:$0x1FF00] =	vst v8  }
0x613: {  	v53 =	vadd.s32 $0xCE8, v4;
	v10 =	vadd.s32 $0x1184, v3;
	v3 =	vadd.s32 $0xA9A, v4;
	[tilespmem:s3+$0x5D90] =	vst v11;
	v8 =	vld.idx.msk [tilespmem:v12+s4+$0x0], $0xffff  }
0x614: {  	v61 =	vadd.s32 $0xD5E, v4;
	v52 =	vadd.s32 $0xEC0, v4;
	v51 =	vadd.s32 $0xF36, v4;
	[tilespmem:s16+$0x3A90] =	vst v5;
	v5 =	vld.idx.msk [tilespmem:v13+s4+$0x0], $0xffff  }
0x615: {  	v49 =	vadd.s32 $0xFAC, v4;
	v47 =	vadd.s32 $0x1022, v4;
	v11 =	vadd.s32 $0x1184, v0;
	[tilespmem:s16+$0x3A80] =	vst v14;
	v9 =	vld.idx.msk [tilespmem:v9+s4+$0x0], $0xffff  }
0x616: {  	v46 =	vadd.s32 $0x1098, v4;
	v44 =	vadd.s32 $0x110E, v4;
	v12 =	vadd.s32 $0xB10, v1;
	v13 =	vld.idx.msk [tilespmem:v21+s4+$0x0], $0xffff;
	[tilespmem:s3+$0x5D80] =	vst v20  }
0x617: {  	v43 =	vadd.s32 $0x1184, v4;
	v37 =	vadd.s32 $0x11FA, v4;
	v14 =	vadd.s32 $0x49C, v2;
	[tilespmem:s0+$0x9C80] =	vst v7  }
0x618: {  	v33 =	vadd.s32 $0x1270, v4;
	v41 =	vadd.s32 $0x135C, v4;
	v39 =	vadd.s32 $0x13D2, v4;
	v20 =	vld.idx.msk [tilespmem:v3+s4+$0x0], $0xffff;
	[tilespmem:s0+$0x9D10] =	vst v8  }
0x619: {  	v35 =	vadd.s32 $0x1448, v4;
	v31 =	vadd.s32 $0x14BE, v4;
	v16 =	vadd.s32 $0x49C, v6;
	v7 =	vld.idx.msk [tilespmem:v17+s4+$0x0], $0xffff;
	[tilespmem:s3+$0x5E10] =	vst v5  }
0x61a: {  	v27 =	vadd.s32 $0x1534, v4;
	v24 =	vadd.s32 $0x15AA, v4;
	v15 =	vadd.s32 $0xB10, v4;
	v8 =	vld.idx.msk [tilespmem:v11+s4+$0x0], $0xffff;
	[tilespmem:s16+$0x3B10] =	vst v9  }
0x61b: {  	v18 =	vadd.s32 $0xB86, v4;
	v21 =	vadd.s32 $0x12E6, v4;
	v3 =	vadd.s32 $0x674, v6;
	[tilespmem:s16+$0x3B00] =	vst v13;
	v4 =	vld.idx.msk [tilespmem:v12+s4+$0x0], $0xffff  }
0x61c: {  	v13 =	vld.idx.msk [tilespmem:v14+s4+$0x0], $0xffff;
	[tilespmem:$0x1FF10] =	vst v3  }
0x61d: {  	v3 =	vadd.s32 $0x6EA, v6;
	[tilespmem:s3+$0x5E00] =	vst v20  }
0x61e: {  	v16 =	vld.idx.msk [tilespmem:v16+s4+$0x0], $0xffff;
	[tilespmem:$0x1FF20] =	vst v3;
	v3 =	vadd.s32 $0x760, v6  }
0x61f: {  	[tilespmem:$0x1FF30] =	vst v3;
	v3 =	vadd.s32 $0x7D6, v6  }
0x620: {  	[tilespmem:$0x1FF40] =	vst v3  }
0x621: {  	v3 =	vadd.s32 $0x84C, v6;
	[tilespmem:s0+$0x9D00] =	vst v7  }
0x622: {  	v15 =	vld.idx.msk [tilespmem:v15+s4+$0x0], $0xffff;
	[tilespmem:$0x1FF50] =	vst v3;
	v3 =	vadd.s32 $0x8C2, v6  }
0x623: {  	[tilespmem:$0x1FF60] =	vst v3;
	v3 =	vadd.s32 $0x938, v6  }
0x624: {  	v9 =	vadd.s32 $0x11FA, v0;
	[tilespmem:$0x1FF70] =	vst v3  }
0x625: {  	v14 =	vadd.s32 $0xB86, v1;
	v3 =	vadd.s32 $0x9AE, v6;
	[tilespmem:s0+$0x9D90] =	vst v8  }
0x626: {  	v7 =	vld.idx.msk [tilespmem:v10+s4+$0x0], $0xffff;
	[tilespmem:$0x1FF80] =	vst v3;
	v3 =	vadd.s32 $0xA24, v6  }
0x627: {  	v17 =	vadd.s32 $0x512, v2;
	[tilespmem:$0x1FF90] =	vst v3  }
0x628: {  	[tilespmem:s3+$0x7A90] =	vst v4  }
0x629: {  	v11 =	vadd.s32 $0x512, v6;
	v3 =	vadd.s32 $0xC72, v6;
	v8 =	vld.idx.msk [tilespmem:v9+s4+$0x0], $0xffff;
	[tilespmem:s16+$0x3B90] =	vst v13  }
0x62a: {  	v9 =	vld.idx.msk [tilespmem:v14+s4+$0x0], $0xffff;
	[tilespmem:$0x1FFA0] =	vst v3  }
0x62b: {  	v3 =	vadd.s32 $0xCE8, v6;
	[tilespmem:s16+$0x3B80] =	vst v16  }
0x62c: {  	v13 =	vld.idx.msk [tilespmem:v17+s4+$0x0], $0xffff;
	[tilespmem:$0x1FFB0] =	vst v3  }
0x62d: {  	v3 =	vadd.s32 $0xDD4, v6;
	[tilespmem:s3+$0x7A80] =	vst v15  }
0x62e: {  	v11 =	vld.idx.msk [tilespmem:v11+s4+$0x0], $0xffff;
	[tilespmem:$0x1FFC0] =	vst v3;
	v3 =	vadd.s32 $0xE4A, v6  }
0x62f: {  	[tilespmem:$0x1FFD0] =	vst v3  }
0x630: {  	v10 =	vadd.s32 $0x1270, v0;
	v3 =	vadd.s32 $0xEC0, v6;
	[tilespmem:s0+$0x9D80] =	vst v7  }
0x631: {  	v63 =	vadd.s32 $0xA9A, v6;
	v60 =	vadd.s32 $0xB10, v6;
	v14 =	vadd.s32 $0xBFC, v1;
	[tilespmem:$0x1FFE0] =	vst v3  }
0x632: {  	v58 =	vadd.s32 $0xB86, v6;
	v15 =	vadd.s32 $0x588, v2;
	v3 =	vadd.s32 $0xF36, v6;
	[tilespmem:s0+$0x9E10] =	vst v8  }
0x633: {  	v62 =	vadd.s32 $0xD5E, v6;
	v59 =	vadd.s32 $0xFAC, v6;
	v12 =	vadd.s32 $0x588, v6;
	v16 =	vld.idx.msk [tilespmem:v18+s4+$0x0], $0xffff;
	[tilespmem:$0x1FFF0] =	vst v3  }
0x634: {  	v57 =	vadd.s32 $0x1022, v6;
	v56 =	vadd.s32 $0x1098, v6;
	v54 =	vadd.s32 $0x110E, v6;
	v17 =	vld.idx.msk [tilespmem:v19+s4+$0x0], $0xffff  }
0x635: {  	v50 =	vadd.s32 $0x1184, v6;
	v48 =	vadd.s32 $0x135C, v6;
	v45 =	vadd.s32 $0x13D2, v6;
	[tilespmem:s3+$0x7B10] =	vst v9;
	v7 =	vld.idx.msk [tilespmem:v10+s4+$0x0], $0xffff  }
0x636: {  	v42 =	vadd.s32 $0x1448, v6;
	v36 =	vadd.s32 $0x14BE, v6;
	v32 =	vadd.s32 $0x1534, v6;
	[tilespmem:s16+$0x3C10] =	vst v13;
	v8 =	vld.idx.msk [tilespmem:v14+s4+$0x0], $0xffff  }
0x637: {  	v29 =	vadd.s32 $0x15AA, v6;
	v5 =	vadd.s32 $0x5FE, v6;
	v20 =	vadd.s32 $0x11FA, v6;
	[tilespmem:s16+$0x3C00] =	vst v11;
	v11 =	vld.idx.msk [tilespmem:v15+s4+$0x0], $0xffff  }
0x638: {  	v4 =	vadd.s32 $0xBFC, v6;
	v18 =	vadd.s32 $0x12E6, v6;
	v19 =	vadd.s32 $0x1270, v6;
	v12 =	vld.idx.msk [tilespmem:v12+s4+$0x0], $0xffff;
	[tilespmem:s3+$0x7B00] =	vst v16  }
0x639: {  	s2 =	simm.s32 $0x180;
	s1 =	simm.s32 $0x4;
	v6 =	vadd.s32 $0x12E6, v0;
	v10 =	vadd.s32 $0xC72, v1;
	v13 =	vadd.s32 $0x5FE, v2;
	v9 =	vld.idx.msk [tilespmem:v22+s4+$0x0], $0xffff;
	[tilespmem:s0+$0x9E00] =	vst v17  }
.LBB2_9:
0x63a: {  	_ =	sdelay $0x3  }
0x63b: {  	v14 =	vld.idx.msk [tilespmem:v28+s4+$0x0], $0xffff;
	v3 =	vmov v19;
	[tilespmem:s16+$0x3C80] =	vst v12  }
0x63c: {  	s5 =	sshra.s32 s2, $0x2;
	[tilespmem:$0x1FCF0] =	vst v3;
	v3 =	vld [tilespmem:$0x1FFA0]  }
0x63d: {  	v17 =	vld [tilespmem:s5+$0x1680];
	_ =	sdelay $0x1  }
0x63e: {  	[tilespmem:$0x1FE00] =	vst v23  }
0x63f: {  	[tilespmem:s3+$0x7B80] =	vst v9  }
0x640: {  	v5 =	vld.idx.msk [tilespmem:v5+s4+$0x0], $0xffff;
	[tilespmem:s0+$0xBA80] =	vst v14;
	v14 =	vmov v3;
	v3 =	vmov v18  }
0x641: {  	[tilespmem:$0x1FE40] =	vst v3;
	v3 =	vadd.s32 $0x3B0, v17  }
0x642: {  	[tilespmem:$0x1FCE0] =	vst v3;
	v3 =	vadd.s32 $0x426, v17  }
0x643: {  	[tilespmem:$0x1FD50] =	vst v3;
	v3 =	vadd.s32 $0x49C, v17  }
0x644: {  	[tilespmem:$0x1FDB0] =	vst v3;
	v3 =	vadd.s32 $0x512, v17  }
0x645: {  	[tilespmem:$0x1FE30] =	vst v3;
	v3 =	vld [tilespmem:$0x1FF10]  }
0x646: {  	[tilespmem:$0x1FE10] =	vst v24  }
0x647: {  	[tilespmem:$0x1FEC0] =	vst v4;
	v12 =	vld.idx.msk [tilespmem:v55+s4+$0x0], $0xffff  }
0x648: {  	v24 =	vld [tilespmem:s5+$0x1690];
	[tilespmem:s0+$0xBA90] =	vst v7  }
0x649: {  	v4 =	vmov v33;
	[tilespmem:s3+$0x7B90] =	vst v8  }
0x64a: {  	[tilespmem:$0x1FD40] =	vst v4;
	v6 =	vld.idx.msk [tilespmem:v6+s4+$0x0], $0xffff  }
0x64b: {  	v4 =	vld.idx.msk [tilespmem:v25+s4+$0x0], $0xffff;
	[tilespmem:s16+$0x3D00] =	vst v5  }
0x64c: {  	v23 =	vld.idx.msk [tilespmem:v17+s4+$0x0], $0xffff;
	[tilespmem:s3+$0x7C00] =	vst v12  }
0x64d: {  	[tilespmem:s16+$0x3C90] =	vst v11;
	v28 =	vld.idx.msk [tilespmem:v3+s4+$0x0], $0xffff;
	v3 =	vadd.s32 $0x588, v17  }
0x64e: {  	v7 =	vld.idx.msk [tilespmem:v10+s4+$0x0], $0xffff;
	[tilespmem:$0x1FEA0] =	vst v3;
	v3 =	vadd.s32 $0x674, v17  }
0x64f: {  	[tilespmem:$0x1FF10] =	vst v3;
	v3 =	vld [tilespmem:$0x1FFB0]  }
0x650: {  	[tilespmem:$0x1FD20] =	vst v31  }
0x651: {  	v8 =	vld.idx.msk [tilespmem:v13+s4+$0x0], $0xffff;
	[tilespmem:s0+$0xBB10] =	vst v6;
	v6 =	vmov v21  }
0x652: {  	[tilespmem:$0x1FDC0] =	vst v6  }
0x653: {  	[tilespmem:s3+$0x7C10] =	vst v7  }
0x654: {  	[tilespmem:s0+$0xBB00] =	vst v4;
	v4 =	vmov v3;
	v3 =	vadd.s32 $0xA24, v17  }
0x655: {  	v10 =	vadd.s32 $0x135C, v0;
	[tilespmem:$0x1FD00] =	vst v3;
	v3 =	vadd.s32 $0xA9A, v17  }
0x656: {  	[tilespmem:$0x1FD60] =	vst v3;
	v3 =	vadd.s32 $0xB10, v17  }
0x657: {  	[tilespmem:$0x1FDE0] =	vst v3;
	v3 =	vadd.s32 $0xB86, v17  }
0x658: {  	[tilespmem:$0x1FE60] =	vst v3;
	v3 =	vadd.s32 $0xBFC, v17  }
0x659: {  	[tilespmem:$0x1FEE0] =	vst v3;
	v3 =	vadd.s32 $0xC72, v17  }
0x65a: {  	v6 =	vld.idx.msk [tilespmem:v10+s4+$0x0], $0xffff;
	v10 =	vadd.s32 $0x76, v17;
	[tilespmem:$0x1FFA0] =	vst v3;
	v3 =	vadd.s32 $0xCE8, v17  }
0x65b: {  	[tilespmem:$0x1FFB0] =	vst v3;
	v3 =	vld [tilespmem:$0x1FF20]  }
0x65c: {  	[tilespmem:$0x1FDD0] =	vst v60  }
0x65d: {  	[tilespmem:$0x1FE70] =	vst v37;
	v9 =	vadd.s32 $0xCE8, v1  }
0x65e: {  	v31 =	vld.idx.msk [tilespmem:v53+s4+$0x0], $0xffff;
	[tilespmem:s5+$0x1A80] =	vst v23  }
0x65f: {  	[tilespmem:$0x1FE80] =	vst v20;
	v37 =	vld.idx.msk [tilespmem:v10+s4+$0x0], $0xffff  }
0x660: {  	v20 =	vadd.s32 $0xEC, v17;
	[tilespmem:s16+$0x3D10] =	vst v8  }
0x661: {  	v60 =	vadd.s32 $0x6EA, v17;
	[tilespmem:s16+$0x3D80] =	vst v28  }
0x662: {  	v11 =	vadd.s32 $0x674, v2;
	v8 =	vld.idx.msk [tilespmem:v9+s4+$0x0], $0xffff;
	[tilespmem:$0x1FCC0] =	vst v4;
	v4 =	vmov v60  }
0x663: {  	v9 =	vmov v57;
	v57 =	vmov v39;
	v39 =	vld.idx.msk [tilespmem:v3+s4+$0x0], $0xffff;
	[tilespmem:s3+$0x7C80] =	vst v31  }
0x664: {  	v60 =	vmov v42;
	v42 =	vld.idx.msk [tilespmem:v61+s4+$0x0], $0xffff;
	[tilespmem:s5+$0x1B00] =	vst v37  }
0x665: {  	[tilespmem:$0x1FF20] =	vst v4;
	v4 =	vmov v49;
	v49 =	vld.idx.msk [tilespmem:v20+s4+$0x0], $0xffff  }
0x666: {  	v20 =	vld [tilespmem:$0x1FF30]  }
0x667: {  	v15 =	vadd.s32 $0x13D2, v0;
	v13 =	vld.idx.msk [tilespmem:v11+s4+$0x0], $0xffff  }
0x668: {  	[tilespmem:$0x1FD90] =	vst v27;
	v19 =	vadd.s32 $0xD5E, v1;
	v5 =	vadd.s32 $0x12E6, v17  }
0x669: {  	[tilespmem:$0x1FEB0] =	vst v5;
	v16 =	vld.idx.msk [tilespmem:v24+s4+$0x0], $0xffff  }
0x66a: {  	[tilespmem:s0+$0xBB90] =	vst v6  }
0x66b: {  	v25 =	vadd.s32 $0x6EA, v2;
	[tilespmem:s3+$0x7C90] =	vst v8  }
0x66c: {  	v7 =	vmov v48;
	v48 =	vld.idx.msk [tilespmem:v15+s4+$0x0], $0xffff;
	[tilespmem:s16+$0x3D90] =	vst v13  }
0x66d: {  	v13 =	vld.idx.msk [tilespmem:v19+s4+$0x0], $0xffff;
	[tilespmem:s16+$0x3E00] =	vst v39  }
0x66e: {  	v27 =	vadd.s32 $0x76, v24;
	v5 =	vmov v52;
	[tilespmem:s5+$0x1A90] =	vst v16;
	v52 =	vld.idx.msk [tilespmem:v20+s4+$0x0], $0xffff  }
0x66f: {  	[tilespmem:s3+$0x7D00] =	vst v42;
	v42 =	vld [tilespmem:$0x1FEF0]  }
0x670: {  	v19 =	vadd.s32 $0x1448, v0;
	v16 =	vld.idx.msk [tilespmem:v25+s4+$0x0], $0xffff  }
0x671: {  	[tilespmem:$0x1FE50] =	vst v58;
	v58 =	vadd.s32 $0xDD4, v1;
	_ =	sdelay $0x1  }
0x672: {  	v25 =	vld.idx.msk [tilespmem:v27+s4+$0x0], $0xffff;
	[tilespmem:s0+$0xBC10] =	vst v48  }
0x673: {  	v33 =	vadd.s32 $0x162, v17;
	[tilespmem:s3+$0x7D10] =	vst v13  }
0x674: {  	v10 =	vmov v56;
	v56 =	vmov v62;
	v62 =	vmov v45;
	v45 =	vld.idx.msk [tilespmem:v19+s4+$0x0], $0xffff;
	[tilespmem:s16+$0x3E10] =	vst v16  }
0x675: {  	[tilespmem:$0x1FCD0] =	vst v35;
	v35 =	vadd.s32 $0x760, v17;
	v12 =	vmovc v63;
	v63 =	vmov v46;
	v46 =	vld.idx.msk [tilespmem:v58+s4+$0x0], $0xffff;
	v28 =	vadd.s32 $0x760, v2  }
0x676: {  	[tilespmem:$0x1FD70] =	vst v54;
	v54 =	vmov v38;
	v38 =	vadd.s32 $0xEC, v24;
	v20 =	vmov v35;
	v35 =	vld.idx.msk [tilespmem:v42+s4+$0x0], $0xffff  }
0x677: {  	v42 =	vld [tilespmem:$0x1FFC0];
	[tilespmem:s5+$0x1B80] =	vst v49  }
0x678: {  	[tilespmem:s5+$0x1B10] =	vst v25;
	v33 =	vld.idx.msk [tilespmem:v33+s4+$0x0], $0xffff  }
0x679: {  	[tilespmem:s16+$0x5A80] =	vst v52;
	v52 =	vld [tilespmem:$0x1FF40]  }
0x67a: {  	v48 =	vadd.s32 $0x14BE, v0;
	v58 =	vmov v47;
	v47 =	vld.idx.msk [tilespmem:v28+s4+$0x0], $0xffff  }
0x67b: {  	v38 =	vld.idx.msk [tilespmem:v38+s4+$0x0], $0xffff;
	[tilespmem:s0+$0xBC90] =	vst v45;
	v61 =	vadd.s32 $0x11FA, v17;
	v37 =	vadd.s32 $0xE4A, v1  }
0x67c: {  	[tilespmem:s3+$0x7D90] =	vst v46;
	v45 =	vmov v42  }
0x67d: {  	[tilespmem:$0x1FE90] =	vst v61;
	v39 =	vadd.s32 $0x7D6, v2  }
0x67e: {  	v55 =	vmovc v40;
	v40 =	vadd.s32 $0xDD4, v17;
	v61 =	vmov v51;
	v51 =	vadd.s32 $0x162, v24;
	[tilespmem:$0x1FEF0] =	vst v45  }
0x67f: {  	v45 =	vmov v40;
	v40 =	vld.idx.msk [tilespmem:v48+s4+$0x0], $0xffff;
	[tilespmem:s16+$0x5A90] =	vst v47  }
0x680: {  	v37 =	vld.idx.msk [tilespmem:v37+s4+$0x0], $0xffff  }
0x681: {  	[tilespmem:s5+$0x1B90] =	vst v38;
	v48 =	vld.idx.msk [tilespmem:v52+s4+$0x0], $0xffff  }
0x682: {  	[tilespmem:$0x1FD30] =	vst v36;
	v36 =	vadd.s32 $0x7D6, v17;
	v38 =	vld.idx.msk [tilespmem:v39+s4+$0x0], $0xffff;
	v39 =	vadd.s32 $0x1534, v0  }
0x683: {  	[tilespmem:$0x1FFC0] =	vst v45;
	v45 =	vadd.s32 $0xEC0, v1;
	v52 =	vmov v36;
	v42 =	vld.idx.msk [tilespmem:v51+s4+$0x0], $0xffff  }
0x684: {  	v47 =	vadd.s32 $0x1D8, v24;
	[tilespmem:$0x1FF40] =	vst v52  }
0x685: {  	v36 =	vld [tilespmem:$0x1FF00];
	[tilespmem:s0+$0xBD10] =	vst v40  }
0x686: {  	[tilespmem:s3+$0x7E10] =	vst v37  }
0x687: {  	v52 =	vld.idx.msk [tilespmem:v39+s4+$0x0], $0xffff;
	[tilespmem:s16+$0x5B10] =	vst v38  }
0x688: {  	v37 =	vld.idx.msk [tilespmem:v45+s4+$0x0], $0xffff;
	[tilespmem:s5+$0x1C10] =	vst v42  }
0x689: {  	v46 =	vadd.s32 $0x84C, v2;
	v39 =	vadd.s32 $0x15AA, v0;
	v0 =	vmovc v1;
	v1 =	vmovc v2;
	v2 =	vmov v24;
	v24 =	vld.idx.msk [tilespmem:v47+s4+$0x0], $0xffff  }
0x68a: {  	v47 =	vld [tilespmem:$0x1FF50]  }
0x68b: {  	[tilespmem:$0x1FE20] =	vst v29  }
0x68c: {  	v29 =	vadd.s32 $0x1D8, v17;
	[tilespmem:s3+$0x7D80] =	vst v35  }
0x68d: {  	v35 =	vld.idx.msk [tilespmem:v36+s4+$0x0], $0xffff  }
0x68e: {  	v49 =	vld [tilespmem:$0x1FFD0];
	_ =	sdelay $0x1  }
0x68f: {  	[tilespmem:s5+$0x1C00] =	vst v33  }
0x690: {  	v29 =	vld.idx.msk [tilespmem:v29+s4+$0x0], $0xffff;
	[tilespmem:s16+$0x5B00] =	vst v48  }
0x691: {  	v42 =	vld.idx.msk [tilespmem:v47+s4+$0x0], $0xffff;
	[tilespmem:s3+$0x7E00] =	vst v35  }
0x692: {  	v40 =	vmov v49;
	v49 =	vld.idx.msk [tilespmem:v5+s4+$0x0], $0xffff  }
0x693: {  	v5 =	vld [tilespmem:$0x1FFE0];
	_ =	sdelay $0x2  }
0x694: {  	[tilespmem:$0x1FDF0] =	vst v43  }
0x695: {  	[tilespmem:$0x1FD80] =	vst v26;
	v43 =	vadd.s32 $0xEC0, v17  }
0x696: {  	v26 =	vadd.s32 $0x24E, v17;
	v38 =	vld.idx.msk [tilespmem:v46+s4+$0x0], $0xffff;
	[tilespmem:s0+$0xBD90] =	vst v52;
	v52 =	vmov v5;
	v5 =	vmov v43  }
0x697: {  	[tilespmem:$0x1FFE0] =	vst v5;
	v5 =	vld [tilespmem:$0x1FF60]  }
0x698: {  	v33 =	vadd.s32 $0xF36, v0  }
0x699: {  	[tilespmem:$0x1FD10] =	vst v30;
	v46 =	vadd.s32 $0x24E, v2  }
0x69a: {  	[tilespmem:s5+$0x1C80] =	vst v29  }
0x69b: {  	[tilespmem:s3+$0x9A90] =	vst v37;
	v26 =	vld.idx.msk [tilespmem:v26+s4+$0x0], $0xffff  }
0x69c: {  	v43 =	vld.idx.msk [tilespmem:v39+s4+$0x0], $0xffff;
	[tilespmem:s16+$0x5B90] =	vst v38  }
0x69d: {  	v45 =	vadd.s32 $0x8C2, v1;
	v33 =	vld.idx.msk [tilespmem:v33+s4+$0x0], $0xffff;
	[tilespmem:s5+$0x1C90] =	vst v24  }
0x69e: {  	v30 =	vadd.s32 $0x8C2, v17;
	[tilespmem:s16+$0x5B80] =	vst v42;
	v29 =	vld.idx.msk [tilespmem:v46+s4+$0x0], $0xffff  }
0x69f: {  	v46 =	vld.idx.msk [tilespmem:v5+s4+$0x0], $0xffff;
	v5 =	vmov v30  }
0x6a0: {  	[tilespmem:$0x1FF60] =	vst v5;
	v5 =	vld [tilespmem:$0x1FFF0]  }
0x6a1: {  	v3 =	vmov v59;
	v59 =	vmov v41;
	v41 =	vadd.s32 $0xE4A, v17  }
0x6a2: {  	v51 =	vmov v41;
	v24 =	vld.idx.msk [tilespmem:v45+s4+$0x0], $0xffff  }
0x6a3: {  	[tilespmem:$0x1FFD0] =	vst v51;
	v36 =	vadd.s32 $0xFAC, v0  }
0x6a4: {  	v15 =	vmov v44;
	v44 =	vadd.s32 $0xF36, v17;
	v37 =	vadd.s32 $0x938, v1;
	[tilespmem:s0+$0xBE10] =	vst v43  }
0x6a5: {  	[tilespmem:s3+$0x9B10] =	vst v33;
	v51 =	vmov v5;
	v5 =	vmov v44  }
0x6a6: {  	[tilespmem:$0x1FFF0] =	vst v5;
	v5 =	vld [tilespmem:$0x1FF70]  }
0x6a7: {  	[tilespmem:s16+$0x5C10] =	vst v24  }
0x6a8: {  	v21 =	vadd.s32 $0x2C4, v17;
	v24 =	vld.idx.msk [tilespmem:v36+s4+$0x0], $0xffff;
	[tilespmem:s5+$0x1D10] =	vst v29  }
0x6a9: {  	v29 =	vld.idx.msk [tilespmem:v37+s4+$0x0], $0xffff  }
0x6aa: {  	v45 =	vadd.s32 $0x2C4, v2;
	[tilespmem:s3+$0x9A80] =	vst v49;
	v49 =	vmov v3;
	v3 =	vld [tilespmem:$0x1FF80]  }
0x6ab: {  	v30 =	vld.idx.msk [tilespmem:v61+s4+$0x0], $0xffff  }
0x6ac: {  	v47 =	vld.idx.msk [tilespmem:v55+s4+$0x0], $0xffff;
	[tilespmem:s5+$0x1D00] =	vst v26  }
0x6ad: {  	v21 =	vld.idx.msk [tilespmem:v21+s4+$0x0], $0xffff;
	[tilespmem:s16+$0x5C00] =	vst v46  }
0x6ae: {  	v18 =	vadd.s32 $0x33A, v17;
	v43 =	vld.idx.msk [tilespmem:v5+s4+$0x0], $0xffff  }
0x6af: {  	v26 =	vld.idx.msk [tilespmem:v45+s4+$0x0], $0xffff;
	[tilespmem:s3+$0x9B90] =	vst v24  }
0x6b0: {  	v8 =	vadd.s32 $0x938, v17;
	[tilespmem:s3+$0x9B00] =	vst v30  }
0x6b1: {  	v41 =	vmov v7;
	v7 =	vmov v8;
	v8 =	vld.idx.msk [tilespmem:v4+s4+$0x0], $0xffff;
	[tilespmem:s0+$0xBB80] =	vst v47  }
0x6b2: {  	v24 =	vld.idx.msk [tilespmem:v54+s4+$0x0], $0xffff;
	[tilespmem:s5+$0x1D80] =	vst v21  }
0x6b3: {  	v22 =	vadd.s32 $0x9AE, v17;
	v53 =	vmov v34;
	v34 =	vadd.s32 $0x84C, v17;
	v18 =	vld.idx.msk [tilespmem:v18+s4+$0x0], $0xffff;
	[tilespmem:s16+$0x5C80] =	vst v43  }
0x6b4: {  	v48 =	vmov v34;
	v34 =	vadd.s32 $0x1022, v0;
	v33 =	vld.idx.msk [tilespmem:v3+s4+$0x0], $0xffff;
	v3 =	vmov v22  }
0x6b5: {  	[tilespmem:$0x1FF80] =	vst v3;
	v3 =	vld [tilespmem:$0x1FCD0];
	_ =	sdelay $0x2  }
0x6b6: {  	[tilespmem:s16+$0x5C90] =	vst v29  }
0x6b7: {  	v29 =	vld.idx.msk [tilespmem:v34+s4+$0x0], $0xffff  }
0x6b8: {  	v34 =	vmov v3;
	v3 =	vld [tilespmem:$0x1FCE0];
	_ =	sdelay $0x4  }
0x6b9: {  	[tilespmem:s3+$0x9B80] =	vst v8  }
0x6ba: {  	v8 =	vld.idx.msk [tilespmem:v58+s4+$0x0], $0xffff;
	[tilespmem:s0+$0xBC00] =	vst v24  }
0x6bb: {  	v22 =	vld.idx.msk [tilespmem:v53+s4+$0x0], $0xffff;
	[tilespmem:s5+$0x1E00] =	vst v18  }
0x6bc: {  	v55 =	vmov v14;
	v14 =	vld.idx.msk [tilespmem:v3+s4+$0x0], $0xffff  }
0x6bd: {  	v3 =	vld [tilespmem:$0x1FF90]  }
0x6be: {  	v35 =	vadd.s32 $0x9AE, v1  }
0x6bf: {  	v42 =	vadd.s32 $0x33A, v2  }
0x6c0: {  	v4 =	vld [tilespmem:$0x1FD00];
	_ =	sdelay $0x1  }
0x6c1: {  	[tilespmem:s5+$0x1D90] =	vst v26  }
0x6c2: {  	v26 =	vld.idx.msk [tilespmem:v35+s4+$0x0], $0xffff  }
0x6c3: {  	v21 =	vld.idx.msk [tilespmem:v42+s4+$0x0], $0xffff;
	[tilespmem:s16+$0x5D00] =	vst v33  }
0x6c4: {  	[tilespmem:s3+$0x9C10] =	vst v29;
	v29 =	vld.idx.msk [tilespmem:v3+s4+$0x0], $0xffff;
	v3 =	vmov v4  }
0x6c5: {  	[tilespmem:$0x1FF90] =	vst v3;
	v3 =	vld [tilespmem:$0x1FD10];
	_ =	sdelay $0x5  }
0x6c6: {  	v6 =	vadd.s32 $0xD5E, v17;
	[tilespmem:s3+$0x9C00] =	vst v8  }
0x6c7: {  	v39 =	vmov v62;
	v62 =	vmov v6;
	v6 =	vld.idx.msk [tilespmem:v63+s4+$0x0], $0xffff;
	[tilespmem:s0+$0xBC80] =	vst v22  }
0x6c8: {  	v30 =	vadd.s32 $0x1098, v0;
	v8 =	vld.idx.msk [tilespmem:v3+s4+$0x0], $0xffff  }
0x6c9: {  	v3 =	vld [tilespmem:$0x1FD20];
	_ =	sdelay $0x2  }
0x6ca: {  	v31 =	vadd.s32 $0xFAC, v17;
	[tilespmem:s16+$0x5D10] =	vst v26  }
0x6cb: {  	[tilespmem:$0x1FF00] =	vst v40;
	v40 =	vmov v59;
	v59 =	vmov v31;
	v31 =	vadd.s32 $0xA24, v1;
	v24 =	vld.idx.msk [tilespmem:v30+s4+$0x0], $0xffff  }
0x6cc: {  	v30 =	vmov v3;
	v3 =	vld [tilespmem:$0x1FD30];
	_ =	sdelay $0x2  }
0x6cd: {  	[tilespmem:s5+$0x1E10] =	vst v21  }
0x6ce: {  	v21 =	vld.idx.msk [tilespmem:v31+s4+$0x0], $0xffff  }
0x6cf: {  	v31 =	vmov v3;
	v3 =	vld [tilespmem:$0x1FD50];
	_ =	sdelay $0x6  }
0x6d0: {  	v11 =	vadd.s32 $0x5FE, v17;
	[tilespmem:s5+$0x3A80] =	vst v14  }
0x6d1: {  	v5 =	vmov v11;
	v11 =	vld.idx.msk [tilespmem:v3+s4+$0x0], $0xffff  }
0x6d2: {  	v3 =	vld [tilespmem:$0x1FD60];
	_ =	sdelay $0x4  }
0x6d3: {  	v63 =	vmov v3;
	v3 =	vld [tilespmem:$0x1FD70];
	_ =	sdelay $0x4  }
0x6d4: {  	v44 =	vmov v3;
	v3 =	vld [tilespmem:$0x1FD80];
	_ =	sdelay $0x1  }
0x6d5: {  	v25 =	vadd.s32 $0x1270, v17  }
0x6d6: {  	[tilespmem:$0x1FED0] =	vst v25  }
0x6d7: {  	[tilespmem:$0x1FF50] =	vst v48  }
0x6d8: {  	v13 =	vmov v50;
	v50 =	vadd.s32 $0x135C, v17;
	v25 =	vadd.s32 $0x14BE, v17;
	[tilespmem:s16+$0x5D80] =	vst v29  }
0x6d9: {  	v48 =	vmov v50;
	v50 =	vadd.s32 $0x3B0, v2;
	v36 =	vmov v25;
	v25 =	vld.idx.msk [tilespmem:v12+s4+$0x0], $0xffff;
	[tilespmem:s3+$0x9C80] =	vst v6  }
0x6da: {  	v6 =	vld.idx.msk [tilespmem:v15+s4+$0x0], $0xffff;
	[tilespmem:s0+$0xBD00] =	vst v8  }
0x6db: {  	v26 =	vadd.s32 $0x110E, v0;
	v8 =	vld.idx.msk [tilespmem:v3+s4+$0x0], $0xffff  }
0x6dc: {  	v3 =	vld [tilespmem:$0x1FD90];
	_ =	sdelay $0x1  }
0x6dd: {  	v18 =	vld.idx.msk [tilespmem:v50+s4+$0x0], $0xffff;
	[tilespmem:s3+$0x9C90] =	vst v24  }
0x6de: {  	v27 =	vadd.s32 $0x1022, v17;
	[tilespmem:s16+$0x5D90] =	vst v21  }
0x6df: {  	[tilespmem:$0x1FDA0] =	vst v32;
	v38 =	vmov v57;
	v57 =	vmov v27;
	v27 =	vadd.s32 $0xA9A, v1;
	v21 =	vld.idx.msk [tilespmem:v26+s4+$0x0], $0xffff  }
0x6e0: {  	v26 =	vmov v3;
	v3 =	vld [tilespmem:$0x1FDA0];
	_ =	sdelay $0x2  }
0x6e1: {  	[tilespmem:s5+$0x3A90] =	vst v18  }
0x6e2: {  	v18 =	vld.idx.msk [tilespmem:v27+s4+$0x0], $0xffff  }
0x6e3: {  	v27 =	vmov v3;
	v3 =	vld [tilespmem:$0x1FDB0];
	_ =	sdelay $0x6  }
0x6e4: {  	[tilespmem:s5+$0x3B00] =	vst v11  }
0x6e5: {  	v47 =	vmov v9;
	v9 =	vld.idx.msk [tilespmem:v3+s4+$0x0], $0xffff  }
0x6e6: {  	v3 =	vld [tilespmem:$0x1FDD0]  }
0x6e7: {  	v28 =	vadd.s32 $0x1448, v17  }
0x6e8: {  	v42 =	vmov v28;
	v28 =	vadd.s32 $0x426, v2;
	_ =	sdelay $0x4  }
0x6e9: {  	v14 =	vld.idx.msk [tilespmem:v28+s4+$0x0], $0xffff;
	[tilespmem:s16+$0x5E00] =	vst v25  }
0x6ea: {  	[tilespmem:s3+$0x9D10] =	vst v21;
	v21 =	vld.idx.msk [tilespmem:v3+s4+$0x0], $0xffff  }
0x6eb: {  	v3 =	vld [tilespmem:$0x1FDE0];
	_ =	sdelay $0x4  }
0x6ec: {  	v35 =	vmov v60;
	v60 =	vmov v3;
	v3 =	vld [tilespmem:$0x1FDF0];
	_ =	sdelay $0x6  }
0x6ed: {  	[tilespmem:s3+$0x9D00] =	vst v6  }
0x6ee: {  	v6 =	vld.idx.msk [tilespmem:v3+s4+$0x0], $0xffff  }
0x6ef: {  	v3 =	vld [tilespmem:$0x1FE00];
	_ =	sdelay $0x6  }
0x6f0: {  	v23 =	vadd.s32 $0x1098, v17;
	v22 =	vadd.s32 $0x1184, v0;
	[tilespmem:s0+$0xBD80] =	vst v8  }
0x6f1: {  	v61 =	vmov v56;
	v56 =	vmov v23;
	v23 =	vadd.s32 $0xB10, v1;
	v8 =	vld.idx.msk [tilespmem:v3+s4+$0x0], $0xffff  }
0x6f2: {  	v3 =	vld [tilespmem:$0x1FE10];
	_ =	sdelay $0x1  }
0x6f3: {  	[tilespmem:s16+$0x5E10] =	vst v18  }
0x6f4: {  	v15 =	vld.idx.msk [tilespmem:v22+s4+$0x0], $0xffff;
	[tilespmem:s5+$0x3B10] =	vst v14  }
0x6f5: {  	v24 =	vadd.s32 $0x49C, v2;
	v14 =	vld.idx.msk [tilespmem:v23+s4+$0x0], $0xffff  }
0x6f6: {  	v23 =	vmov v3;
	v3 =	vld [tilespmem:$0x1FE20];
	_ =	sdelay $0x3  }
0x6f7: {  	v11 =	vld.idx.msk [tilespmem:v24+s4+$0x0], $0xffff  }
0x6f8: {  	v24 =	vmov v3;
	v3 =	vld [tilespmem:$0x1FE30];
	_ =	sdelay $0x6  }
0x6f9: {  	[tilespmem:s5+$0x3B80] =	vst v9  }
0x6fa: {  	[tilespmem:s3+$0x9D90] =	vst v15;
	v15 =	vld.idx.msk [tilespmem:v3+s4+$0x0], $0xffff  }
0x6fb: {  	v3 =	vld [tilespmem:$0x1FE50];
	_ =	sdelay $0x1  }
0x6fc: {  	v18 =	vadd.s32 $0x11FA, v0;
	_ =	sdelay $0x3  }
0x6fd: {  	[tilespmem:s16+$0x7A90] =	vst v14  }
0x6fe: {  	v12 =	vld.idx.msk [tilespmem:v18+s4+$0x0], $0xffff;
	[tilespmem:s16+$0x7A80] =	vst v21  }
0x6ff: {  	v18 =	vld.idx.msk [tilespmem:v3+s4+$0x0], $0xffff  }
0x700: {  	v3 =	vld [tilespmem:$0x1FE60];
	_ =	sdelay $0x4  }
0x701: {  	v58 =	vmov v3;
	v3 =	vld [tilespmem:$0x1FE70]  }
0x702: {  	v19 =	vadd.s32 $0x110E, v17  }
0x703: {  	v54 =	vmov v19;
	v19 =	vadd.s32 $0xB86, v1;
	_ =	sdelay $0x3  }
0x704: {  	[tilespmem:s5+$0x3B90] =	vst v11  }
0x705: {  	v11 =	vld.idx.msk [tilespmem:v19+s4+$0x0], $0xffff;
	[tilespmem:s3+$0x9D80] =	vst v6  }
0x706: {  	v19 =	vld.idx.msk [tilespmem:v3+s4+$0x0], $0xffff  }
0x707: {  	v3 =	vld [tilespmem:$0x1FE80]  }
0x708: {  	v32 =	vadd.s32 $0x13D2, v17;
	_ =	sdelay $0x1  }
0x709: {  	[tilespmem:$0x1FF30] =	vst v20;
	v20 =	vadd.s32 $0x1534, v17  }
0x70a: {  	v45 =	vmov v32;
	v32 =	vmov v20;
	v20 =	vadd.s32 $0x512, v2  }
0x70b: {  	v37 =	vmov v3;
	v3 =	vld [tilespmem:$0x1FE90];
	_ =	sdelay $0x3  }
0x70c: {  	v9 =	vld.idx.msk [tilespmem:v20+s4+$0x0], $0xffff  }
0x70d: {  	v20 =	vmov v3;
	v3 =	vld [tilespmem:$0x1FEA0];
	_ =	sdelay $0x5  }
0x70e: {  	[tilespmem:s0+$0xBE00] =	vst v8;
	s0 =	smov.u32 s3;
	s3 =	smov.u32 s16;
	s16 =	smov.u32 s5  }
0x70f: {  	[tilespmem:s16+$0x3C00] =	vst v15  }
0x710: {  	[tilespmem:s0+$0x9E10] =	vst v12;
	v12 =	vld.idx.msk [tilespmem:v3+s4+$0x0], $0xffff  }
0x711: {  	v3 =	vld [tilespmem:$0x1FEC0];
	_ =	sdelay $0x1  }
0x712: {  	v14 =	vadd.s32 $0x1270, v0  }
0x713: {  	v53 =	vld [tilespmem:$0x1FCC0]  }
0x714: {  	v33 =	vld [tilespmem:$0x1FCF0]  }
0x715: {  	v16 =	vadd.s32 $0x1184, v17;
	[tilespmem:$0x1FF70] =	vst v7;
	v28 =	vld [tilespmem:$0x1FD40]  }
0x716: {  	v17 =	vadd.s32 $0x15AA, v17;
	v50 =	vmov v16;
	v16 =	vadd.s32 $0xBFC, v1;
	v25 =	vld [tilespmem:$0x1FDC0];
	[tilespmem:s3+$0x7B10] =	vst v11  }
0x717: {  	v29 =	vmov v17;
	v17 =	vadd.s32 $0x588, v2;
	v7 =	vld.idx.msk [tilespmem:v14+s4+$0x0], $0xffff;
	[tilespmem:s3+$0x7B00] =	vst v18  }
0x718: {  	s1 =	sadd.s32 $0x2, s1;
	[tilespmem:s16+$0x3C10] =	vst v9;
	v9 =	vld.idx.msk [tilespmem:v3+s4+$0x0], $0xffff  }
0x719: {  	p1 =	slt.u32 s1, $0x6;
	v3 =	vld [tilespmem:$0x1FEE0]  }
.Ltmp6:
0x71a: {  	v21 =	vld [tilespmem:$0x1FE40];
	(pc) =	sbr.rel @p1 .LBB2_9-.Ltmp6, $4  }
0x71b: {  	v8 =	vld.idx.msk [tilespmem:v16+s4+$0x0], $0xffff  }
0x71c: {  	v11 =	vld.idx.msk [tilespmem:v17+s4+$0x0], $0xffff  }
0x71d: {  	v46 =	vmov v10;
	v18 =	vld [tilespmem:$0x1FEB0]  }
0x71e: {  	s2 =	sadd.s32 $0x80, s2;
	v10 =	vadd.s32 $0xC72, v1;
	v43 =	vmovc v13;
	v13 =	vadd.s32 $0x5FE, v2;
	v6 =	vadd.s32 $0x12E6, v0;
	[tilespmem:s0+$0x9E00] =	vst v19;
	v19 =	vld [tilespmem:$0x1FED0];
	v4 =	vmovc v3  }
0x71f: {  	_ =	sdelay $0x2  }
0x720: {  	[tilespmem:s16+$0x3C90] =	vst v11  }
0x721: {  	[tilespmem:s16+$0x3C80] =	vst v12;
	v11 =	vld.idx.msk [tilespmem:v13+s4+$0x0], $0xffff  }
0x722: {  	v3 =	vadd.s32 $0x674, v2;
	v5 =	vld.idx.msk [tilespmem:v5+s4+$0x0], $0xffff;
	_ =	sdelay $0x3  }
0x723: {  	[tilespmem:s16+$0x3D10] =	vst v11  }
0x724: {  	[tilespmem:s16+$0x3D00] =	vst v5;
	v12 =	vld.idx.msk [tilespmem:v3+s4+$0x0], $0xffff  }
0x725: {  	v3 =	vld [tilespmem:$0x1FF10];
	_ =	sdelay $0x7  }
0x726: {  	v3 =	vld.idx.msk [tilespmem:v3+s4+$0x0], $0xffff;
	_ =	sdelay $0x3  }
0x727: {  	[tilespmem:s16+$0x3D90] =	vst v12  }
0x728: {  	[tilespmem:s16+$0x3D80] =	vst v3  }
0x729: {  	v5 =	vld [tilespmem:$0x1FF20];
	_ =	sdelay $0x1  }
0x72a: {  	v13 =	vadd.s32 $0x6EA, v2;
	_ =	sdelay $0x4  }
0x72b: {  	v14 =	vld.idx.msk [tilespmem:v13+s4+$0x0], $0xffff  }
0x72c: {  	v5 =	vld.idx.msk [tilespmem:v5+s4+$0x0], $0xffff;
	_ =	sdelay $0x3  }
0x72d: {  	[tilespmem:s16+$0x3E10] =	vst v14  }
0x72e: {  	[tilespmem:s16+$0x3E00] =	vst v5  }
0x72f: {  	v5 =	vld [tilespmem:$0x1FF30];
	_ =	sdelay $0x1  }
0x730: {  	v15 =	vadd.s32 $0x760, v2;
	_ =	sdelay $0x4  }
0x731: {  	v3 =	vld.idx.msk [tilespmem:v15+s4+$0x0], $0xffff  }
0x732: {  	v5 =	vld.idx.msk [tilespmem:v5+s4+$0x0], $0xffff;
	_ =	sdelay $0x3  }
0x733: {  	[tilespmem:s16+$0x5A90] =	vst v3  }
0x734: {  	[tilespmem:s16+$0x5A80] =	vst v5  }
0x735: {  	v5 =	vld [tilespmem:$0x1FF40];
	_ =	sdelay $0x1  }
0x736: {  	v16 =	vadd.s32 $0x7D6, v2;
	_ =	sdelay $0x4  }
0x737: {  	v3 =	vld.idx.msk [tilespmem:v16+s4+$0x0], $0xffff  }
0x738: {  	v5 =	vld.idx.msk [tilespmem:v5+s4+$0x0], $0xffff;
	_ =	sdelay $0x3  }
0x739: {  	[tilespmem:s16+$0x5B10] =	vst v3  }
0x73a: {  	[tilespmem:s16+$0x5B00] =	vst v5  }
0x73b: {  	v5 =	vld [tilespmem:$0x1FF50];
	_ =	sdelay $0x1  }
0x73c: {  	v17 =	vadd.s32 $0x84C, v2;
	_ =	sdelay $0x4  }
0x73d: {  	v3 =	vld.idx.msk [tilespmem:v17+s4+$0x0], $0xffff  }
0x73e: {  	v5 =	vld.idx.msk [tilespmem:v5+s4+$0x0], $0xffff;
	_ =	sdelay $0x3  }
0x73f: {  	[tilespmem:s16+$0x5B90] =	vst v3  }
0x740: {  	[tilespmem:s16+$0x5B80] =	vst v5  }
0x741: {  	v5 =	vld [tilespmem:$0x1FF60];
	_ =	sdelay $0x1  }
0x742: {  	v22 =	vadd.s32 $0x8C2, v2;
	_ =	sdelay $0x4  }
0x743: {  	v3 =	vld.idx.msk [tilespmem:v22+s4+$0x0], $0xffff  }
0x744: {  	v5 =	vld.idx.msk [tilespmem:v5+s4+$0x0], $0xffff;
	_ =	sdelay $0x3  }
0x745: {  	[tilespmem:s16+$0x5C10] =	vst v3  }
0x746: {  	[tilespmem:s16+$0x5C00] =	vst v5  }
0x747: {  	v5 =	vld [tilespmem:$0x1FF70];
	_ =	sdelay $0x1  }
0x748: {  	v12 =	vadd.s32 $0x938, v2;
	_ =	sdelay $0x4  }
0x749: {  	v3 =	vld.idx.msk [tilespmem:v12+s4+$0x0], $0xffff  }
0x74a: {  	v5 =	vld.idx.msk [tilespmem:v5+s4+$0x0], $0xffff;
	_ =	sdelay $0x3  }
0x74b: {  	[tilespmem:s16+$0x5C90] =	vst v3  }
0x74c: {  	[tilespmem:s16+$0x5C80] =	vst v5  }
0x74d: {  	v5 =	vld [tilespmem:$0x1FF80];
	_ =	sdelay $0x1  }
0x74e: {  	v13 =	vadd.s32 $0x9AE, v2;
	_ =	sdelay $0x4  }
0x74f: {  	v3 =	vld.idx.msk [tilespmem:v13+s4+$0x0], $0xffff  }
0x750: {  	v5 =	vld.idx.msk [tilespmem:v5+s4+$0x0], $0xffff;
	_ =	sdelay $0x3  }
0x751: {  	[tilespmem:s16+$0x5D10] =	vst v3  }
0x752: {  	[tilespmem:s16+$0x5D00] =	vst v5  }
0x753: {  	v5 =	vld [tilespmem:$0x1FF90];
	_ =	sdelay $0x1  }
0x754: {  	v14 =	vadd.s32 $0xA24, v2;
	_ =	sdelay $0x4  }
0x755: {  	v3 =	vld.idx.msk [tilespmem:v14+s4+$0x0], $0xffff  }
0x756: {  	v15 =	vadd.s32 $0xA9A, v2;
	v5 =	vld.idx.msk [tilespmem:v5+s4+$0x0], $0xffff;
	_ =	sdelay $0x3  }
0x757: {  	[tilespmem:s16+$0x5D90] =	vst v3  }
0x758: {  	v3 =	vld.idx.msk [tilespmem:v15+s4+$0x0], $0xffff;
	[tilespmem:s16+$0x5D80] =	vst v5  }
0x759: {  	v16 =	vadd.s32 $0xB10, v2;
	v17 =	vld.idx.msk [tilespmem:v63+s4+$0x0], $0xffff;
	_ =	sdelay $0x3  }
0x75a: {  	[tilespmem:s16+$0x5E10] =	vst v3  }
0x75b: {  	v3 =	vld.idx.msk [tilespmem:v16+s4+$0x0], $0xffff;
	[tilespmem:s16+$0x5E00] =	vst v17  }
0x75c: {  	v22 =	vadd.s32 $0xB86, v2;
	v11 =	vld.idx.msk [tilespmem:v60+s4+$0x0], $0xffff;
	_ =	sdelay $0x3  }
0x75d: {  	[tilespmem:s16+$0x7A90] =	vst v3  }
0x75e: {  	v3 =	vld.idx.msk [tilespmem:v22+s4+$0x0], $0xffff;
	[tilespmem:s16+$0x7A80] =	vst v11  }
0x75f: {  	v63 =	vadd.s32 $0xBFC, v2;
	v11 =	vld.idx.msk [tilespmem:v58+s4+$0x0], $0xffff;
	_ =	sdelay $0x3  }
0x760: {  	[tilespmem:s16+$0x7B10] =	vst v3  }
0x761: {  	v3 =	vld.idx.msk [tilespmem:v63+s4+$0x0], $0xffff;
	[tilespmem:s16+$0x7B00] =	vst v11  }
0x762: {  	v11 =	vld.idx.msk [tilespmem:v4+s4+$0x0], $0xffff;
	_ =	sdelay $0x1  }
0x763: {  	[tilespmem:s3+$0x7B90] =	vst v8  }
0x764: {  	[tilespmem:s3+$0x7B80] =	vst v9  }
0x765: {  	[tilespmem:s16+$0x7B90] =	vst v3  }
0x766: {  	[tilespmem:s16+$0x7B80] =	vst v11  }
0x767: {  	v15 =	vld [tilespmem:$0x1FFA0];
	_ =	sdelay $0x1  }
0x768: {  	v12 =	vadd.s32 $0xC72, v2;
	_ =	sdelay $0x2  }
0x769: {  	v8 =	vld.idx.msk [tilespmem:v10+s4+$0x0], $0xffff  }
0x76a: {  	v9 =	vld.idx.msk [tilespmem:v55+s4+$0x0], $0xffff  }
0x76b: {  	v5 =	vld.idx.msk [tilespmem:v12+s4+$0x0], $0xffff  }
0x76c: {  	v4 =	vld.idx.msk [tilespmem:v15+s4+$0x0], $0xffff;
	_ =	sdelay $0x1  }
0x76d: {  	[tilespmem:s3+$0x7C10] =	vst v8  }
0x76e: {  	[tilespmem:s3+$0x7C00] =	vst v9  }
0x76f: {  	[tilespmem:s16+$0x7C10] =	vst v5  }
0x770: {  	[tilespmem:s16+$0x7C00] =	vst v4  }
0x771: {  	v13 =	vadd.s32 $0xCE8, v1;
	v55 =	vld [tilespmem:$0x1FFB0];
	_ =	sdelay $0x1  }
0x772: {  	v14 =	vadd.s32 $0xCE8, v2;
	_ =	sdelay $0x2  }
0x773: {  	v3 =	vld.idx.msk [tilespmem:v13+s4+$0x0], $0xffff  }
0x774: {  	v16 =	vadd.s32 $0xD5E, v1;
	v17 =	vld.idx.msk [tilespmem:v53+s4+$0x0], $0xffff  }
0x775: {  	v22 =	vld.idx.msk [tilespmem:v14+s4+$0x0], $0xffff  }
0x776: {  	v53 =	vadd.s32 $0xD5E, v2;
	v10 =	vld.idx.msk [tilespmem:v55+s4+$0x0], $0xffff;
	_ =	sdelay $0x1  }
0x777: {  	[tilespmem:s3+$0x7C90] =	vst v3  }
0x778: {  	[tilespmem:s3+$0x7C80] =	vst v17;
	v3 =	vld.idx.msk [tilespmem:v16+s4+$0x0], $0xffff  }
0x779: {  	[tilespmem:s16+$0x7C90] =	vst v22;
	v8 =	vld.idx.msk [tilespmem:v61+s4+$0x0], $0xffff  }
0x77a: {  	v4 =	vld.idx.msk [tilespmem:v53+s4+$0x0], $0xffff;
	[tilespmem:s16+$0x7C80] =	vst v10  }
0x77b: {  	v10 =	vld.idx.msk [tilespmem:v62+s4+$0x0], $0xffff;
	_ =	sdelay $0x1  }
0x77c: {  	[tilespmem:s3+$0x7D10] =	vst v3  }
0x77d: {  	[tilespmem:s3+$0x7D00] =	vst v8  }
0x77e: {  	[tilespmem:s16+$0x7D10] =	vst v4  }
0x77f: {  	v62 =	vld [tilespmem:$0x1FEF0];
	[tilespmem:s16+$0x7D00] =	vst v10  }
0x780: {  	v58 =	vadd.s32 $0xDD4, v1;
	v10 =	vld [tilespmem:$0x1FFC0]  }
0x781: {  	v60 =	vadd.s32 $0xDD4, v2;
	_ =	sdelay $0x3  }
0x782: {  	v3 =	vld.idx.msk [tilespmem:v58+s4+$0x0], $0xffff  }
0x783: {  	v63 =	vld.idx.msk [tilespmem:v60+s4+$0x0], $0xffff  }
0x784: {  	v5 =	vld.idx.msk [tilespmem:v62+s4+$0x0], $0xffff  }
0x785: {  	v10 =	vld.idx.msk [tilespmem:v10+s4+$0x0], $0xffff;
	_ =	sdelay $0x1  }
0x786: {  	[tilespmem:s3+$0x7D90] =	vst v3  }
0x787: {  	[tilespmem:s16+$0x7D90] =	vst v63  }
0x788: {  	[tilespmem:s3+$0x7D80] =	vst v5  }
0x789: {  	v5 =	vld [tilespmem:$0x1FF00];
	[tilespmem:s16+$0x7D80] =	vst v10  }
0x78a: {  	v61 =	vadd.s32 $0xE4A, v1;
	v10 =	vld [tilespmem:$0x1FFD0]  }
0x78b: {  	v12 =	vadd.s32 $0xE4A, v2;
	_ =	sdelay $0x3  }
0x78c: {  	v3 =	vld.idx.msk [tilespmem:v61+s4+$0x0], $0xffff  }
0x78d: {  	v8 =	vld.idx.msk [tilespmem:v12+s4+$0x0], $0xffff  }
0x78e: {  	v5 =	vld.idx.msk [tilespmem:v5+s4+$0x0], $0xffff  }
0x78f: {  	v10 =	vld.idx.msk [tilespmem:v10+s4+$0x0], $0xffff;
	_ =	sdelay $0x1  }
0x790: {  	[tilespmem:s3+$0x7E10] =	vst v3  }
0x791: {  	[tilespmem:s16+$0x7E10] =	vst v8  }
0x792: {  	[tilespmem:s3+$0x7E00] =	vst v5  }
0x793: {  	[tilespmem:s16+$0x7E00] =	vst v10  }
0x794: {  	v13 =	vadd.s32 $0xEC0, v1;
	v10 =	vld [tilespmem:$0x1FFE0];
	_ =	sdelay $0x1  }
0x795: {  	v14 =	vadd.s32 $0xEC0, v2;
	_ =	sdelay $0x2  }
0x796: {  	v3 =	vld.idx.msk [tilespmem:v13+s4+$0x0], $0xffff  }
0x797: {  	v5 =	vld.idx.msk [tilespmem:v52+s4+$0x0], $0xffff  }
0x798: {  	v8 =	vld.idx.msk [tilespmem:v14+s4+$0x0], $0xffff  }
0x799: {  	v10 =	vld.idx.msk [tilespmem:v10+s4+$0x0], $0xffff;
	_ =	sdelay $0x1  }
0x79a: {  	[tilespmem:s3+$0x9A90] =	vst v3  }
0x79b: {  	[tilespmem:s3+$0x9A80] =	vst v5  }
0x79c: {  	[tilespmem:s16+$0x9A90] =	vst v8  }
0x79d: {  	[tilespmem:s16+$0x9A80] =	vst v10  }
0x79e: {  	v15 =	vadd.s32 $0xF36, v1;
	v10 =	vld [tilespmem:$0x1FFF0]  }
0x79f: {  	v16 =	vadd.s32 $0xF36, v2;
	_ =	sdelay $0x1  }
0x7a0: {  	v5 =	vld.idx.msk [tilespmem:v51+s4+$0x0], $0xffff;
	_ =	sdelay $0x1  }
0x7a1: {  	v3 =	vld.idx.msk [tilespmem:v15+s4+$0x0], $0xffff  }
0x7a2: {  	v17 =	vadd.s32 $0xFAC, v1;
	v8 =	vld.idx.msk [tilespmem:v16+s4+$0x0], $0xffff  }
0x7a3: {  	v22 =	vadd.s32 $0xFAC, v2  }
0x7a4: {  	[tilespmem:s3+$0x9B00] =	vst v5;
	v10 =	vld.idx.msk [tilespmem:v10+s4+$0x0], $0xffff  }
0x7a5: {  	v5 =	vld.idx.msk [tilespmem:v49+s4+$0x0], $0xffff  }
0x7a6: {  	[tilespmem:s3+$0x9B10] =	vst v3  }
0x7a7: {  	[tilespmem:s16+$0x9B10] =	vst v8;
	v3 =	vld.idx.msk [tilespmem:v17+s4+$0x0], $0xffff  }
0x7a8: {  	v51 =	vadd.s32 $0x1022, v1;
	v8 =	vld.idx.msk [tilespmem:v22+s4+$0x0], $0xffff  }
0x7a9: {  	v52 =	vadd.s32 $0x1022, v2;
	[tilespmem:s16+$0x9B00] =	vst v10  }
0x7aa: {  	[tilespmem:s3+$0x9B80] =	vst v5;
	v10 =	vld.idx.msk [tilespmem:v59+s4+$0x0], $0xffff  }
0x7ab: {  	v5 =	vld.idx.msk [tilespmem:v47+s4+$0x0], $0xffff  }
0x7ac: {  	[tilespmem:s3+$0x9B90] =	vst v3  }
0x7ad: {  	[tilespmem:s16+$0x9B90] =	vst v8;
	v3 =	vld.idx.msk [tilespmem:v51+s4+$0x0], $0xffff  }
0x7ae: {  	v53 =	vadd.s32 $0x1098, v1;
	v8 =	vld.idx.msk [tilespmem:v52+s4+$0x0], $0xffff  }
0x7af: {  	v55 =	vadd.s32 $0x1098, v2;
	[tilespmem:s16+$0x9B80] =	vst v10  }
0x7b0: {  	[tilespmem:s3+$0x9C00] =	vst v5;
	v10 =	vld.idx.msk [tilespmem:v57+s4+$0x0], $0xffff  }
0x7b1: {  	v5 =	vld.idx.msk [tilespmem:v46+s4+$0x0], $0xffff  }
0x7b2: {  	[tilespmem:s3+$0x9C10] =	vst v3  }
0x7b3: {  	[tilespmem:s16+$0x9C10] =	vst v8;
	v3 =	vld.idx.msk [tilespmem:v53+s4+$0x0], $0xffff  }
0x7b4: {  	v58 =	vadd.s32 $0x110E, v1;
	v8 =	vld.idx.msk [tilespmem:v55+s4+$0x0], $0xffff  }
0x7b5: {  	v59 =	vadd.s32 $0x110E, v2;
	[tilespmem:s16+$0x9C00] =	vst v10  }
0x7b6: {  	[tilespmem:s3+$0x9C80] =	vst v5;
	v10 =	vld.idx.msk [tilespmem:v56+s4+$0x0], $0xffff  }
0x7b7: {  	v5 =	vld.idx.msk [tilespmem:v44+s4+$0x0], $0xffff  }
0x7b8: {  	[tilespmem:s3+$0x9C90] =	vst v3  }
0x7b9: {  	[tilespmem:s16+$0x9C90] =	vst v8;
	v3 =	vld.idx.msk [tilespmem:v58+s4+$0x0], $0xffff  }
0x7ba: {  	v60 =	vadd.s32 $0x1184, v1;
	v8 =	vld.idx.msk [tilespmem:v59+s4+$0x0], $0xffff  }
0x7bb: {  	v61 =	vadd.s32 $0x1184, v2;
	[tilespmem:s16+$0x9C80] =	vst v10  }
0x7bc: {  	[tilespmem:s3+$0x9D00] =	vst v5;
	v10 =	vld.idx.msk [tilespmem:v54+s4+$0x0], $0xffff  }
0x7bd: {  	v5 =	vld.idx.msk [tilespmem:v43+s4+$0x0], $0xffff  }
0x7be: {  	[tilespmem:s3+$0x9D10] =	vst v3  }
0x7bf: {  	[tilespmem:s16+$0x9D10] =	vst v8;
	v3 =	vld.idx.msk [tilespmem:v60+s4+$0x0], $0xffff  }
0x7c0: {  	v62 =	vadd.s32 $0x11FA, v1;
	v8 =	vld.idx.msk [tilespmem:v61+s4+$0x0], $0xffff  }
0x7c1: {  	v63 =	vadd.s32 $0x11FA, v2;
	[tilespmem:s16+$0x9D00] =	vst v10  }
0x7c2: {  	[tilespmem:s3+$0x9D80] =	vst v5;
	v10 =	vld.idx.msk [tilespmem:v50+s4+$0x0], $0xffff  }
0x7c3: {  	v5 =	vld.idx.msk [tilespmem:v37+s4+$0x0], $0xffff  }
0x7c4: {  	[tilespmem:s3+$0x9D90] =	vst v3  }
0x7c5: {  	[tilespmem:s16+$0x9D90] =	vst v8;
	v3 =	vld.idx.msk [tilespmem:v62+s4+$0x0], $0xffff  }
0x7c6: {  	v12 =	vadd.s32 $0x1270, v1;
	v8 =	vld.idx.msk [tilespmem:v63+s4+$0x0], $0xffff  }
0x7c7: {  	v13 =	vadd.s32 $0x1270, v2;
	[tilespmem:s16+$0x9D80] =	vst v10  }
0x7c8: {  	[tilespmem:s3+$0x9E00] =	vst v5;
	v10 =	vld.idx.msk [tilespmem:v20+s4+$0x0], $0xffff  }
0x7c9: {  	v16 =	vld.idx.msk [tilespmem:v33+s4+$0x0], $0xffff  }
0x7ca: {  	v14 =	vld.idx.msk [tilespmem:v28+s4+$0x0], $0xffff;
	[tilespmem:s3+$0x9E10] =	vst v3  }
0x7cb: {  	[tilespmem:s16+$0x9E10] =	vst v8;
	v4 =	vld.idx.msk [tilespmem:v12+s4+$0x0], $0xffff  }
0x7cc: {  	v15 =	vadd.s32 $0x12E6, v1;
	v9 =	vld.idx.msk [tilespmem:v13+s4+$0x0], $0xffff  }
0x7cd: {  	v17 =	vadd.s32 $0x12E6, v2;
	[tilespmem:s16+$0x9E00] =	vst v10  }
0x7ce: {  	[tilespmem:s3+$0xBA80] =	vst v16;
	v10 =	vld.idx.msk [tilespmem:v19+s4+$0x0], $0xffff  }
0x7cf: {  	[tilespmem:s0+$0xBA80] =	vst v14;
	v28 =	vld.idx.msk [tilespmem:v21+s4+$0x0], $0xffff  }
0x7d0: {  	v22 =	vld.idx.msk [tilespmem:v25+s4+$0x0], $0xffff;
	[tilespmem:s3+$0xBA90] =	vst v4  }
0x7d1: {  	[tilespmem:s16+$0xBA90] =	vst v9;
	v5 =	vld.idx.msk [tilespmem:v15+s4+$0x0], $0xffff  }
0x7d2: {  	[tilespmem:s0+$0xBA90] =	vst v7;
	v25 =	vadd.s32 $0x135C, v1;
	v7 =	vld.idx.msk [tilespmem:v17+s4+$0x0], $0xffff  }
0x7d3: {  	v33 =	vadd.s32 $0x135C, v2;
	v19 =	vld.idx.msk [tilespmem:v6+s4+$0x0], $0xffff;
	[tilespmem:s16+$0xBA80] =	vst v10  }
0x7d4: {  	v20 =	vadd.s32 $0x135C, v0;
	[tilespmem:s3+$0xBB00] =	vst v28;
	v10 =	vld.idx.msk [tilespmem:v18+s4+$0x0], $0xffff  }
0x7d5: {  	[tilespmem:s0+$0xBB00] =	vst v22;
	v9 =	vld.idx.msk [tilespmem:v41+s4+$0x0], $0xffff  }
0x7d6: {  	[tilespmem:s3+$0xBB10] =	vst v5;
	v6 =	vld.idx.msk [tilespmem:v40+s4+$0x0], $0xffff  }
0x7d7: {  	[tilespmem:s16+$0xBB10] =	vst v7;
	v8 =	vld.idx.msk [tilespmem:v25+s4+$0x0], $0xffff  }
0x7d8: {  	v43 =	vadd.s32 $0x13D2, v1;
	v3 =	vld.idx.msk [tilespmem:v33+s4+$0x0], $0xffff;
	[tilespmem:s0+$0xBB10] =	vst v19  }
0x7d9: {  	v44 =	vadd.s32 $0x13D2, v2;
	v4 =	vld.idx.msk [tilespmem:v20+s4+$0x0], $0xffff;
	[tilespmem:s16+$0xBB00] =	vst v10  }
0x7da: {  	v37 =	vadd.s32 $0x13D2, v0;
	[tilespmem:s3+$0xBB80] =	vst v9;
	v10 =	vld.idx.msk [tilespmem:v48+s4+$0x0], $0xffff  }
0x7db: {  	[tilespmem:s0+$0xBB80] =	vst v6;
	v9 =	vld.idx.msk [tilespmem:v39+s4+$0x0], $0xffff  }
0x7dc: {  	[tilespmem:s3+$0xBB90] =	vst v8;
	v47 =	vld.idx.msk [tilespmem:v38+s4+$0x0], $0xffff  }
0x7dd: {  	[tilespmem:s16+$0xBB90] =	vst v3;
	v7 =	vld.idx.msk [tilespmem:v43+s4+$0x0], $0xffff  }
0x7de: {  	[tilespmem:s0+$0xBB90] =	vst v4;
	v4 =	vld.idx.msk [tilespmem:v44+s4+$0x0], $0xffff;
	v48 =	vadd.s32 $0x1448, v1  }
0x7df: {  	v49 =	vadd.s32 $0x1448, v2;
	v5 =	vld.idx.msk [tilespmem:v37+s4+$0x0], $0xffff;
	[tilespmem:s16+$0xBB80] =	vst v10  }
0x7e0: {  	v46 =	vadd.s32 $0x1448, v0;
	[tilespmem:s3+$0xBC00] =	vst v9;
	v10 =	vld.idx.msk [tilespmem:v45+s4+$0x0], $0xffff  }
0x7e1: {  	[tilespmem:s0+$0xBC00] =	vst v47;
	v9 =	vld.idx.msk [tilespmem:v35+s4+$0x0], $0xffff  }
0x7e2: {  	[tilespmem:s3+$0xBC10] =	vst v7;
	v8 =	vld.idx.msk [tilespmem:v34+s4+$0x0], $0xffff  }
0x7e3: {  	[tilespmem:s16+$0xBC10] =	vst v4;
	v3 =	vld.idx.msk [tilespmem:v48+s4+$0x0], $0xffff  }
0x7e4: {  	v51 =	vadd.s32 $0x14BE, v1;
	[tilespmem:s0+$0xBC10] =	vst v5;
	v5 =	vld.idx.msk [tilespmem:v49+s4+$0x0], $0xffff  }
0x7e5: {  	v52 =	vadd.s32 $0x14BE, v2;
	v6 =	vld.idx.msk [tilespmem:v46+s4+$0x0], $0xffff;
	[tilespmem:s16+$0xBC00] =	vst v10  }
0x7e6: {  	v50 =	vadd.s32 $0x14BE, v0;
	[tilespmem:s3+$0xBC80] =	vst v9;
	v10 =	vld.idx.msk [tilespmem:v42+s4+$0x0], $0xffff  }
0x7e7: {  	[tilespmem:s0+$0xBC80] =	vst v8;
	v9 =	vld.idx.msk [tilespmem:v31+s4+$0x0], $0xffff  }
0x7e8: {  	v8 =	vld.idx.msk [tilespmem:v30+s4+$0x0], $0xffff;
	[tilespmem:s3+$0xBC90] =	vst v3  }
0x7e9: {  	[tilespmem:s16+$0xBC90] =	vst v5;
	v4 =	vld.idx.msk [tilespmem:v51+s4+$0x0], $0xffff  }
0x7ea: {  	v54 =	vadd.s32 $0x1534, v1;
	[tilespmem:s0+$0xBC90] =	vst v6;
	v6 =	vld.idx.msk [tilespmem:v52+s4+$0x0], $0xffff  }
0x7eb: {  	v55 =	vadd.s32 $0x1534, v2;
	v7 =	vld.idx.msk [tilespmem:v50+s4+$0x0], $0xffff;
	[tilespmem:s16+$0xBC80] =	vst v10  }
0x7ec: {  	v53 =	vadd.s32 $0x1534, v0;
	[tilespmem:s3+$0xBD00] =	vst v9;
	v10 =	vld.idx.msk [tilespmem:v36+s4+$0x0], $0xffff  }
0x7ed: {  	[tilespmem:s0+$0xBD00] =	vst v8;
	v59 =	vld.idx.msk [tilespmem:v27+s4+$0x0], $0xffff  }
0x7ee: {  	v57 =	vld.idx.msk [tilespmem:v26+s4+$0x0], $0xffff;
	[tilespmem:s3+$0xBD10] =	vst v4  }
0x7ef: {  	[tilespmem:s16+$0xBD10] =	vst v6;
	v5 =	vld.idx.msk [tilespmem:v54+s4+$0x0], $0xffff  }
0x7f0: {  	v58 =	vadd.s32 $0x15AA, v1;
	[tilespmem:s0+$0xBD10] =	vst v7;
	v7 =	vld.idx.msk [tilespmem:v55+s4+$0x0], $0xffff  }
0x7f1: {  	v60 =	vadd.s32 $0x15AA, v2;
	v3 =	vld.idx.msk [tilespmem:v53+s4+$0x0], $0xffff;
	[tilespmem:s16+$0xBD00] =	vst v10  }
0x7f2: {  	v56 =	vadd.s32 $0x15AA, v0;
	[tilespmem:s3+$0xBD80] =	vst v59;
	v61 =	vld.idx.msk [tilespmem:v32+s4+$0x0], $0xffff  }
0x7f3: {  	[tilespmem:s0+$0xBD80] =	vst v57;
	v62 =	vld.idx.msk [tilespmem:v24+s4+$0x0], $0xffff  }
0x7f4: {  	v4 =	vld.idx.msk [tilespmem:v23+s4+$0x0], $0xffff;
	[tilespmem:s3+$0xBD90] =	vst v5  }
0x7f5: {  	[tilespmem:s16+$0xBD90] =	vst v7;
	v1 =	vld.idx.msk [tilespmem:v58+s4+$0x0], $0xffff  }
0x7f6: {  	[tilespmem:s0+$0xBD90] =	vst v3;
	v2 =	vld.idx.msk [tilespmem:v60+s4+$0x0], $0xffff  }
0x7f7: {  	v0 =	vld.idx.msk [tilespmem:v56+s4+$0x0], $0xffff;
	[tilespmem:s16+$0xBD80] =	vst v61  }
0x7f8: {  	[tilespmem:s3+$0xBE00] =	vst v62;
	v63 =	vld.idx.msk [tilespmem:v29+s4+$0x0], $0xffff  }
0x7f9: {  	[tilespmem:s0+$0xBE00] =	vst v4  }
0x7fa: {  	[tilespmem:s3+$0xBE10] =	vst v1  }
0x7fb: {  	[tilespmem:s16+$0xBE10] =	vst v2  }
0x7fc: {  	[tilespmem:s0+$0xBE10] =	vst v0  }
0x7fd: {  	[tilespmem:s16+$0xBE00] =	vst v63  }
0x7fe: {  	s21 =	simm.s32 $0x1A80;
	s1 =	rddreg [dreg:$0x9]  }
0x7ff: {  	[hbm4b:s1+s4] =	stream.linear.scatter [tilespmem:s21], [sflag:$0x1], $0x400, $0x38;
	[tilespmem:$0xDA80] =	vst v63  }
0x800: {  	s2 =	simm.s32 $0x3A80;
	s22 =	sadd.s32 $0x1E8480, s1  }
0x801: {  	[hbm4b:s22+s4] =	stream.linear.scatter [tilespmem:s2], [sflag:$0x1], $0x400, $0x38;
	[tilespmem:$0xDA80] =	vst v63  }
0x802: {  	s24 =	simm.s32 $0x5A80;
	s23 =	sadd.s32 $0x3D0900, s1  }
0x803: {  	[hbm4b:s23+s4] =	stream.linear.scatter [tilespmem:s24], [sflag:$0x1], $0x400, $0x38;
	[tilespmem:$0xDA80] =	vst v63  }
0x804: {  	s26 =	simm.s32 $0x7A80;
	s25 =	sadd.s32 $0x5B8D80, s1  }
0x805: {  	[hbm4b:s25+s4] =	stream.linear.scatter [tilespmem:s26], [sflag:$0x1], $0x400, $0x38;
	[tilespmem:$0xDA80] =	vst v63  }
0x806: {  	s29 =	simm.s32 $0x9A80;
	s28 =	sadd.s32 $0x7A1200, s1  }
0x807: {  	[hbm4b:s28+s4] =	stream.linear.scatter [tilespmem:s29], [sflag:$0x1], $0x400, $0x38;
	[tilespmem:$0xDA80] =	vst v63  }
.Ltmp7:
0x808: {  	s31 =	simm.s32 $0xBA80;
	s30 =	sadd.s32 $0x989680, s1;
	(pc) =	sbr.rel .LBB2_11-.Ltmp7, $4  }
0x809: {  	[hbm4b:s30+s4] =	stream.linear.scatter [tilespmem:s31], [sflag:$0x1], $0x400, $0x38;
	[tilespmem:$0xDA80] =	vst v63  }
0x80a: {  	_ =	swait.ge [sflag:s6], $0x1800  }
0x80b: {  	[sflag:s6] =	ssyncset.done $0x0  }
0x80c: {  	s1 =	rddreg [dreg:$0xb];
	[sflag:s6] =	ssyncadd.s32 $0xFFFFE800  }
.LBB2_12:
0x80d: {  	_ =	sfence.sel $0x180000  }
0x80e: {  	[bflag:$0x0] =	sbarrier.arrive $0xFFFF  }
0x80f: {  	_ =	strace $0x90000047  }
0x810: {  	s0 =	stileid.u32;
	[bflag:$0x2] =	sbarrier.arrive $0xFFFF  }
0x811: {  	p0 =	sne.s32 s0, $0x0;
	s0 =	rddreg [dreg:$0x3]  }
0x812: {  	s0 =	sadd.s32 @!p0 $0x100000, s0  }
0x813: {  	[sflag:s0] =	ssyncadd.tile.s32 @!p0 $0x1;
	_ =	shalt  }
.Lfunc_end2:
_tile_overlayer_lowered:
.L_overlay_start_2:
0x814: {  	(tag) =	ssettag $0x2  }
0x815: {  	s0 =	rddreg [dreg:$0x0];
	s2 =	stileid.u32  }
0x816: {  	s1 =	rddreg [dreg:$0x1];
	p0 =	sne.s32 s2, $0x0  }
0x817: {  	s3 =	rddreg [dreg:$0x2];
	[bflag:$0x3] =	sbarrier.arrive $0xFFFF;
	s2 =	simm.s32 @!p0 $0x1C01  }
0x818: {  	[timem:s3], [sflag:s2] =	dma.local @!p0 [hbm:s0], s1  }
0x819: {  	s0 =	simm.s32 @!p0 $0x1  }
0x81a: {  	_ =	swait.ge @!p0 [sflag:s0], s1  }
0x81b: {  	s1 =	ssub.s32 @!p0 $0x0, s1;
	[sflag:s0] =	ssyncset.done @!p0 $0x0  }
0x81c: {  	[sflag:s0] =	ssyncadd.s32 @!p0 s1  }
0x81d: {  	[bflag:$0x3] =	sbarrier.arrive $0xFFFF  }
0x81e: {  	_ =	shalt  }

</sc_bundles>
